<compile_context>
chip_gen: v7x
topology: tpu7x:2x2x1
jax: 0.10.2.dev20260603
libtpu: 0.0.44.dev20260713+nightly
codegen_flags: <defaults>
</compile_context>

<pallas_src>
import functools
import jax
import jax.numpy as jnp
from jax import lax
from jax.experimental import pallas as pl
from jax.experimental.pallas import tpu as pltpu
from jax.experimental.pallas import tpu_sc as plsc

K = 80
G_EPS = 1e-5
N = 2048
TN = 2048
TNB = 256
NEG_INF = float('-inf')


def _knn_body(xt_ref, xn_ref, idx_ref, d_ref, iscr_ref):
    a = xt_ref[0]
    xn = xn_ref[0]
    t = pl.program_id(1)
    a_cn = xn_ref[0, :, pl.ds(t * TN, TN)]
    ip = lax.dot_general(a_cn, xn, (((0,), (0,)), ((), ())),
                         preferred_element_type=jnp.float32)
    xx_t = jnp.sum(a * a, axis=1, keepdims=True)
    xx_r = jnp.sum(xn * xn, axis=0, keepdims=True)
    d_ref[...] = 2.0 * ip - xx_t - xx_r

    iota = lax.broadcasted_iota(jnp.int32, (a.shape[0], xn.shape[1]), 1)
    kiota = lax.broadcasted_iota(jnp.int32, (a.shape[0], K), 1)
    iscr_ref[...] = jnp.zeros((a.shape[0], K), jnp.int32)

    def body(k, rm):
        d = d_ref[...]
        am = jnp.min(jnp.where(d >= rm, iota, jnp.int32(N)), axis=1,
                     keepdims=True)
        iscr_ref[...] = iscr_ref[...] + jnp.where(kiota == k, am, 0)
        sel = (iota == am)
        dn = jnp.where(sel, NEG_INF, d)
        d_ref[...] = dn
        return jnp.max(dn, axis=1, keepdims=True)

    rm0 = jnp.max(d_ref[...], axis=1, keepdims=True)
    lax.fori_loop(0, K, body, rm0)
    idx_ref[0] = iscr_ref[...] + pl.program_id(0) * N


def _knn(xt, xn):
    B, n, C = xt.shape
    return pl.pallas_call(
        _knn_body,
        grid=(B, n // TN),
        in_specs=[
            pl.BlockSpec((1, TN, C), lambda b, t: (b, t, 0)),
            pl.BlockSpec((1, C, n), lambda b, t: (b, 0, 0)),
        ],
        out_specs=pl.BlockSpec((1, TN, K), lambda b, t: (b, t, 0)),
        out_shape=jax.ShapeDtypeStruct((B, n, K), jnp.int32),
        scratch_shapes=[pltpu.VMEM((TN, n), jnp.float32),
                        pltpu.VMEM((TN, K), jnp.int32)],
    )(xt, xn)


def _sc_gather(table, idxflat):
    M = idxflat.shape[0]
    C = table.shape[1]
    W = 128
    idx2 = idxflat.reshape(1, M)
    mesh = plsc.VectorSubcoreMesh(core_axis_name="core",
                                  subcore_axis_name="subcore")

    @functools.partial(
        pl.kernel,
        out_type=jax.ShapeDtypeStruct((M, C), jnp.float32),
        mesh=mesh,
        compiler_params=pltpu.CompilerParams(use_tc_tiling_on_sc=False),
    )
    def kern(x_hbm, i_hbm, o_hbm):
        def body(i_vmem, o_vmem):
            pltpu.sync_copy(x_hbm.at[i_vmem.at[0]], o_vmem)

        pltpu.emit_pipeline(
            body,
            grid=(M // W,),
            in_specs=[pl.BlockSpec((1, W), index_map=lambda i: (0, i))],
            out_specs=[pl.BlockSpec((W, C), index_map=lambda i: (i, 0))],
            core_axis_name=("core", "subcore"),
            dimension_semantics=(pltpu.PARALLEL,),
        )(i_hbm, o_hbm)

    return kern(table, idx2)


def _econv_body(g_ref, xt_ref, w_ref, mx_ref, mn_ref, sp_ref, qp_ref):
    g2 = g_ref[0]
    xb = xt_ref[0]
    C = xb.shape[1]
    xbro = jnp.broadcast_to(xb[:, None, :], (TNB, K, C)).reshape(TNB * K, C)
    fcat = jnp.concatenate([g2 - xbro, xbro], axis=1)
    t = jnp.dot(fcat, w_ref[...], preferred_element_type=jnp.float32)
    O = t.shape[1]
    t3 = t.reshape(TNB, K, O)
    mx_ref[0] = jnp.max(t3, axis=1)
    mn_ref[0] = jnp.min(t3, axis=1)
    sp_ref[0, 0] = jnp.sum(t, axis=0, keepdims=True)
    qp_ref[0, 0] = jnp.sum(t * t, axis=0, keepdims=True)


def _econv(g, xt, w2T):
    B, n, C = xt.shape
    O = w2T.shape[1]
    NT = n // TNB
    return pl.pallas_call(
        _econv_body,
        grid=(B, NT),
        in_specs=[
            pl.BlockSpec((1, TNB * K, C), lambda b, t: (b, t, 0)),
            pl.BlockSpec((1, TNB, C), lambda b, t: (b, t, 0)),
            pl.BlockSpec((2 * C, O), lambda b, t: (0, 0)),
        ],
        out_specs=[
            pl.BlockSpec((1, TNB, O), lambda b, t: (b, t, 0)),
            pl.BlockSpec((1, TNB, O), lambda b, t: (b, t, 0)),
            pl.BlockSpec((1, 1, 1, O), lambda b, t: (b, t, 0, 0)),
            pl.BlockSpec((1, 1, 1, O), lambda b, t: (b, t, 0, 0)),
        ],
        out_shape=[jax.ShapeDtypeStruct((B, n, O), jnp.float32),
                   jax.ShapeDtypeStruct((B, n, O), jnp.float32),
                   jax.ShapeDtypeStruct((B, NT, 1, O), jnp.float32),
                   jax.ShapeDtypeStruct((B, NT, 1, O), jnp.float32)],
    )(g, xt, w2T)


def _group_norm_consts(s, q, cnt, G):
    O = s.shape[1]
    W = O // G
    mc, vc = [], []
    for g in range(G):
        sg = jnp.sum(s[:, g * W:(g + 1) * W], axis=1, keepdims=True) / cnt
        qg = jnp.sum(q[:, g * W:(g + 1) * W], axis=1, keepdims=True) / cnt
        mc.append(jnp.broadcast_to(sg, (1, W)))
        vc.append(jnp.broadcast_to(qg - sg * sg, (1, W)))
    return jnp.concatenate(mc, axis=1), jnp.concatenate(vc, axis=1)


def _fin_body(mx_ref, mn_ref, sp_ref, qp_ref, g_ref, b_ref,
              xt_ref, xn_ref, *, cnt, slope, groups):
    s = jnp.sum(sp_ref[0, :, 0, :], axis=0, keepdims=True)
    q = jnp.sum(qp_ref[0, :, 0, :], axis=0, keepdims=True)
    mean_c, var_c = _group_norm_consts(s, q, cnt, groups)
    den = jnp.sqrt(var_c + G_EPS)
    gam = g_ref[...]
    bet = b_ref[...]
    sel_v = jnp.where(gam >= 0, mx_ref[0], mn_ref[0])
    xh = (sel_v - mean_c) / den * gam + bet
    xo = jnp.where(xh >= 0, xh, slope * xh)
    xt_ref[0] = xo
    xn_ref[0] = xo.T


def _finalize(mx, mn, sp, qp, gam, bet, groups, slope):
    B, n, O = mx.shape
    cnt = float((O // groups) * n * K)
    body = functools.partial(_fin_body, cnt=cnt, slope=slope, groups=groups)
    NT = sp.shape[1]
    assert sp.shape == (B, NT, 1, O)
    return pl.pallas_call(
        body,
        grid=(B,),
        in_specs=[
            pl.BlockSpec((1, n, O), lambda b: (b, 0, 0)),
            pl.BlockSpec((1, n, O), lambda b: (b, 0, 0)),
            pl.BlockSpec((1, NT, 1, O), lambda b: (b, 0, 0, 0)),
            pl.BlockSpec((1, NT, 1, O), lambda b: (b, 0, 0, 0)),
            pl.BlockSpec((1, O), lambda b: (0, 0)),
            pl.BlockSpec((1, O), lambda b: (0, 0)),
        ],
        out_specs=[
            pl.BlockSpec((1, n, O), lambda b: (b, 0, 0)),
            pl.BlockSpec((1, O, n), lambda b: (b, 0, 0)),
        ],
        out_shape=[jax.ShapeDtypeStruct((B, n, O), jnp.float32),
                   jax.ShapeDtypeStruct((B, O, n), jnp.float32)],
    )(mx, mn, sp, qp, gam.reshape(1, O), bet.reshape(1, O))


def _edge_layer(xt, xn, w2T, gam, bet, groups=2, slope=0.2):
    B, n, C = xt.shape
    idx = _knn(xt, xn)
    g = _sc_gather(xt.reshape(B * n, C), idx.reshape(B * n * K))
    g = g.reshape(B, n * K, C)
    mx, mn, sp, qp = _econv(g, xt, w2T)
    return _finalize(mx, mn, sp, qp, gam, bet, groups, slope)


def _gn_rows(t, gam, bet, groups, cnt):
    col_s = jnp.sum(t, axis=0, keepdims=True)
    col_q = jnp.sum(t * t, axis=0, keepdims=True)
    mean_c, var_c = _group_norm_consts(col_s, col_q, cnt, groups)
    return (t - mean_c) / jnp.sqrt(var_c + G_EPS) * gam + bet


def _head_body(x1_ref, x2_ref, x3_ref,
               mlp1_ref, mlp1b_ref, gnm_g_ref, gnm_b_ref,
               c1_ref, c1b_ref, bn1_g_ref, bn1_b_ref,
               c2_ref, c2b_ref, bn2_g_ref, bn2_b_ref,
               s1_ref, s1b_ref, bns_g_ref, bns_b_ref,
               s2_ref, s2b_ref,
               p1_ref, p1b_ref, bnp_g_ref, bnp_b_ref,
               p2_ref, p2b_ref,
               emb_ref, lp_ref):
    n = x1_ref.shape[1]
    xf = jnp.concatenate([x1_ref[0], x2_ref[0], x3_ref[0]], axis=1)
    h = jnp.dot(xf, mlp1_ref[...], preferred_element_type=jnp.float32) \
        + mlp1b_ref[...]
    h = _gn_rows(h, gnm_g_ref[...], gnm_b_ref[...], 8, float(n * 128))
    h = jnp.maximum(h, 0.0)
    x4 = jnp.max(h, axis=0, keepdims=True)
    hh = jnp.concatenate([jnp.broadcast_to(x4, (n, 1024)), xf], axis=1)
    h1 = jnp.dot(hh, c1_ref[...], preferred_element_type=jnp.float32) \
        + c1b_ref[...]
    h1 = _gn_rows(h1, bn1_g_ref[...], bn1_b_ref[...], 8, float(n * 64))
    h1 = jnp.maximum(h1, 0.0)
    xa = jnp.dot(h1, c2_ref[...], preferred_element_type=jnp.float32) \
        + c2b_ref[...]
    xa = _gn_rows(xa, bn2_g_ref[...], bn2_b_ref[...], 4, float(n * 64))
    xa = jnp.maximum(xa, 0.0)
    e = jnp.dot(xa, s1_ref[...], preferred_element_type=jnp.float32) \
        + s1b_ref[...]
    e = _gn_rows(e, bns_g_ref[...], bns_b_ref[...], 4, float(n * 64))
    e = jnp.maximum(e, 0.0)
    emb_ref[0] = jnp.dot(e, s2_ref[...], preferred_element_type=jnp.float32) \
        + s2b_ref[...]
    q = jnp.dot(xa, p1_ref[...], preferred_element_type=jnp.float32) \
        + p1b_ref[...]
    q = _gn_rows(q, bnp_g_ref[...], bnp_b_ref[...], 4, float(n * 64))
    q = jnp.maximum(q, 0.0)
    logits = jnp.dot(q, p2_ref[...], preferred_element_type=jnp.float32) \
        + p2b_ref[...]
    lm = jnp.max(logits, axis=1, keepdims=True)
    shifted = logits - lm
    lp_ref[0] = shifted - jnp.log(jnp.sum(jnp.exp(shifted), axis=1,
                                          keepdims=True))


def _head(x1t, x2t, x3t, p):
    B, n, _ = x1t.shape
    r = lambda v: v.reshape(1, -1)
    const = lambda shp: pl.BlockSpec(shp, lambda b: tuple(0 for _ in shp))
    args = [
        p['mlp1_w'].T, r(p['mlp1_b']), r(p['gnm_g']), r(p['gnm_b']),
        p['c1_w'].T, r(p['c1_b']), r(p['bn1_g']), r(p['bn1_b']),
        p['c2_w'].T, r(p['c2_b']), r(p['bn2_g']), r(p['bn2_b']),
        p['seg1_w'].T, r(p['seg1_b']), r(p['bnseg_g']), r(p['bnseg_b']),
        p['seg2_w'].T, r(p['seg2_b']),
        p['prim1_w'].T, r(p['prim1_b']), r(p['bnprim_g']), r(p['bnprim_b']),
        p['prim2_w'].T, r(p['prim2_b']),
    ]
    in_specs = [
        pl.BlockSpec((1, n, 64), lambda b: (b, 0, 0)),
        pl.BlockSpec((1, n, 64), lambda b: (b, 0, 0)),
        pl.BlockSpec((1, n, 128), lambda b: (b, 0, 0)),
    ] + [const(a.shape) for a in args]
    return pl.pallas_call(
        _head_body,
        grid=(B,),
        in_specs=in_specs,
        out_specs=[
            pl.BlockSpec((1, n, 50), lambda b: (b, 0, 0)),
            pl.BlockSpec((1, n, 8), lambda b: (b, 0, 0)),
        ],
        out_shape=[jax.ShapeDtypeStruct((B, n, 50), jnp.float32),
                   jax.ShapeDtypeStruct((B, n, 8), jnp.float32)],
    )(x1t, x2t, x3t, *args)


def kernel(x, conv1_w, gn1_g, gn1_b, conv2_w, gn2_g, gn2_b, conv3_w, gn3_g,
           gn3_b, mlp1_w, mlp1_b, gnm_g, gnm_b, c1_w, c1_b, bn1_g, bn1_b,
           c2_w, c2_b, bn2_g, bn2_b, seg1_w, seg1_b, bnseg_g, bnseg_b,
           seg2_w, seg2_b, prim1_w, prim1_b, bnprim_g, bnprim_b,
           prim2_w, prim2_b):
    B, C0, n = x.shape
    CP = 16
    xn0 = jnp.concatenate([x, jnp.zeros((B, CP - C0, n), jnp.float32)], axis=1)
    xt0 = jnp.transpose(xn0, (0, 2, 1))
    zpad = jnp.zeros((64, CP - C0), jnp.float32)
    w1 = jnp.concatenate([conv1_w[:, :C0], zpad,
                          conv1_w[:, C0:], zpad], axis=1).T
    x1ts, x2ts, x3ts = [], [], []
    for b in range(B):
        x1t_b, x1n_b = _edge_layer(xt0[b:b + 1], xn0[b:b + 1], w1,
                                   gn1_g, gn1_b)
        x2t_b, x2n_b = _edge_layer(x1t_b, x1n_b, conv2_w.T, gn2_g, gn2_b)
        x3t_b, _ = _edge_layer(x2t_b, x2n_b, conv3_w.T, gn3_g, gn3_b)
        x1ts.append(x1t_b)
        x2ts.append(x2t_b)
        x3ts.append(x3t_b)
    x1t = jnp.concatenate(x1ts, axis=0)
    x2t = jnp.concatenate(x2ts, axis=0)
    x3t = jnp.concatenate(x3ts, axis=0)
    p = dict(mlp1_w=mlp1_w, mlp1_b=mlp1_b, gnm_g=gnm_g, gnm_b=gnm_b,
             c1_w=c1_w, c1_b=c1_b, bn1_g=bn1_g, bn1_b=bn1_b,
             c2_w=c2_w, c2_b=c2_b, bn2_g=bn2_g, bn2_b=bn2_b,
             seg1_w=seg1_w, seg1_b=seg1_b, bnseg_g=bnseg_g, bnseg_b=bnseg_b,
             seg2_w=seg2_w, seg2_b=seg2_b,
             prim1_w=prim1_w, prim1_b=prim1_b, bnprim_g=bnprim_g,
             bnprim_b=bnprim_b, prim2_w=prim2_w, prim2_b=prim2_b)
    emb, lp = _head(x1t, x2t, x3t, p)
    return (jnp.transpose(emb, (0, 2, 1)), jnp.transpose(lp, (0, 2, 1)))

# --- scband reference (transcript-rebuilt; emitter-appended) ---
"""Pipeline reference for scband-primitives-embedding-dgcngn-70686571758085 (READ-ONLY COPY).

The authoritative reference and input builder live on the scoring server;
editing this copy changes nothing except your own understanding.
"""

import jax, jax.numpy as jnp
import numpy as np

K = 80
G_EPS = 1e-5


def group_norm(x, g, b, groups):
    B, C = x.shape[0], x.shape[1]
    orig = x.shape
    xg = x.reshape(B, groups, -1)
    mean = jnp.mean(xg, axis=2, keepdims=True)
    var = jnp.var(xg, axis=2, keepdims=True)
    xg = (xg - mean) / jnp.sqrt(var + G_EPS)
    x = xg.reshape(orig)
    shp = (1, C) + (1,) * (len(orig) - 2)
    return x * g.reshape(shp) + b.reshape(shp)


def conv2d_pt(x, w):
    # pointwise Conv2d, bias=False: x [B,C,N,K] -> [B,O,N,K]
    return jnp.einsum('oc,bcnk->bonk', w, x)


def conv1d_pt(x, w, b):
    # pointwise Conv1d with bias: x [B,C,N] -> [B,O,N]
    return jnp.einsum('oc,bcn->bon', w, x) + b[None, :, None]


def knn_idx(x, k):
    # x: [B,C,N]; negative squared euclidean distance, top-k neighbors
    inner = -2.0 * jnp.einsum('bcn,bcm->bnm', x, x)
    xx = jnp.sum(x * x, axis=1)
    dist = -xx[:, :, None] - inner - xx[:, None, :]
    return jax.lax.top_k(dist, k)[1]


def get_graph_feature(x, k):
    B, C, N = x.shape
    idx = jax.lax.stop_gradient(knn_idx(x, k))  # torch computes knn under no_grad
    xt = jnp.transpose(x, (0, 2, 1))  # [B,N,C]
    feature = jax.vmap(lambda xb, ib: xb[ib])(xt, idx)  # [B,N,k,C]
    xc = jnp.broadcast_to(xt[:, :, None, :], (B, N, k, C))
    out = jnp.concatenate([feature - xc, xc], axis=3)
    return jnp.transpose(out, (0, 3, 1, 2))  # [B,2C,N,k]


def _glorot(key, shape):
    fan_in = shape[1]
    return jax.random.normal(key, shape, dtype=jnp.float32) / np.sqrt(fan_in)


def setup_inputs(seed: int = 0):
    key = jax.random.key(seed)
    ks = jax.random.split(key, 16)
    B, N = 2, 2048
    inp = {}
    inp['x'] = jax.random.normal(ks[0], (B, 3, N), dtype=jnp.float32)
    inp['conv1_w'] = _glorot(ks[1], (64, 6))
    inp['gn1_g'] = jnp.ones((64,), jnp.float32); inp['gn1_b'] = jnp.zeros((64,), jnp.float32)
    inp['conv2_w'] = _glorot(ks[2], (64, 128))
    inp['gn2_g'] = jnp.ones((64,), jnp.float32); inp['gn2_b'] = jnp.zeros((64,), jnp.float32)
    inp['conv3_w'] = _glorot(ks[3], (128, 128))
    inp['gn3_g'] = jnp.ones((128,), jnp.float32); inp['gn3_b'] = jnp.zeros((128,), jnp.float32)
    inp['mlp1_w'] = _glorot(ks[4], (1024, 256)); inp['mlp1_b'] = jnp.zeros((1024,), jnp.float32)
    inp['gnm_g'] = jnp.ones((1024,), jnp.float32); inp['gnm_b'] = jnp.zeros((1024,), jnp.float32)
    inp['c1_w'] = _glorot(ks[5], (512, 1280)); inp['c1_b'] = jnp.zeros((512,), jnp.float32)
    inp['bn1_g'] = jnp.ones((512,), jnp.float32); inp['bn1_b'] = jnp.zeros((512,), jnp.float32)
    inp['c2_w'] = _glorot(ks[6], (256, 512)); inp['c2_b'] = jnp.zeros((256,), jnp.float32)
    inp['bn2_g'] = jnp.ones((256,), jnp.float32); inp['bn2_b'] = jnp.zeros((256,), jnp.float32)
    inp['seg1_w'] = _glorot(ks[7], (256, 256)); inp['seg1_b'] = jnp.zeros((256,), jnp.float32)
    inp['bnseg_g'] = jnp.ones((256,), jnp.float32); inp['bnseg_b'] = jnp.zeros((256,), jnp.float32)
    inp['seg2_w'] = _glorot(ks[8], (50, 256)); inp['seg2_b'] = jnp.zeros((50,), jnp.float32)
    inp['prim1_w'] = _glorot(ks[9], (256, 256)); inp['prim1_b'] = jnp.zeros((256,), jnp.float32)
    inp['bnprim_g'] = jnp.ones((256,), jnp.float32); inp['bnprim_b'] = jnp.zeros((256,), jnp.float32)
    inp['prim2_w'] = _glorot(ks[10], (8, 256)); inp['prim2_b'] = jnp.zeros((8,), jnp.float32)
    return inp


def _forward(p):
    lrelu = lambda t: jnp.where(t >= 0, t, 0.2 * t)
    x = p['x']
    B, _, N = x.shape
    # --- DGCNNEncoderGn, mode=0 ---
    f = get_graph_feature(x, K)
    h = lrelu(group_norm(conv2d_pt(f, p['conv1_w']), p['gn1_g'], p['gn1_b'], 2))
    x1 = jnp.max(h, axis=-1)
    f = get_graph_feature(x1, K)
    h = lrelu(group_norm(conv2d_pt(f, p['conv2_w']), p['gn2_g'], p['gn2_b'], 2))
    x2 = jnp.max(h, axis=-1)
    f = get_graph_feature(x2, K)
    h = lrelu(group_norm(conv2d_pt(f, p['conv3_w']), p['gn3_g'], p['gn3_b'], 2))
    x3 = jnp.max(h, axis=-1)
    xf = jnp.concatenate([x1, x2, x3], axis=1)  # [B,256,N]
    h = jax.nn.relu(group_norm(conv1d_pt(xf, p['mlp1_w'], p['mlp1_b']), p['gnm_g'], p['gnm_b'], 8))
    x4 = jnp.max(h, axis=2)  # [B,1024]
    # --- segmentation head ---
    h = jnp.concatenate([jnp.broadcast_to(x4[:, :, None], (B, 1024, N)), xf], axis=1)
    h = jax.nn.relu(group_norm(conv1d_pt(h, p['c1_w'], p['c1_b']), p['bn1_g'], p['bn1_b'], 8))
    x_all = jax.nn.relu(group_norm(conv1d_pt(h, p['c2_w'], p['c2_b']), p['bn2_g'], p['bn2_b'], 4))
    e = jax.nn.relu(group_norm(conv1d_pt(x_all, p['seg1_w'], p['seg1_b']), p['bnseg_g'], p['bnseg_b'], 4))
    embedding = conv1d_pt(e, p['seg2_w'], p['seg2_b'])
    q = jax.nn.relu(group_norm(conv1d_pt(x_all, p['prim1_w'], p['prim1_b']), p['bnprim_g'], p['bnprim_b'], 4))
    logits = conv1d_pt(q, p['prim2_w'], p['prim2_b'])
    prim_log_prob = jax.nn.log_softmax(logits, axis=1)
    return (embedding, prim_log_prob)


def reference(x, conv1_w, gn1_g, gn1_b, conv2_w, gn2_g, gn2_b, conv3_w, gn3_g, gn3_b,
              mlp1_w, mlp1_b, gnm_g, gnm_b, c1_w, c1_b, bn1_g, bn1_b,
              c2_w, c2_b, bn2_g, bn2_b, seg1_w, seg1_b, bnseg_g, bnseg_b,
              seg2_w, seg2_b, prim1_w, prim1_b, bnprim_g, bnprim_b, prim2_w, prim2_b):
    p = {
        'x': x,
        'conv1_w': conv1_w, 'gn1_g': gn1_g, 'gn1_b': gn1_b,
        'conv2_w': conv2_w, 'gn2_g': gn2_g, 'gn2_b': gn2_b,
        'conv3_w': conv3_w, 'gn3_g': gn3_g, 'gn3_b': gn3_b,
        'mlp1_w': mlp1_w, 'mlp1_b': mlp1_b, 'gnm_g': gnm_g, 'gnm_b': gnm_b,
        'c1_w': c1_w, 'c1_b': c1_b, 'bn1_g': bn1_g, 'bn1_b': bn1_b,
        'c2_w': c2_w, 'c2_b': c2_b, 'bn2_g': bn2_g, 'bn2_b': bn2_b,
        'seg1_w': seg1_w, 'seg1_b': seg1_b, 'bnseg_g': bnseg_g, 'bnseg_b': bnseg_b,
        'seg2_w': seg2_w, 'seg2_b': seg2_b,
        'prim1_w': prim1_w, 'prim1_b': prim1_b, 'bnprim_g': bnprim_g, 'bnprim_b': bnprim_b,
        'prim2_w': prim2_w, 'prim2_b': prim2_b,
    }
    return _forward(p)

if __name__ == "__main__":
    import jax
    _d = setup_inputs()
    print(jax.jit(kernel)(*tuple(_d.values())))

</pallas_src>

<mosaic_0001>
#map = affine_map<(d0, d1) -> (0, 0)>
module attributes {stable_mosaic.version = 14 : i64} {
  func.func @kern(%arg0: i32, %arg1: i32, %arg2: memref<2048x64xf32, #tpu.memory_space<hbm>>, %arg3: memref<1x163840xi32, #tpu.memory_space<hbm>>, %arg4: memref<163840x64xf32, #tpu.memory_space<hbm>>) attributes {dimension_semantics = [#tpu.dimension_semantics<core_parallel>, #tpu.dimension_semantics<subcore_parallel>], iteration_bounds = array<i64: 2, 16>, scalar_prefetch = 0 : i64, scratch_operands = 0 : i64, tpu.core_type = #tpu.core_type<sc_vector_subcore>, window_params = [{transform_indices = #map}, {transform_indices = #map}, {transform_indices = #map}]} {
    %mul3A = arith.constant 1 : i32
    %mul3A_0 = arith.muli %arg1, %mul3A : i32
    %add3A = arith.constant 0 : i32
    %add3A_1 = arith.addi %add3A, %mul3A_0 : i32
    %mul3A_2 = arith.constant 16 : i32
    %mul3A_3 = arith.muli %arg0, %mul3A_2 : i32
    %add3A_4 = arith.addi %add3A_1, %mul3A_3 : i32
    %mul3A_5 = arith.constant 40 : i32
    %mul3A_6 = arith.muli %add3A_4, %mul3A_5 : i32
    "tpu.region"() ({
      %run_scoped3A = memref.alloca() : memref<2x1x128xi32, #tpu.memory_space<vmem>>
      %run_scoped3A_7 = tpu.sem_alloc : memref<2x!tpu.dma_semaphore, #tpu.memory_space<semaphore_mem>>
      %run_scoped3A_8 = memref.alloca() : memref<2x128x64xf32, #tpu.memory_space<vmem>>
      %run_scoped3A_9 = tpu.sem_alloc : memref<2x!tpu.dma_semaphore, #tpu.memory_space<semaphore_mem>>
      %add3A_10 = arith.constant 0 : i32
      %add3A_11 = arith.addi %add3A_10, %mul3A_6 : i32
      %select_n3A = arith.constant true
      %select_n3A_12 = arith.constant 0 : i32
      %select_n3A_13 = arith.constant -1 : i32
      %select_n3A_14 = arith.select %select_n3A, %select_n3A_13, %select_n3A_12 : i32
      %eq3A = arith.constant -1 : i32
      %eq3A_15 = arith.cmpi eq, %select_n3A_14, %eq3A : i32
      %select_n3A_16 = arith.constant 39 : i32
      %select_n3A_17 = arith.select %eq3A_15, %select_n3A_16, %select_n3A_14 : i32
      %add3A_18 = arith.addi %select_n3A_17, %mul3A_6 : i32
      %select_n3A_19 = arith.constant true
      %select_n3A_20 = arith.constant 0 : i32
      %select_n3A_21 = arith.constant 1 : i32
      %select_n3A_22 = arith.select %select_n3A_19, %select_n3A_21, %select_n3A_20 : i32
      %eq3A_23 = arith.constant 40 : i32
      %eq3A_24 = arith.cmpi eq, %select_n3A_22, %eq3A_23 : i32
      %select_n3A_25 = arith.constant 0 : i32
      %select_n3A_26 = arith.select %eq3A_24, %select_n3A_25, %select_n3A_22 : i32
      %add3A_27 = arith.addi %select_n3A_26, %mul3A_6 : i32
      %add3A_28 = arith.constant 1 : i32
      %add3A_29 = arith.addi %select_n3A_26, %add3A_28 : i32
      %select_n3A_30 = arith.constant true
      %select_n3A_31 = arith.select %select_n3A_30, %add3A_29, %select_n3A_26 : i32
      %eq3A_32 = arith.constant 40 : i32
      %eq3A_33 = arith.cmpi eq, %select_n3A_31, %eq3A_32 : i32
      %select_n3A_34 = arith.constant 0 : i32
      %select_n3A_35 = arith.select %eq3A_33, %select_n3A_34, %select_n3A_31 : i32
      %add3A_36 = arith.addi %select_n3A_35, %mul3A_6 : i32
      "tpu.trace_start"() <{level = 10 : i32, message = "ep_initialize_0"}> : () -> ()
      %rem3A = arith.constant 0 : i32
      %rem3A_37 = arith.constant 2 : i32
      %rem3A_38 = arith.remui %rem3A, %rem3A_37 : i32
      %mul3A_39 = arith.constant 128 : i32
      %mul3A_40 = arith.muli %mul3A_39, %add3A_11 : i32
      %dma_start3A = arith.constant 0 : i32
      %dma_start3A_41 = arith.constant 0 : i32
      %dma_start3A_42 = tpu.memref_slice %run_scoped3A[%rem3A_38, %dma_start3A, %dma_start3A_41] : memref<2x1x128xi32, #tpu.memory_space<vmem>> -> memref<1x1x128xi32, #tpu.memory_space<vmem>>
      %dma_start3A_43 = tpu.memref_squeeze %dma_start3A_42 : memref<1x1x128xi32, #tpu.memory_space<vmem>> -> memref<1x128xi32, #tpu.memory_space<vmem>>
      %dma_start3A_44 = arith.constant 0 : i32
      %dma_start3A_45 = tpu.memref_slice %arg3[%dma_start3A_44, %mul3A_40] : memref<1x163840xi32, #tpu.memory_space<hbm>> -> memref<1x128xi32, #tpu.memory_space<hbm>>
      %dma_start3A_46 = tpu.memref_slice %run_scoped3A_7[%rem3A_38] : memref<2x!tpu.dma_semaphore, #tpu.memory_space<semaphore_mem>> -> memref<1x!tpu.dma_semaphore, #tpu.memory_space<semaphore_mem>>
      %dma_start3A_47 = tpu.memref_squeeze %dma_start3A_46 : memref<1x!tpu.dma_semaphore, #tpu.memory_space<semaphore_mem>> -> memref<!tpu.dma_semaphore, #tpu.memory_space<semaphore_mem>>
      %dma_start3A_48 = arith.constant 0 : i32
      %dma_start3A_49 = arith.constant 0 : i32
      %dma_start3A_50 = tpu.memref_slice %run_scoped3A[%rem3A_38, %dma_start3A_48, %dma_start3A_49] : memref<2x1x128xi32, #tpu.memory_space<vmem>> -> memref<1x1x128xi32, #tpu.memory_space<vmem>>
      %dma_start3A_51 = tpu.memref_squeeze %dma_start3A_50 : memref<1x1x128xi32, #tpu.memory_space<vmem>> -> memref<1x128xi32, #tpu.memory_space<vmem>>
      %dma_start3A_52 = arith.constant 0 : i32
      %dma_start3A_53 = tpu.memref_slice %arg3[%dma_start3A_52, %mul3A_40] : memref<1x163840xi32, #tpu.memory_space<hbm>> -> memref<1x128xi32, #tpu.memory_space<hbm>>
      tpu.enqueue_dma source(%dma_start3A_53 : memref<1x128xi32, #tpu.memory_space<hbm>>) target(%dma_start3A_51 : memref<1x128xi32, #tpu.memory_space<vmem>>) target_semaphore(%dma_start3A_47 : memref<!tpu.dma_semaphore, #tpu.memory_space<semaphore_mem>>)
      %add3A_54 = arith.constant 0 : i32
      %add3A_55 = arith.constant 1 : i32
      %add3A_56 = arith.addi %add3A_54, %add3A_55 : i32
      %select_n3A_57 = arith.constant true
      %select_n3A_58 = arith.constant 0 : i32
      %select_n3A_59 = arith.select %select_n3A_57, %add3A_56, %select_n3A_58 : i32
      "tpu.trace_stop"() : () -> ()
      %scan3A = arith.constant 0 : i32
      %scan3A_60 = arith.constant 0 : i32
      %scan3A_61 = arith.constant 0 : i32
      %scan3A_62 = arith.constant 0 : i32
      %scan3A_63 = arith.constant 0 : i32
      %scan3A_64 = arith.constant 40 : i32
      %scan3A_65 = arith.addi %scan3A_63, %scan3A_64 : i32
      %scan3A_66 = arith.constant 1 : i32
      %scan3A_67:5 = scf.for %scan3A_121 = %scan3A_63 to %scan3A_65 step %scan3A_66 iter_args(%scan3A_122 = %select_n3A_59, %scan3A_123 = %scan3A, %scan3A_124 = %scan3A_60, %scan3A_125 = %scan3A_61, %scan3A_126 = %scan3A_62) -> (i32, i32, i32, i32, i32)  : i32 {
        %eq3A_127 = arith.constant 0 : i32
        %eq3A_128 = arith.cmpi eq, %scan3A_121, %eq3A_127 : i32
        %eq3A_129 = arith.constant 39 : i32
        %eq3A_130 = arith.cmpi eq, %scan3A_121, %eq3A_129 : i32
        %add3A_131 = arith.addi %scan3A_126, %mul3A_6 : i32
        %sub3A_132 = arith.constant 1 : i32
        %sub3A_133 = arith.subi %scan3A_126, %sub3A_132 : i32
        %select_n3A_134 = arith.constant true
        %select_n3A_135 = arith.select %select_n3A_134, %sub3A_133, %scan3A_126 : i32
        %eq3A_136 = arith.constant -1 : i32
        %eq3A_137 = arith.cmpi eq, %select_n3A_135, %eq3A_136 : i32
        %select_n3A_138 = arith.constant 39 : i32
        %select_n3A_139 = arith.select %eq3A_137, %select_n3A_138, %select_n3A_135 : i32
        %add3A_140 = arith.addi %select_n3A_139, %mul3A_6 : i32
        %add3A_141 = arith.constant 1 : i32
        %add3A_142 = arith.addi %scan3A_126, %add3A_141 : i32
        %select_n3A_143 = arith.constant true
        %select_n3A_144 = arith.select %select_n3A_143, %add3A_142, %scan3A_126 : i32
        %eq3A_145 = arith.constant 40 : i32
        %eq3A_146 = arith.cmpi eq, %select_n3A_144, %eq3A_145 : i32
        %select_n3A_147 = arith.constant 0 : i32
        %select_n3A_148 = arith.select %eq3A_146, %select_n3A_147, %select_n3A_144 : i32
        %add3A_149 = arith.addi %select_n3A_148, %mul3A_6 : i32
        %add3A_150 = arith.constant 1 : i32
        %add3A_151 = arith.addi %select_n3A_148, %add3A_150 : i32
        %select_n3A_152 = arith.constant true
        %select_n3A_153 = arith.select %select_n3A_152, %add3A_151, %select_n3A_148 : i32
        %eq3A_154 = arith.constant 40 : i32
        %eq3A_155 = arith.cmpi eq, %select_n3A_153, %eq3A_154 : i32
        %select_n3A_156 = arith.constant 0 : i32
        %select_n3A_157 = arith.select %eq3A_155, %select_n3A_156, %select_n3A_153 : i32
        %add3A_158 = arith.addi %select_n3A_157, %mul3A_6 : i32
        %ne3A = arith.cmpi ne, %add3A_131, %add3A_149 : i32
        %or3A = arith.constant false
        %or3A_159 = arith.ori %or3A, %ne3A : i1
        %ge3A = arith.constant 39 : i32
        %ge3A_160 = arith.cmpi sge, %scan3A_121, %ge3A : i32
        %not3A = arith.constant true
        %not3A_161 = arith.xori %ge3A_160, %not3A : i1
        %and3A = arith.andi %or3A_159, %not3A_161 : i1
        %convert_element_type3A = arith.extui %and3A : i1 to i32
        %cond3A = arith.constant 0 : i32
        %cond3A_162 = arith.cmpi ne, %convert_element_type3A, %cond3A : i32
        scf.if %cond3A_162 {
          "tpu.trace_start"() <{level = 10 : i32, message = "ep_copy_in"}> : () -> ()
          %rem3A_264 = arith.constant 2 : i32
          %rem3A_265 = arith.remui %scan3A_122, %rem3A_264 : i32
          %mul3A_266 = arith.constant 128 : i32
          %mul3A_267 = arith.muli %mul3A_266, %add3A_149 : i32
          %dma_start3A_268 = arith.constant 0 : i32
          %dma_start3A_269 = arith.constant 0 : i32
          %dma_start3A_270 = tpu.memref_slice %run_scoped3A[%rem3A_265, %dma_start3A_268, %dma_start3A_269] : memref<2x1x128xi32, #tpu.memory_space<vmem>> -> memref<1x1x128xi32, #tpu.memory_space<vmem>>
          %dma_start3A_271 = tpu.memref_squeeze %dma_start3A_270 : memref<1x1x128xi32, #tpu.memory_space<vmem>> -> memref<1x128xi32, #tpu.memory_space<vmem>>
          %dma_start3A_272 = arith.constant 0 : i32
          %dma_start3A_273 = tpu.memref_slice %arg3[%dma_start3A_272, %mul3A_267] : memref<1x163840xi32, #tpu.memory_space<hbm>> -> memref<1x128xi32, #tpu.memory_space<hbm>>
          %dma_start3A_274 = tpu.memref_slice %run_scoped3A_7[%rem3A_265] : memref<2x!tpu.dma_semaphore, #tpu.memory_space<semaphore_mem>> -> memref<1x!tpu.dma_semaphore, #tpu.memory_space<semaphore_mem>>
          %dma_start3A_275 = tpu.memref_squeeze %dma_start3A_274 : memref<1x!tpu.dma_semaphore, #tpu.memory_space<semaphore_mem>> -> memref<!tpu.dma_semaphore, #tpu.memory_space<semaphore_mem>>
          %dma_start3A_276 = arith.constant 0 : i32
          %dma_start3A_277 = arith.constant 0 : i32
          %dma_start3A_278 = tpu.memref_slice %run_scoped3A[%rem3A_265, %dma_start3A_276, %dma_start3A_277] : memref<2x1x128xi32, #tpu.memory_space<vmem>> -> memref<1x1x128xi32, #tpu.memory_space<vmem>>
          %dma_start3A_279 = tpu.memref_squeeze %dma_start3A_278 : memref<1x1x128xi32, #tpu.memory_space<vmem>> -> memref<1x128xi32, #tpu.memory_space<vmem>>
          %dma_start3A_280 = arith.constant 0 : i32
          %dma_start3A_281 = tpu.memref_slice %arg3[%dma_start3A_280, %mul3A_267] : memref<1x163840xi32, #tpu.memory_space<hbm>> -> memref<1x128xi32, #tpu.memory_space<hbm>>
          tpu.enqueue_dma source(%dma_start3A_281 : memref<1x128xi32, #tpu.memory_space<hbm>>) target(%dma_start3A_279 : memref<1x128xi32, #tpu.memory_space<vmem>>) target_semaphore(%dma_start3A_275 : memref<!tpu.dma_semaphore, #tpu.memory_space<semaphore_mem>>)
          "tpu.trace_stop"() : () -> ()
        } else {
        }
        %and3A_163 = arith.constant true
        %and3A_164 = arith.andi %and3A, %and3A_163 : i1
        %add3A_165 = arith.constant 1 : i32
        %add3A_166 = arith.addi %scan3A_122, %add3A_165 : i32
        %select_n3A_167 = arith.select %and3A_164, %add3A_166, %scan3A_122 : i32
        %ne3A_168 = arith.cmpi ne, %add3A_131, %add3A_149 : i32
        %or3A_169 = arith.constant false
        %or3A_170 = arith.ori %or3A_169, %ne3A_168 : i1
        %or3A_171 = arith.constant false
        %or3A_172 = arith.ori %or3A_170, %or3A_171 : i1
        %ge3A_173 = arith.constant 39 : i32
        %ge3A_174 = arith.cmpi sge, %scan3A_121, %ge3A_173 : i32
        %not3A_175 = arith.constant true
        %not3A_176 = arith.xori %ge3A_174, %not3A_175 : i1
        %and3A_177 = arith.andi %or3A_172, %not3A_176 : i1
        %ne3A_178 = arith.cmpi ne, %add3A_131, %add3A_140 : i32
        %or3A_179 = arith.constant false
        %or3A_180 = arith.ori %or3A_179, %ne3A_178 : i1
        %or3A_181 = arith.ori %or3A_180, %eq3A_128 : i1
        %convert_element_type3A_182 = arith.extui %or3A_181 : i1 to i32
        %cond3A_183 = arith.constant 0 : i32
        %cond3A_184 = arith.cmpi ne, %convert_element_type3A_182, %cond3A_183 : i32
        scf.if %cond3A_184 {
          "tpu.trace_start"() <{level = 10 : i32, message = "ep_wait_in"}> : () -> ()
          %mul3A_264 = arith.constant 128 : i32
          %mul3A_265 = arith.muli %mul3A_264, %add3A_131 : i32
          %rem3A_266 = arith.constant 2 : i32
          %rem3A_267 = arith.remui %scan3A_123, %rem3A_266 : i32
          %dma_wait3A_268 = arith.constant 0 : i32
          %dma_wait3A_269 = arith.constant 0 : i32
          %dma_wait3A_270 = tpu.memref_slice %run_scoped3A[%rem3A_267, %dma_wait3A_268, %dma_wait3A_269] : memref<2x1x128xi32, #tpu.memory_space<vmem>> -> memref<1x1x128xi32, #tpu.memory_space<vmem>>
          %dma_wait3A_271 = tpu.memref_squeeze %dma_wait3A_270 : memref<1x1x128xi32, #tpu.memory_space<vmem>> -> memref<1x128xi32, #tpu.memory_space<vmem>>
          %dma_wait3A_272 = arith.constant 0 : i32
          %dma_wait3A_273 = tpu.memref_slice %arg3[%dma_wait3A_272, %mul3A_265] : memref<1x163840xi32, #tpu.memory_space<hbm>> -> memref<1x128xi32, #tpu.memory_space<hbm>>
          %dma_wait3A_274 = tpu.memref_slice %run_scoped3A_7[%rem3A_267] : memref<2x!tpu.dma_semaphore, #tpu.memory_space<semaphore_mem>> -> memref<1x!tpu.dma_semaphore, #tpu.memory_space<semaphore_mem>>
          %dma_wait3A_275 = tpu.memref_squeeze %dma_wait3A_274 : memref<1x!tpu.dma_semaphore, #tpu.memory_space<semaphore_mem>> -> memref<!tpu.dma_semaphore, #tpu.memory_space<semaphore_mem>>
          %dma_wait3A_276 = arith.constant 0 : i32
          %dma_wait3A_277 = arith.constant 0 : i32
          %dma_wait3A_278 = tpu.memref_slice %run_scoped3A[%rem3A_267, %dma_wait3A_276, %dma_wait3A_277] : memref<2x1x128xi32, #tpu.memory_space<vmem>> -> memref<1x1x128xi32, #tpu.memory_space<vmem>>
          %dma_wait3A_279 = tpu.memref_squeeze %dma_wait3A_278 : memref<1x1x128xi32, #tpu.memory_space<vmem>> -> memref<1x128xi32, #tpu.memory_space<vmem>>
          %dma_wait3A_280 = arith.constant 0 : i32
          %dma_wait3A_281 = tpu.memref_slice %arg3[%dma_wait3A_280, %mul3A_265] : memref<1x163840xi32, #tpu.memory_space<hbm>> -> memref<1x128xi32, #tpu.memory_space<hbm>>
          tpu.wait_dma2 semaphore(%dma_wait3A_275 : memref<!tpu.dma_semaphore, #tpu.memory_space<semaphore_mem>>) src(%dma_wait3A_281 : memref<1x128xi32, #tpu.memory_space<hbm>>) dst(%dma_wait3A_279 : memref<1x128xi32, #tpu.memory_space<vmem>>)
          "tpu.trace_stop"() : () -> ()
        } else {
        }
        %ne3A_185 = arith.cmpi ne, %add3A_131, %add3A_140 : i32
        %or3A_186 = arith.constant false
        %or3A_187 = arith.ori %or3A_186, %ne3A_185 : i1
        %or3A_188 = arith.constant false
        %or3A_189 = arith.ori %or3A_187, %or3A_188 : i1
        %or3A_190 = arith.ori %or3A_189, %eq3A_128 : i1
        %convert_element_type3A_191 = arith.extui %or3A_190 : i1 to i32
        %cond3A_192 = arith.constant 0 : i32
        %cond3A_193 = arith.cmpi ne, %convert_element_type3A_191, %cond3A_192 : i32
        scf.if %cond3A_193 {
        } else {
        }
        %rem3A_194 = arith.constant 2 : i32
        %rem3A_195 = arith.remui %scan3A_123, %rem3A_194 : i32
        %rem3A_196 = arith.constant 2 : i32
        %rem3A_197 = arith.remui %scan3A_124, %rem3A_196 : i32
        %run_scoped3A_198 = arith.constant 0 : i32
        "tpu.trace_start"() <{level = 10 : i32, message = "ep_run_kernel"}> : () -> ()
        "tpu.region"() ({
          %run_scoped3A_264 = tpu.sem_alloc : memref<!tpu.dma_semaphore, #tpu.memory_space<semaphore_mem>>
          %dma_start3A_265 = arith.constant 0 : i32
          %dma_start3A_266 = arith.constant 0 : i32
          %dma_start3A_267 = tpu.memref_slice %run_scoped3A_8[%rem3A_197, %dma_start3A_265, %dma_start3A_266] : memref<2x128x64xf32, #tpu.memory_space<vmem>> -> memref<1x128x64xf32, #tpu.memory_space<vmem>>
          %dma_start3A_268 = tpu.memref_squeeze %dma_start3A_267 : memref<1x128x64xf32, #tpu.memory_space<vmem>> -> memref<128x64xf32, #tpu.memory_space<vmem>>
          %dma_start3A_269 = arith.constant 0 : i32
          %dma_start3A_270 = arith.constant 0 : i32
          %dma_start3A_271 = tpu.memref_slice %run_scoped3A[%rem3A_195, %dma_start3A_269, %dma_start3A_270] : memref<2x1x128xi32, #tpu.memory_space<vmem>> -> memref<1x1x128xi32, #tpu.memory_space<vmem>>
          %dma_start3A_272 = tpu.memref_squeeze %dma_start3A_271 : memref<1x1x128xi32, #tpu.memory_space<vmem>> -> memref<1x128xi32, #tpu.memory_space<vmem>>
          %dma_start3A_273 = arith.constant 0 : i32
          %dma_start3A_274 = tpu.memref_slice %dma_start3A_272[%run_scoped3A_198, %dma_start3A_273] : memref<1x128xi32, #tpu.memory_space<vmem>> -> memref<1x128xi32, #tpu.memory_space<vmem>>
          %dma_start3A_275 = tpu.memref_squeeze %dma_start3A_274 : memref<1x128xi32, #tpu.memory_space<vmem>> -> memref<128xi32, #tpu.memory_space<vmem>>
          %dma_start3A_276 = arith.constant 0 : i32
          %dma_start3A_277 = arith.constant 0 : i32
          %dma_start3A_278 = tpu.memref_slice %arg2[%dma_start3A_276, %dma_start3A_277] : memref<2048x64xf32, #tpu.memory_space<hbm>> -> memref<2048x64xf32, #tpu.memory_space<hbm>>
          tpu.enqueue_indirect_dma source(%dma_start3A_278 : memref<2048x64xf32, #tpu.memory_space<hbm>>) target(%dma_start3A_268 : memref<128x64xf32, #tpu.memory_space<vmem>>) offsets(%dma_start3A_275 : memref<128xi32, #tpu.memory_space<vmem>>) semaphore(%run_scoped3A_264 : memref<!tpu.dma_semaphore, #tpu.memory_space<semaphore_mem>>)
          %dma_wait3A_279 = arith.constant 0 : i32
          %dma_wait3A_280 = arith.constant 0 : i32
          %dma_wait3A_281 = tpu.memref_slice %run_scoped3A_8[%rem3A_197, %dma_wait3A_279, %dma_wait3A_280] : memref<2x128x64xf32, #tpu.memory_space<vmem>> -> memref<1x128x64xf32, #tpu.memory_space<vmem>>
          %dma_wait3A_282 = tpu.memref_squeeze %dma_wait3A_281 : memref<1x128x64xf32, #tpu.memory_space<vmem>> -> memref<128x64xf32, #tpu.memory_space<vmem>>
          %dma_wait3A_283 = arith.constant 0 : i32
          %dma_wait3A_284 = arith.constant 0 : i32
          %dma_wait3A_285 = tpu.memref_slice %run_scoped3A[%rem3A_195, %dma_wait3A_283, %dma_wait3A_284] : memref<2x1x128xi32, #tpu.memory_space<vmem>> -> memref<1x1x128xi32, #tpu.memory_space<vmem>>
          %dma_wait3A_286 = tpu.memref_squeeze %dma_wait3A_285 : memref<1x1x128xi32, #tpu.memory_space<vmem>> -> memref<1x128xi32, #tpu.memory_space<vmem>>
          %dma_wait3A_287 = arith.constant 0 : i32
          %dma_wait3A_288 = tpu.memref_slice %dma_wait3A_286[%run_scoped3A_198, %dma_wait3A_287] : memref<1x128xi32, #tpu.memory_space<vmem>> -> memref<1x128xi32, #tpu.memory_space<vmem>>
          %dma_wait3A_289 = tpu.memref_squeeze %dma_wait3A_288 : memref<1x128xi32, #tpu.memory_space<vmem>> -> memref<128xi32, #tpu.memory_space<vmem>>
          %dma_wait3A_290 = arith.constant 0 : i32
          %dma_wait3A_291 = arith.constant 0 : i32
          %dma_wait3A_292 = tpu.memref_slice %arg2[%dma_wait3A_290, %dma_wait3A_291] : memref<2048x64xf32, #tpu.memory_space<hbm>> -> memref<2048x64xf32, #tpu.memory_space<hbm>>
          tpu.wait_indirect_dma semaphore(%run_scoped3A_264 : memref<!tpu.dma_semaphore, #tpu.memory_space<semaphore_mem>>) src(%dma_wait3A_292 : memref<2048x64xf32, #tpu.memory_space<hbm>>) dst(%dma_wait3A_282 : memref<128x64xf32, #tpu.memory_space<vmem>>)
          tpu.yield
        }) : () -> ()
        "tpu.trace_stop"() : () -> ()
        %ne3A_199 = arith.cmpi ne, %add3A_131, %add3A_149 : i32
        %or3A_200 = arith.constant false
        %or3A_201 = arith.ori %or3A_200, %ne3A_199 : i1
        %or3A_202 = arith.ori %or3A_201, %eq3A_130 : i1
        %convert_element_type3A_203 = arith.extui %or3A_202 : i1 to i32
        %cond3A_204 = arith.constant 0 : i32
        %cond3A_205 = arith.cmpi ne, %convert_element_type3A_203, %cond3A_204 : i32
        scf.if %cond3A_205 {
        } else {
        }
        %and3A_206 = arith.constant false
        %and3A_207 = arith.andi %or3A_202, %and3A_206 : i1
        %ne3A_208 = arith.cmpi ne, %add3A_131, %add3A_149 : i32
        %or3A_209 = arith.constant false
        %or3A_210 = arith.ori %or3A_209, %ne3A_208 : i1
        %or3A_211 = arith.constant false
        %or3A_212 = arith.ori %or3A_210, %or3A_211 : i1
        %or3A_213 = arith.ori %or3A_212, %eq3A_130 : i1
        %convert_element_type3A_214 = arith.extui %or3A_213 : i1 to i32
        %cond3A_215 = arith.constant 0 : i32
        %cond3A_216 = arith.cmpi ne, %convert_element_type3A_214, %cond3A_215 : i32
        scf.if %cond3A_216 {
          "tpu.trace_start"() <{level = 10 : i32, message = "ep_copy_out"}> : () -> ()
          %rem3A_264 = arith.constant 2 : i32
          %rem3A_265 = arith.remui %scan3A_124, %rem3A_264 : i32
          %mul3A_266 = arith.constant 128 : i32
          %mul3A_267 = arith.muli %mul3A_266, %add3A_131 : i32
          %dma_start3A_268 = arith.constant 0 : i32
          %dma_start3A_269 = arith.constant 0 : i32
          %dma_start3A_270 = tpu.memref_slice %run_scoped3A_8[%rem3A_265, %dma_start3A_268, %dma_start3A_269] : memref<2x128x64xf32, #tpu.memory_space<vmem>> -> memref<1x128x64xf32, #tpu.memory_space<vmem>>
          %dma_start3A_271 = tpu.memref_squeeze %dma_start3A_270 : memref<1x128x64xf32, #tpu.memory_space<vmem>> -> memref<128x64xf32, #tpu.memory_space<vmem>>
          %dma_start3A_272 = arith.constant 0 : i32
          %dma_start3A_273 = tpu.memref_slice %arg4[%mul3A_267, %dma_start3A_272] : memref<163840x64xf32, #tpu.memory_space<hbm>> -> memref<128x64xf32, #tpu.memory_space<hbm>>
          %dma_start3A_274 = tpu.memref_slice %run_scoped3A_9[%rem3A_265] : memref<2x!tpu.dma_semaphore, #tpu.memory_space<semaphore_mem>> -> memref<1x!tpu.dma_semaphore, #tpu.memory_space<semaphore_mem>>
          %dma_start3A_275 = tpu.memref_squeeze %dma_start3A_274 : memref<1x!tpu.dma_semaphore, #tpu.memory_space<semaphore_mem>> -> memref<!tpu.dma_semaphore, #tpu.memory_space<semaphore_mem>>
          %dma_start3A_276 = arith.constant 0 : i32
          %dma_start3A_277 = tpu.memref_slice %arg4[%mul3A_267, %dma_start3A_276] : memref<163840x64xf32, #tpu.memory_space<hbm>> -> memref<128x64xf32, #tpu.memory_space<hbm>>
          %dma_start3A_278 = arith.constant 0 : i32
          %dma_start3A_279 = arith.constant 0 : i32
          %dma_start3A_280 = tpu.memref_slice %run_scoped3A_8[%rem3A_265, %dma_start3A_278, %dma_start3A_279] : memref<2x128x64xf32, #tpu.memory_space<vmem>> -> memref<1x128x64xf32, #tpu.memory_space<vmem>>
          %dma_start3A_281 = tpu.memref_squeeze %dma_start3A_280 : memref<1x128x64xf32, #tpu.memory_space<vmem>> -> memref<128x64xf32, #tpu.memory_space<vmem>>
          tpu.enqueue_dma source(%dma_start3A_281 : memref<128x64xf32, #tpu.memory_space<vmem>>) target(%dma_start3A_277 : memref<128x64xf32, #tpu.memory_space<hbm>>) target_semaphore(%dma_start3A_275 : memref<!tpu.dma_semaphore, #tpu.memory_space<semaphore_mem>>)
          "tpu.trace_stop"() : () -> ()
        } else {
        }
        %and3A_217 = arith.constant true
        %and3A_218 = arith.andi %or3A_213, %and3A_217 : i1
        %add3A_219 = arith.constant 1 : i32
        %add3A_220 = arith.addi %scan3A_124, %add3A_219 : i32
        %select_n3A_221 = arith.select %and3A_218, %add3A_220, %scan3A_124 : i32
        %ne3A_222 = arith.cmpi ne, %add3A_131, %add3A_140 : i32
        %or3A_223 = arith.constant false
        %or3A_224 = arith.ori %or3A_223, %ne3A_222 : i1
        %not3A_225 = arith.constant true
        %not3A_226 = arith.xori %eq3A_128, %not3A_225 : i1
        %and3A_227 = arith.andi %or3A_224, %not3A_226 : i1
        %convert_element_type3A_228 = arith.extui %and3A_227 : i1 to i32
        %cond3A_229 = arith.constant 0 : i32
        %cond3A_230 = arith.cmpi ne, %convert_element_type3A_228, %cond3A_229 : i32
        scf.if %cond3A_230 {
        } else {
        }
        %and3A_231 = arith.constant false
        %and3A_232 = arith.andi %and3A_227, %and3A_231 : i1
        %ne3A_233 = arith.cmpi ne, %add3A_131, %add3A_140 : i32
        %or3A_234 = arith.constant false
        %or3A_235 = arith.ori %or3A_234, %ne3A_233 : i1
        %or3A_236 = arith.constant false
        %or3A_237 = arith.ori %or3A_235, %or3A_236 : i1
        %not3A_238 = arith.constant true
        %not3A_239 = arith.xori %eq3A_128, %not3A_238 : i1
        %and3A_240 = arith.andi %or3A_237, %not3A_239 : i1
        %convert_element_type3A_241 = arith.extui %and3A_240 : i1 to i32
        %cond3A_242 = arith.constant 0 : i32
        %cond3A_243 = arith.cmpi ne, %convert_element_type3A_241, %cond3A_242 : i32
        scf.if %cond3A_243 {
          "tpu.trace_start"() <{level = 10 : i32, message = "ep_wait_out"}> : () -> ()
          %rem3A_264 = arith.constant 2 : i32
          %rem3A_265 = arith.remui %scan3A_125, %rem3A_264 : i32
          %mul3A_266 = arith.constant 128 : i32
          %mul3A_267 = arith.muli %mul3A_266, %add3A_140 : i32
          %dma_wait3A_268 = arith.constant 0 : i32
          %dma_wait3A_269 = arith.constant 0 : i32
          %dma_wait3A_270 = tpu.memref_slice %run_scoped3A_8[%rem3A_265, %dma_wait3A_268, %dma_wait3A_269] : memref<2x128x64xf32, #tpu.memory_space<vmem>> -> memref<1x128x64xf32, #tpu.memory_space<vmem>>
          %dma_wait3A_271 = tpu.memref_squeeze %dma_wait3A_270 : memref<1x128x64xf32, #tpu.memory_space<vmem>> -> memref<128x64xf32, #tpu.memory_space<vmem>>
          %dma_wait3A_272 = arith.constant 0 : i32
          %dma_wait3A_273 = tpu.memref_slice %arg4[%mul3A_267, %dma_wait3A_272] : memref<163840x64xf32, #tpu.memory_space<hbm>> -> memref<128x64xf32, #tpu.memory_space<hbm>>
          %dma_wait3A_274 = tpu.memref_slice %run_scoped3A_9[%rem3A_265] : memref<2x!tpu.dma_semaphore, #tpu.memory_space<semaphore_mem>> -> memref<1x!tpu.dma_semaphore, #tpu.memory_space<semaphore_mem>>
          %dma_wait3A_275 = tpu.memref_squeeze %dma_wait3A_274 : memref<1x!tpu.dma_semaphore, #tpu.memory_space<semaphore_mem>> -> memref<!tpu.dma_semaphore, #tpu.memory_space<semaphore_mem>>
          %dma_wait3A_276 = arith.constant 0 : i32
          %dma_wait3A_277 = tpu.memref_slice %arg4[%mul3A_267, %dma_wait3A_276] : memref<163840x64xf32, #tpu.memory_space<hbm>> -> memref<128x64xf32, #tpu.memory_space<hbm>>
          %dma_wait3A_278 = arith.constant 0 : i32
          %dma_wait3A_279 = arith.constant 0 : i32
          %dma_wait3A_280 = tpu.memref_slice %run_scoped3A_8[%rem3A_265, %dma_wait3A_278, %dma_wait3A_279] : memref<2x128x64xf32, #tpu.memory_space<vmem>> -> memref<1x128x64xf32, #tpu.memory_space<vmem>>
          %dma_wait3A_281 = tpu.memref_squeeze %dma_wait3A_280 : memref<1x128x64xf32, #tpu.memory_space<vmem>> -> memref<128x64xf32, #tpu.memory_space<vmem>>
          tpu.wait_dma2 semaphore(%dma_wait3A_275 : memref<!tpu.dma_semaphore, #tpu.memory_space<semaphore_mem>>) src(%dma_wait3A_281 : memref<128x64xf32, #tpu.memory_space<vmem>>) dst(%dma_wait3A_277 : memref<128x64xf32, #tpu.memory_space<hbm>>)
          "tpu.trace_stop"() : () -> ()
        } else {
        }
        %and3A_244 = arith.constant true
        %and3A_245 = arith.andi %and3A_240, %and3A_244 : i1
        %add3A_246 = arith.constant 1 : i32
        %add3A_247 = arith.addi %scan3A_125, %add3A_246 : i32
        %select_n3A_248 = arith.select %and3A_245, %add3A_247, %scan3A_125 : i32
        %ne3A_249 = arith.cmpi ne, %add3A_131, %add3A_149 : i32
        %or3A_250 = arith.constant false
        %or3A_251 = arith.ori %or3A_250, %ne3A_249 : i1
        %or3A_252 = arith.ori %or3A_251, %eq3A_130 : i1
        %add3A_253 = arith.constant 1 : i32
        %add3A_254 = arith.addi %scan3A_123, %add3A_253 : i32
        %select_n3A_255 = arith.select %or3A_252, %add3A_254, %scan3A_123 : i32
        %add3A_256 = arith.constant 1 : i32
        %add3A_257 = arith.addi %scan3A_126, %add3A_256 : i32
        %select_n3A_258 = arith.constant true
        %select_n3A_259 = arith.select %select_n3A_258, %add3A_257, %scan3A_126 : i32
        %eq3A_260 = arith.constant 40 : i32
        %eq3A_261 = arith.cmpi eq, %select_n3A_259, %eq3A_260 : i32
        %select_n3A_262 = arith.constant 0 : i32
        %select_n3A_263 = arith.select %eq3A_261, %select_n3A_262, %select_n3A_259 : i32
        scf.yield %select_n3A_167, %select_n3A_255, %select_n3A_221, %select_n3A_248, %select_n3A_263 : i32, i32, i32, i32, i32
      }
      %scan3A_68 = arith.constant 40 : i32
      %sub3A = arith.constant 1 : i32
      %sub3A_69 = arith.subi %scan3A_67#4, %sub3A : i32
      %select_n3A_70 = arith.constant true
      %select_n3A_71 = arith.select %select_n3A_70, %sub3A_69, %scan3A_67#4 : i32
      %eq3A_72 = arith.constant -1 : i32
      %eq3A_73 = arith.cmpi eq, %select_n3A_71, %eq3A_72 : i32
      %select_n3A_74 = arith.constant 39 : i32
      %select_n3A_75 = arith.select %eq3A_73, %select_n3A_74, %select_n3A_71 : i32
      %add3A_76 = arith.addi %select_n3A_75, %mul3A_6 : i32
      %sub3A_77 = arith.constant 1 : i32
      %sub3A_78 = arith.subi %select_n3A_75, %sub3A_77 : i32
      %select_n3A_79 = arith.constant true
      %select_n3A_80 = arith.select %select_n3A_79, %sub3A_78, %select_n3A_75 : i32
      %eq3A_81 = arith.constant -1 : i32
      %eq3A_82 = arith.cmpi eq, %select_n3A_80, %eq3A_81 : i32
      %select_n3A_83 = arith.constant 39 : i32
      %select_n3A_84 = arith.select %eq3A_82, %select_n3A_83, %select_n3A_80 : i32
      %add3A_85 = arith.addi %select_n3A_84, %mul3A_6 : i32
      %add3A_86 = arith.constant 1 : i32
      %add3A_87 = arith.addi %select_n3A_75, %add3A_86 : i32
      %select_n3A_88 = arith.constant true
      %select_n3A_89 = arith.select %select_n3A_88, %add3A_87, %select_n3A_75 : i32
      %eq3A_90 = arith.constant 40 : i32
      %eq3A_91 = arith.cmpi eq, %select_n3A_89, %eq3A_90 : i32
      %select_n3A_92 = arith.constant 0 : i32
      %select_n3A_93 = arith.select %eq3A_91, %select_n3A_92, %select_n3A_89 : i32
      %add3A_94 = arith.addi %select_n3A_93, %mul3A_6 : i32
      %add3A_95 = arith.constant 1 : i32
      %add3A_96 = arith.addi %select_n3A_93, %add3A_95 : i32
      %select_n3A_97 = arith.constant true
      %select_n3A_98 = arith.select %select_n3A_97, %add3A_96, %select_n3A_93 : i32
      %eq3A_99 = arith.constant 40 : i32
      %eq3A_100 = arith.cmpi eq, %select_n3A_98, %eq3A_99 : i32
      %select_n3A_101 = arith.constant 0 : i32
      %select_n3A_102 = arith.select %eq3A_100, %select_n3A_101, %select_n3A_98 : i32
      %add3A_103 = arith.addi %select_n3A_102, %mul3A_6 : i32
      "tpu.trace_start"() <{level = 10 : i32, message = "ep_finalize"}> : () -> ()
      %rem3A_104 = arith.constant 2 : i32
      %rem3A_105 = arith.remui %scan3A_67#3, %rem3A_104 : i32
      %mul3A_106 = arith.constant 128 : i32
      %mul3A_107 = arith.muli %mul3A_106, %add3A_76 : i32
      %dma_wait3A = arith.constant 0 : i32
      %dma_wait3A_108 = arith.constant 0 : i32
      %dma_wait3A_109 = tpu.memref_slice %run_scoped3A_8[%rem3A_105, %dma_wait3A, %dma_wait3A_108] : memref<2x128x64xf32, #tpu.memory_space<vmem>> -> memref<1x128x64xf32, #tpu.memory_space<vmem>>
      %dma_wait3A_110 = tpu.memref_squeeze %dma_wait3A_109 : memref<1x128x64xf32, #tpu.memory_space<vmem>> -> memref<128x64xf32, #tpu.memory_space<vmem>>
      %dma_wait3A_111 = arith.constant 0 : i32
      %dma_wait3A_112 = tpu.memref_slice %arg4[%mul3A_107, %dma_wait3A_111] : memref<163840x64xf32, #tpu.memory_space<hbm>> -> memref<128x64xf32, #tpu.memory_space<hbm>>
      %dma_wait3A_113 = tpu.memref_slice %run_scoped3A_9[%rem3A_105] : memref<2x!tpu.dma_semaphore, #tpu.memory_space<semaphore_mem>> -> memref<1x!tpu.dma_semaphore, #tpu.memory_space<semaphore_mem>>
      %dma_wait3A_114 = tpu.memref_squeeze %dma_wait3A_113 : memref<1x!tpu.dma_semaphore, #tpu.memory_space<semaphore_mem>> -> memref<!tpu.dma_semaphore, #tpu.memory_space<semaphore_mem>>
      %dma_wait3A_115 = arith.constant 0 : i32
      %dma_wait3A_116 = tpu.memref_slice %arg4[%mul3A_107, %dma_wait3A_115] : memref<163840x64xf32, #tpu.memory_space<hbm>> -> memref<128x64xf32, #tpu.memory_space<hbm>>
      %dma_wait3A_117 = arith.constant 0 : i32
      %dma_wait3A_118 = arith.constant 0 : i32
      %dma_wait3A_119 = tpu.memref_slice %run_scoped3A_8[%rem3A_105, %dma_wait3A_117, %dma_wait3A_118] : memref<2x128x64xf32, #tpu.memory_space<vmem>> -> memref<1x128x64xf32, #tpu.memory_space<vmem>>
      %dma_wait3A_120 = tpu.memref_squeeze %dma_wait3A_119 : memref<1x128x64xf32, #tpu.memory_space<vmem>> -> memref<128x64xf32, #tpu.memory_space<vmem>>
      tpu.wait_dma2 semaphore(%dma_wait3A_114 : memref<!tpu.dma_semaphore, #tpu.memory_space<semaphore_mem>>) src(%dma_wait3A_120 : memref<128x64xf32, #tpu.memory_space<vmem>>) dst(%dma_wait3A_116 : memref<128x64xf32, #tpu.memory_space<hbm>>)
      "tpu.trace_stop"() : () -> ()
      tpu.yield
    }) : () -> ()
    return
  }
}

#map = affine_map<(d0, d1) -> (0, 0)>
module attributes {stable_mosaic.version = 14 : i64} {
  func.func @kern(%arg0: i32, %arg1: i32, %arg2: memref<2048x16xf32, #tpu.memory_space<hbm>>, %arg3: memref<1x163840xi32, #tpu.memory_space<hbm>>, %arg4: memref<163840x16xf32, #tpu.memory_space<hbm>>) attributes {dimension_semantics = [#tpu.dimension_semantics<core_parallel>, #tpu.dimension_semantics<subcore_parallel>], iteration_bounds = array<i64: 2, 16>, scalar_prefetch = 0 : i64, scratch_operands = 0 : i64, tpu.core_type = #tpu.core_type<sc_vector_subcore>, window_params = [{transform_indices = #map}, {transform_indices = #map}, {transform_indices = #map}]} {
    %mul3A = arith.constant 1 : i32
    %mul3A_0 = arith.muli %arg1, %mul3A : i32
    %add3A = arith.constant 0 : i32
    %add3A_1 = arith.addi %add3A, %mul3A_0 : i32
    %mul3A_2 = arith.constant 16 : i32
    %mul3A_3 = arith.muli %arg0, %mul3A_2 : i32
    %add3A_4 = arith.addi %add3A_1, %mul3A_3 : i32
    %mul3A_5 = arith.constant 40 : i32
    %mul3A_6 = arith.muli %add3A_4, %mul3A_5 : i32
    "tpu.region"() ({
      %run_scoped3A = memref.alloca() : memref<2x1x128xi32, #tpu.memory_space<vmem>>
      %run_scoped3A_7 = tpu.sem_alloc : memref<2x!tpu.dma_semaphore, #tpu.memory_space<semaphore_mem>>
      %run_scoped3A_8 = memref.alloca() : memref<2x128x16xf32, #tpu.memory_space<vmem>>
      %run_scoped3A_9 = tpu.sem_alloc : memref<2x!tpu.dma_semaphore, #tpu.memory_space<semaphore_mem>>
      %add3A_10 = arith.constant 0 : i32
      %add3A_11 = arith.addi %add3A_10, %mul3A_6 : i32
      %select_n3A = arith.constant true
      %select_n3A_12 = arith.constant 0 : i32
      %select_n3A_13 = arith.constant -1 : i32
      %select_n3A_14 = arith.select %select_n3A, %select_n3A_13, %select_n3A_12 : i32
      %eq3A = arith.constant -1 : i32
      %eq3A_15 = arith.cmpi eq, %select_n3A_14, %eq3A : i32
      %select_n3A_16 = arith.constant 39 : i32
      %select_n3A_17 = arith.select %eq3A_15, %select_n3A_16, %select_n3A_14 : i32
      %add3A_18 = arith.addi %select_n3A_17, %mul3A_6 : i32
      %select_n3A_19 = arith.constant true
      %select_n3A_20 = arith.constant 0 : i32
      %select_n3A_21 = arith.constant 1 : i32
      %select_n3A_22 = arith.select %select_n3A_19, %select_n3A_21, %select_n3A_20 : i32
      %eq3A_23 = arith.constant 40 : i32
      %eq3A_24 = arith.cmpi eq, %select_n3A_22, %eq3A_23 : i32
      %select_n3A_25 = arith.constant 0 : i32
      %select_n3A_26 = arith.select %eq3A_24, %select_n3A_25, %select_n3A_22 : i32
      %add3A_27 = arith.addi %select_n3A_26, %mul3A_6 : i32
      %add3A_28 = arith.constant 1 : i32
      %add3A_29 = arith.addi %select_n3A_26, %add3A_28 : i32
      %select_n3A_30 = arith.constant true
      %select_n3A_31 = arith.select %select_n3A_30, %add3A_29, %select_n3A_26 : i32
      %eq3A_32 = arith.constant 40 : i32
      %eq3A_33 = arith.cmpi eq, %select_n3A_31, %eq3A_32 : i32
      %select_n3A_34 = arith.constant 0 : i32
      %select_n3A_35 = arith.select %eq3A_33, %select_n3A_34, %select_n3A_31 : i32
      %add3A_36 = arith.addi %select_n3A_35, %mul3A_6 : i32
      "tpu.trace_start"() <{level = 10 : i32, message = "ep_initialize_0"}> : () -> ()
      %rem3A = arith.constant 0 : i32
      %rem3A_37 = arith.constant 2 : i32
      %rem3A_38 = arith.remui %rem3A, %rem3A_37 : i32
      %mul3A_39 = arith.constant 128 : i32
      %mul3A_40 = arith.muli %mul3A_39, %add3A_11 : i32
      %dma_start3A = arith.constant 0 : i32
      %dma_start3A_41 = arith.constant 0 : i32
      %dma_start3A_42 = tpu.memref_slice %run_scoped3A[%rem3A_38, %dma_start3A, %dma_start3A_41] : memref<2x1x128xi32, #tpu.memory_space<vmem>> -> memref<1x1x128xi32, #tpu.memory_space<vmem>>
      %dma_start3A_43 = tpu.memref_squeeze %dma_start3A_42 : memref<1x1x128xi32, #tpu.memory_space<vmem>> -> memref<1x128xi32, #tpu.memory_space<vmem>>
      %dma_start3A_44 = arith.constant 0 : i32
      %dma_start3A_45 = tpu.memref_slice %arg3[%dma_start3A_44, %mul3A_40] : memref<1x163840xi32, #tpu.memory_space<hbm>> -> memref<1x128xi32, #tpu.memory_space<hbm>>
      %dma_start3A_46 = tpu.memref_slice %run_scoped3A_7[%rem3A_38] : memref<2x!tpu.dma_semaphore, #tpu.memory_space<semaphore_mem>> -> memref<1x!tpu.dma_semaphore, #tpu.memory_space<semaphore_mem>>
      %dma_start3A_47 = tpu.memref_squeeze %dma_start3A_46 : memref<1x!tpu.dma_semaphore, #tpu.memory_space<semaphore_mem>> -> memref<!tpu.dma_semaphore, #tpu.memory_space<semaphore_mem>>
      %dma_start3A_48 = arith.constant 0 : i32
      %dma_start3A_49 = arith.constant 0 : i32
      %dma_start3A_50 = tpu.memref_slice %run_scoped3A[%rem3A_38, %dma_start3A_48, %dma_start3A_49] : memref<2x1x128xi32, #tpu.memory_space<vmem>> -> memref<1x1x128xi32, #tpu.memory_space<vmem>>
      %dma_start3A_51 = tpu.memref_squeeze %dma_start3A_50 : memref<1x1x128xi32, #tpu.memory_space<vmem>> -> memref<1x128xi32, #tpu.memory_space<vmem>>
      %dma_start3A_52 = arith.constant 0 : i32
      %dma_start3A_53 = tpu.memref_slice %arg3[%dma_start3A_52, %mul3A_40] : memref<1x163840xi32, #tpu.memory_space<hbm>> -> memref<1x128xi32, #tpu.memory_space<hbm>>
      tpu.enqueue_dma source(%dma_start3A_53 : memref<1x128xi32, #tpu.memory_space<hbm>>) target(%dma_start3A_51 : memref<1x128xi32, #tpu.memory_space<vmem>>) target_semaphore(%dma_start3A_47 : memref<!tpu.dma_semaphore, #tpu.memory_space<semaphore_mem>>)
      %add3A_54 = arith.constant 0 : i32
      %add3A_55 = arith.constant 1 : i32
      %add3A_56 = arith.addi %add3A_54, %add3A_55 : i32
      %select_n3A_57 = arith.constant true
      %select_n3A_58 = arith.constant 0 : i32
      %select_n3A_59 = arith.select %select_n3A_57, %add3A_56, %select_n3A_58 : i32
      "tpu.trace_stop"() : () -> ()
      %scan3A = arith.constant 0 : i32
      %scan3A_60 = arith.constant 0 : i32
      %scan3A_61 = arith.constant 0 : i32
      %scan3A_62 = arith.constant 0 : i32
      %scan3A_63 = arith.constant 0 : i32
      %scan3A_64 = arith.constant 40 : i32
      %scan3A_65 = arith.addi %scan3A_63, %scan3A_64 : i32
      %scan3A_66 = arith.constant 1 : i32
      %scan3A_67:5 = scf.for %scan3A_121 = %scan3A_63 to %scan3A_65 step %scan3A_66 iter_args(%scan3A_122 = %select_n3A_59, %scan3A_123 = %scan3A, %scan3A_124 = %scan3A_60, %scan3A_125 = %scan3A_61, %scan3A_126 = %scan3A_62) -> (i32, i32, i32, i32, i32)  : i32 {
        %eq3A_127 = arith.constant 0 : i32
        %eq3A_128 = arith.cmpi eq, %scan3A_121, %eq3A_127 : i32
        %eq3A_129 = arith.constant 39 : i32
        %eq3A_130 = arith.cmpi eq, %scan3A_121, %eq3A_129 : i32
        %add3A_131 = arith.addi %scan3A_126, %mul3A_6 : i32
        %sub3A_132 = arith.constant 1 : i32
        %sub3A_133 = arith.subi %scan3A_126, %sub3A_132 : i32
        %select_n3A_134 = arith.constant true
        %select_n3A_135 = arith.select %select_n3A_134, %sub3A_133, %scan3A_126 : i32
        %eq3A_136 = arith.constant -1 : i32
        %eq3A_137 = arith.cmpi eq, %select_n3A_135, %eq3A_136 : i32
        %select_n3A_138 = arith.constant 39 : i32
        %select_n3A_139 = arith.select %eq3A_137, %select_n3A_138, %select_n3A_135 : i32
        %add3A_140 = arith.addi %select_n3A_139, %mul3A_6 : i32
        %add3A_141 = arith.constant 1 : i32
        %add3A_142 = arith.addi %scan3A_126, %add3A_141 : i32
        %select_n3A_143 = arith.constant true
        %select_n3A_144 = arith.select %select_n3A_143, %add3A_142, %scan3A_126 : i32
        %eq3A_145 = arith.constant 40 : i32
        %eq3A_146 = arith.cmpi eq, %select_n3A_144, %eq3A_145 : i32
        %select_n3A_147 = arith.constant 0 : i32
        %select_n3A_148 = arith.select %eq3A_146, %select_n3A_147, %select_n3A_144 : i32
        %add3A_149 = arith.addi %select_n3A_148, %mul3A_6 : i32
        %add3A_150 = arith.constant 1 : i32
        %add3A_151 = arith.addi %select_n3A_148, %add3A_150 : i32
        %select_n3A_152 = arith.constant true
        %select_n3A_153 = arith.select %select_n3A_152, %add3A_151, %select_n3A_148 : i32
        %eq3A_154 = arith.constant 40 : i32
        %eq3A_155 = arith.cmpi eq, %select_n3A_153, %eq3A_154 : i32
        %select_n3A_156 = arith.constant 0 : i32
        %select_n3A_157 = arith.select %eq3A_155, %select_n3A_156, %select_n3A_153 : i32
        %add3A_158 = arith.addi %select_n3A_157, %mul3A_6 : i32
        %ne3A = arith.cmpi ne, %add3A_131, %add3A_149 : i32
        %or3A = arith.constant false
        %or3A_159 = arith.ori %or3A, %ne3A : i1
        %ge3A = arith.constant 39 : i32
        %ge3A_160 = arith.cmpi sge, %scan3A_121, %ge3A : i32
        %not3A = arith.constant true
        %not3A_161 = arith.xori %ge3A_160, %not3A : i1
        %and3A = arith.andi %or3A_159, %not3A_161 : i1
        %convert_element_type3A = arith.extui %and3A : i1 to i32
        %cond3A = arith.constant 0 : i32
        %cond3A_162 = arith.cmpi ne, %convert_element_type3A, %cond3A : i32
        scf.if %cond3A_162 {
          "tpu.trace_start"() <{level = 10 : i32, message = "ep_copy_in"}> : () -> ()
          %rem3A_264 = arith.constant 2 : i32
          %rem3A_265 = arith.remui %scan3A_122, %rem3A_264 : i32
          %mul3A_266 = arith.constant 128 : i32
          %mul3A_267 = arith.muli %mul3A_266, %add3A_149 : i32
          %dma_start3A_268 = arith.constant 0 : i32
          %dma_start3A_269 = arith.constant 0 : i32
          %dma_start3A_270 = tpu.memref_slice %run_scoped3A[%rem3A_265, %dma_start3A_268, %dma_start3A_269] : memref<2x1x128xi32, #tpu.memory_space<vmem>> -> memref<1x1x128xi32, #tpu.memory_space<vmem>>
          %dma_start3A_271 = tpu.memref_squeeze %dma_start3A_270 : memref<1x1x128xi32, #tpu.memory_space<vmem>> -> memref<1x128xi32, #tpu.memory_space<vmem>>
          %dma_start3A_272 = arith.constant 0 : i32
          %dma_start3A_273 = tpu.memref_slice %arg3[%dma_start3A_272, %mul3A_267] : memref<1x163840xi32, #tpu.memory_space<hbm>> -> memref<1x128xi32, #tpu.memory_space<hbm>>
          %dma_start3A_274 = tpu.memref_slice %run_scoped3A_7[%rem3A_265] : memref<2x!tpu.dma_semaphore, #tpu.memory_space<semaphore_mem>> -> memref<1x!tpu.dma_semaphore, #tpu.memory_space<semaphore_mem>>
          %dma_start3A_275 = tpu.memref_squeeze %dma_start3A_274 : memref<1x!tpu.dma_semaphore, #tpu.memory_space<semaphore_mem>> -> memref<!tpu.dma_semaphore, #tpu.memory_space<semaphore_mem>>
          %dma_start3A_276 = arith.constant 0 : i32
          %dma_start3A_277 = arith.constant 0 : i32
          %dma_start3A_278 = tpu.memref_slice %run_scoped3A[%rem3A_265, %dma_start3A_276, %dma_start3A_277] : memref<2x1x128xi32, #tpu.memory_space<vmem>> -> memref<1x1x128xi32, #tpu.memory_space<vmem>>
          %dma_start3A_279 = tpu.memref_squeeze %dma_start3A_278 : memref<1x1x128xi32, #tpu.memory_space<vmem>> -> memref<1x128xi32, #tpu.memory_space<vmem>>
          %dma_start3A_280 = arith.constant 0 : i32
          %dma_start3A_281 = tpu.memref_slice %arg3[%dma_start3A_280, %mul3A_267] : memref<1x163840xi32, #tpu.memory_space<hbm>> -> memref<1x128xi32, #tpu.memory_space<hbm>>
          tpu.enqueue_dma source(%dma_start3A_281 : memref<1x128xi32, #tpu.memory_space<hbm>>) target(%dma_start3A_279 : memref<1x128xi32, #tpu.memory_space<vmem>>) target_semaphore(%dma_start3A_275 : memref<!tpu.dma_semaphore, #tpu.memory_space<semaphore_mem>>)
          "tpu.trace_stop"() : () -> ()
        } else {
        }
        %and3A_163 = arith.constant true
        %and3A_164 = arith.andi %and3A, %and3A_163 : i1
        %add3A_165 = arith.constant 1 : i32
        %add3A_166 = arith.addi %scan3A_122, %add3A_165 : i32
        %select_n3A_167 = arith.select %and3A_164, %add3A_166, %scan3A_122 : i32
        %ne3A_168 = arith.cmpi ne, %add3A_131, %add3A_149 : i32
        %or3A_169 = arith.constant false
        %or3A_170 = arith.ori %or3A_169, %ne3A_168 : i1
        %or3A_171 = arith.constant false
        %or3A_172 = arith.ori %or3A_170, %or3A_171 : i1
        %ge3A_173 = arith.constant 39 : i32
        %ge3A_174 = arith.cmpi sge, %scan3A_121, %ge3A_173 : i32
        %not3A_175 = arith.constant true
        %not3A_176 = arith.xori %ge3A_174, %not3A_175 : i1
        %and3A_177 = arith.andi %or3A_172, %not3A_176 : i1
        %ne3A_178 = arith.cmpi ne, %add3A_131, %add3A_140 : i32
        %or3A_179 = arith.constant false
        %or3A_180 = arith.ori %or3A_179, %ne3A_178 : i1
        %or3A_181 = arith.ori %or3A_180, %eq3A_128 : i1
        %convert_element_type3A_182 = arith.extui %or3A_181 : i1 to i32
        %cond3A_183 = arith.constant 0 : i32
        %cond3A_184 = arith.cmpi ne, %convert_element_type3A_182, %cond3A_183 : i32
        scf.if %cond3A_184 {
          "tpu.trace_start"() <{level = 10 : i32, message = "ep_wait_in"}> : () -> ()
          %mul3A_264 = arith.constant 128 : i32
          %mul3A_265 = arith.muli %mul3A_264, %add3A_131 : i32
          %rem3A_266 = arith.constant 2 : i32
          %rem3A_267 = arith.remui %scan3A_123, %rem3A_266 : i32
          %dma_wait3A_268 = arith.constant 0 : i32
          %dma_wait3A_269 = arith.constant 0 : i32
          %dma_wait3A_270 = tpu.memref_slice %run_scoped3A[%rem3A_267, %dma_wait3A_268, %dma_wait3A_269] : memref<2x1x128xi32, #tpu.memory_space<vmem>> -> memref<1x1x128xi32, #tpu.memory_space<vmem>>
          %dma_wait3A_271 = tpu.memref_squeeze %dma_wait3A_270 : memref<1x1x128xi32, #tpu.memory_space<vmem>> -> memref<1x128xi32, #tpu.memory_space<vmem>>
          %dma_wait3A_272 = arith.constant 0 : i32
          %dma_wait3A_273 = tpu.memref_slice %arg3[%dma_wait3A_272, %mul3A_265] : memref<1x163840xi32, #tpu.memory_space<hbm>> -> memref<1x128xi32, #tpu.memory_space<hbm>>
          %dma_wait3A_274 = tpu.memref_slice %run_scoped3A_7[%rem3A_267] : memref<2x!tpu.dma_semaphore, #tpu.memory_space<semaphore_mem>> -> memref<1x!tpu.dma_semaphore, #tpu.memory_space<semaphore_mem>>
          %dma_wait3A_275 = tpu.memref_squeeze %dma_wait3A_274 : memref<1x!tpu.dma_semaphore, #tpu.memory_space<semaphore_mem>> -> memref<!tpu.dma_semaphore, #tpu.memory_space<semaphore_mem>>
          %dma_wait3A_276 = arith.constant 0 : i32
          %dma_wait3A_277 = arith.constant 0 : i32
          %dma_wait3A_278 = tpu.memref_slice %run_scoped3A[%rem3A_267, %dma_wait3A_276, %dma_wait3A_277] : memref<2x1x128xi32, #tpu.memory_space<vmem>> -> memref<1x1x128xi32, #tpu.memory_space<vmem>>
          %dma_wait3A_279 = tpu.memref_squeeze %dma_wait3A_278 : memref<1x1x128xi32, #tpu.memory_space<vmem>> -> memref<1x128xi32, #tpu.memory_space<vmem>>
          %dma_wait3A_280 = arith.constant 0 : i32
          %dma_wait3A_281 = tpu.memref_slice %arg3[%dma_wait3A_280, %mul3A_265] : memref<1x163840xi32, #tpu.memory_space<hbm>> -> memref<1x128xi32, #tpu.memory_space<hbm>>
          tpu.wait_dma2 semaphore(%dma_wait3A_275 : memref<!tpu.dma_semaphore, #tpu.memory_space<semaphore_mem>>) src(%dma_wait3A_281 : memref<1x128xi32, #tpu.memory_space<hbm>>) dst(%dma_wait3A_279 : memref<1x128xi32, #tpu.memory_space<vmem>>)
          "tpu.trace_stop"() : () -> ()
        } else {
        }
        %ne3A_185 = arith.cmpi ne, %add3A_131, %add3A_140 : i32
        %or3A_186 = arith.constant false
        %or3A_187 = arith.ori %or3A_186, %ne3A_185 : i1
        %or3A_188 = arith.constant false
        %or3A_189 = arith.ori %or3A_187, %or3A_188 : i1
        %or3A_190 = arith.ori %or3A_189, %eq3A_128 : i1
        %convert_element_type3A_191 = arith.extui %or3A_190 : i1 to i32
        %cond3A_192 = arith.constant 0 : i32
        %cond3A_193 = arith.cmpi ne, %convert_element_type3A_191, %cond3A_192 : i32
        scf.if %cond3A_193 {
        } else {
        }
        %rem3A_194 = arith.constant 2 : i32
        %rem3A_195 = arith.remui %scan3A_123, %rem3A_194 : i32
        %rem3A_196 = arith.constant 2 : i32
        %rem3A_197 = arith.remui %scan3A_124, %rem3A_196 : i32
        %run_scoped3A_198 = arith.constant 0 : i32
        "tpu.trace_start"() <{level = 10 : i32, message = "ep_run_kernel"}> : () -> ()
        "tpu.region"() ({
          %run_scoped3A_264 = tpu.sem_alloc : memref<!tpu.dma_semaphore, #tpu.memory_space<semaphore_mem>>
          %dma_start3A_265 = arith.constant 0 : i32
          %dma_start3A_266 = arith.constant 0 : i32
          %dma_start3A_267 = tpu.memref_slice %run_scoped3A_8[%rem3A_197, %dma_start3A_265, %dma_start3A_266] : memref<2x128x16xf32, #tpu.memory_space<vmem>> -> memref<1x128x16xf32, #tpu.memory_space<vmem>>
          %dma_start3A_268 = tpu.memref_squeeze %dma_start3A_267 : memref<1x128x16xf32, #tpu.memory_space<vmem>> -> memref<128x16xf32, #tpu.memory_space<vmem>>
          %dma_start3A_269 = arith.constant 0 : i32
          %dma_start3A_270 = arith.constant 0 : i32
          %dma_start3A_271 = tpu.memref_slice %run_scoped3A[%rem3A_195, %dma_start3A_269, %dma_start3A_270] : memref<2x1x128xi32, #tpu.memory_space<vmem>> -> memref<1x1x128xi32, #tpu.memory_space<vmem>>
          %dma_start3A_272 = tpu.memref_squeeze %dma_start3A_271 : memref<1x1x128xi32, #tpu.memory_space<vmem>> -> memref<1x128xi32, #tpu.memory_space<vmem>>
          %dma_start3A_273 = arith.constant 0 : i32
          %dma_start3A_274 = tpu.memref_slice %dma_start3A_272[%run_scoped3A_198, %dma_start3A_273] : memref<1x128xi32, #tpu.memory_space<vmem>> -> memref<1x128xi32, #tpu.memory_space<vmem>>
          %dma_start3A_275 = tpu.memref_squeeze %dma_start3A_274 : memref<1x128xi32, #tpu.memory_space<vmem>> -> memref<128xi32, #tpu.memory_space<vmem>>
          %dma_start3A_276 = arith.constant 0 : i32
          %dma_start3A_277 = arith.constant 0 : i32
          %dma_start3A_278 = tpu.memref_slice %arg2[%dma_start3A_276, %dma_start3A_277] : memref<2048x16xf32, #tpu.memory_space<hbm>> -> memref<2048x16xf32, #tpu.memory_space<hbm>>
          tpu.enqueue_indirect_dma source(%dma_start3A_278 : memref<2048x16xf32, #tpu.memory_space<hbm>>) target(%dma_start3A_268 : memref<128x16xf32, #tpu.memory_space<vmem>>) offsets(%dma_start3A_275 : memref<128xi32, #tpu.memory_space<vmem>>) semaphore(%run_scoped3A_264 : memref<!tpu.dma_semaphore, #tpu.memory_space<semaphore_mem>>)
          %dma_wait3A_279 = arith.constant 0 : i32
          %dma_wait3A_280 = arith.constant 0 : i32
          %dma_wait3A_281 = tpu.memref_slice %run_scoped3A_8[%rem3A_197, %dma_wait3A_279, %dma_wait3A_280] : memref<2x128x16xf32, #tpu.memory_space<vmem>> -> memref<1x128x16xf32, #tpu.memory_space<vmem>>
          %dma_wait3A_282 = tpu.memref_squeeze %dma_wait3A_281 : memref<1x128x16xf32, #tpu.memory_space<vmem>> -> memref<128x16xf32, #tpu.memory_space<vmem>>
          %dma_wait3A_283 = arith.constant 0 : i32
          %dma_wait3A_284 = arith.constant 0 : i32
          %dma_wait3A_285 = tpu.memref_slice %run_scoped3A[%rem3A_195, %dma_wait3A_283, %dma_wait3A_284] : memref<2x1x128xi32, #tpu.memory_space<vmem>> -> memref<1x1x128xi32, #tpu.memory_space<vmem>>
          %dma_wait3A_286 = tpu.memref_squeeze %dma_wait3A_285 : memref<1x1x128xi32, #tpu.memory_space<vmem>> -> memref<1x128xi32, #tpu.memory_space<vmem>>
          %dma_wait3A_287 = arith.constant 0 : i32
          %dma_wait3A_288 = tpu.memref_slice %dma_wait3A_286[%run_scoped3A_198, %dma_wait3A_287] : memref<1x128xi32, #tpu.memory_space<vmem>> -> memref<1x128xi32, #tpu.memory_space<vmem>>
          %dma_wait3A_289 = tpu.memref_squeeze %dma_wait3A_288 : memref<1x128xi32, #tpu.memory_space<vmem>> -> memref<128xi32, #tpu.memory_space<vmem>>
          %dma_wait3A_290 = arith.constant 0 : i32
          %dma_wait3A_291 = arith.constant 0 : i32
          %dma_wait3A_292 = tpu.memref_slice %arg2[%dma_wait3A_290, %dma_wait3A_291] : memref<2048x16xf32, #tpu.memory_space<hbm>> -> memref<2048x16xf32, #tpu.memory_space<hbm>>
          tpu.wait_indirect_dma semaphore(%run_scoped3A_264 : memref<!tpu.dma_semaphore, #tpu.memory_space<semaphore_mem>>) src(%dma_wait3A_292 : memref<2048x16xf32, #tpu.memory_space<hbm>>) dst(%dma_wait3A_282 : memref<128x16xf32, #tpu.memory_space<vmem>>)
          tpu.yield
        }) : () -> ()
        "tpu.trace_stop"() : () -> ()
        %ne3A_199 = arith.cmpi ne, %add3A_131, %add3A_149 : i32
        %or3A_200 = arith.constant false
        %or3A_201 = arith.ori %or3A_200, %ne3A_199 : i1
        %or3A_202 = arith.ori %or3A_201, %eq3A_130 : i1
        %convert_element_type3A_203 = arith.extui %or3A_202 : i1 to i32
        %cond3A_204 = arith.constant 0 : i32
        %cond3A_205 = arith.cmpi ne, %convert_element_type3A_203, %cond3A_204 : i32
        scf.if %cond3A_205 {
        } else {
        }
        %and3A_206 = arith.constant false
        %and3A_207 = arith.andi %or3A_202, %and3A_206 : i1
        %ne3A_208 = arith.cmpi ne, %add3A_131, %add3A_149 : i32
        %or3A_209 = arith.constant false
        %or3A_210 = arith.ori %or3A_209, %ne3A_208 : i1
        %or3A_211 = arith.constant false
        %or3A_212 = arith.ori %or3A_210, %or3A_211 : i1
        %or3A_213 = arith.ori %or3A_212, %eq3A_130 : i1
        %convert_element_type3A_214 = arith.extui %or3A_213 : i1 to i32
        %cond3A_215 = arith.constant 0 : i32
        %cond3A_216 = arith.cmpi ne, %convert_element_type3A_214, %cond3A_215 : i32
        scf.if %cond3A_216 {
          "tpu.trace_start"() <{level = 10 : i32, message = "ep_copy_out"}> : () -> ()
          %rem3A_264 = arith.constant 2 : i32
          %rem3A_265 = arith.remui %scan3A_124, %rem3A_264 : i32
          %mul3A_266 = arith.constant 128 : i32
          %mul3A_267 = arith.muli %mul3A_266, %add3A_131 : i32
          %dma_start3A_268 = arith.constant 0 : i32
          %dma_start3A_269 = arith.constant 0 : i32
          %dma_start3A_270 = tpu.memref_slice %run_scoped3A_8[%rem3A_265, %dma_start3A_268, %dma_start3A_269] : memref<2x128x16xf32, #tpu.memory_space<vmem>> -> memref<1x128x16xf32, #tpu.memory_space<vmem>>
          %dma_start3A_271 = tpu.memref_squeeze %dma_start3A_270 : memref<1x128x16xf32, #tpu.memory_space<vmem>> -> memref<128x16xf32, #tpu.memory_space<vmem>>
          %dma_start3A_272 = arith.constant 0 : i32
          %dma_start3A_273 = tpu.memref_slice %arg4[%mul3A_267, %dma_start3A_272] : memref<163840x16xf32, #tpu.memory_space<hbm>> -> memref<128x16xf32, #tpu.memory_space<hbm>>
          %dma_start3A_274 = tpu.memref_slice %run_scoped3A_9[%rem3A_265] : memref<2x!tpu.dma_semaphore, #tpu.memory_space<semaphore_mem>> -> memref<1x!tpu.dma_semaphore, #tpu.memory_space<semaphore_mem>>
          %dma_start3A_275 = tpu.memref_squeeze %dma_start3A_274 : memref<1x!tpu.dma_semaphore, #tpu.memory_space<semaphore_mem>> -> memref<!tpu.dma_semaphore, #tpu.memory_space<semaphore_mem>>
          %dma_start3A_276 = arith.constant 0 : i32
          %dma_start3A_277 = tpu.memref_slice %arg4[%mul3A_267, %dma_start3A_276] : memref<163840x16xf32, #tpu.memory_space<hbm>> -> memref<128x16xf32, #tpu.memory_space<hbm>>
          %dma_start3A_278 = arith.constant 0 : i32
          %dma_start3A_279 = arith.constant 0 : i32
          %dma_start3A_280 = tpu.memref_slice %run_scoped3A_8[%rem3A_265, %dma_start3A_278, %dma_start3A_279] : memref<2x128x16xf32, #tpu.memory_space<vmem>> -> memref<1x128x16xf32, #tpu.memory_space<vmem>>
          %dma_start3A_281 = tpu.memref_squeeze %dma_start3A_280 : memref<1x128x16xf32, #tpu.memory_space<vmem>> -> memref<128x16xf32, #tpu.memory_space<vmem>>
          tpu.enqueue_dma source(%dma_start3A_281 : memref<128x16xf32, #tpu.memory_space<vmem>>) target(%dma_start3A_277 : memref<128x16xf32, #tpu.memory_space<hbm>>) target_semaphore(%dma_start3A_275 : memref<!tpu.dma_semaphore, #tpu.memory_space<semaphore_mem>>)
          "tpu.trace_stop"() : () -> ()
        } else {
        }
        %and3A_217 = arith.constant true
        %and3A_218 = arith.andi %or3A_213, %and3A_217 : i1
        %add3A_219 = arith.constant 1 : i32
        %add3A_220 = arith.addi %scan3A_124, %add3A_219 : i32
        %select_n3A_221 = arith.select %and3A_218, %add3A_220, %scan3A_124 : i32
        %ne3A_222 = arith.cmpi ne, %add3A_131, %add3A_140 : i32
        %or3A_223 = arith.constant false
        %or3A_224 = arith.ori %or3A_223, %ne3A_222 : i1
        %not3A_225 = arith.constant true
        %not3A_226 = arith.xori %eq3A_128, %not3A_225 : i1
        %and3A_227 = arith.andi %or3A_224, %not3A_226 : i1
        %convert_element_type3A_228 = arith.extui %and3A_227 : i1 to i32
        %cond3A_229 = arith.constant 0 : i32
        %cond3A_230 = arith.cmpi ne, %convert_element_type3A_228, %cond3A_229 : i32
        scf.if %cond3A_230 {
        } else {
        }
        %and3A_231 = arith.constant false
        %and3A_232 = arith.andi %and3A_227, %and3A_231 : i1
        %ne3A_233 = arith.cmpi ne, %add3A_131, %add3A_140 : i32
        %or3A_234 = arith.constant false
        %or3A_235 = arith.ori %or3A_234, %ne3A_233 : i1
        %or3A_236 = arith.constant false
        %or3A_237 = arith.ori %or3A_235, %or3A_236 : i1
        %not3A_238 = arith.constant true
        %not3A_239 = arith.xori %eq3A_128, %not3A_238 : i1
        %and3A_240 = arith.andi %or3A_237, %not3A_239 : i1
        %convert_element_type3A_241 = arith.extui %and3A_240 : i1 to i32
        %cond3A_242 = arith.constant 0 : i32
        %cond3A_243 = arith.cmpi ne, %convert_element_type3A_241, %cond3A_242 : i32
        scf.if %cond3A_243 {
          "tpu.trace_start"() <{level = 10 : i32, message = "ep_wait_out"}> : () -> ()
          %rem3A_264 = arith.constant 2 : i32
          %rem3A_265 = arith.remui %scan3A_125, %rem3A_264 : i32
          %mul3A_266 = arith.constant 128 : i32
          %mul3A_267 = arith.muli %mul3A_266, %add3A_140 : i32
          %dma_wait3A_268 = arith.constant 0 : i32
          %dma_wait3A_269 = arith.constant 0 : i32
          %dma_wait3A_270 = tpu.memref_slice %run_scoped3A_8[%rem3A_265, %dma_wait3A_268, %dma_wait3A_269] : memref<2x128x16xf32, #tpu.memory_space<vmem>> -> memref<1x128x16xf32, #tpu.memory_space<vmem>>
          %dma_wait3A_271 = tpu.memref_squeeze %dma_wait3A_270 : memref<1x128x16xf32, #tpu.memory_space<vmem>> -> memref<128x16xf32, #tpu.memory_space<vmem>>
          %dma_wait3A_272 = arith.constant 0 : i32
          %dma_wait3A_273 = tpu.memref_slice %arg4[%mul3A_267, %dma_wait3A_272] : memref<163840x16xf32, #tpu.memory_space<hbm>> -> memref<128x16xf32, #tpu.memory_space<hbm>>
          %dma_wait3A_274 = tpu.memref_slice %run_scoped3A_9[%rem3A_265] : memref<2x!tpu.dma_semaphore, #tpu.memory_space<semaphore_mem>> -> memref<1x!tpu.dma_semaphore, #tpu.memory_space<semaphore_mem>>
          %dma_wait3A_275 = tpu.memref_squeeze %dma_wait3A_274 : memref<1x!tpu.dma_semaphore, #tpu.memory_space<semaphore_mem>> -> memref<!tpu.dma_semaphore, #tpu.memory_space<semaphore_mem>>
          %dma_wait3A_276 = arith.constant 0 : i32
          %dma_wait3A_277 = tpu.memref_slice %arg4[%mul3A_267, %dma_wait3A_276] : memref<163840x16xf32, #tpu.memory_space<hbm>> -> memref<128x16xf32, #tpu.memory_space<hbm>>
          %dma_wait3A_278 = arith.constant 0 : i32
          %dma_wait3A_279 = arith.constant 0 : i32
          %dma_wait3A_280 = tpu.memref_slice %run_scoped3A_8[%rem3A_265, %dma_wait3A_278, %dma_wait3A_279] : memref<2x128x16xf32, #tpu.memory_space<vmem>> -> memref<1x128x16xf32, #tpu.memory_space<vmem>>
          %dma_wait3A_281 = tpu.memref_squeeze %dma_wait3A_280 : memref<1x128x16xf32, #tpu.memory_space<vmem>> -> memref<128x16xf32, #tpu.memory_space<vmem>>
          tpu.wait_dma2 semaphore(%dma_wait3A_275 : memref<!tpu.dma_semaphore, #tpu.memory_space<semaphore_mem>>) src(%dma_wait3A_281 : memref<128x16xf32, #tpu.memory_space<vmem>>) dst(%dma_wait3A_277 : memref<128x16xf32, #tpu.memory_space<hbm>>)
          "tpu.trace_stop"() : () -> ()
        } else {
        }
        %and3A_244 = arith.constant true
        %and3A_245 = arith.andi %and3A_240, %and3A_244 : i1
        %add3A_246 = arith.constant 1 : i32
        %add3A_247 = arith.addi %scan3A_125, %add3A_246 : i32
        %select_n3A_248 = arith.select %and3A_245, %add3A_247, %scan3A_125 : i32
        %ne3A_249 = arith.cmpi ne, %add3A_131, %add3A_149 : i32
        %or3A_250 = arith.constant false
        %or3A_251 = arith.ori %or3A_250, %ne3A_249 : i1
        %or3A_252 = arith.ori %or3A_251, %eq3A_130 : i1
        %add3A_253 = arith.constant 1 : i32
        %add3A_254 = arith.addi %scan3A_123, %add3A_253 : i32
        %select_n3A_255 = arith.select %or3A_252, %add3A_254, %scan3A_123 : i32
        %add3A_256 = arith.constant 1 : i32
        %add3A_257 = arith.addi %scan3A_126, %add3A_256 : i32
        %select_n3A_258 = arith.constant true
        %select_n3A_259 = arith.select %select_n3A_258, %add3A_257, %scan3A_126 : i32
        %eq3A_260 = arith.constant 40 : i32
        %eq3A_261 = arith.cmpi eq, %select_n3A_259, %eq3A_260 : i32
        %select_n3A_262 = arith.constant 0 : i32
        %select_n3A_263 = arith.select %eq3A_261, %select_n3A_262, %select_n3A_259 : i32
        scf.yield %select_n3A_167, %select_n3A_255, %select_n3A_221, %select_n3A_248, %select_n3A_263 : i32, i32, i32, i32, i32
      }
      %scan3A_68 = arith.constant 40 : i32
      %sub3A = arith.constant 1 : i32
      %sub3A_69 = arith.subi %scan3A_67#4, %sub3A : i32
      %select_n3A_70 = arith.constant true
      %select_n3A_71 = arith.select %select_n3A_70, %sub3A_69, %scan3A_67#4 : i32
      %eq3A_72 = arith.constant -1 : i32
      %eq3A_73 = arith.cmpi eq, %select_n3A_71, %eq3A_72 : i32
      %select_n3A_74 = arith.constant 39 : i32
      %select_n3A_75 = arith.select %eq3A_73, %select_n3A_74, %select_n3A_71 : i32
      %add3A_76 = arith.addi %select_n3A_75, %mul3A_6 : i32
      %sub3A_77 = arith.constant 1 : i32
      %sub3A_78 = arith.subi %select_n3A_75, %sub3A_77 : i32
      %select_n3A_79 = arith.constant true
      %select_n3A_80 = arith.select %select_n3A_79, %sub3A_78, %select_n3A_75 : i32
      %eq3A_81 = arith.constant -1 : i32
      %eq3A_82 = arith.cmpi eq, %select_n3A_80, %eq3A_81 : i32
      %select_n3A_83 = arith.constant 39 : i32
      %select_n3A_84 = arith.select %eq3A_82, %select_n3A_83, %select_n3A_80 : i32
      %add3A_85 = arith.addi %select_n3A_84, %mul3A_6 : i32
      %add3A_86 = arith.constant 1 : i32
      %add3A_87 = arith.addi %select_n3A_75, %add3A_86 : i32
      %select_n3A_88 = arith.constant true
      %select_n3A_89 = arith.select %select_n3A_88, %add3A_87, %select_n3A_75 : i32
      %eq3A_90 = arith.constant 40 : i32
      %eq3A_91 = arith.cmpi eq, %select_n3A_89, %eq3A_90 : i32
      %select_n3A_92 = arith.constant 0 : i32
      %select_n3A_93 = arith.select %eq3A_91, %select_n3A_92, %select_n3A_89 : i32
      %add3A_94 = arith.addi %select_n3A_93, %mul3A_6 : i32
      %add3A_95 = arith.constant 1 : i32
      %add3A_96 = arith.addi %select_n3A_93, %add3A_95 : i32
      %select_n3A_97 = arith.constant true
      %select_n3A_98 = arith.select %select_n3A_97, %add3A_96, %select_n3A_93 : i32
      %eq3A_99 = arith.constant 40 : i32
      %eq3A_100 = arith.cmpi eq, %select_n3A_98, %eq3A_99 : i32
      %select_n3A_101 = arith.constant 0 : i32
      %select_n3A_102 = arith.select %eq3A_100, %select_n3A_101, %select_n3A_98 : i32
      %add3A_103 = arith.addi %select_n3A_102, %mul3A_6 : i32
      "tpu.trace_start"() <{level = 10 : i32, message = "ep_finalize"}> : () -> ()
      %rem3A_104 = arith.constant 2 : i32
      %rem3A_105 = arith.remui %scan3A_67#3, %rem3A_104 : i32
      %mul3A_106 = arith.constant 128 : i32
      %mul3A_107 = arith.muli %mul3A_106, %add3A_76 : i32
      %dma_wait3A = arith.constant 0 : i32
      %dma_wait3A_108 = arith.constant 0 : i32
      %dma_wait3A_109 = tpu.memref_slice %run_scoped3A_8[%rem3A_105, %dma_wait3A, %dma_wait3A_108] : memref<2x128x16xf32, #tpu.memory_space<vmem>> -> memref<1x128x16xf32, #tpu.memory_space<vmem>>
      %dma_wait3A_110 = tpu.memref_squeeze %dma_wait3A_109 : memref<1x128x16xf32, #tpu.memory_space<vmem>> -> memref<128x16xf32, #tpu.memory_space<vmem>>
      %dma_wait3A_111 = arith.constant 0 : i32
      %dma_wait3A_112 = tpu.memref_slice %arg4[%mul3A_107, %dma_wait3A_111] : memref<163840x16xf32, #tpu.memory_space<hbm>> -> memref<128x16xf32, #tpu.memory_space<hbm>>
      %dma_wait3A_113 = tpu.memref_slice %run_scoped3A_9[%rem3A_105] : memref<2x!tpu.dma_semaphore, #tpu.memory_space<semaphore_mem>> -> memref<1x!tpu.dma_semaphore, #tpu.memory_space<semaphore_mem>>
      %dma_wait3A_114 = tpu.memref_squeeze %dma_wait3A_113 : memref<1x!tpu.dma_semaphore, #tpu.memory_space<semaphore_mem>> -> memref<!tpu.dma_semaphore, #tpu.memory_space<semaphore_mem>>
      %dma_wait3A_115 = arith.constant 0 : i32
      %dma_wait3A_116 = tpu.memref_slice %arg4[%mul3A_107, %dma_wait3A_115] : memref<163840x16xf32, #tpu.memory_space<hbm>> -> memref<128x16xf32, #tpu.memory_space<hbm>>
      %dma_wait3A_117 = arith.constant 0 : i32
      %dma_wait3A_118 = arith.constant 0 : i32
      %dma_wait3A_119 = tpu.memref_slice %run_scoped3A_8[%rem3A_105, %dma_wait3A_117, %dma_wait3A_118] : memref<2x128x16xf32, #tpu.memory_space<vmem>> -> memref<1x128x16xf32, #tpu.memory_space<vmem>>
      %dma_wait3A_120 = tpu.memref_squeeze %dma_wait3A_119 : memref<1x128x16xf32, #tpu.memory_space<vmem>> -> memref<128x16xf32, #tpu.memory_space<vmem>>
      tpu.wait_dma2 semaphore(%dma_wait3A_114 : memref<!tpu.dma_semaphore, #tpu.memory_space<semaphore_mem>>) src(%dma_wait3A_120 : memref<128x16xf32, #tpu.memory_space<vmem>>) dst(%dma_wait3A_116 : memref<128x16xf32, #tpu.memory_space<hbm>>)
      "tpu.trace_stop"() : () -> ()
      tpu.yield
    }) : () -> ()
    return
  }
}

#map = affine_map<(d0, d1) -> (0, 0)>
module attributes {stable_mosaic.version = 14 : i64} {
  func.func @kern(%arg0: i32, %arg1: i32, %arg2: memref<2048x16xf32, #tpu.memory_space<hbm>>, %arg3: memref<1x163840xi32, #tpu.memory_space<hbm>>, %arg4: memref<163840x16xf32, #tpu.memory_space<hbm>>) attributes {dimension_semantics = [#tpu.dimension_semantics<core_parallel>, #tpu.dimension_semantics<subcore_parallel>], iteration_bounds = array<i64: 2, 16>, scalar_prefetch = 0 : i64, scratch_operands = 0 : i64, tpu.core_type = #tpu.core_type<sc_vector_subcore>, window_params = [{transform_indices = #map}, {transform_indices = #map}, {transform_indices = #map}]} {
    %mul3A = arith.constant 1 : i32
    %mul3A_0 = arith.muli %arg1, %mul3A : i32
    %add3A = arith.constant 0 : i32
    %add3A_1 = arith.addi %add3A, %mul3A_0 : i32
    %mul3A_2 = arith.constant 16 : i32
    %mul3A_3 = arith.muli %arg0, %mul3A_2 : i32
    %add3A_4 = arith.addi %add3A_1, %mul3A_3 : i32
    %mul3A_5 = arith.constant 40 : i32
    %mul3A_6 = arith.muli %add3A_4, %mul3A_5 : i32
    "tpu.region"() ({
      %run_scoped3A = memref.alloca() : memref<2x1x128xi32, #tpu.memory_space<vmem>>
      %run_scoped3A_7 = tpu.sem_alloc : memref<2x!tpu.dma_semaphore, #tpu.memory_space<semaphore_mem>>
      %run_scoped3A_8 = memref.alloca() : memref<2x128x16xf32, #tpu.memory_space<vmem>>
      %run_scoped3A_9 = tpu.sem_alloc : memref<2x!tpu.dma_semaphore, #tpu.memory_space<semaphore_mem>>
      %add3A_10 = arith.constant 0 : i32
      %add3A_11 = arith.addi %add3A_10, %mul3A_6 : i32
      %select_n3A = arith.constant true
      %select_n3A_12 = arith.constant 0 : i32
      %select_n3A_13 = arith.constant -1 : i32
      %select_n3A_14 = arith.select %select_n3A, %select_n3A_13, %select_n3A_12 : i32
      %eq3A = arith.constant -1 : i32
      %eq3A_15 = arith.cmpi eq, %select_n3A_14, %eq3A : i32
      %select_n3A_16 = arith.constant 39 : i32
      %select_n3A_17 = arith.select %eq3A_15, %select_n3A_16, %select_n3A_14 : i32
      %add3A_18 = arith.addi %select_n3A_17, %mul3A_6 : i32
      %select_n3A_19 = arith.constant true
      %select_n3A_20 = arith.constant 0 : i32
      %select_n3A_21 = arith.constant 1 : i32
      %select_n3A_22 = arith.select %select_n3A_19, %select_n3A_21, %select_n3A_20 : i32
      %eq3A_23 = arith.constant 40 : i32
      %eq3A_24 = arith.cmpi eq, %select_n3A_22, %eq3A_23 : i32
      %select_n3A_25 = arith.constant 0 : i32
      %select_n3A_26 = arith.select %eq3A_24, %select_n3A_25, %select_n3A_22 : i32
      %add3A_27 = arith.addi %select_n3A_26, %mul3A_6 : i32
      %add3A_28 = arith.constant 1 : i32
      %add3A_29 = arith.addi %select_n3A_26, %add3A_28 : i32
      %select_n3A_30 = arith.constant true
      %select_n3A_31 = arith.select %select_n3A_30, %add3A_29, %select_n3A_26 : i32
      %eq3A_32 = arith.constant 40 : i32
      %eq3A_33 = arith.cmpi eq, %select_n3A_31, %eq3A_32 : i32
      %select_n3A_34 = arith.constant 0 : i32
      %select_n3A_35 = arith.select %eq3A_33, %select_n3A_34, %select_n3A_31 : i32
      %add3A_36 = arith.addi %select_n3A_35, %mul3A_6 : i32
      "tpu.trace_start"() <{level = 10 : i32, message = "ep_initialize_0"}> : () -> ()
      %rem3A = arith.constant 0 : i32
      %rem3A_37 = arith.constant 2 : i32
      %rem3A_38 = arith.remui %rem3A, %rem3A_37 : i32
      %mul3A_39 = arith.constant 128 : i32
      %mul3A_40 = arith.muli %mul3A_39, %add3A_11 : i32
      %dma_start3A = arith.constant 0 : i32
      %dma_start3A_41 = arith.constant 0 : i32
      %dma_start3A_42 = tpu.memref_slice %run_scoped3A[%rem3A_38, %dma_start3A, %dma_start3A_41] : memref<2x1x128xi32, #tpu.memory_space<vmem>> -> memref<1x1x128xi32, #tpu.memory_space<vmem>>
      %dma_start3A_43 = tpu.memref_squeeze %dma_start3A_42 : memref<1x1x128xi32, #tpu.memory_space<vmem>> -> memref<1x128xi32, #tpu.memory_space<vmem>>
      %dma_start3A_44 = arith.constant 0 : i32
      %dma_start3A_45 = tpu.memref_slice %arg3[%dma_start3A_44, %mul3A_40] : memref<1x163840xi32, #tpu.memory_space<hbm>> -> memref<1x128xi32, #tpu.memory_space<hbm>>
      %dma_start3A_46 = tpu.memref_slice %run_scoped3A_7[%rem3A_38] : memref<2x!tpu.dma_semaphore, #tpu.memory_space<semaphore_mem>> -> memref<1x!tpu.dma_semaphore, #tpu.memory_space<semaphore_mem>>
      %dma_start3A_47 = tpu.memref_squeeze %dma_start3A_46 : memref<1x!tpu.dma_semaphore, #tpu.memory_space<semaphore_mem>> -> memref<!tpu.dma_semaphore, #tpu.memory_space<semaphore_mem>>
      %dma_start3A_48 = arith.constant 0 : i32
      %dma_start3A_49 = arith.constant 0 : i32
      %dma_start3A_50 = tpu.memref_slice %run_scoped3A[%rem3A_38, %dma_start3A_48, %dma_start3A_49] : memref<2x1x128xi32, #tpu.memory_space<vmem>> -> memref<1x1x128xi32, #tpu.memory_space<vmem>>
      %dma_start3A_51 = tpu.memref_squeeze %dma_start3A_50 : memref<1x1x128xi32, #tpu.memory_space<vmem>> -> memref<1x128xi32, #tpu.memory_space<vmem>>
      %dma_start3A_52 = arith.constant 0 : i32
      %dma_start3A_53 = tpu.memref_slice %arg3[%dma_start3A_52, %mul3A_40] : memref<1x163840xi32, #tpu.memory_space<hbm>> -> memref<1x128xi32, #tpu.memory_space<hbm>>
      tpu.enqueue_dma source(%dma_start3A_53 : memref<1x128xi32, #tpu.memory_space<hbm>>) target(%dma_start3A_51 : memref<1x128xi32, #tpu.memory_space<vmem>>) target_semaphore(%dma_start3A_47 : memref<!tpu.dma_semaphore, #tpu.memory_space<semaphore_mem>>)
      %add3A_54 = arith.constant 0 : i32
      %add3A_55 = arith.constant 1 : i32
      %add3A_56 = arith.addi %add3A_54, %add3A_55 : i32
      %select_n3A_57 = arith.constant true
      %select_n3A_58 = arith.constant 0 : i32
      %select_n3A_59 = arith.select %select_n3A_57, %add3A_56, %select_n3A_58 : i32
      "tpu.trace_stop"() : () -> ()
      %scan3A = arith.constant 0 : i32
      %scan3A_60 = arith.constant 0 : i32
      %scan3A_61 = arith.constant 0 : i32
      %scan3A_62 = arith.constant 0 : i32
      %scan3A_63 = arith.constant 0 : i32
      %scan3A_64 = arith.constant 40 : i32
      %scan3A_65 = arith.addi %scan3A_63, %scan3A_64 : i32
      %scan3A_66 = arith.constant 1 : i32
      %scan3A_67:5 = scf.for %scan3A_121 = %scan3A_63 to %scan3A_65 step %scan3A_66 iter_args(%scan3A_122 = %select_n3A_59, %scan3A_123 = %scan3A, %scan3A_124 = %scan3A_60, %scan3A_125 = %scan3A_61, %scan3A_126 = %scan3A_62) -> (i32, i32, i32, i32, i32)  : i32 {
        %eq3A_127 = arith.constant 0 : i32
        %eq3A_128 = arith.cmpi eq, %scan3A_121, %eq3A_127 : i32
        %eq3A_129 = arith.constant 39 : i32
        %eq3A_130 = arith.cmpi eq, %scan3A_121, %eq3A_129 : i32
        %add3A_131 = arith.addi %scan3A_126, %mul3A_6 : i32
        %sub3A_132 = arith.constant 1 : i32
        %sub3A_133 = arith.subi %scan3A_126, %sub3A_132 : i32
        %select_n3A_134 = arith.constant true
        %select_n3A_135 = arith.select %select_n3A_134, %sub3A_133, %scan3A_126 : i32
        %eq3A_136 = arith.constant -1 : i32
        %eq3A_137 = arith.cmpi eq, %select_n3A_135, %eq3A_136 : i32
        %select_n3A_138 = arith.constant 39 : i32
        %select_n3A_139 = arith.select %eq3A_137, %select_n3A_138, %select_n3A_135 : i32
        %add3A_140 = arith.addi %select_n3A_139, %mul3A_6 : i32
        %add3A_141 = arith.constant 1 : i32
        %add3A_142 = arith.addi %scan3A_126, %add3A_141 : i32
        %select_n3A_143 = arith.constant true
        %select_n3A_144 = arith.select %select_n3A_143, %add3A_142, %scan3A_126 : i32
        %eq3A_145 = arith.constant 40 : i32
        %eq3A_146 = arith.cmpi eq, %select_n3A_144, %eq3A_145 : i32
        %select_n3A_147 = arith.constant 0 : i32
        %select_n3A_148 = arith.select %eq3A_146, %select_n3A_147, %select_n3A_144 : i32
        %add3A_149 = arith.addi %select_n3A_148, %mul3A_6 : i32
        %add3A_150 = arith.constant 1 : i32
        %add3A_151 = arith.addi %select_n3A_148, %add3A_150 : i32
        %select_n3A_152 = arith.constant true
        %select_n3A_153 = arith.select %select_n3A_152, %add3A_151, %select_n3A_148 : i32
        %eq3A_154 = arith.constant 40 : i32
        %eq3A_155 = arith.cmpi eq, %select_n3A_153, %eq3A_154 : i32
        %select_n3A_156 = arith.constant 0 : i32
        %select_n3A_157 = arith.select %eq3A_155, %select_n3A_156, %select_n3A_153 : i32
        %add3A_158 = arith.addi %select_n3A_157, %mul3A_6 : i32
        %ne3A = arith.cmpi ne, %add3A_131, %add3A_149 : i32
        %or3A = arith.constant false
        %or3A_159 = arith.ori %or3A, %ne3A : i1
        %ge3A = arith.constant 39 : i32
        %ge3A_160 = arith.cmpi sge, %scan3A_121, %ge3A : i32
        %not3A = arith.constant true
        %not3A_161 = arith.xori %ge3A_160, %not3A : i1
        %and3A = arith.andi %or3A_159, %not3A_161 : i1
        %convert_element_type3A = arith.extui %and3A : i1 to i32
        %cond3A = arith.constant 0 : i32
        %cond3A_162 = arith.cmpi ne, %convert_element_type3A, %cond3A : i32
        scf.if %cond3A_162 {
          "tpu.trace_start"() <{level = 10 : i32, message = "ep_copy_in"}> : () -> ()
          %rem3A_264 = arith.constant 2 : i32
          %rem3A_265 = arith.remui %scan3A_122, %rem3A_264 : i32
          %mul3A_266 = arith.constant 128 : i32
          %mul3A_267 = arith.muli %mul3A_266, %add3A_149 : i32
          %dma_start3A_268 = arith.constant 0 : i32
          %dma_start3A_269 = arith.constant 0 : i32
          %dma_start3A_270 = tpu.memref_slice %run_scoped3A[%rem3A_265, %dma_start3A_268, %dma_start3A_269] : memref<2x1x128xi32, #tpu.memory_space<vmem>> -> memref<1x1x128xi32, #tpu.memory_space<vmem>>
          %dma_start3A_271 = tpu.memref_squeeze %dma_start3A_270 : memref<1x1x128xi32, #tpu.memory_space<vmem>> -> memref<1x128xi32, #tpu.memory_space<vmem>>
          %dma_start3A_272 = arith.constant 0 : i32
          %dma_start3A_273 = tpu.memref_slice %arg3[%dma_start3A_272, %mul3A_267] : memref<1x163840xi32, #tpu.memory_space<hbm>> -> memref<1x128xi32, #tpu.memory_space<hbm>>
          %dma_start3A_274 = tpu.memref_slice %run_scoped3A_7[%rem3A_265] : memref<2x!tpu.dma_semaphore, #tpu.memory_space<semaphore_mem>> -> memref<1x!tpu.dma_semaphore, #tpu.memory_space<semaphore_mem>>
          %dma_start3A_275 = tpu.memref_squeeze %dma_start3A_274 : memref<1x!tpu.dma_semaphore, #tpu.memory_space<semaphore_mem>> -> memref<!tpu.dma_semaphore, #tpu.memory_space<semaphore_mem>>
          %dma_start3A_276 = arith.constant 0 : i32
          %dma_start3A_277 = arith.constant 0 : i32
          %dma_start3A_278 = tpu.memref_slice %run_scoped3A[%rem3A_265, %dma_start3A_276, %dma_start3A_277] : memref<2x1x128xi32, #tpu.memory_space<vmem>> -> memref<1x1x128xi32, #tpu.memory_space<vmem>>
          %dma_start3A_279 = tpu.memref_squeeze %dma_start3A_278 : memref<1x1x128xi32, #tpu.memory_space<vmem>> -> memref<1x128xi32, #tpu.memory_space<vmem>>
          %dma_start3A_280 = arith.constant 0 : i32
          %dma_start3A_281 = tpu.memref_slice %arg3[%dma_start3A_280, %mul3A_267] : memref<1x163840xi32, #tpu.memory_space<hbm>> -> memref<1x128xi32, #tpu.memory_space<hbm>>
          tpu.enqueue_dma source(%dma_start3A_281 : memref<1x128xi32, #tpu.memory_space<hbm>>) target(%dma_start3A_279 : memref<1x128xi32, #tpu.memory_space<vmem>>) target_semaphore(%dma_start3A_275 : memref<!tpu.dma_semaphore, #tpu.memory_space<semaphore_mem>>)
          "tpu.trace_stop"() : () -> ()
        } else {
        }
        %and3A_163 = arith.constant true
        %and3A_164 = arith.andi %and3A, %and3A_163 : i1
        %add3A_165 = arith.constant 1 : i32
        %add3A_166 = arith.addi %scan3A_122, %add3A_165 : i32
        %select_n3A_167 = arith.select %and3A_164, %add3A_166, %scan3A_122 : i32
        %ne3A_168 = arith.cmpi ne, %add3A_131, %add3A_149 : i32
        %or3A_169 = arith.constant false
        %or3A_170 = arith.ori %or3A_169, %ne3A_168 : i1
        %or3A_171 = arith.constant false
        %or3A_172 = arith.ori %or3A_170, %or3A_171 : i1
        %ge3A_173 = arith.constant 39 : i32
        %ge3A_174 = arith.cmpi sge, %scan3A_121, %ge3A_173 : i32
        %not3A_175 = arith.constant true
        %not3A_176 = arith.xori %ge3A_174, %not3A_175 : i1
        %and3A_177 = arith.andi %or3A_172, %not3A_176 : i1
        %ne3A_178 = arith.cmpi ne, %add3A_131, %add3A_140 : i32
        %or3A_179 = arith.constant false
        %or3A_180 = arith.ori %or3A_179, %ne3A_178 : i1
        %or3A_181 = arith.ori %or3A_180, %eq3A_128 : i1
        %convert_element_type3A_182 = arith.extui %or3A_181 : i1 to i32
        %cond3A_183 = arith.constant 0 : i32
        %cond3A_184 = arith.cmpi ne, %convert_element_type3A_182, %cond3A_183 : i32
        scf.if %cond3A_184 {
          "tpu.trace_start"() <{level = 10 : i32, message = "ep_wait_in"}> : () -> ()
          %mul3A_264 = arith.constant 128 : i32
          %mul3A_265 = arith.muli %mul3A_264, %add3A_131 : i32
          %rem3A_266 = arith.constant 2 : i32
          %rem3A_267 = arith.remui %scan3A_123, %rem3A_266 : i32
          %dma_wait3A_268 = arith.constant 0 : i32
          %dma_wait3A_269 = arith.constant 0 : i32
          %dma_wait3A_270 = tpu.memref_slice %run_scoped3A[%rem3A_267, %dma_wait3A_268, %dma_wait3A_269] : memref<2x1x128xi32, #tpu.memory_space<vmem>> -> memref<1x1x128xi32, #tpu.memory_space<vmem>>
          %dma_wait3A_271 = tpu.memref_squeeze %dma_wait3A_270 : memref<1x1x128xi32, #tpu.memory_space<vmem>> -> memref<1x128xi32, #tpu.memory_space<vmem>>
          %dma_wait3A_272 = arith.constant 0 : i32
          %dma_wait3A_273 = tpu.memref_slice %arg3[%dma_wait3A_272, %mul3A_265] : memref<1x163840xi32, #tpu.memory_space<hbm>> -> memref<1x128xi32, #tpu.memory_space<hbm>>
          %dma_wait3A_274 = tpu.memref_slice %run_scoped3A_7[%rem3A_267] : memref<2x!tpu.dma_semaphore, #tpu.memory_space<semaphore_mem>> -> memref<1x!tpu.dma_semaphore, #tpu.memory_space<semaphore_mem>>
          %dma_wait3A_275 = tpu.memref_squeeze %dma_wait3A_274 : memref<1x!tpu.dma_semaphore, #tpu.memory_space<semaphore_mem>> -> memref<!tpu.dma_semaphore, #tpu.memory_space<semaphore_mem>>
          %dma_wait3A_276 = arith.constant 0 : i32
          %dma_wait3A_277 = arith.constant 0 : i32
          %dma_wait3A_278 = tpu.memref_slice %run_scoped3A[%rem3A_267, %dma_wait3A_276, %dma_wait3A_277] : memref<2x1x128xi32, #tpu.memory_space<vmem>> -> memref<1x1x128xi32, #tpu.memory_space<vmem>>
          %dma_wait3A_279 = tpu.memref_squeeze %dma_wait3A_278 : memref<1x1x128xi32, #tpu.memory_space<vmem>> -> memref<1x128xi32, #tpu.memory_space<vmem>>
          %dma_wait3A_280 = arith.constant 0 : i32
          %dma_wait3A_281 = tpu.memref_slice %arg3[%dma_wait3A_280, %mul3A_265] : memref<1x163840xi32, #tpu.memory_space<hbm>> -> memref<1x128xi32, #tpu.memory_space<hbm>>
          tpu.wait_dma2 semaphore(%dma_wait3A_275 : memref<!tpu.dma_semaphore, #tpu.memory_space<semaphore_mem>>) src(%dma_wait3A_281 : memref<1x128xi32, #tpu.memory_space<hbm>>) dst(%dma_wait3A_279 : memref<1x128xi32, #tpu.memory_space<vmem>>)
          "tpu.trace_stop"() : () -> ()
        } else {
        }
        %ne3A_185 = arith.cmpi ne, %add3A_131, %add3A_140 : i32
        %or3A_186 = arith.constant false
        %or3A_187 = arith.ori %or3A_186, %ne3A_185 : i1
        %or3A_188 = arith.constant false
        %or3A_189 = arith.ori %or3A_187, %or3A_188 : i1
        %or3A_190 = arith.ori %or3A_189, %eq3A_128 : i1
        %convert_element_type3A_191 = arith.extui %or3A_190 : i1 to i32
        %cond3A_192 = arith.constant 0 : i32
        %cond3A_193 = arith.cmpi ne, %convert_element_type3A_191, %cond3A_192 : i32
        scf.if %cond3A_193 {
        } else {
        }
        %rem3A_194 = arith.constant 2 : i32
        %rem3A_195 = arith.remui %scan3A_123, %rem3A_194 : i32
        %rem3A_196 = arith.constant 2 : i32
        %rem3A_197 = arith.remui %scan3A_124, %rem3A_196 : i32
        %run_scoped3A_198 = arith.constant 0 : i32
        "tpu.trace_start"() <{level = 10 : i32, message = "ep_run_kernel"}> : () -> ()
        "tpu.region"() ({
          %run_scoped3A_264 = tpu.sem_alloc : memref<!tpu.dma_semaphore, #tpu.memory_space<semaphore_mem>>
          %dma_start3A_265 = arith.constant 0 : i32
          %dma_start3A_266 = arith.constant 0 : i32
          %dma_start3A_267 = tpu.memref_slice %run_scoped3A_8[%rem3A_197, %dma_start3A_265, %dma_start3A_266] : memref<2x128x16xf32, #tpu.memory_space<vmem>> -> memref<1x128x16xf32, #tpu.memory_space<vmem>>
          %dma_start3A_268 = tpu.memref_squeeze %dma_start3A_267 : memref<1x128x16xf32, #tpu.memory_space<vmem>> -> memref<128x16xf32, #tpu.memory_space<vmem>>
          %dma_start3A_269 = arith.constant 0 : i32
          %dma_start3A_270 = arith.constant 0 : i32
          %dma_start3A_271 = tpu.memref_slice %run_scoped3A[%rem3A_195, %dma_start3A_269, %dma_start3A_270] : memref<2x1x128xi32, #tpu.memory_space<vmem>> -> memref<1x1x128xi32, #tpu.memory_space<vmem>>
          %dma_start3A_272 = tpu.memref_squeeze %dma_start3A_271 : memref<1x1x128xi32, #tpu.memory_space<vmem>> -> memref<1x128xi32, #tpu.memory_space<vmem>>
          %dma_start3A_273 = arith.constant 0 : i32
          %dma_start3A_274 = tpu.memref_slice %dma_start3A_272[%run_scoped3A_198, %dma_start3A_273] : memref<1x128xi32, #tpu.memory_space<vmem>> -> memref<1x128xi32, #tpu.memory_space<vmem>>
          %dma_start3A_275 = tpu.memref_squeeze %dma_start3A_274 : memref<1x128xi32, #tpu.memory_space<vmem>> -> memref<128xi32, #tpu.memory_space<vmem>>
          %dma_start3A_276 = arith.constant 0 : i32
          %dma_start3A_277 = arith.constant 0 : i32
          %dma_start3A_278 = tpu.memref_slice %arg2[%dma_start3A_276, %dma_start3A_277] : memref<2048x16xf32, #tpu.memory_space<hbm>> -> memref<2048x16xf32, #tpu.memory_space<hbm>>
          tpu.enqueue_indirect_dma source(%dma_start3A_278 : memref<2048x16xf32, #tpu.memory_space<hbm>>) target(%dma_start3A_268 : memref<128x16xf32, #tpu.memory_space<vmem>>) offsets(%dma_start3A_275 : memref<128xi32, #tpu.memory_space<vmem>>) semaphore(%run_scoped3A_264 : memref<!tpu.dma_semaphore, #tpu.memory_space<semaphore_mem>>)
          %dma_wait3A_279 = arith.constant 0 : i32
          %dma_wait3A_280 = arith.constant 0 : i32
          %dma_wait3A_281 = tpu.memref_slice %run_scoped3A_8[%rem3A_197, %dma_wait3A_279, %dma_wait3A_280] : memref<2x128x16xf32, #tpu.memory_space<vmem>> -> memref<1x128x16xf32, #tpu.memory_space<vmem>>
          %dma_wait3A_282 = tpu.memref_squeeze %dma_wait3A_281 : memref<1x128x16xf32, #tpu.memory_space<vmem>> -> memref<128x16xf32, #tpu.memory_space<vmem>>
          %dma_wait3A_283 = arith.constant 0 : i32
          %dma_wait3A_284 = arith.constant 0 : i32
          %dma_wait3A_285 = tpu.memref_slice %run_scoped3A[%rem3A_195, %dma_wait3A_283, %dma_wait3A_284] : memref<2x1x128xi32, #tpu.memory_space<vmem>> -> memref<1x1x128xi32, #tpu.memory_space<vmem>>
          %dma_wait3A_286 = tpu.memref_squeeze %dma_wait3A_285 : memref<1x1x128xi32, #tpu.memory_space<vmem>> -> memref<1x128xi32, #tpu.memory_space<vmem>>
          %dma_wait3A_287 = arith.constant 0 : i32
          %dma_wait3A_288 = tpu.memref_slice %dma_wait3A_286[%run_scoped3A_198, %dma_wait3A_287] : memref<1x128xi32, #tpu.memory_space<vmem>> -> memref<1x128xi32, #tpu.memory_space<vmem>>
          %dma_wait3A_289 = tpu.memref_squeeze %dma_wait3A_288 : memref<1x128xi32, #tpu.memory_space<vmem>> -> memref<128xi32, #tpu.memory_space<vmem>>
          %dma_wait3A_290 = arith.constant 0 : i32
          %dma_wait3A_291 = arith.constant 0 : i32
          %dma_wait3A_292 = tpu.memref_slice %arg2[%dma_wait3A_290, %dma_wait3A_291] : memref<2048x16xf32, #tpu.memory_space<hbm>> -> memref<2048x16xf32, #tpu.memory_space<hbm>>
          tpu.wait_indirect_dma semaphore(%run_scoped3A_264 : memref<!tpu.dma_semaphore, #tpu.memory_space<semaphore_mem>>) src(%dma_wait3A_292 : memref<2048x16xf32, #tpu.memory_space<hbm>>) dst(%dma_wait3A_282 : memref<128x16xf32, #tpu.memory_space<vmem>>)
          tpu.yield
        }) : () -> ()
        "tpu.trace_stop"() : () -> ()
        %ne3A_199 = arith.cmpi ne, %add3A_131, %add3A_149 : i32
        %or3A_200 = arith.constant false
        %or3A_201 = arith.ori %or3A_200, %ne3A_199 : i1
        %or3A_202 = arith.ori %or3A_201, %eq3A_130 : i1
        %convert_element_type3A_203 = arith.extui %or3A_202 : i1 to i32
        %cond3A_204 = arith.constant 0 : i32
        %cond3A_205 = arith.cmpi ne, %convert_element_type3A_203, %cond3A_204 : i32
        scf.if %cond3A_205 {
        } else {
        }
        %and3A_206 = arith.constant false
        %and3A_207 = arith.andi %or3A_202, %and3A_206 : i1
        %ne3A_208 = arith.cmpi ne, %add3A_131, %add3A_149 : i32
        %or3A_209 = arith.constant false
        %or3A_210 = arith.ori %or3A_209, %ne3A_208 : i1
        %or3A_211 = arith.constant false
        %or3A_212 = arith.ori %or3A_210, %or3A_211 : i1
        %or3A_213 = arith.ori %or3A_212, %eq3A_130 : i1
        %convert_element_type3A_214 = arith.extui %or3A_213 : i1 to i32
        %cond3A_215 = arith.constant 0 : i32
        %cond3A_216 = arith.cmpi ne, %convert_element_type3A_214, %cond3A_215 : i32
        scf.if %cond3A_216 {
          "tpu.trace_start"() <{level = 10 : i32, message = "ep_copy_out"}> : () -> ()
          %rem3A_264 = arith.constant 2 : i32
          %rem3A_265 = arith.remui %scan3A_124, %rem3A_264 : i32
          %mul3A_266 = arith.constant 128 : i32
          %mul3A_267 = arith.muli %mul3A_266, %add3A_131 : i32
          %dma_start3A_268 = arith.constant 0 : i32
          %dma_start3A_269 = arith.constant 0 : i32
          %dma_start3A_270 = tpu.memref_slice %run_scoped3A_8[%rem3A_265, %dma_start3A_268, %dma_start3A_269] : memref<2x128x16xf32, #tpu.memory_space<vmem>> -> memref<1x128x16xf32, #tpu.memory_space<vmem>>
          %dma_start3A_271 = tpu.memref_squeeze %dma_start3A_270 : memref<1x128x16xf32, #tpu.memory_space<vmem>> -> memref<128x16xf32, #tpu.memory_space<vmem>>
          %dma_start3A_272 = arith.constant 0 : i32
          %dma_start3A_273 = tpu.memref_slice %arg4[%mul3A_267, %dma_start3A_272] : memref<163840x16xf32, #tpu.memory_space<hbm>> -> memref<128x16xf32, #tpu.memory_space<hbm>>
          %dma_start3A_274 = tpu.memref_slice %run_scoped3A_9[%rem3A_265] : memref<2x!tpu.dma_semaphore, #tpu.memory_space<semaphore_mem>> -> memref<1x!tpu.dma_semaphore, #tpu.memory_space<semaphore_mem>>
          %dma_start3A_275 = tpu.memref_squeeze %dma_start3A_274 : memref<1x!tpu.dma_semaphore, #tpu.memory_space<semaphore_mem>> -> memref<!tpu.dma_semaphore, #tpu.memory_space<semaphore_mem>>
          %dma_start3A_276 = arith.constant 0 : i32
          %dma_start3A_277 = tpu.memref_slice %arg4[%mul3A_267, %dma_start3A_276] : memref<163840x16xf32, #tpu.memory_space<hbm>> -> memref<128x16xf32, #tpu.memory_space<hbm>>
          %dma_start3A_278 = arith.constant 0 : i32
          %dma_start3A_279 = arith.constant 0 : i32
          %dma_start3A_280 = tpu.memref_slice %run_scoped3A_8[%rem3A_265, %dma_start3A_278, %dma_start3A_279] : memref<2x128x16xf32, #tpu.memory_space<vmem>> -> memref<1x128x16xf32, #tpu.memory_space<vmem>>
          %dma_start3A_281 = tpu.memref_squeeze %dma_start3A_280 : memref<1x128x16xf32, #tpu.memory_space<vmem>> -> memref<128x16xf32, #tpu.memory_space<vmem>>
          tpu.enqueue_dma source(%dma_start3A_281 : memref<128x16xf32, #tpu.memory_space<vmem>>) target(%dma_start3A_277 : memref<128x16xf32, #tpu.memory_space<hbm>>) target_semaphore(%dma_start3A_275 : memref<!tpu.dma_semaphore, #tpu.memory_space<semaphore_mem>>)
          "tpu.trace_stop"() : () -> ()
        } else {
        }
        %and3A_217 = arith.constant true
        %and3A_218 = arith.andi %or3A_213, %and3A_217 : i1
        %add3A_219 = arith.constant 1 : i32
        %add3A_220 = arith.addi %scan3A_124, %add3A_219 : i32
        %select_n3A_221 = arith.select %and3A_218, %add3A_220, %scan3A_124 : i32
        %ne3A_222 = arith.cmpi ne, %add3A_131, %add3A_140 : i32
        %or3A_223 = arith.constant false
        %or3A_224 = arith.ori %or3A_223, %ne3A_222 : i1
        %not3A_225 = arith.constant true
        %not3A_226 = arith.xori %eq3A_128, %not3A_225 : i1
        %and3A_227 = arith.andi %or3A_224, %not3A_226 : i1
        %convert_element_type3A_228 = arith.extui %and3A_227 : i1 to i32
        %cond3A_229 = arith.constant 0 : i32
        %cond3A_230 = arith.cmpi ne, %convert_element_type3A_228, %cond3A_229 : i32
        scf.if %cond3A_230 {
        } else {
        }
        %and3A_231 = arith.constant false
        %and3A_232 = arith.andi %and3A_227, %and3A_231 : i1
        %ne3A_233 = arith.cmpi ne, %add3A_131, %add3A_140 : i32
        %or3A_234 = arith.constant false
        %or3A_235 = arith.ori %or3A_234, %ne3A_233 : i1
        %or3A_236 = arith.constant false
        %or3A_237 = arith.ori %or3A_235, %or3A_236 : i1
        %not3A_238 = arith.constant true
        %not3A_239 = arith.xori %eq3A_128, %not3A_238 : i1
        %and3A_240 = arith.andi %or3A_237, %not3A_239 : i1
        %convert_element_type3A_241 = arith.extui %and3A_240 : i1 to i32
        %cond3A_242 = arith.constant 0 : i32
        %cond3A_243 = arith.cmpi ne, %convert_element_type3A_241, %cond3A_242 : i32
        scf.if %cond3A_243 {
          "tpu.trace_start"() <{level = 10 : i32, message = "ep_wait_out"}> : () -> ()
          %rem3A_264 = arith.constant 2 : i32
          %rem3A_265 = arith.remui %scan3A_125, %rem3A_264 : i32
          %mul3A_266 = arith.constant 128 : i32
          %mul3A_267 = arith.muli %mul3A_266, %add3A_140 : i32
          %dma_wait3A_268 = arith.constant 0 : i32
          %dma_wait3A_269 = arith.constant 0 : i32
          %dma_wait3A_270 = tpu.memref_slice %run_scoped3A_8[%rem3A_265, %dma_wait3A_268, %dma_wait3A_269] : memref<2x128x16xf32, #tpu.memory_space<vmem>> -> memref<1x128x16xf32, #tpu.memory_space<vmem>>
          %dma_wait3A_271 = tpu.memref_squeeze %dma_wait3A_270 : memref<1x128x16xf32, #tpu.memory_space<vmem>> -> memref<128x16xf32, #tpu.memory_space<vmem>>
          %dma_wait3A_272 = arith.constant 0 : i32
          %dma_wait3A_273 = tpu.memref_slice %arg4[%mul3A_267, %dma_wait3A_272] : memref<163840x16xf32, #tpu.memory_space<hbm>> -> memref<128x16xf32, #tpu.memory_space<hbm>>
          %dma_wait3A_274 = tpu.memref_slice %run_scoped3A_9[%rem3A_265] : memref<2x!tpu.dma_semaphore, #tpu.memory_space<semaphore_mem>> -> memref<1x!tpu.dma_semaphore, #tpu.memory_space<semaphore_mem>>
          %dma_wait3A_275 = tpu.memref_squeeze %dma_wait3A_274 : memref<1x!tpu.dma_semaphore, #tpu.memory_space<semaphore_mem>> -> memref<!tpu.dma_semaphore, #tpu.memory_space<semaphore_mem>>
          %dma_wait3A_276 = arith.constant 0 : i32
          %dma_wait3A_277 = tpu.memref_slice %arg4[%mul3A_267, %dma_wait3A_276] : memref<163840x16xf32, #tpu.memory_space<hbm>> -> memref<128x16xf32, #tpu.memory_space<hbm>>
          %dma_wait3A_278 = arith.constant 0 : i32
          %dma_wait3A_279 = arith.constant 0 : i32
          %dma_wait3A_280 = tpu.memref_slice %run_scoped3A_8[%rem3A_265, %dma_wait3A_278, %dma_wait3A_279] : memref<2x128x16xf32, #tpu.memory_space<vmem>> -> memref<1x128x16xf32, #tpu.memory_space<vmem>>
          %dma_wait3A_281 = tpu.memref_squeeze %dma_wait3A_280 : memref<1x128x16xf32, #tpu.memory_space<vmem>> -> memref<128x16xf32, #tpu.memory_space<vmem>>
          tpu.wait_dma2 semaphore(%dma_wait3A_275 : memref<!tpu.dma_semaphore, #tpu.memory_space<semaphore_mem>>) src(%dma_wait3A_281 : memref<128x16xf32, #tpu.memory_space<vmem>>) dst(%dma_wait3A_277 : memref<128x16xf32, #tpu.memory_space<hbm>>)
          "tpu.trace_stop"() : () -> ()
        } else {
        }
        %and3A_244 = arith.constant true
        %and3A_245 = arith.andi %and3A_240, %and3A_244 : i1
        %add3A_246 = arith.constant 1 : i32
        %add3A_247 = arith.addi %scan3A_125, %add3A_246 : i32
        %select_n3A_248 = arith.select %and3A_245, %add3A_247, %scan3A_125 : i32
        %ne3A_249 = arith.cmpi ne, %add3A_131, %add3A_149 : i32
        %or3A_250 = arith.constant false
        %or3A_251 = arith.ori %or3A_250, %ne3A_249 : i1
        %or3A_252 = arith.ori %or3A_251, %eq3A_130 : i1
        %add3A_253 = arith.constant 1 : i32
        %add3A_254 = arith.addi %scan3A_123, %add3A_253 : i32
        %select_n3A_255 = arith.select %or3A_252, %add3A_254, %scan3A_123 : i32
        %add3A_256 = arith.constant 1 : i32
        %add3A_257 = arith.addi %scan3A_126, %add3A_256 : i32
        %select_n3A_258 = arith.constant true
        %select_n3A_259 = arith.select %select_n3A_258, %add3A_257, %scan3A_126 : i32
        %eq3A_260 = arith.constant 40 : i32
        %eq3A_261 = arith.cmpi eq, %select_n3A_259, %eq3A_260 : i32
        %select_n3A_262 = arith.constant 0 : i32
        %select_n3A_263 = arith.select %eq3A_261, %select_n3A_262, %select_n3A_259 : i32
        scf.yield %select_n3A_167, %select_n3A_255, %select_n3A_221, %select_n3A_248, %select_n3A_263 : i32, i32, i32, i32, i32
      }
      %scan3A_68 = arith.constant 40 : i32
      %sub3A = arith.constant 1 : i32
      %sub3A_69 = arith.subi %scan3A_67#4, %sub3A : i32
      %select_n3A_70 = arith.constant true
      %select_n3A_71 = arith.select %select_n3A_70, %sub3A_69, %scan3A_67#4 : i32
      %eq3A_72 = arith.constant -1 : i32
      %eq3A_73 = arith.cmpi eq, %select_n3A_71, %eq3A_72 : i32
      %select_n3A_74 = arith.constant 39 : i32
      %select_n3A_75 = arith.select %eq3A_73, %select_n3A_74, %select_n3A_71 : i32
      %add3A_76 = arith.addi %select_n3A_75, %mul3A_6 : i32
      %sub3A_77 = arith.constant 1 : i32
      %sub3A_78 = arith.subi %select_n3A_75, %sub3A_77 : i32
      %select_n3A_79 = arith.constant true
      %select_n3A_80 = arith.select %select_n3A_79, %sub3A_78, %select_n3A_75 : i32
      %eq3A_81 = arith.constant -1 : i32
      %eq3A_82 = arith.cmpi eq, %select_n3A_80, %eq3A_81 : i32
      %select_n3A_83 = arith.constant 39 : i32
      %select_n3A_84 = arith.select %eq3A_82, %select_n3A_83, %select_n3A_80 : i32
      %add3A_85 = arith.addi %select_n3A_84, %mul3A_6 : i32
      %add3A_86 = arith.constant 1 : i32
      %add3A_87 = arith.addi %select_n3A_75, %add3A_86 : i32
      %select_n3A_88 = arith.constant true
      %select_n3A_89 = arith.select %select_n3A_88, %add3A_87, %select_n3A_75 : i32
      %eq3A_90 = arith.constant 40 : i32
      %eq3A_91 = arith.cmpi eq, %select_n3A_89, %eq3A_90 : i32
      %select_n3A_92 = arith.constant 0 : i32
      %select_n3A_93 = arith.select %eq3A_91, %select_n3A_92, %select_n3A_89 : i32
      %add3A_94 = arith.addi %select_n3A_93, %mul3A_6 : i32
      %add3A_95 = arith.constant 1 : i32
      %add3A_96 = arith.addi %select_n3A_93, %add3A_95 : i32
      %select_n3A_97 = arith.constant true
      %select_n3A_98 = arith.select %select_n3A_97, %add3A_96, %select_n3A_93 : i32
      %eq3A_99 = arith.constant 40 : i32
      %eq3A_100 = arith.cmpi eq, %select_n3A_98, %eq3A_99 : i32
      %select_n3A_101 = arith.constant 0 : i32
      %select_n3A_102 = arith.select %eq3A_100, %select_n3A_101, %select_n3A_98 : i32
      %add3A_103 = arith.addi %select_n3A_102, %mul3A_6 : i32
      "tpu.trace_start"() <{level = 10 : i32, message = "ep_finalize"}> : () -> ()
      %rem3A_104 = arith.constant 2 : i32
      %rem3A_105 = arith.remui %scan3A_67#3, %rem3A_104 : i32
      %mul3A_106 = arith.constant 128 : i32
      %mul3A_107 = arith.muli %mul3A_106, %add3A_76 : i32
      %dma_wait3A = arith.constant 0 : i32
      %dma_wait3A_108 = arith.constant 0 : i32
      %dma_wait3A_109 = tpu.memref_slice %run_scoped3A_8[%rem3A_105, %dma_wait3A, %dma_wait3A_108] : memref<2x128x16xf32, #tpu.memory_space<vmem>> -> memref<1x128x16xf32, #tpu.memory_space<vmem>>
      %dma_wait3A_110 = tpu.memref_squeeze %dma_wait3A_109 : memref<1x128x16xf32, #tpu.memory_space<vmem>> -> memref<128x16xf32, #tpu.memory_space<vmem>>
      %dma_wait3A_111 = arith.constant 0 : i32
      %dma_wait3A_112 = tpu.memref_slice %arg4[%mul3A_107, %dma_wait3A_111] : memref<163840x16xf32, #tpu.memory_space<hbm>> -> memref<128x16xf32, #tpu.memory_space<hbm>>
      %dma_wait3A_113 = tpu.memref_slice %run_scoped3A_9[%rem3A_105] : memref<2x!tpu.dma_semaphore, #tpu.memory_space<semaphore_mem>> -> memref<1x!tpu.dma_semaphore, #tpu.memory_space<semaphore_mem>>
      %dma_wait3A_114 = tpu.memref_squeeze %dma_wait3A_113 : memref<1x!tpu.dma_semaphore, #tpu.memory_space<semaphore_mem>> -> memref<!tpu.dma_semaphore, #tpu.memory_space<semaphore_mem>>
      %dma_wait3A_115 = arith.constant 0 : i32
      %dma_wait3A_116 = tpu.memref_slice %arg4[%mul3A_107, %dma_wait3A_115] : memref<163840x16xf32, #tpu.memory_space<hbm>> -> memref<128x16xf32, #tpu.memory_space<hbm>>
      %dma_wait3A_117 = arith.constant 0 : i32
      %dma_wait3A_118 = arith.constant 0 : i32
      %dma_wait3A_119 = tpu.memref_slice %run_scoped3A_8[%rem3A_105, %dma_wait3A_117, %dma_wait3A_118] : memref<2x128x16xf32, #tpu.memory_space<vmem>> -> memref<1x128x16xf32, #tpu.memory_space<vmem>>
      %dma_wait3A_120 = tpu.memref_squeeze %dma_wait3A_119 : memref<1x128x16xf32, #tpu.memory_space<vmem>> -> memref<128x16xf32, #tpu.memory_space<vmem>>
      tpu.wait_dma2 semaphore(%dma_wait3A_114 : memref<!tpu.dma_semaphore, #tpu.memory_space<semaphore_mem>>) src(%dma_wait3A_120 : memref<128x16xf32, #tpu.memory_space<vmem>>) dst(%dma_wait3A_116 : memref<128x16xf32, #tpu.memory_space<hbm>>)
      "tpu.trace_stop"() : () -> ()
      tpu.yield
    }) : () -> ()
    return
  }
}

#map = affine_map<(d0, d1) -> (0, 0)>
module attributes {stable_mosaic.version = 14 : i64} {
  func.func @kern(%arg0: i32, %arg1: i32, %arg2: memref<2048x64xf32, #tpu.memory_space<hbm>>, %arg3: memref<1x163840xi32, #tpu.memory_space<hbm>>, %arg4: memref<163840x64xf32, #tpu.memory_space<hbm>>) attributes {dimension_semantics = [#tpu.dimension_semantics<core_parallel>, #tpu.dimension_semantics<subcore_parallel>], iteration_bounds = array<i64: 2, 16>, scalar_prefetch = 0 : i64, scratch_operands = 0 : i64, tpu.core_type = #tpu.core_type<sc_vector_subcore>, window_params = [{transform_indices = #map}, {transform_indices = #map}, {transform_indices = #map}]} {
    %mul3A = arith.constant 1 : i32
    %mul3A_0 = arith.muli %arg1, %mul3A : i32
    %add3A = arith.constant 0 : i32
    %add3A_1 = arith.addi %add3A, %mul3A_0 : i32
    %mul3A_2 = arith.constant 16 : i32
    %mul3A_3 = arith.muli %arg0, %mul3A_2 : i32
    %add3A_4 = arith.addi %add3A_1, %mul3A_3 : i32
    %mul3A_5 = arith.constant 40 : i32
    %mul3A_6 = arith.muli %add3A_4, %mul3A_5 : i32
    "tpu.region"() ({
      %run_scoped3A = memref.alloca() : memref<2x1x128xi32, #tpu.memory_space<vmem>>
      %run_scoped3A_7 = tpu.sem_alloc : memref<2x!tpu.dma_semaphore, #tpu.memory_space<semaphore_mem>>
      %run_scoped3A_8 = memref.alloca() : memref<2x128x64xf32, #tpu.memory_space<vmem>>
      %run_scoped3A_9 = tpu.sem_alloc : memref<2x!tpu.dma_semaphore, #tpu.memory_space<semaphore_mem>>
      %add3A_10 = arith.constant 0 : i32
      %add3A_11 = arith.addi %add3A_10, %mul3A_6 : i32
      %select_n3A = arith.constant true
      %select_n3A_12 = arith.constant 0 : i32
      %select_n3A_13 = arith.constant -1 : i32
      %select_n3A_14 = arith.select %select_n3A, %select_n3A_13, %select_n3A_12 : i32
      %eq3A = arith.constant -1 : i32
      %eq3A_15 = arith.cmpi eq, %select_n3A_14, %eq3A : i32
      %select_n3A_16 = arith.constant 39 : i32
      %select_n3A_17 = arith.select %eq3A_15, %select_n3A_16, %select_n3A_14 : i32
      %add3A_18 = arith.addi %select_n3A_17, %mul3A_6 : i32
      %select_n3A_19 = arith.constant true
      %select_n3A_20 = arith.constant 0 : i32
      %select_n3A_21 = arith.constant 1 : i32
      %select_n3A_22 = arith.select %select_n3A_19, %select_n3A_21, %select_n3A_20 : i32
      %eq3A_23 = arith.constant 40 : i32
      %eq3A_24 = arith.cmpi eq, %select_n3A_22, %eq3A_23 : i32
      %select_n3A_25 = arith.constant 0 : i32
      %select_n3A_26 = arith.select %eq3A_24, %select_n3A_25, %select_n3A_22 : i32
      %add3A_27 = arith.addi %select_n3A_26, %mul3A_6 : i32
      %add3A_28 = arith.constant 1 : i32
      %add3A_29 = arith.addi %select_n3A_26, %add3A_28 : i32
      %select_n3A_30 = arith.constant true
      %select_n3A_31 = arith.select %select_n3A_30, %add3A_29, %select_n3A_26 : i32
      %eq3A_32 = arith.constant 40 : i32
      %eq3A_33 = arith.cmpi eq, %select_n3A_31, %eq3A_32 : i32
      %select_n3A_34 = arith.constant 0 : i32
      %select_n3A_35 = arith.select %eq3A_33, %select_n3A_34, %select_n3A_31 : i32
      %add3A_36 = arith.addi %select_n3A_35, %mul3A_6 : i32
      "tpu.trace_start"() <{level = 10 : i32, message = "ep_initialize_0"}> : () -> ()
      %rem3A = arith.constant 0 : i32
      %rem3A_37 = arith.constant 2 : i32
      %rem3A_38 = arith.remui %rem3A, %rem3A_37 : i32
      %mul3A_39 = arith.constant 128 : i32
      %mul3A_40 = arith.muli %mul3A_39, %add3A_11 : i32
      %dma_start3A = arith.constant 0 : i32
      %dma_start3A_41 = arith.constant 0 : i32
      %dma_start3A_42 = tpu.memref_slice %run_scoped3A[%rem3A_38, %dma_start3A, %dma_start3A_41] : memref<2x1x128xi32, #tpu.memory_space<vmem>> -> memref<1x1x128xi32, #tpu.memory_space<vmem>>
      %dma_start3A_43 = tpu.memref_squeeze %dma_start3A_42 : memref<1x1x128xi32, #tpu.memory_space<vmem>> -> memref<1x128xi32, #tpu.memory_space<vmem>>
      %dma_start3A_44 = arith.constant 0 : i32
      %dma_start3A_45 = tpu.memref_slice %arg3[%dma_start3A_44, %mul3A_40] : memref<1x163840xi32, #tpu.memory_space<hbm>> -> memref<1x128xi32, #tpu.memory_space<hbm>>
      %dma_start3A_46 = tpu.memref_slice %run_scoped3A_7[%rem3A_38] : memref<2x!tpu.dma_semaphore, #tpu.memory_space<semaphore_mem>> -> memref<1x!tpu.dma_semaphore, #tpu.memory_space<semaphore_mem>>
      %dma_start3A_47 = tpu.memref_squeeze %dma_start3A_46 : memref<1x!tpu.dma_semaphore, #tpu.memory_space<semaphore_mem>> -> memref<!tpu.dma_semaphore, #tpu.memory_space<semaphore_mem>>
      %dma_start3A_48 = arith.constant 0 : i32
      %dma_start3A_49 = arith.constant 0 : i32
      %dma_start3A_50 = tpu.memref_slice %run_scoped3A[%rem3A_38, %dma_start3A_48, %dma_start3A_49] : memref<2x1x128xi32, #tpu.memory_space<vmem>> -> memref<1x1x128xi32, #tpu.memory_space<vmem>>
      %dma_start3A_51 = tpu.memref_squeeze %dma_start3A_50 : memref<1x1x128xi32, #tpu.memory_space<vmem>> -> memref<1x128xi32, #tpu.memory_space<vmem>>
      %dma_start3A_52 = arith.constant 0 : i32
      %dma_start3A_53 = tpu.memref_slice %arg3[%dma_start3A_52, %mul3A_40] : memref<1x163840xi32, #tpu.memory_space<hbm>> -> memref<1x128xi32, #tpu.memory_space<hbm>>
      tpu.enqueue_dma source(%dma_start3A_53 : memref<1x128xi32, #tpu.memory_space<hbm>>) target(%dma_start3A_51 : memref<1x128xi32, #tpu.memory_space<vmem>>) target_semaphore(%dma_start3A_47 : memref<!tpu.dma_semaphore, #tpu.memory_space<semaphore_mem>>)
      %add3A_54 = arith.constant 0 : i32
      %add3A_55 = arith.constant 1 : i32
      %add3A_56 = arith.addi %add3A_54, %add3A_55 : i32
      %select_n3A_57 = arith.constant true
      %select_n3A_58 = arith.constant 0 : i32
      %select_n3A_59 = arith.select %select_n3A_57, %add3A_56, %select_n3A_58 : i32
      "tpu.trace_stop"() : () -> ()
      %scan3A = arith.constant 0 : i32
      %scan3A_60 = arith.constant 0 : i32
      %scan3A_61 = arith.constant 0 : i32
      %scan3A_62 = arith.constant 0 : i32
      %scan3A_63 = arith.constant 0 : i32
      %scan3A_64 = arith.constant 40 : i32
      %scan3A_65 = arith.addi %scan3A_63, %scan3A_64 : i32
      %scan3A_66 = arith.constant 1 : i32
      %scan3A_67:5 = scf.for %scan3A_121 = %scan3A_63 to %scan3A_65 step %scan3A_66 iter_args(%scan3A_122 = %select_n3A_59, %scan3A_123 = %scan3A, %scan3A_124 = %scan3A_60, %scan3A_125 = %scan3A_61, %scan3A_126 = %scan3A_62) -> (i32, i32, i32, i32, i32)  : i32 {
        %eq3A_127 = arith.constant 0 : i32
        %eq3A_128 = arith.cmpi eq, %scan3A_121, %eq3A_127 : i32
        %eq3A_129 = arith.constant 39 : i32
        %eq3A_130 = arith.cmpi eq, %scan3A_121, %eq3A_129 : i32
        %add3A_131 = arith.addi %scan3A_126, %mul3A_6 : i32
        %sub3A_132 = arith.constant 1 : i32
        %sub3A_133 = arith.subi %scan3A_126, %sub3A_132 : i32
        %select_n3A_134 = arith.constant true
        %select_n3A_135 = arith.select %select_n3A_134, %sub3A_133, %scan3A_126 : i32
        %eq3A_136 = arith.constant -1 : i32
        %eq3A_137 = arith.cmpi eq, %select_n3A_135, %eq3A_136 : i32
        %select_n3A_138 = arith.constant 39 : i32
        %select_n3A_139 = arith.select %eq3A_137, %select_n3A_138, %select_n3A_135 : i32
        %add3A_140 = arith.addi %select_n3A_139, %mul3A_6 : i32
        %add3A_141 = arith.constant 1 : i32
        %add3A_142 = arith.addi %scan3A_126, %add3A_141 : i32
        %select_n3A_143 = arith.constant true
        %select_n3A_144 = arith.select %select_n3A_143, %add3A_142, %scan3A_126 : i32
        %eq3A_145 = arith.constant 40 : i32
        %eq3A_146 = arith.cmpi eq, %select_n3A_144, %eq3A_145 : i32
        %select_n3A_147 = arith.constant 0 : i32
        %select_n3A_148 = arith.select %eq3A_146, %select_n3A_147, %select_n3A_144 : i32
        %add3A_149 = arith.addi %select_n3A_148, %mul3A_6 : i32
        %add3A_150 = arith.constant 1 : i32
        %add3A_151 = arith.addi %select_n3A_148, %add3A_150 : i32
        %select_n3A_152 = arith.constant true
        %select_n3A_153 = arith.select %select_n3A_152, %add3A_151, %select_n3A_148 : i32
        %eq3A_154 = arith.constant 40 : i32
        %eq3A_155 = arith.cmpi eq, %select_n3A_153, %eq3A_154 : i32
        %select_n3A_156 = arith.constant 0 : i32
        %select_n3A_157 = arith.select %eq3A_155, %select_n3A_156, %select_n3A_153 : i32
        %add3A_158 = arith.addi %select_n3A_157, %mul3A_6 : i32
        %ne3A = arith.cmpi ne, %add3A_131, %add3A_149 : i32
        %or3A = arith.constant false
        %or3A_159 = arith.ori %or3A, %ne3A : i1
        %ge3A = arith.constant 39 : i32
        %ge3A_160 = arith.cmpi sge, %scan3A_121, %ge3A : i32
        %not3A = arith.constant true
        %not3A_161 = arith.xori %ge3A_160, %not3A : i1
        %and3A = arith.andi %or3A_159, %not3A_161 : i1
        %convert_element_type3A = arith.extui %and3A : i1 to i32
        %cond3A = arith.constant 0 : i32
        %cond3A_162 = arith.cmpi ne, %convert_element_type3A, %cond3A : i32
        scf.if %cond3A_162 {
          "tpu.trace_start"() <{level = 10 : i32, message = "ep_copy_in"}> : () -> ()
          %rem3A_264 = arith.constant 2 : i32
          %rem3A_265 = arith.remui %scan3A_122, %rem3A_264 : i32
          %mul3A_266 = arith.constant 128 : i32
          %mul3A_267 = arith.muli %mul3A_266, %add3A_149 : i32
          %dma_start3A_268 = arith.constant 0 : i32
          %dma_start3A_269 = arith.constant 0 : i32
          %dma_start3A_270 = tpu.memref_slice %run_scoped3A[%rem3A_265, %dma_start3A_268, %dma_start3A_269] : memref<2x1x128xi32, #tpu.memory_space<vmem>> -> memref<1x1x128xi32, #tpu.memory_space<vmem>>
          %dma_start3A_271 = tpu.memref_squeeze %dma_start3A_270 : memref<1x1x128xi32, #tpu.memory_space<vmem>> -> memref<1x128xi32, #tpu.memory_space<vmem>>
          %dma_start3A_272 = arith.constant 0 : i32
          %dma_start3A_273 = tpu.memref_slice %arg3[%dma_start3A_272, %mul3A_267] : memref<1x163840xi32, #tpu.memory_space<hbm>> -> memref<1x128xi32, #tpu.memory_space<hbm>>
          %dma_start3A_274 = tpu.memref_slice %run_scoped3A_7[%rem3A_265] : memref<2x!tpu.dma_semaphore, #tpu.memory_space<semaphore_mem>> -> memref<1x!tpu.dma_semaphore, #tpu.memory_space<semaphore_mem>>
          %dma_start3A_275 = tpu.memref_squeeze %dma_start3A_274 : memref<1x!tpu.dma_semaphore, #tpu.memory_space<semaphore_mem>> -> memref<!tpu.dma_semaphore, #tpu.memory_space<semaphore_mem>>
          %dma_start3A_276 = arith.constant 0 : i32
          %dma_start3A_277 = arith.constant 0 : i32
          %dma_start3A_278 = tpu.memref_slice %run_scoped3A[%rem3A_265, %dma_start3A_276, %dma_start3A_277] : memref<2x1x128xi32, #tpu.memory_space<vmem>> -> memref<1x1x128xi32, #tpu.memory_space<vmem>>
          %dma_start3A_279 = tpu.memref_squeeze %dma_start3A_278 : memref<1x1x128xi32, #tpu.memory_space<vmem>> -> memref<1x128xi32, #tpu.memory_space<vmem>>
          %dma_start3A_280 = arith.constant 0 : i32
          %dma_start3A_281 = tpu.memref_slice %arg3[%dma_start3A_280, %mul3A_267] : memref<1x163840xi32, #tpu.memory_space<hbm>> -> memref<1x128xi32, #tpu.memory_space<hbm>>
          tpu.enqueue_dma source(%dma_start3A_281 : memref<1x128xi32, #tpu.memory_space<hbm>>) target(%dma_start3A_279 : memref<1x128xi32, #tpu.memory_space<vmem>>) target_semaphore(%dma_start3A_275 : memref<!tpu.dma_semaphore, #tpu.memory_space<semaphore_mem>>)
          "tpu.trace_stop"() : () -> ()
        } else {
        }
        %and3A_163 = arith.constant true
        %and3A_164 = arith.andi %and3A, %and3A_163 : i1
        %add3A_165 = arith.constant 1 : i32
        %add3A_166 = arith.addi %scan3A_122, %add3A_165 : i32
        %select_n3A_167 = arith.select %and3A_164, %add3A_166, %scan3A_122 : i32
        %ne3A_168 = arith.cmpi ne, %add3A_131, %add3A_149 : i32
        %or3A_169 = arith.constant false
        %or3A_170 = arith.ori %or3A_169, %ne3A_168 : i1
        %or3A_171 = arith.constant false
        %or3A_172 = arith.ori %or3A_170, %or3A_171 : i1
        %ge3A_173 = arith.constant 39 : i32
        %ge3A_174 = arith.cmpi sge, %scan3A_121, %ge3A_173 : i32
        %not3A_175 = arith.constant true
        %not3A_176 = arith.xori %ge3A_174, %not3A_175 : i1
        %and3A_177 = arith.andi %or3A_172, %not3A_176 : i1
        %ne3A_178 = arith.cmpi ne, %add3A_131, %add3A_140 : i32
        %or3A_179 = arith.constant false
        %or3A_180 = arith.ori %or3A_179, %ne3A_178 : i1
        %or3A_181 = arith.ori %or3A_180, %eq3A_128 : i1
        %convert_element_type3A_182 = arith.extui %or3A_181 : i1 to i32
        %cond3A_183 = arith.constant 0 : i32
        %cond3A_184 = arith.cmpi ne, %convert_element_type3A_182, %cond3A_183 : i32
        scf.if %cond3A_184 {
          "tpu.trace_start"() <{level = 10 : i32, message = "ep_wait_in"}> : () -> ()
          %mul3A_264 = arith.constant 128 : i32
          %mul3A_265 = arith.muli %mul3A_264, %add3A_131 : i32
          %rem3A_266 = arith.constant 2 : i32
          %rem3A_267 = arith.remui %scan3A_123, %rem3A_266 : i32
          %dma_wait3A_268 = arith.constant 0 : i32
          %dma_wait3A_269 = arith.constant 0 : i32
          %dma_wait3A_270 = tpu.memref_slice %run_scoped3A[%rem3A_267, %dma_wait3A_268, %dma_wait3A_269] : memref<2x1x128xi32, #tpu.memory_space<vmem>> -> memref<1x1x128xi32, #tpu.memory_space<vmem>>
          %dma_wait3A_271 = tpu.memref_squeeze %dma_wait3A_270 : memref<1x1x128xi32, #tpu.memory_space<vmem>> -> memref<1x128xi32, #tpu.memory_space<vmem>>
          %dma_wait3A_272 = arith.constant 0 : i32
          %dma_wait3A_273 = tpu.memref_slice %arg3[%dma_wait3A_272, %mul3A_265] : memref<1x163840xi32, #tpu.memory_space<hbm>> -> memref<1x128xi32, #tpu.memory_space<hbm>>
          %dma_wait3A_274 = tpu.memref_slice %run_scoped3A_7[%rem3A_267] : memref<2x!tpu.dma_semaphore, #tpu.memory_space<semaphore_mem>> -> memref<1x!tpu.dma_semaphore, #tpu.memory_space<semaphore_mem>>
          %dma_wait3A_275 = tpu.memref_squeeze %dma_wait3A_274 : memref<1x!tpu.dma_semaphore, #tpu.memory_space<semaphore_mem>> -> memref<!tpu.dma_semaphore, #tpu.memory_space<semaphore_mem>>
          %dma_wait3A_276 = arith.constant 0 : i32
          %dma_wait3A_277 = arith.constant 0 : i32
          %dma_wait3A_278 = tpu.memref_slice %run_scoped3A[%rem3A_267, %dma_wait3A_276, %dma_wait3A_277] : memref<2x1x128xi32, #tpu.memory_space<vmem>> -> memref<1x1x128xi32, #tpu.memory_space<vmem>>
          %dma_wait3A_279 = tpu.memref_squeeze %dma_wait3A_278 : memref<1x1x128xi32, #tpu.memory_space<vmem>> -> memref<1x128xi32, #tpu.memory_space<vmem>>
          %dma_wait3A_280 = arith.constant 0 : i32
          %dma_wait3A_281 = tpu.memref_slice %arg3[%dma_wait3A_280, %mul3A_265] : memref<1x163840xi32, #tpu.memory_space<hbm>> -> memref<1x128xi32, #tpu.memory_space<hbm>>
          tpu.wait_dma2 semaphore(%dma_wait3A_275 : memref<!tpu.dma_semaphore, #tpu.memory_space<semaphore_mem>>) src(%dma_wait3A_281 : memref<1x128xi32, #tpu.memory_space<hbm>>) dst(%dma_wait3A_279 : memref<1x128xi32, #tpu.memory_space<vmem>>)
          "tpu.trace_stop"() : () -> ()
        } else {
        }
        %ne3A_185 = arith.cmpi ne, %add3A_131, %add3A_140 : i32
        %or3A_186 = arith.constant false
        %or3A_187 = arith.ori %or3A_186, %ne3A_185 : i1
        %or3A_188 = arith.constant false
        %or3A_189 = arith.ori %or3A_187, %or3A_188 : i1
        %or3A_190 = arith.ori %or3A_189, %eq3A_128 : i1
        %convert_element_type3A_191 = arith.extui %or3A_190 : i1 to i32
        %cond3A_192 = arith.constant 0 : i32
        %cond3A_193 = arith.cmpi ne, %convert_element_type3A_191, %cond3A_192 : i32
        scf.if %cond3A_193 {
        } else {
        }
        %rem3A_194 = arith.constant 2 : i32
        %rem3A_195 = arith.remui %scan3A_123, %rem3A_194 : i32
        %rem3A_196 = arith.constant 2 : i32
        %rem3A_197 = arith.remui %scan3A_124, %rem3A_196 : i32
        %run_scoped3A_198 = arith.constant 0 : i32
        "tpu.trace_start"() <{level = 10 : i32, message = "ep_run_kernel"}> : () -> ()
        "tpu.region"() ({
          %run_scoped3A_264 = tpu.sem_alloc : memref<!tpu.dma_semaphore, #tpu.memory_space<semaphore_mem>>
          %dma_start3A_265 = arith.constant 0 : i32
          %dma_start3A_266 = arith.constant 0 : i32
          %dma_start3A_267 = tpu.memref_slice %run_scoped3A_8[%rem3A_197, %dma_start3A_265, %dma_start3A_266] : memref<2x128x64xf32, #tpu.memory_space<vmem>> -> memref<1x128x64xf32, #tpu.memory_space<vmem>>
          %dma_start3A_268 = tpu.memref_squeeze %dma_start3A_267 : memref<1x128x64xf32, #tpu.memory_space<vmem>> -> memref<128x64xf32, #tpu.memory_space<vmem>>
          %dma_start3A_269 = arith.constant 0 : i32
          %dma_start3A_270 = arith.constant 0 : i32
          %dma_start3A_271 = tpu.memref_slice %run_scoped3A[%rem3A_195, %dma_start3A_269, %dma_start3A_270] : memref<2x1x128xi32, #tpu.memory_space<vmem>> -> memref<1x1x128xi32, #tpu.memory_space<vmem>>
          %dma_start3A_272 = tpu.memref_squeeze %dma_start3A_271 : memref<1x1x128xi32, #tpu.memory_space<vmem>> -> memref<1x128xi32, #tpu.memory_space<vmem>>
          %dma_start3A_273 = arith.constant 0 : i32
          %dma_start3A_274 = tpu.memref_slice %dma_start3A_272[%run_scoped3A_198, %dma_start3A_273] : memref<1x128xi32, #tpu.memory_space<vmem>> -> memref<1x128xi32, #tpu.memory_space<vmem>>
          %dma_start3A_275 = tpu.memref_squeeze %dma_start3A_274 : memref<1x128xi32, #tpu.memory_space<vmem>> -> memref<128xi32, #tpu.memory_space<vmem>>
          %dma_start3A_276 = arith.constant 0 : i32
          %dma_start3A_277 = arith.constant 0 : i32
          %dma_start3A_278 = tpu.memref_slice %arg2[%dma_start3A_276, %dma_start3A_277] : memref<2048x64xf32, #tpu.memory_space<hbm>> -> memref<2048x64xf32, #tpu.memory_space<hbm>>
          tpu.enqueue_indirect_dma source(%dma_start3A_278 : memref<2048x64xf32, #tpu.memory_space<hbm>>) target(%dma_start3A_268 : memref<128x64xf32, #tpu.memory_space<vmem>>) offsets(%dma_start3A_275 : memref<128xi32, #tpu.memory_space<vmem>>) semaphore(%run_scoped3A_264 : memref<!tpu.dma_semaphore, #tpu.memory_space<semaphore_mem>>)
          %dma_wait3A_279 = arith.constant 0 : i32
          %dma_wait3A_280 = arith.constant 0 : i32
          %dma_wait3A_281 = tpu.memref_slice %run_scoped3A_8[%rem3A_197, %dma_wait3A_279, %dma_wait3A_280] : memref<2x128x64xf32, #tpu.memory_space<vmem>> -> memref<1x128x64xf32, #tpu.memory_space<vmem>>
          %dma_wait3A_282 = tpu.memref_squeeze %dma_wait3A_281 : memref<1x128x64xf32, #tpu.memory_space<vmem>> -> memref<128x64xf32, #tpu.memory_space<vmem>>
          %dma_wait3A_283 = arith.constant 0 : i32
          %dma_wait3A_284 = arith.constant 0 : i32
          %dma_wait3A_285 = tpu.memref_slice %run_scoped3A[%rem3A_195, %dma_wait3A_283, %dma_wait3A_284] : memref<2x1x128xi32, #tpu.memory_space<vmem>> -> memref<1x1x128xi32, #tpu.memory_space<vmem>>
          %dma_wait3A_286 = tpu.memref_squeeze %dma_wait3A_285 : memref<1x1x128xi32, #tpu.memory_space<vmem>> -> memref<1x128xi32, #tpu.memory_space<vmem>>
          %dma_wait3A_287 = arith.constant 0 : i32
          %dma_wait3A_288 = tpu.memref_slice %dma_wait3A_286[%run_scoped3A_198, %dma_wait3A_287] : memref<1x128xi32, #tpu.memory_space<vmem>> -> memref<1x128xi32, #tpu.memory_space<vmem>>
          %dma_wait3A_289 = tpu.memref_squeeze %dma_wait3A_288 : memref<1x128xi32, #tpu.memory_space<vmem>> -> memref<128xi32, #tpu.memory_space<vmem>>
          %dma_wait3A_290 = arith.constant 0 : i32
          %dma_wait3A_291 = arith.constant 0 : i32
          %dma_wait3A_292 = tpu.memref_slice %arg2[%dma_wait3A_290, %dma_wait3A_291] : memref<2048x64xf32, #tpu.memory_space<hbm>> -> memref<2048x64xf32, #tpu.memory_space<hbm>>
          tpu.wait_indirect_dma semaphore(%run_scoped3A_264 : memref<!tpu.dma_semaphore, #tpu.memory_space<semaphore_mem>>) src(%dma_wait3A_292 : memref<2048x64xf32, #tpu.memory_space<hbm>>) dst(%dma_wait3A_282 : memref<128x64xf32, #tpu.memory_space<vmem>>)
          tpu.yield
        }) : () -> ()
        "tpu.trace_stop"() : () -> ()
        %ne3A_199 = arith.cmpi ne, %add3A_131, %add3A_149 : i32
        %or3A_200 = arith.constant false
        %or3A_201 = arith.ori %or3A_200, %ne3A_199 : i1
        %or3A_202 = arith.ori %or3A_201, %eq3A_130 : i1
        %convert_element_type3A_203 = arith.extui %or3A_202 : i1 to i32
        %cond3A_204 = arith.constant 0 : i32
        %cond3A_205 = arith.cmpi ne, %convert_element_type3A_203, %cond3A_204 : i32
        scf.if %cond3A_205 {
        } else {
        }
        %and3A_206 = arith.constant false
        %and3A_207 = arith.andi %or3A_202, %and3A_206 : i1
        %ne3A_208 = arith.cmpi ne, %add3A_131, %add3A_149 : i32
        %or3A_209 = arith.constant false
        %or3A_210 = arith.ori %or3A_209, %ne3A_208 : i1
        %or3A_211 = arith.constant false
        %or3A_212 = arith.ori %or3A_210, %or3A_211 : i1
        %or3A_213 = arith.ori %or3A_212, %eq3A_130 : i1
        %convert_element_type3A_214 = arith.extui %or3A_213 : i1 to i32
        %cond3A_215 = arith.constant 0 : i32
        %cond3A_216 = arith.cmpi ne, %convert_element_type3A_214, %cond3A_215 : i32
        scf.if %cond3A_216 {
          "tpu.trace_start"() <{level = 10 : i32, message = "ep_copy_out"}> : () -> ()
          %rem3A_264 = arith.constant 2 : i32
          %rem3A_265 = arith.remui %scan3A_124, %rem3A_264 : i32
          %mul3A_266 = arith.constant 128 : i32
          %mul3A_267 = arith.muli %mul3A_266, %add3A_131 : i32
          %dma_start3A_268 = arith.constant 0 : i32
          %dma_start3A_269 = arith.constant 0 : i32
          %dma_start3A_270 = tpu.memref_slice %run_scoped3A_8[%rem3A_265, %dma_start3A_268, %dma_start3A_269] : memref<2x128x64xf32, #tpu.memory_space<vmem>> -> memref<1x128x64xf32, #tpu.memory_space<vmem>>
          %dma_start3A_271 = tpu.memref_squeeze %dma_start3A_270 : memref<1x128x64xf32, #tpu.memory_space<vmem>> -> memref<128x64xf32, #tpu.memory_space<vmem>>
          %dma_start3A_272 = arith.constant 0 : i32
          %dma_start3A_273 = tpu.memref_slice %arg4[%mul3A_267, %dma_start3A_272] : memref<163840x64xf32, #tpu.memory_space<hbm>> -> memref<128x64xf32, #tpu.memory_space<hbm>>
          %dma_start3A_274 = tpu.memref_slice %run_scoped3A_9[%rem3A_265] : memref<2x!tpu.dma_semaphore, #tpu.memory_space<semaphore_mem>> -> memref<1x!tpu.dma_semaphore, #tpu.memory_space<semaphore_mem>>
          %dma_start3A_275 = tpu.memref_squeeze %dma_start3A_274 : memref<1x!tpu.dma_semaphore, #tpu.memory_space<semaphore_mem>> -> memref<!tpu.dma_semaphore, #tpu.memory_space<semaphore_mem>>
          %dma_start3A_276 = arith.constant 0 : i32
          %dma_start3A_277 = tpu.memref_slice %arg4[%mul3A_267, %dma_start3A_276] : memref<163840x64xf32, #tpu.memory_space<hbm>> -> memref<128x64xf32, #tpu.memory_space<hbm>>
          %dma_start3A_278 = arith.constant 0 : i32
          %dma_start3A_279 = arith.constant 0 : i32
          %dma_start3A_280 = tpu.memref_slice %run_scoped3A_8[%rem3A_265, %dma_start3A_278, %dma_start3A_279] : memref<2x128x64xf32, #tpu.memory_space<vmem>> -> memref<1x128x64xf32, #tpu.memory_space<vmem>>
          %dma_start3A_281 = tpu.memref_squeeze %dma_start3A_280 : memref<1x128x64xf32, #tpu.memory_space<vmem>> -> memref<128x64xf32, #tpu.memory_space<vmem>>
          tpu.enqueue_dma source(%dma_start3A_281 : memref<128x64xf32, #tpu.memory_space<vmem>>) target(%dma_start3A_277 : memref<128x64xf32, #tpu.memory_space<hbm>>) target_semaphore(%dma_start3A_275 : memref<!tpu.dma_semaphore, #tpu.memory_space<semaphore_mem>>)
          "tpu.trace_stop"() : () -> ()
        } else {
        }
        %and3A_217 = arith.constant true
        %and3A_218 = arith.andi %or3A_213, %and3A_217 : i1
        %add3A_219 = arith.constant 1 : i32
        %add3A_220 = arith.addi %scan3A_124, %add3A_219 : i32
        %select_n3A_221 = arith.select %and3A_218, %add3A_220, %scan3A_124 : i32
        %ne3A_222 = arith.cmpi ne, %add3A_131, %add3A_140 : i32
        %or3A_223 = arith.constant false
        %or3A_224 = arith.ori %or3A_223, %ne3A_222 : i1
        %not3A_225 = arith.constant true
        %not3A_226 = arith.xori %eq3A_128, %not3A_225 : i1
        %and3A_227 = arith.andi %or3A_224, %not3A_226 : i1
        %convert_element_type3A_228 = arith.extui %and3A_227 : i1 to i32
        %cond3A_229 = arith.constant 0 : i32
        %cond3A_230 = arith.cmpi ne, %convert_element_type3A_228, %cond3A_229 : i32
        scf.if %cond3A_230 {
        } else {
        }
        %and3A_231 = arith.constant false
        %and3A_232 = arith.andi %and3A_227, %and3A_231 : i1
        %ne3A_233 = arith.cmpi ne, %add3A_131, %add3A_140 : i32
        %or3A_234 = arith.constant false
        %or3A_235 = arith.ori %or3A_234, %ne3A_233 : i1
        %or3A_236 = arith.constant false
        %or3A_237 = arith.ori %or3A_235, %or3A_236 : i1
        %not3A_238 = arith.constant true
        %not3A_239 = arith.xori %eq3A_128, %not3A_238 : i1
        %and3A_240 = arith.andi %or3A_237, %not3A_239 : i1
        %convert_element_type3A_241 = arith.extui %and3A_240 : i1 to i32
        %cond3A_242 = arith.constant 0 : i32
        %cond3A_243 = arith.cmpi ne, %convert_element_type3A_241, %cond3A_242 : i32
        scf.if %cond3A_243 {
          "tpu.trace_start"() <{level = 10 : i32, message = "ep_wait_out"}> : () -> ()
          %rem3A_264 = arith.constant 2 : i32
          %rem3A_265 = arith.remui %scan3A_125, %rem3A_264 : i32
          %mul3A_266 = arith.constant 128 : i32
          %mul3A_267 = arith.muli %mul3A_266, %add3A_140 : i32
          %dma_wait3A_268 = arith.constant 0 : i32
          %dma_wait3A_269 = arith.constant 0 : i32
          %dma_wait3A_270 = tpu.memref_slice %run_scoped3A_8[%rem3A_265, %dma_wait3A_268, %dma_wait3A_269] : memref<2x128x64xf32, #tpu.memory_space<vmem>> -> memref<1x128x64xf32, #tpu.memory_space<vmem>>
          %dma_wait3A_271 = tpu.memref_squeeze %dma_wait3A_270 : memref<1x128x64xf32, #tpu.memory_space<vmem>> -> memref<128x64xf32, #tpu.memory_space<vmem>>
          %dma_wait3A_272 = arith.constant 0 : i32
          %dma_wait3A_273 = tpu.memref_slice %arg4[%mul3A_267, %dma_wait3A_272] : memref<163840x64xf32, #tpu.memory_space<hbm>> -> memref<128x64xf32, #tpu.memory_space<hbm>>
          %dma_wait3A_274 = tpu.memref_slice %run_scoped3A_9[%rem3A_265] : memref<2x!tpu.dma_semaphore, #tpu.memory_space<semaphore_mem>> -> memref<1x!tpu.dma_semaphore, #tpu.memory_space<semaphore_mem>>
          %dma_wait3A_275 = tpu.memref_squeeze %dma_wait3A_274 : memref<1x!tpu.dma_semaphore, #tpu.memory_space<semaphore_mem>> -> memref<!tpu.dma_semaphore, #tpu.memory_space<semaphore_mem>>
          %dma_wait3A_276 = arith.constant 0 : i32
          %dma_wait3A_277 = tpu.memref_slice %arg4[%mul3A_267, %dma_wait3A_276] : memref<163840x64xf32, #tpu.memory_space<hbm>> -> memref<128x64xf32, #tpu.memory_space<hbm>>
          %dma_wait3A_278 = arith.constant 0 : i32
          %dma_wait3A_279 = arith.constant 0 : i32
          %dma_wait3A_280 = tpu.memref_slice %run_scoped3A_8[%rem3A_265, %dma_wait3A_278, %dma_wait3A_279] : memref<2x128x64xf32, #tpu.memory_space<vmem>> -> memref<1x128x64xf32, #tpu.memory_space<vmem>>
          %dma_wait3A_281 = tpu.memref_squeeze %dma_wait3A_280 : memref<1x128x64xf32, #tpu.memory_space<vmem>> -> memref<128x64xf32, #tpu.memory_space<vmem>>
          tpu.wait_dma2 semaphore(%dma_wait3A_275 : memref<!tpu.dma_semaphore, #tpu.memory_space<semaphore_mem>>) src(%dma_wait3A_281 : memref<128x64xf32, #tpu.memory_space<vmem>>) dst(%dma_wait3A_277 : memref<128x64xf32, #tpu.memory_space<hbm>>)
          "tpu.trace_stop"() : () -> ()
        } else {
        }
        %and3A_244 = arith.constant true
        %and3A_245 = arith.andi %and3A_240, %and3A_244 : i1
        %add3A_246 = arith.constant 1 : i32
        %add3A_247 = arith.addi %scan3A_125, %add3A_246 : i32
        %select_n3A_248 = arith.select %and3A_245, %add3A_247, %scan3A_125 : i32
        %ne3A_249 = arith.cmpi ne, %add3A_131, %add3A_149 : i32
        %or3A_250 = arith.constant false
        %or3A_251 = arith.ori %or3A_250, %ne3A_249 : i1
        %or3A_252 = arith.ori %or3A_251, %eq3A_130 : i1
        %add3A_253 = arith.constant 1 : i32
        %add3A_254 = arith.addi %scan3A_123, %add3A_253 : i32
        %select_n3A_255 = arith.select %or3A_252, %add3A_254, %scan3A_123 : i32
        %add3A_256 = arith.constant 1 : i32
        %add3A_257 = arith.addi %scan3A_126, %add3A_256 : i32
        %select_n3A_258 = arith.constant true
        %select_n3A_259 = arith.select %select_n3A_258, %add3A_257, %scan3A_126 : i32
        %eq3A_260 = arith.constant 40 : i32
        %eq3A_261 = arith.cmpi eq, %select_n3A_259, %eq3A_260 : i32
        %select_n3A_262 = arith.constant 0 : i32
        %select_n3A_263 = arith.select %eq3A_261, %select_n3A_262, %select_n3A_259 : i32
        scf.yield %select_n3A_167, %select_n3A_255, %select_n3A_221, %select_n3A_248, %select_n3A_263 : i32, i32, i32, i32, i32
      }
      %scan3A_68 = arith.constant 40 : i32
      %sub3A = arith.constant 1 : i32
      %sub3A_69 = arith.subi %scan3A_67#4, %sub3A : i32
      %select_n3A_70 = arith.constant true
      %select_n3A_71 = arith.select %select_n3A_70, %sub3A_69, %scan3A_67#4 : i32
      %eq3A_72 = arith.constant -1 : i32
      %eq3A_73 = arith.cmpi eq, %select_n3A_71, %eq3A_72 : i32
      %select_n3A_74 = arith.constant 39 : i32
      %select_n3A_75 = arith.select %eq3A_73, %select_n3A_74, %select_n3A_71 : i32
      %add3A_76 = arith.addi %select_n3A_75, %mul3A_6 : i32
      %sub3A_77 = arith.constant 1 : i32
      %sub3A_78 = arith.subi %select_n3A_75, %sub3A_77 : i32
      %select_n3A_79 = arith.constant true
      %select_n3A_80 = arith.select %select_n3A_79, %sub3A_78, %select_n3A_75 : i32
      %eq3A_81 = arith.constant -1 : i32
      %eq3A_82 = arith.cmpi eq, %select_n3A_80, %eq3A_81 : i32
      %select_n3A_83 = arith.constant 39 : i32
      %select_n3A_84 = arith.select %eq3A_82, %select_n3A_83, %select_n3A_80 : i32
      %add3A_85 = arith.addi %select_n3A_84, %mul3A_6 : i32
      %add3A_86 = arith.constant 1 : i32
      %add3A_87 = arith.addi %select_n3A_75, %add3A_86 : i32
      %select_n3A_88 = arith.constant true
      %select_n3A_89 = arith.select %select_n3A_88, %add3A_87, %select_n3A_75 : i32
      %eq3A_90 = arith.constant 40 : i32
      %eq3A_91 = arith.cmpi eq, %select_n3A_89, %eq3A_90 : i32
      %select_n3A_92 = arith.constant 0 : i32
      %select_n3A_93 = arith.select %eq3A_91, %select_n3A_92, %select_n3A_89 : i32
      %add3A_94 = arith.addi %select_n3A_93, %mul3A_6 : i32
      %add3A_95 = arith.constant 1 : i32
      %add3A_96 = arith.addi %select_n3A_93, %add3A_95 : i32
      %select_n3A_97 = arith.constant true
      %select_n3A_98 = arith.select %select_n3A_97, %add3A_96, %select_n3A_93 : i32
      %eq3A_99 = arith.constant 40 : i32
      %eq3A_100 = arith.cmpi eq, %select_n3A_98, %eq3A_99 : i32
      %select_n3A_101 = arith.constant 0 : i32
      %select_n3A_102 = arith.select %eq3A_100, %select_n3A_101, %select_n3A_98 : i32
      %add3A_103 = arith.addi %select_n3A_102, %mul3A_6 : i32
      "tpu.trace_start"() <{level = 10 : i32, message = "ep_finalize"}> : () -> ()
      %rem3A_104 = arith.constant 2 : i32
      %rem3A_105 = arith.remui %scan3A_67#3, %rem3A_104 : i32
      %mul3A_106 = arith.constant 128 : i32
      %mul3A_107 = arith.muli %mul3A_106, %add3A_76 : i32
      %dma_wait3A = arith.constant 0 : i32
      %dma_wait3A_108 = arith.constant 0 : i32
      %dma_wait3A_109 = tpu.memref_slice %run_scoped3A_8[%rem3A_105, %dma_wait3A, %dma_wait3A_108] : memref<2x128x64xf32, #tpu.memory_space<vmem>> -> memref<1x128x64xf32, #tpu.memory_space<vmem>>
      %dma_wait3A_110 = tpu.memref_squeeze %dma_wait3A_109 : memref<1x128x64xf32, #tpu.memory_space<vmem>> -> memref<128x64xf32, #tpu.memory_space<vmem>>
      %dma_wait3A_111 = arith.constant 0 : i32
      %dma_wait3A_112 = tpu.memref_slice %arg4[%mul3A_107, %dma_wait3A_111] : memref<163840x64xf32, #tpu.memory_space<hbm>> -> memref<128x64xf32, #tpu.memory_space<hbm>>
      %dma_wait3A_113 = tpu.memref_slice %run_scoped3A_9[%rem3A_105] : memref<2x!tpu.dma_semaphore, #tpu.memory_space<semaphore_mem>> -> memref<1x!tpu.dma_semaphore, #tpu.memory_space<semaphore_mem>>
      %dma_wait3A_114 = tpu.memref_squeeze %dma_wait3A_113 : memref<1x!tpu.dma_semaphore, #tpu.memory_space<semaphore_mem>> -> memref<!tpu.dma_semaphore, #tpu.memory_space<semaphore_mem>>
      %dma_wait3A_115 = arith.constant 0 : i32
      %dma_wait3A_116 = tpu.memref_slice %arg4[%mul3A_107, %dma_wait3A_115] : memref<163840x64xf32, #tpu.memory_space<hbm>> -> memref<128x64xf32, #tpu.memory_space<hbm>>
      %dma_wait3A_117 = arith.constant 0 : i32
      %dma_wait3A_118 = arith.constant 0 : i32
      %dma_wait3A_119 = tpu.memref_slice %run_scoped3A_8[%rem3A_105, %dma_wait3A_117, %dma_wait3A_118] : memref<2x128x64xf32, #tpu.memory_space<vmem>> -> memref<1x128x64xf32, #tpu.memory_space<vmem>>
      %dma_wait3A_120 = tpu.memref_squeeze %dma_wait3A_119 : memref<1x128x64xf32, #tpu.memory_space<vmem>> -> memref<128x64xf32, #tpu.memory_space<vmem>>
      tpu.wait_dma2 semaphore(%dma_wait3A_114 : memref<!tpu.dma_semaphore, #tpu.memory_space<semaphore_mem>>) src(%dma_wait3A_120 : memref<128x64xf32, #tpu.memory_space<vmem>>) dst(%dma_wait3A_116 : memref<128x64xf32, #tpu.memory_space<hbm>>)
      "tpu.trace_stop"() : () -> ()
      tpu.yield
    }) : () -> ()
    return
  }
}

#map = affine_map<(d0, d1) -> (0, 0)>
module attributes {stable_mosaic.version = 14 : i64} {
  func.func @kern(%arg0: i32, %arg1: i32, %arg2: memref<2048x64xf32, #tpu.memory_space<hbm>>, %arg3: memref<1x163840xi32, #tpu.memory_space<hbm>>, %arg4: memref<163840x64xf32, #tpu.memory_space<hbm>>) attributes {dimension_semantics = [#tpu.dimension_semantics<core_parallel>, #tpu.dimension_semantics<subcore_parallel>], iteration_bounds = array<i64: 2, 16>, scalar_prefetch = 0 : i64, scratch_operands = 0 : i64, tpu.core_type = #tpu.core_type<sc_vector_subcore>, window_params = [{transform_indices = #map}, {transform_indices = #map}, {transform_indices = #map}]} {
    %mul3A = arith.constant 1 : i32
    %mul3A_0 = arith.muli %arg1, %mul3A : i32
    %add3A = arith.constant 0 : i32
    %add3A_1 = arith.addi %add3A, %mul3A_0 : i32
    %mul3A_2 = arith.constant 16 : i32
    %mul3A_3 = arith.muli %arg0, %mul3A_2 : i32
    %add3A_4 = arith.addi %add3A_1, %mul3A_3 : i32
    %mul3A_5 = arith.constant 40 : i32
    %mul3A_6 = arith.muli %add3A_4, %mul3A_5 : i32
    "tpu.region"() ({
      %run_scoped3A = memref.alloca() : memref<2x1x128xi32, #tpu.memory_space<vmem>>
      %run_scoped3A_7 = tpu.sem_alloc : memref<2x!tpu.dma_semaphore, #tpu.memory_space<semaphore_mem>>
      %run_scoped3A_8 = memref.alloca() : memref<2x128x64xf32, #tpu.memory_space<vmem>>
      %run_scoped3A_9 = tpu.sem_alloc : memref<2x!tpu.dma_semaphore, #tpu.memory_space<semaphore_mem>>
      %add3A_10 = arith.constant 0 : i32
      %add3A_11 = arith.addi %add3A_10, %mul3A_6 : i32
      %select_n3A = arith.constant true
      %select_n3A_12 = arith.constant 0 : i32
      %select_n3A_13 = arith.constant -1 : i32
      %select_n3A_14 = arith.select %select_n3A, %select_n3A_13, %select_n3A_12 : i32
      %eq3A = arith.constant -1 : i32
      %eq3A_15 = arith.cmpi eq, %select_n3A_14, %eq3A : i32
      %select_n3A_16 = arith.constant 39 : i32
      %select_n3A_17 = arith.select %eq3A_15, %select_n3A_16, %select_n3A_14 : i32
      %add3A_18 = arith.addi %select_n3A_17, %mul3A_6 : i32
      %select_n3A_19 = arith.constant true
      %select_n3A_20 = arith.constant 0 : i32
      %select_n3A_21 = arith.constant 1 : i32
      %select_n3A_22 = arith.select %select_n3A_19, %select_n3A_21, %select_n3A_20 : i32
      %eq3A_23 = arith.constant 40 : i32
      %eq3A_24 = arith.cmpi eq, %select_n3A_22, %eq3A_23 : i32
      %select_n3A_25 = arith.constant 0 : i32
      %select_n3A_26 = arith.select %eq3A_24, %select_n3A_25, %select_n3A_22 : i32
      %add3A_27 = arith.addi %select_n3A_26, %mul3A_6 : i32
      %add3A_28 = arith.constant 1 : i32
      %add3A_29 = arith.addi %select_n3A_26, %add3A_28 : i32
      %select_n3A_30 = arith.constant true
      %select_n3A_31 = arith.select %select_n3A_30, %add3A_29, %select_n3A_26 : i32
      %eq3A_32 = arith.constant 40 : i32
      %eq3A_33 = arith.cmpi eq, %select_n3A_31, %eq3A_32 : i32
      %select_n3A_34 = arith.constant 0 : i32
      %select_n3A_35 = arith.select %eq3A_33, %select_n3A_34, %select_n3A_31 : i32
      %add3A_36 = arith.addi %select_n3A_35, %mul3A_6 : i32
      "tpu.trace_start"() <{level = 10 : i32, message = "ep_initialize_0"}> : () -> ()
      %rem3A = arith.constant 0 : i32
      %rem3A_37 = arith.constant 2 : i32
      %rem3A_38 = arith.remui %rem3A, %rem3A_37 : i32
      %mul3A_39 = arith.constant 128 : i32
      %mul3A_40 = arith.muli %mul3A_39, %add3A_11 : i32
      %dma_start3A = arith.constant 0 : i32
      %dma_start3A_41 = arith.constant 0 : i32
      %dma_start3A_42 = tpu.memref_slice %run_scoped3A[%rem3A_38, %dma_start3A, %dma_start3A_41] : memref<2x1x128xi32, #tpu.memory_space<vmem>> -> memref<1x1x128xi32, #tpu.memory_space<vmem>>
      %dma_start3A_43 = tpu.memref_squeeze %dma_start3A_42 : memref<1x1x128xi32, #tpu.memory_space<vmem>> -> memref<1x128xi32, #tpu.memory_space<vmem>>
      %dma_start3A_44 = arith.constant 0 : i32
      %dma_start3A_45 = tpu.memref_slice %arg3[%dma_start3A_44, %mul3A_40] : memref<1x163840xi32, #tpu.memory_space<hbm>> -> memref<1x128xi32, #tpu.memory_space<hbm>>
      %dma_start3A_46 = tpu.memref_slice %run_scoped3A_7[%rem3A_38] : memref<2x!tpu.dma_semaphore, #tpu.memory_space<semaphore_mem>> -> memref<1x!tpu.dma_semaphore, #tpu.memory_space<semaphore_mem>>
      %dma_start3A_47 = tpu.memref_squeeze %dma_start3A_46 : memref<1x!tpu.dma_semaphore, #tpu.memory_space<semaphore_mem>> -> memref<!tpu.dma_semaphore, #tpu.memory_space<semaphore_mem>>
      %dma_start3A_48 = arith.constant 0 : i32
      %dma_start3A_49 = arith.constant 0 : i32
      %dma_start3A_50 = tpu.memref_slice %run_scoped3A[%rem3A_38, %dma_start3A_48, %dma_start3A_49] : memref<2x1x128xi32, #tpu.memory_space<vmem>> -> memref<1x1x128xi32, #tpu.memory_space<vmem>>
      %dma_start3A_51 = tpu.memref_squeeze %dma_start3A_50 : memref<1x1x128xi32, #tpu.memory_space<vmem>> -> memref<1x128xi32, #tpu.memory_space<vmem>>
      %dma_start3A_52 = arith.constant 0 : i32
      %dma_start3A_53 = tpu.memref_slice %arg3[%dma_start3A_52, %mul3A_40] : memref<1x163840xi32, #tpu.memory_space<hbm>> -> memref<1x128xi32, #tpu.memory_space<hbm>>
      tpu.enqueue_dma source(%dma_start3A_53 : memref<1x128xi32, #tpu.memory_space<hbm>>) target(%dma_start3A_51 : memref<1x128xi32, #tpu.memory_space<vmem>>) target_semaphore(%dma_start3A_47 : memref<!tpu.dma_semaphore, #tpu.memory_space<semaphore_mem>>)
      %add3A_54 = arith.constant 0 : i32
      %add3A_55 = arith.constant 1 : i32
      %add3A_56 = arith.addi %add3A_54, %add3A_55 : i32
      %select_n3A_57 = arith.constant true
      %select_n3A_58 = arith.constant 0 : i32
      %select_n3A_59 = arith.select %select_n3A_57, %add3A_56, %select_n3A_58 : i32
      "tpu.trace_stop"() : () -> ()
      %scan3A = arith.constant 0 : i32
      %scan3A_60 = arith.constant 0 : i32
      %scan3A_61 = arith.constant 0 : i32
      %scan3A_62 = arith.constant 0 : i32
      %scan3A_63 = arith.constant 0 : i32
      %scan3A_64 = arith.constant 40 : i32
      %scan3A_65 = arith.addi %scan3A_63, %scan3A_64 : i32
      %scan3A_66 = arith.constant 1 : i32
      %scan3A_67:5 = scf.for %scan3A_121 = %scan3A_63 to %scan3A_65 step %scan3A_66 iter_args(%scan3A_122 = %select_n3A_59, %scan3A_123 = %scan3A, %scan3A_124 = %scan3A_60, %scan3A_125 = %scan3A_61, %scan3A_126 = %scan3A_62) -> (i32, i32, i32, i32, i32)  : i32 {
        %eq3A_127 = arith.constant 0 : i32
        %eq3A_128 = arith.cmpi eq, %scan3A_121, %eq3A_127 : i32
        %eq3A_129 = arith.constant 39 : i32
        %eq3A_130 = arith.cmpi eq, %scan3A_121, %eq3A_129 : i32
        %add3A_131 = arith.addi %scan3A_126, %mul3A_6 : i32
        %sub3A_132 = arith.constant 1 : i32
        %sub3A_133 = arith.subi %scan3A_126, %sub3A_132 : i32
        %select_n3A_134 = arith.constant true
        %select_n3A_135 = arith.select %select_n3A_134, %sub3A_133, %scan3A_126 : i32
        %eq3A_136 = arith.constant -1 : i32
        %eq3A_137 = arith.cmpi eq, %select_n3A_135, %eq3A_136 : i32
        %select_n3A_138 = arith.constant 39 : i32
        %select_n3A_139 = arith.select %eq3A_137, %select_n3A_138, %select_n3A_135 : i32
        %add3A_140 = arith.addi %select_n3A_139, %mul3A_6 : i32
        %add3A_141 = arith.constant 1 : i32
        %add3A_142 = arith.addi %scan3A_126, %add3A_141 : i32
        %select_n3A_143 = arith.constant true
        %select_n3A_144 = arith.select %select_n3A_143, %add3A_142, %scan3A_126 : i32
        %eq3A_145 = arith.constant 40 : i32
        %eq3A_146 = arith.cmpi eq, %select_n3A_144, %eq3A_145 : i32
        %select_n3A_147 = arith.constant 0 : i32
        %select_n3A_148 = arith.select %eq3A_146, %select_n3A_147, %select_n3A_144 : i32
        %add3A_149 = arith.addi %select_n3A_148, %mul3A_6 : i32
        %add3A_150 = arith.constant 1 : i32
        %add3A_151 = arith.addi %select_n3A_148, %add3A_150 : i32
        %select_n3A_152 = arith.constant true
        %select_n3A_153 = arith.select %select_n3A_152, %add3A_151, %select_n3A_148 : i32
        %eq3A_154 = arith.constant 40 : i32
        %eq3A_155 = arith.cmpi eq, %select_n3A_153, %eq3A_154 : i32
        %select_n3A_156 = arith.constant 0 : i32
        %select_n3A_157 = arith.select %eq3A_155, %select_n3A_156, %select_n3A_153 : i32
        %add3A_158 = arith.addi %select_n3A_157, %mul3A_6 : i32
        %ne3A = arith.cmpi ne, %add3A_131, %add3A_149 : i32
        %or3A = arith.constant false
        %or3A_159 = arith.ori %or3A, %ne3A : i1
        %ge3A = arith.constant 39 : i32
        %ge3A_160 = arith.cmpi sge, %scan3A_121, %ge3A : i32
        %not3A = arith.constant true
        %not3A_161 = arith.xori %ge3A_160, %not3A : i1
        %and3A = arith.andi %or3A_159, %not3A_161 : i1
        %convert_element_type3A = arith.extui %and3A : i1 to i32
        %cond3A = arith.constant 0 : i32
        %cond3A_162 = arith.cmpi ne, %convert_element_type3A, %cond3A : i32
        scf.if %cond3A_162 {
          "tpu.trace_start"() <{level = 10 : i32, message = "ep_copy_in"}> : () -> ()
          %rem3A_264 = arith.constant 2 : i32
          %rem3A_265 = arith.remui %scan3A_122, %rem3A_264 : i32
          %mul3A_266 = arith.constant 128 : i32
          %mul3A_267 = arith.muli %mul3A_266, %add3A_149 : i32
          %dma_start3A_268 = arith.constant 0 : i32
          %dma_start3A_269 = arith.constant 0 : i32
          %dma_start3A_270 = tpu.memref_slice %run_scoped3A[%rem3A_265, %dma_start3A_268, %dma_start3A_269] : memref<2x1x128xi32, #tpu.memory_space<vmem>> -> memref<1x1x128xi32, #tpu.memory_space<vmem>>
          %dma_start3A_271 = tpu.memref_squeeze %dma_start3A_270 : memref<1x1x128xi32, #tpu.memory_space<vmem>> -> memref<1x128xi32, #tpu.memory_space<vmem>>
          %dma_start3A_272 = arith.constant 0 : i32
          %dma_start3A_273 = tpu.memref_slice %arg3[%dma_start3A_272, %mul3A_267] : memref<1x163840xi32, #tpu.memory_space<hbm>> -> memref<1x128xi32, #tpu.memory_space<hbm>>
          %dma_start3A_274 = tpu.memref_slice %run_scoped3A_7[%rem3A_265] : memref<2x!tpu.dma_semaphore, #tpu.memory_space<semaphore_mem>> -> memref<1x!tpu.dma_semaphore, #tpu.memory_space<semaphore_mem>>
          %dma_start3A_275 = tpu.memref_squeeze %dma_start3A_274 : memref<1x!tpu.dma_semaphore, #tpu.memory_space<semaphore_mem>> -> memref<!tpu.dma_semaphore, #tpu.memory_space<semaphore_mem>>
          %dma_start3A_276 = arith.constant 0 : i32
          %dma_start3A_277 = arith.constant 0 : i32
          %dma_start3A_278 = tpu.memref_slice %run_scoped3A[%rem3A_265, %dma_start3A_276, %dma_start3A_277] : memref<2x1x128xi32, #tpu.memory_space<vmem>> -> memref<1x1x128xi32, #tpu.memory_space<vmem>>
          %dma_start3A_279 = tpu.memref_squeeze %dma_start3A_278 : memref<1x1x128xi32, #tpu.memory_space<vmem>> -> memref<1x128xi32, #tpu.memory_space<vmem>>
          %dma_start3A_280 = arith.constant 0 : i32
          %dma_start3A_281 = tpu.memref_slice %arg3[%dma_start3A_280, %mul3A_267] : memref<1x163840xi32, #tpu.memory_space<hbm>> -> memref<1x128xi32, #tpu.memory_space<hbm>>
          tpu.enqueue_dma source(%dma_start3A_281 : memref<1x128xi32, #tpu.memory_space<hbm>>) target(%dma_start3A_279 : memref<1x128xi32, #tpu.memory_space<vmem>>) target_semaphore(%dma_start3A_275 : memref<!tpu.dma_semaphore, #tpu.memory_space<semaphore_mem>>)
          "tpu.trace_stop"() : () -> ()
        } else {
        }
        %and3A_163 = arith.constant true
        %and3A_164 = arith.andi %and3A, %and3A_163 : i1
        %add3A_165 = arith.constant 1 : i32
        %add3A_166 = arith.addi %scan3A_122, %add3A_165 : i32
        %select_n3A_167 = arith.select %and3A_164, %add3A_166, %scan3A_122 : i32
        %ne3A_168 = arith.cmpi ne, %add3A_131, %add3A_149 : i32
        %or3A_169 = arith.constant false
        %or3A_170 = arith.ori %or3A_169, %ne3A_168 : i1
        %or3A_171 = arith.constant false
        %or3A_172 = arith.ori %or3A_170, %or3A_171 : i1
        %ge3A_173 = arith.constant 39 : i32
        %ge3A_174 = arith.cmpi sge, %scan3A_121, %ge3A_173 : i32
        %not3A_175 = arith.constant true
        %not3A_176 = arith.xori %ge3A_174, %not3A_175 : i1
        %and3A_177 = arith.andi %or3A_172, %not3A_176 : i1
        %ne3A_178 = arith.cmpi ne, %add3A_131, %add3A_140 : i32
        %or3A_179 = arith.constant false
        %or3A_180 = arith.ori %or3A_179, %ne3A_178 : i1
        %or3A_181 = arith.ori %or3A_180, %eq3A_128 : i1
        %convert_element_type3A_182 = arith.extui %or3A_181 : i1 to i32
        %cond3A_183 = arith.constant 0 : i32
        %cond3A_184 = arith.cmpi ne, %convert_element_type3A_182, %cond3A_183 : i32
        scf.if %cond3A_184 {
          "tpu.trace_start"() <{level = 10 : i32, message = "ep_wait_in"}> : () -> ()
          %mul3A_264 = arith.constant 128 : i32
          %mul3A_265 = arith.muli %mul3A_264, %add3A_131 : i32
          %rem3A_266 = arith.constant 2 : i32
          %rem3A_267 = arith.remui %scan3A_123, %rem3A_266 : i32
          %dma_wait3A_268 = arith.constant 0 : i32
          %dma_wait3A_269 = arith.constant 0 : i32
          %dma_wait3A_270 = tpu.memref_slice %run_scoped3A[%rem3A_267, %dma_wait3A_268, %dma_wait3A_269] : memref<2x1x128xi32, #tpu.memory_space<vmem>> -> memref<1x1x128xi32, #tpu.memory_space<vmem>>
          %dma_wait3A_271 = tpu.memref_squeeze %dma_wait3A_270 : memref<1x1x128xi32, #tpu.memory_space<vmem>> -> memref<1x128xi32, #tpu.memory_space<vmem>>
          %dma_wait3A_272 = arith.constant 0 : i32
          %dma_wait3A_273 = tpu.memref_slice %arg3[%dma_wait3A_272, %mul3A_265] : memref<1x163840xi32, #tpu.memory_space<hbm>> -> memref<1x128xi32, #tpu.memory_space<hbm>>
          %dma_wait3A_274 = tpu.memref_slice %run_scoped3A_7[%rem3A_267] : memref<2x!tpu.dma_semaphore, #tpu.memory_space<semaphore_mem>> -> memref<1x!tpu.dma_semaphore, #tpu.memory_space<semaphore_mem>>
          %dma_wait3A_275 = tpu.memref_squeeze %dma_wait3A_274 : memref<1x!tpu.dma_semaphore, #tpu.memory_space<semaphore_mem>> -> memref<!tpu.dma_semaphore, #tpu.memory_space<semaphore_mem>>
          %dma_wait3A_276 = arith.constant 0 : i32
          %dma_wait3A_277 = arith.constant 0 : i32
          %dma_wait3A_278 = tpu.memref_slice %run_scoped3A[%rem3A_267, %dma_wait3A_276, %dma_wait3A_277] : memref<2x1x128xi32, #tpu.memory_space<vmem>> -> memref<1x1x128xi32, #tpu.memory_space<vmem>>
          %dma_wait3A_279 = tpu.memref_squeeze %dma_wait3A_278 : memref<1x1x128xi32, #tpu.memory_space<vmem>> -> memref<1x128xi32, #tpu.memory_space<vmem>>
          %dma_wait3A_280 = arith.constant 0 : i32
          %dma_wait3A_281 = tpu.memref_slice %arg3[%dma_wait3A_280, %mul3A_265] : memref<1x163840xi32, #tpu.memory_space<hbm>> -> memref<1x128xi32, #tpu.memory_space<hbm>>
          tpu.wait_dma2 semaphore(%dma_wait3A_275 : memref<!tpu.dma_semaphore, #tpu.memory_space<semaphore_mem>>) src(%dma_wait3A_281 : memref<1x128xi32, #tpu.memory_space<hbm>>) dst(%dma_wait3A_279 : memref<1x128xi32, #tpu.memory_space<vmem>>)
          "tpu.trace_stop"() : () -> ()
        } else {
        }
        %ne3A_185 = arith.cmpi ne, %add3A_131, %add3A_140 : i32
        %or3A_186 = arith.constant false
        %or3A_187 = arith.ori %or3A_186, %ne3A_185 : i1
        %or3A_188 = arith.constant false
        %or3A_189 = arith.ori %or3A_187, %or3A_188 : i1
        %or3A_190 = arith.ori %or3A_189, %eq3A_128 : i1
        %convert_element_type3A_191 = arith.extui %or3A_190 : i1 to i32
        %cond3A_192 = arith.constant 0 : i32
        %cond3A_193 = arith.cmpi ne, %convert_element_type3A_191, %cond3A_192 : i32
        scf.if %cond3A_193 {
        } else {
        }
        %rem3A_194 = arith.constant 2 : i32
        %rem3A_195 = arith.remui %scan3A_123, %rem3A_194 : i32
        %rem3A_196 = arith.constant 2 : i32
        %rem3A_197 = arith.remui %scan3A_124, %rem3A_196 : i32
        %run_scoped3A_198 = arith.constant 0 : i32
        "tpu.trace_start"() <{level = 10 : i32, message = "ep_run_kernel"}> : () -> ()
        "tpu.region"() ({
          %run_scoped3A_264 = tpu.sem_alloc : memref<!tpu.dma_semaphore, #tpu.memory_space<semaphore_mem>>
          %dma_start3A_265 = arith.constant 0 : i32
          %dma_start3A_266 = arith.constant 0 : i32
          %dma_start3A_267 = tpu.memref_slice %run_scoped3A_8[%rem3A_197, %dma_start3A_265, %dma_start3A_266] : memref<2x128x64xf32, #tpu.memory_space<vmem>> -> memref<1x128x64xf32, #tpu.memory_space<vmem>>
          %dma_start3A_268 = tpu.memref_squeeze %dma_start3A_267 : memref<1x128x64xf32, #tpu.memory_space<vmem>> -> memref<128x64xf32, #tpu.memory_space<vmem>>
          %dma_start3A_269 = arith.constant 0 : i32
          %dma_start3A_270 = arith.constant 0 : i32
          %dma_start3A_271 = tpu.memref_slice %run_scoped3A[%rem3A_195, %dma_start3A_269, %dma_start3A_270] : memref<2x1x128xi32, #tpu.memory_space<vmem>> -> memref<1x1x128xi32, #tpu.memory_space<vmem>>
          %dma_start3A_272 = tpu.memref_squeeze %dma_start3A_271 : memref<1x1x128xi32, #tpu.memory_space<vmem>> -> memref<1x128xi32, #tpu.memory_space<vmem>>
          %dma_start3A_273 = arith.constant 0 : i32
          %dma_start3A_274 = tpu.memref_slice %dma_start3A_272[%run_scoped3A_198, %dma_start3A_273] : memref<1x128xi32, #tpu.memory_space<vmem>> -> memref<1x128xi32, #tpu.memory_space<vmem>>
          %dma_start3A_275 = tpu.memref_squeeze %dma_start3A_274 : memref<1x128xi32, #tpu.memory_space<vmem>> -> memref<128xi32, #tpu.memory_space<vmem>>
          %dma_start3A_276 = arith.constant 0 : i32
          %dma_start3A_277 = arith.constant 0 : i32
          %dma_start3A_278 = tpu.memref_slice %arg2[%dma_start3A_276, %dma_start3A_277] : memref<2048x64xf32, #tpu.memory_space<hbm>> -> memref<2048x64xf32, #tpu.memory_space<hbm>>
          tpu.enqueue_indirect_dma source(%dma_start3A_278 : memref<2048x64xf32, #tpu.memory_space<hbm>>) target(%dma_start3A_268 : memref<128x64xf32, #tpu.memory_space<vmem>>) offsets(%dma_start3A_275 : memref<128xi32, #tpu.memory_space<vmem>>) semaphore(%run_scoped3A_264 : memref<!tpu.dma_semaphore, #tpu.memory_space<semaphore_mem>>)
          %dma_wait3A_279 = arith.constant 0 : i32
          %dma_wait3A_280 = arith.constant 0 : i32
          %dma_wait3A_281 = tpu.memref_slice %run_scoped3A_8[%rem3A_197, %dma_wait3A_279, %dma_wait3A_280] : memref<2x128x64xf32, #tpu.memory_space<vmem>> -> memref<1x128x64xf32, #tpu.memory_space<vmem>>
          %dma_wait3A_282 = tpu.memref_squeeze %dma_wait3A_281 : memref<1x128x64xf32, #tpu.memory_space<vmem>> -> memref<128x64xf32, #tpu.memory_space<vmem>>
          %dma_wait3A_283 = arith.constant 0 : i32
          %dma_wait3A_284 = arith.constant 0 : i32
          %dma_wait3A_285 = tpu.memref_slice %run_scoped3A[%rem3A_195, %dma_wait3A_283, %dma_wait3A_284] : memref<2x1x128xi32, #tpu.memory_space<vmem>> -> memref<1x1x128xi32, #tpu.memory_space<vmem>>
          %dma_wait3A_286 = tpu.memref_squeeze %dma_wait3A_285 : memref<1x1x128xi32, #tpu.memory_space<vmem>> -> memref<1x128xi32, #tpu.memory_space<vmem>>
          %dma_wait3A_287 = arith.constant 0 : i32
          %dma_wait3A_288 = tpu.memref_slice %dma_wait3A_286[%run_scoped3A_198, %dma_wait3A_287] : memref<1x128xi32, #tpu.memory_space<vmem>> -> memref<1x128xi32, #tpu.memory_space<vmem>>
          %dma_wait3A_289 = tpu.memref_squeeze %dma_wait3A_288 : memref<1x128xi32, #tpu.memory_space<vmem>> -> memref<128xi32, #tpu.memory_space<vmem>>
          %dma_wait3A_290 = arith.constant 0 : i32
          %dma_wait3A_291 = arith.constant 0 : i32
          %dma_wait3A_292 = tpu.memref_slice %arg2[%dma_wait3A_290, %dma_wait3A_291] : memref<2048x64xf32, #tpu.memory_space<hbm>> -> memref<2048x64xf32, #tpu.memory_space<hbm>>
          tpu.wait_indirect_dma semaphore(%run_scoped3A_264 : memref<!tpu.dma_semaphore, #tpu.memory_space<semaphore_mem>>) src(%dma_wait3A_292 : memref<2048x64xf32, #tpu.memory_space<hbm>>) dst(%dma_wait3A_282 : memref<128x64xf32, #tpu.memory_space<vmem>>)
          tpu.yield
        }) : () -> ()
        "tpu.trace_stop"() : () -> ()
        %ne3A_199 = arith.cmpi ne, %add3A_131, %add3A_149 : i32
        %or3A_200 = arith.constant false
        %or3A_201 = arith.ori %or3A_200, %ne3A_199 : i1
        %or3A_202 = arith.ori %or3A_201, %eq3A_130 : i1
        %convert_element_type3A_203 = arith.extui %or3A_202 : i1 to i32
        %cond3A_204 = arith.constant 0 : i32
        %cond3A_205 = arith.cmpi ne, %convert_element_type3A_203, %cond3A_204 : i32
        scf.if %cond3A_205 {
        } else {
        }
        %and3A_206 = arith.constant false
        %and3A_207 = arith.andi %or3A_202, %and3A_206 : i1
        %ne3A_208 = arith.cmpi ne, %add3A_131, %add3A_149 : i32
        %or3A_209 = arith.constant false
        %or3A_210 = arith.ori %or3A_209, %ne3A_208 : i1
        %or3A_211 = arith.constant false
        %or3A_212 = arith.ori %or3A_210, %or3A_211 : i1
        %or3A_213 = arith.ori %or3A_212, %eq3A_130 : i1
        %convert_element_type3A_214 = arith.extui %or3A_213 : i1 to i32
        %cond3A_215 = arith.constant 0 : i32
        %cond3A_216 = arith.cmpi ne, %convert_element_type3A_214, %cond3A_215 : i32
        scf.if %cond3A_216 {
          "tpu.trace_start"() <{level = 10 : i32, message = "ep_copy_out"}> : () -> ()
          %rem3A_264 = arith.constant 2 : i32
          %rem3A_265 = arith.remui %scan3A_124, %rem3A_264 : i32
          %mul3A_266 = arith.constant 128 : i32
          %mul3A_267 = arith.muli %mul3A_266, %add3A_131 : i32
          %dma_start3A_268 = arith.constant 0 : i32
          %dma_start3A_269 = arith.constant 0 : i32
          %dma_start3A_270 = tpu.memref_slice %run_scoped3A_8[%rem3A_265, %dma_start3A_268, %dma_start3A_269] : memref<2x128x64xf32, #tpu.memory_space<vmem>> -> memref<1x128x64xf32, #tpu.memory_space<vmem>>
          %dma_start3A_271 = tpu.memref_squeeze %dma_start3A_270 : memref<1x128x64xf32, #tpu.memory_space<vmem>> -> memref<128x64xf32, #tpu.memory_space<vmem>>
          %dma_start3A_272 = arith.constant 0 : i32
          %dma_start3A_273 = tpu.memref_slice %arg4[%mul3A_267, %dma_start3A_272] : memref<163840x64xf32, #tpu.memory_space<hbm>> -> memref<128x64xf32, #tpu.memory_space<hbm>>
          %dma_start3A_274 = tpu.memref_slice %run_scoped3A_9[%rem3A_265] : memref<2x!tpu.dma_semaphore, #tpu.memory_space<semaphore_mem>> -> memref<1x!tpu.dma_semaphore, #tpu.memory_space<semaphore_mem>>
          %dma_start3A_275 = tpu.memref_squeeze %dma_start3A_274 : memref<1x!tpu.dma_semaphore, #tpu.memory_space<semaphore_mem>> -> memref<!tpu.dma_semaphore, #tpu.memory_space<semaphore_mem>>
          %dma_start3A_276 = arith.constant 0 : i32
          %dma_start3A_277 = tpu.memref_slice %arg4[%mul3A_267, %dma_start3A_276] : memref<163840x64xf32, #tpu.memory_space<hbm>> -> memref<128x64xf32, #tpu.memory_space<hbm>>
          %dma_start3A_278 = arith.constant 0 : i32
          %dma_start3A_279 = arith.constant 0 : i32
          %dma_start3A_280 = tpu.memref_slice %run_scoped3A_8[%rem3A_265, %dma_start3A_278, %dma_start3A_279] : memref<2x128x64xf32, #tpu.memory_space<vmem>> -> memref<1x128x64xf32, #tpu.memory_space<vmem>>
          %dma_start3A_281 = tpu.memref_squeeze %dma_start3A_280 : memref<1x128x64xf32, #tpu.memory_space<vmem>> -> memref<128x64xf32, #tpu.memory_space<vmem>>
          tpu.enqueue_dma source(%dma_start3A_281 : memref<128x64xf32, #tpu.memory_space<vmem>>) target(%dma_start3A_277 : memref<128x64xf32, #tpu.memory_space<hbm>>) target_semaphore(%dma_start3A_275 : memref<!tpu.dma_semaphore, #tpu.memory_space<semaphore_mem>>)
          "tpu.trace_stop"() : () -> ()
        } else {
        }
        %and3A_217 = arith.constant true
        %and3A_218 = arith.andi %or3A_213, %and3A_217 : i1
        %add3A_219 = arith.constant 1 : i32
        %add3A_220 = arith.addi %scan3A_124, %add3A_219 : i32
        %select_n3A_221 = arith.select %and3A_218, %add3A_220, %scan3A_124 : i32
        %ne3A_222 = arith.cmpi ne, %add3A_131, %add3A_140 : i32
        %or3A_223 = arith.constant false
        %or3A_224 = arith.ori %or3A_223, %ne3A_222 : i1
        %not3A_225 = arith.constant true
        %not3A_226 = arith.xori %eq3A_128, %not3A_225 : i1
        %and3A_227 = arith.andi %or3A_224, %not3A_226 : i1
        %convert_element_type3A_228 = arith.extui %and3A_227 : i1 to i32
        %cond3A_229 = arith.constant 0 : i32
        %cond3A_230 = arith.cmpi ne, %convert_element_type3A_228, %cond3A_229 : i32
        scf.if %cond3A_230 {
        } else {
        }
        %and3A_231 = arith.constant false
        %and3A_232 = arith.andi %and3A_227, %and3A_231 : i1
        %ne3A_233 = arith.cmpi ne, %add3A_131, %add3A_140 : i32
        %or3A_234 = arith.constant false
        %or3A_235 = arith.ori %or3A_234, %ne3A_233 : i1
        %or3A_236 = arith.constant false
        %or3A_237 = arith.ori %or3A_235, %or3A_236 : i1
        %not3A_238 = arith.constant true
        %not3A_239 = arith.xori %eq3A_128, %not3A_238 : i1
        %and3A_240 = arith.andi %or3A_237, %not3A_239 : i1
        %convert_element_type3A_241 = arith.extui %and3A_240 : i1 to i32
        %cond3A_242 = arith.constant 0 : i32
        %cond3A_243 = arith.cmpi ne, %convert_element_type3A_241, %cond3A_242 : i32
        scf.if %cond3A_243 {
          "tpu.trace_start"() <{level = 10 : i32, message = "ep_wait_out"}> : () -> ()
          %rem3A_264 = arith.constant 2 : i32
          %rem3A_265 = arith.remui %scan3A_125, %rem3A_264 : i32
          %mul3A_266 = arith.constant 128 : i32
          %mul3A_267 = arith.muli %mul3A_266, %add3A_140 : i32
          %dma_wait3A_268 = arith.constant 0 : i32
          %dma_wait3A_269 = arith.constant 0 : i32
          %dma_wait3A_270 = tpu.memref_slice %run_scoped3A_8[%rem3A_265, %dma_wait3A_268, %dma_wait3A_269] : memref<2x128x64xf32, #tpu.memory_space<vmem>> -> memref<1x128x64xf32, #tpu.memory_space<vmem>>
          %dma_wait3A_271 = tpu.memref_squeeze %dma_wait3A_270 : memref<1x128x64xf32, #tpu.memory_space<vmem>> -> memref<128x64xf32, #tpu.memory_space<vmem>>
          %dma_wait3A_272 = arith.constant 0 : i32
          %dma_wait3A_273 = tpu.memref_slice %arg4[%mul3A_267, %dma_wait3A_272] : memref<163840x64xf32, #tpu.memory_space<hbm>> -> memref<128x64xf32, #tpu.memory_space<hbm>>
          %dma_wait3A_274 = tpu.memref_slice %run_scoped3A_9[%rem3A_265] : memref<2x!tpu.dma_semaphore, #tpu.memory_space<semaphore_mem>> -> memref<1x!tpu.dma_semaphore, #tpu.memory_space<semaphore_mem>>
          %dma_wait3A_275 = tpu.memref_squeeze %dma_wait3A_274 : memref<1x!tpu.dma_semaphore, #tpu.memory_space<semaphore_mem>> -> memref<!tpu.dma_semaphore, #tpu.memory_space<semaphore_mem>>
          %dma_wait3A_276 = arith.constant 0 : i32
          %dma_wait3A_277 = tpu.memref_slice %arg4[%mul3A_267, %dma_wait3A_276] : memref<163840x64xf32, #tpu.memory_space<hbm>> -> memref<128x64xf32, #tpu.memory_space<hbm>>
          %dma_wait3A_278 = arith.constant 0 : i32
          %dma_wait3A_279 = arith.constant 0 : i32
          %dma_wait3A_280 = tpu.memref_slice %run_scoped3A_8[%rem3A_265, %dma_wait3A_278, %dma_wait3A_279] : memref<2x128x64xf32, #tpu.memory_space<vmem>> -> memref<1x128x64xf32, #tpu.memory_space<vmem>>
          %dma_wait3A_281 = tpu.memref_squeeze %dma_wait3A_280 : memref<1x128x64xf32, #tpu.memory_space<vmem>> -> memref<128x64xf32, #tpu.memory_space<vmem>>
          tpu.wait_dma2 semaphore(%dma_wait3A_275 : memref<!tpu.dma_semaphore, #tpu.memory_space<semaphore_mem>>) src(%dma_wait3A_281 : memref<128x64xf32, #tpu.memory_space<vmem>>) dst(%dma_wait3A_277 : memref<128x64xf32, #tpu.memory_space<hbm>>)
          "tpu.trace_stop"() : () -> ()
        } else {
        }
        %and3A_244 = arith.constant true
        %and3A_245 = arith.andi %and3A_240, %and3A_244 : i1
        %add3A_246 = arith.constant 1 : i32
        %add3A_247 = arith.addi %scan3A_125, %add3A_246 : i32
        %select_n3A_248 = arith.select %and3A_245, %add3A_247, %scan3A_125 : i32
        %ne3A_249 = arith.cmpi ne, %add3A_131, %add3A_149 : i32
        %or3A_250 = arith.constant false
        %or3A_251 = arith.ori %or3A_250, %ne3A_249 : i1
        %or3A_252 = arith.ori %or3A_251, %eq3A_130 : i1
        %add3A_253 = arith.constant 1 : i32
        %add3A_254 = arith.addi %scan3A_123, %add3A_253 : i32
        %select_n3A_255 = arith.select %or3A_252, %add3A_254, %scan3A_123 : i32
        %add3A_256 = arith.constant 1 : i32
        %add3A_257 = arith.addi %scan3A_126, %add3A_256 : i32
        %select_n3A_258 = arith.constant true
        %select_n3A_259 = arith.select %select_n3A_258, %add3A_257, %scan3A_126 : i32
        %eq3A_260 = arith.constant 40 : i32
        %eq3A_261 = arith.cmpi eq, %select_n3A_259, %eq3A_260 : i32
        %select_n3A_262 = arith.constant 0 : i32
        %select_n3A_263 = arith.select %eq3A_261, %select_n3A_262, %select_n3A_259 : i32
        scf.yield %select_n3A_167, %select_n3A_255, %select_n3A_221, %select_n3A_248, %select_n3A_263 : i32, i32, i32, i32, i32
      }
      %scan3A_68 = arith.constant 40 : i32
      %sub3A = arith.constant 1 : i32
      %sub3A_69 = arith.subi %scan3A_67#4, %sub3A : i32
      %select_n3A_70 = arith.constant true
      %select_n3A_71 = arith.select %select_n3A_70, %sub3A_69, %scan3A_67#4 : i32
      %eq3A_72 = arith.constant -1 : i32
      %eq3A_73 = arith.cmpi eq, %select_n3A_71, %eq3A_72 : i32
      %select_n3A_74 = arith.constant 39 : i32
      %select_n3A_75 = arith.select %eq3A_73, %select_n3A_74, %select_n3A_71 : i32
      %add3A_76 = arith.addi %select_n3A_75, %mul3A_6 : i32
      %sub3A_77 = arith.constant 1 : i32
      %sub3A_78 = arith.subi %select_n3A_75, %sub3A_77 : i32
      %select_n3A_79 = arith.constant true
      %select_n3A_80 = arith.select %select_n3A_79, %sub3A_78, %select_n3A_75 : i32
      %eq3A_81 = arith.constant -1 : i32
      %eq3A_82 = arith.cmpi eq, %select_n3A_80, %eq3A_81 : i32
      %select_n3A_83 = arith.constant 39 : i32
      %select_n3A_84 = arith.select %eq3A_82, %select_n3A_83, %select_n3A_80 : i32
      %add3A_85 = arith.addi %select_n3A_84, %mul3A_6 : i32
      %add3A_86 = arith.constant 1 : i32
      %add3A_87 = arith.addi %select_n3A_75, %add3A_86 : i32
      %select_n3A_88 = arith.constant true
      %select_n3A_89 = arith.select %select_n3A_88, %add3A_87, %select_n3A_75 : i32
      %eq3A_90 = arith.constant 40 : i32
      %eq3A_91 = arith.cmpi eq, %select_n3A_89, %eq3A_90 : i32
      %select_n3A_92 = arith.constant 0 : i32
      %select_n3A_93 = arith.select %eq3A_91, %select_n3A_92, %select_n3A_89 : i32
      %add3A_94 = arith.addi %select_n3A_93, %mul3A_6 : i32
      %add3A_95 = arith.constant 1 : i32
      %add3A_96 = arith.addi %select_n3A_93, %add3A_95 : i32
      %select_n3A_97 = arith.constant true
      %select_n3A_98 = arith.select %select_n3A_97, %add3A_96, %select_n3A_93 : i32
      %eq3A_99 = arith.constant 40 : i32
      %eq3A_100 = arith.cmpi eq, %select_n3A_98, %eq3A_99 : i32
      %select_n3A_101 = arith.constant 0 : i32
      %select_n3A_102 = arith.select %eq3A_100, %select_n3A_101, %select_n3A_98 : i32
      %add3A_103 = arith.addi %select_n3A_102, %mul3A_6 : i32
      "tpu.trace_start"() <{level = 10 : i32, message = "ep_finalize"}> : () -> ()
      %rem3A_104 = arith.constant 2 : i32
      %rem3A_105 = arith.remui %scan3A_67#3, %rem3A_104 : i32
      %mul3A_106 = arith.constant 128 : i32
      %mul3A_107 = arith.muli %mul3A_106, %add3A_76 : i32
      %dma_wait3A = arith.constant 0 : i32
      %dma_wait3A_108 = arith.constant 0 : i32
      %dma_wait3A_109 = tpu.memref_slice %run_scoped3A_8[%rem3A_105, %dma_wait3A, %dma_wait3A_108] : memref<2x128x64xf32, #tpu.memory_space<vmem>> -> memref<1x128x64xf32, #tpu.memory_space<vmem>>
      %dma_wait3A_110 = tpu.memref_squeeze %dma_wait3A_109 : memref<1x128x64xf32, #tpu.memory_space<vmem>> -> memref<128x64xf32, #tpu.memory_space<vmem>>
      %dma_wait3A_111 = arith.constant 0 : i32
      %dma_wait3A_112 = tpu.memref_slice %arg4[%mul3A_107, %dma_wait3A_111] : memref<163840x64xf32, #tpu.memory_space<hbm>> -> memref<128x64xf32, #tpu.memory_space<hbm>>
      %dma_wait3A_113 = tpu.memref_slice %run_scoped3A_9[%rem3A_105] : memref<2x!tpu.dma_semaphore, #tpu.memory_space<semaphore_mem>> -> memref<1x!tpu.dma_semaphore, #tpu.memory_space<semaphore_mem>>
      %dma_wait3A_114 = tpu.memref_squeeze %dma_wait3A_113 : memref<1x!tpu.dma_semaphore, #tpu.memory_space<semaphore_mem>> -> memref<!tpu.dma_semaphore, #tpu.memory_space<semaphore_mem>>
      %dma_wait3A_115 = arith.constant 0 : i32
      %dma_wait3A_116 = tpu.memref_slice %arg4[%mul3A_107, %dma_wait3A_115] : memref<163840x64xf32, #tpu.memory_space<hbm>> -> memref<128x64xf32, #tpu.memory_space<hbm>>
      %dma_wait3A_117 = arith.constant 0 : i32
      %dma_wait3A_118 = arith.constant 0 : i32
      %dma_wait3A_119 = tpu.memref_slice %run_scoped3A_8[%rem3A_105, %dma_wait3A_117, %dma_wait3A_118] : memref<2x128x64xf32, #tpu.memory_space<vmem>> -> memref<1x128x64xf32, #tpu.memory_space<vmem>>
      %dma_wait3A_120 = tpu.memref_squeeze %dma_wait3A_119 : memref<1x128x64xf32, #tpu.memory_space<vmem>> -> memref<128x64xf32, #tpu.memory_space<vmem>>
      tpu.wait_dma2 semaphore(%dma_wait3A_114 : memref<!tpu.dma_semaphore, #tpu.memory_space<semaphore_mem>>) src(%dma_wait3A_120 : memref<128x64xf32, #tpu.memory_space<vmem>>) dst(%dma_wait3A_116 : memref<128x64xf32, #tpu.memory_space<hbm>>)
      "tpu.trace_stop"() : () -> ()
      tpu.yield
    }) : () -> ()
    return
  }
}

#map = affine_map<(d0, d1) -> (0, 0)>
module attributes {stable_mosaic.version = 14 : i64} {
  func.func @kern(%arg0: i32, %arg1: i32, %arg2: memref<2048x64xf32, #tpu.memory_space<hbm>>, %arg3: memref<1x163840xi32, #tpu.memory_space<hbm>>, %arg4: memref<163840x64xf32, #tpu.memory_space<hbm>>) attributes {dimension_semantics = [#tpu.dimension_semantics<core_parallel>, #tpu.dimension_semantics<subcore_parallel>], iteration_bounds = array<i64: 2, 16>, scalar_prefetch = 0 : i64, scratch_operands = 0 : i64, tpu.core_type = #tpu.core_type<sc_vector_subcore>, window_params = [{transform_indices = #map}, {transform_indices = #map}, {transform_indices = #map}]} {
    %mul3A = arith.constant 1 : i32
    %mul3A_0 = arith.muli %arg1, %mul3A : i32
    %add3A = arith.constant 0 : i32
    %add3A_1 = arith.addi %add3A, %mul3A_0 : i32
    %mul3A_2 = arith.constant 16 : i32
    %mul3A_3 = arith.muli %arg0, %mul3A_2 : i32
    %add3A_4 = arith.addi %add3A_1, %mul3A_3 : i32
    %mul3A_5 = arith.constant 40 : i32
    %mul3A_6 = arith.muli %add3A_4, %mul3A_5 : i32
    "tpu.region"() ({
      %run_scoped3A = memref.alloca() : memref<2x1x128xi32, #tpu.memory_space<vmem>>
      %run_scoped3A_7 = tpu.sem_alloc : memref<2x!tpu.dma_semaphore, #tpu.memory_space<semaphore_mem>>
      %run_scoped3A_8 = memref.alloca() : memref<2x128x64xf32, #tpu.memory_space<vmem>>
      %run_scoped3A_9 = tpu.sem_alloc : memref<2x!tpu.dma_semaphore, #tpu.memory_space<semaphore_mem>>
      %add3A_10 = arith.constant 0 : i32
      %add3A_11 = arith.addi %add3A_10, %mul3A_6 : i32
      %select_n3A = arith.constant true
      %select_n3A_12 = arith.constant 0 : i32
      %select_n3A_13 = arith.constant -1 : i32
      %select_n3A_14 = arith.select %select_n3A, %select_n3A_13, %select_n3A_12 : i32
      %eq3A = arith.constant -1 : i32
      %eq3A_15 = arith.cmpi eq, %select_n3A_14, %eq3A : i32
      %select_n3A_16 = arith.constant 39 : i32
      %select_n3A_17 = arith.select %eq3A_15, %select_n3A_16, %select_n3A_14 : i32
      %add3A_18 = arith.addi %select_n3A_17, %mul3A_6 : i32
      %select_n3A_19 = arith.constant true
      %select_n3A_20 = arith.constant 0 : i32
      %select_n3A_21 = arith.constant 1 : i32
      %select_n3A_22 = arith.select %select_n3A_19, %select_n3A_21, %select_n3A_20 : i32
      %eq3A_23 = arith.constant 40 : i32
      %eq3A_24 = arith.cmpi eq, %select_n3A_22, %eq3A_23 : i32
      %select_n3A_25 = arith.constant 0 : i32
      %select_n3A_26 = arith.select %eq3A_24, %select_n3A_25, %select_n3A_22 : i32
      %add3A_27 = arith.addi %select_n3A_26, %mul3A_6 : i32
      %add3A_28 = arith.constant 1 : i32
      %add3A_29 = arith.addi %select_n3A_26, %add3A_28 : i32
      %select_n3A_30 = arith.constant true
      %select_n3A_31 = arith.select %select_n3A_30, %add3A_29, %select_n3A_26 : i32
      %eq3A_32 = arith.constant 40 : i32
      %eq3A_33 = arith.cmpi eq, %select_n3A_31, %eq3A_32 : i32
      %select_n3A_34 = arith.constant 0 : i32
      %select_n3A_35 = arith.select %eq3A_33, %select_n3A_34, %select_n3A_31 : i32
      %add3A_36 = arith.addi %select_n3A_35, %mul3A_6 : i32
      "tpu.trace_start"() <{level = 10 : i32, message = "ep_initialize_0"}> : () -> ()
      %rem3A = arith.constant 0 : i32
      %rem3A_37 = arith.constant 2 : i32
      %rem3A_38 = arith.remui %rem3A, %rem3A_37 : i32
      %mul3A_39 = arith.constant 128 : i32
      %mul3A_40 = arith.muli %mul3A_39, %add3A_11 : i32
      %dma_start3A = arith.constant 0 : i32
      %dma_start3A_41 = arith.constant 0 : i32
      %dma_start3A_42 = tpu.memref_slice %run_scoped3A[%rem3A_38, %dma_start3A, %dma_start3A_41] : memref<2x1x128xi32, #tpu.memory_space<vmem>> -> memref<1x1x128xi32, #tpu.memory_space<vmem>>
      %dma_start3A_43 = tpu.memref_squeeze %dma_start3A_42 : memref<1x1x128xi32, #tpu.memory_space<vmem>> -> memref<1x128xi32, #tpu.memory_space<vmem>>
      %dma_start3A_44 = arith.constant 0 : i32
      %dma_start3A_45 = tpu.memref_slice %arg3[%dma_start3A_44, %mul3A_40] : memref<1x163840xi32, #tpu.memory_space<hbm>> -> memref<1x128xi32, #tpu.memory_space<hbm>>
      %dma_start3A_46 = tpu.memref_slice %run_scoped3A_7[%rem3A_38] : memref<2x!tpu.dma_semaphore, #tpu.memory_space<semaphore_mem>> -> memref<1x!tpu.dma_semaphore, #tpu.memory_space<semaphore_mem>>
      %dma_start3A_47 = tpu.memref_squeeze %dma_start3A_46 : memref<1x!tpu.dma_semaphore, #tpu.memory_space<semaphore_mem>> -> memref<!tpu.dma_semaphore, #tpu.memory_space<semaphore_mem>>
      %dma_start3A_48 = arith.constant 0 : i32
      %dma_start3A_49 = arith.constant 0 : i32
      %dma_start3A_50 = tpu.memref_slice %run_scoped3A[%rem3A_38, %dma_start3A_48, %dma_start3A_49] : memref<2x1x128xi32, #tpu.memory_space<vmem>> -> memref<1x1x128xi32, #tpu.memory_space<vmem>>
      %dma_start3A_51 = tpu.memref_squeeze %dma_start3A_50 : memref<1x1x128xi32, #tpu.memory_space<vmem>> -> memref<1x128xi32, #tpu.memory_space<vmem>>
      %dma_start3A_52 = arith.constant 0 : i32
      %dma_start3A_53 = tpu.memref_slice %arg3[%dma_start3A_52, %mul3A_40] : memref<1x163840xi32, #tpu.memory_space<hbm>> -> memref<1x128xi32, #tpu.memory_space<hbm>>
      tpu.enqueue_dma source(%dma_start3A_53 : memref<1x128xi32, #tpu.memory_space<hbm>>) target(%dma_start3A_51 : memref<1x128xi32, #tpu.memory_space<vmem>>) target_semaphore(%dma_start3A_47 : memref<!tpu.dma_semaphore, #tpu.memory_space<semaphore_mem>>)
      %add3A_54 = arith.constant 0 : i32
      %add3A_55 = arith.constant 1 : i32
      %add3A_56 = arith.addi %add3A_54, %add3A_55 : i32
      %select_n3A_57 = arith.constant true
      %select_n3A_58 = arith.constant 0 : i32
      %select_n3A_59 = arith.select %select_n3A_57, %add3A_56, %select_n3A_58 : i32
      "tpu.trace_stop"() : () -> ()
      %scan3A = arith.constant 0 : i32
      %scan3A_60 = arith.constant 0 : i32
      %scan3A_61 = arith.constant 0 : i32
      %scan3A_62 = arith.constant 0 : i32
      %scan3A_63 = arith.constant 0 : i32
      %scan3A_64 = arith.constant 40 : i32
      %scan3A_65 = arith.addi %scan3A_63, %scan3A_64 : i32
      %scan3A_66 = arith.constant 1 : i32
      %scan3A_67:5 = scf.for %scan3A_121 = %scan3A_63 to %scan3A_65 step %scan3A_66 iter_args(%scan3A_122 = %select_n3A_59, %scan3A_123 = %scan3A, %scan3A_124 = %scan3A_60, %scan3A_125 = %scan3A_61, %scan3A_126 = %scan3A_62) -> (i32, i32, i32, i32, i32)  : i32 {
        %eq3A_127 = arith.constant 0 : i32
        %eq3A_128 = arith.cmpi eq, %scan3A_121, %eq3A_127 : i32
        %eq3A_129 = arith.constant 39 : i32
        %eq3A_130 = arith.cmpi eq, %scan3A_121, %eq3A_129 : i32
        %add3A_131 = arith.addi %scan3A_126, %mul3A_6 : i32
        %sub3A_132 = arith.constant 1 : i32
        %sub3A_133 = arith.subi %scan3A_126, %sub3A_132 : i32
        %select_n3A_134 = arith.constant true
        %select_n3A_135 = arith.select %select_n3A_134, %sub3A_133, %scan3A_126 : i32
        %eq3A_136 = arith.constant -1 : i32
        %eq3A_137 = arith.cmpi eq, %select_n3A_135, %eq3A_136 : i32
        %select_n3A_138 = arith.constant 39 : i32
        %select_n3A_139 = arith.select %eq3A_137, %select_n3A_138, %select_n3A_135 : i32
        %add3A_140 = arith.addi %select_n3A_139, %mul3A_6 : i32
        %add3A_141 = arith.constant 1 : i32
        %add3A_142 = arith.addi %scan3A_126, %add3A_141 : i32
        %select_n3A_143 = arith.constant true
        %select_n3A_144 = arith.select %select_n3A_143, %add3A_142, %scan3A_126 : i32
        %eq3A_145 = arith.constant 40 : i32
        %eq3A_146 = arith.cmpi eq, %select_n3A_144, %eq3A_145 : i32
        %select_n3A_147 = arith.constant 0 : i32
        %select_n3A_148 = arith.select %eq3A_146, %select_n3A_147, %select_n3A_144 : i32
        %add3A_149 = arith.addi %select_n3A_148, %mul3A_6 : i32
        %add3A_150 = arith.constant 1 : i32
        %add3A_151 = arith.addi %select_n3A_148, %add3A_150 : i32
        %select_n3A_152 = arith.constant true
        %select_n3A_153 = arith.select %select_n3A_152, %add3A_151, %select_n3A_148 : i32
        %eq3A_154 = arith.constant 40 : i32
        %eq3A_155 = arith.cmpi eq, %select_n3A_153, %eq3A_154 : i32
        %select_n3A_156 = arith.constant 0 : i32
        %select_n3A_157 = arith.select %eq3A_155, %select_n3A_156, %select_n3A_153 : i32
        %add3A_158 = arith.addi %select_n3A_157, %mul3A_6 : i32
        %ne3A = arith.cmpi ne, %add3A_131, %add3A_149 : i32
        %or3A = arith.constant false
        %or3A_159 = arith.ori %or3A, %ne3A : i1
        %ge3A = arith.constant 39 : i32
        %ge3A_160 = arith.cmpi sge, %scan3A_121, %ge3A : i32
        %not3A = arith.constant true
        %not3A_161 = arith.xori %ge3A_160, %not3A : i1
        %and3A = arith.andi %or3A_159, %not3A_161 : i1
        %convert_element_type3A = arith.extui %and3A : i1 to i32
        %cond3A = arith.constant 0 : i32
        %cond3A_162 = arith.cmpi ne, %convert_element_type3A, %cond3A : i32
        scf.if %cond3A_162 {
          "tpu.trace_start"() <{level = 10 : i32, message = "ep_copy_in"}> : () -> ()
          %rem3A_264 = arith.constant 2 : i32
          %rem3A_265 = arith.remui %scan3A_122, %rem3A_264 : i32
          %mul3A_266 = arith.constant 128 : i32
          %mul3A_267 = arith.muli %mul3A_266, %add3A_149 : i32
          %dma_start3A_268 = arith.constant 0 : i32
          %dma_start3A_269 = arith.constant 0 : i32
          %dma_start3A_270 = tpu.memref_slice %run_scoped3A[%rem3A_265, %dma_start3A_268, %dma_start3A_269] : memref<2x1x128xi32, #tpu.memory_space<vmem>> -> memref<1x1x128xi32, #tpu.memory_space<vmem>>
          %dma_start3A_271 = tpu.memref_squeeze %dma_start3A_270 : memref<1x1x128xi32, #tpu.memory_space<vmem>> -> memref<1x128xi32, #tpu.memory_space<vmem>>
          %dma_start3A_272 = arith.constant 0 : i32
          %dma_start3A_273 = tpu.memref_slice %arg3[%dma_start3A_272, %mul3A_267] : memref<1x163840xi32, #tpu.memory_space<hbm>> -> memref<1x128xi32, #tpu.memory_space<hbm>>
          %dma_start3A_274 = tpu.memref_slice %run_scoped3A_7[%rem3A_265] : memref<2x!tpu.dma_semaphore, #tpu.memory_space<semaphore_mem>> -> memref<1x!tpu.dma_semaphore, #tpu.memory_space<semaphore_mem>>
          %dma_start3A_275 = tpu.memref_squeeze %dma_start3A_274 : memref<1x!tpu.dma_semaphore, #tpu.memory_space<semaphore_mem>> -> memref<!tpu.dma_semaphore, #tpu.memory_space<semaphore_mem>>
          %dma_start3A_276 = arith.constant 0 : i32
          %dma_start3A_277 = arith.constant 0 : i32
          %dma_start3A_278 = tpu.memref_slice %run_scoped3A[%rem3A_265, %dma_start3A_276, %dma_start3A_277] : memref<2x1x128xi32, #tpu.memory_space<vmem>> -> memref<1x1x128xi32, #tpu.memory_space<vmem>>
          %dma_start3A_279 = tpu.memref_squeeze %dma_start3A_278 : memref<1x1x128xi32, #tpu.memory_space<vmem>> -> memref<1x128xi32, #tpu.memory_space<vmem>>
          %dma_start3A_280 = arith.constant 0 : i32
          %dma_start3A_281 = tpu.memref_slice %arg3[%dma_start3A_280, %mul3A_267] : memref<1x163840xi32, #tpu.memory_space<hbm>> -> memref<1x128xi32, #tpu.memory_space<hbm>>
          tpu.enqueue_dma source(%dma_start3A_281 : memref<1x128xi32, #tpu.memory_space<hbm>>) target(%dma_start3A_279 : memref<1x128xi32, #tpu.memory_space<vmem>>) target_semaphore(%dma_start3A_275 : memref<!tpu.dma_semaphore, #tpu.memory_space<semaphore_mem>>)
          "tpu.trace_stop"() : () -> ()
        } else {
        }
        %and3A_163 = arith.constant true
        %and3A_164 = arith.andi %and3A, %and3A_163 : i1
        %add3A_165 = arith.constant 1 : i32
        %add3A_166 = arith.addi %scan3A_122, %add3A_165 : i32
        %select_n3A_167 = arith.select %and3A_164, %add3A_166, %scan3A_122 : i32
        %ne3A_168 = arith.cmpi ne, %add3A_131, %add3A_149 : i32
        %or3A_169 = arith.constant false
        %or3A_170 = arith.ori %or3A_169, %ne3A_168 : i1
        %or3A_171 = arith.constant false
        %or3A_172 = arith.ori %or3A_170, %or3A_171 : i1
        %ge3A_173 = arith.constant 39 : i32
        %ge3A_174 = arith.cmpi sge, %scan3A_121, %ge3A_173 : i32
        %not3A_175 = arith.constant true
        %not3A_176 = arith.xori %ge3A_174, %not3A_175 : i1
        %and3A_177 = arith.andi %or3A_172, %not3A_176 : i1
        %ne3A_178 = arith.cmpi ne, %add3A_131, %add3A_140 : i32
        %or3A_179 = arith.constant false
        %or3A_180 = arith.ori %or3A_179, %ne3A_178 : i1
        %or3A_181 = arith.ori %or3A_180, %eq3A_128 : i1
        %convert_element_type3A_182 = arith.extui %or3A_181 : i1 to i32
        %cond3A_183 = arith.constant 0 : i32
        %cond3A_184 = arith.cmpi ne, %convert_element_type3A_182, %cond3A_183 : i32
        scf.if %cond3A_184 {
          "tpu.trace_start"() <{level = 10 : i32, message = "ep_wait_in"}> : () -> ()
          %mul3A_264 = arith.constant 128 : i32
          %mul3A_265 = arith.muli %mul3A_264, %add3A_131 : i32
          %rem3A_266 = arith.constant 2 : i32
          %rem3A_267 = arith.remui %scan3A_123, %rem3A_266 : i32
          %dma_wait3A_268 = arith.constant 0 : i32
          %dma_wait3A_269 = arith.constant 0 : i32
          %dma_wait3A_270 = tpu.memref_slice %run_scoped3A[%rem3A_267, %dma_wait3A_268, %dma_wait3A_269] : memref<2x1x128xi32, #tpu.memory_space<vmem>> -> memref<1x1x128xi32, #tpu.memory_space<vmem>>
          %dma_wait3A_271 = tpu.memref_squeeze %dma_wait3A_270 : memref<1x1x128xi32, #tpu.memory_space<vmem>> -> memref<1x128xi32, #tpu.memory_space<vmem>>
          %dma_wait3A_272 = arith.constant 0 : i32
          %dma_wait3A_273 = tpu.memref_slice %arg3[%dma_wait3A_272, %mul3A_265] : memref<1x163840xi32, #tpu.memory_space<hbm>> -> memref<1x128xi32, #tpu.memory_space<hbm>>
          %dma_wait3A_274 = tpu.memref_slice %run_scoped3A_7[%rem3A_267] : memref<2x!tpu.dma_semaphore, #tpu.memory_space<semaphore_mem>> -> memref<1x!tpu.dma_semaphore, #tpu.memory_space<semaphore_mem>>
          %dma_wait3A_275 = tpu.memref_squeeze %dma_wait3A_274 : memref<1x!tpu.dma_semaphore, #tpu.memory_space<semaphore_mem>> -> memref<!tpu.dma_semaphore, #tpu.memory_space<semaphore_mem>>
          %dma_wait3A_276 = arith.constant 0 : i32
          %dma_wait3A_277 = arith.constant 0 : i32
          %dma_wait3A_278 = tpu.memref_slice %run_scoped3A[%rem3A_267, %dma_wait3A_276, %dma_wait3A_277] : memref<2x1x128xi32, #tpu.memory_space<vmem>> -> memref<1x1x128xi32, #tpu.memory_space<vmem>>
          %dma_wait3A_279 = tpu.memref_squeeze %dma_wait3A_278 : memref<1x1x128xi32, #tpu.memory_space<vmem>> -> memref<1x128xi32, #tpu.memory_space<vmem>>
          %dma_wait3A_280 = arith.constant 0 : i32
          %dma_wait3A_281 = tpu.memref_slice %arg3[%dma_wait3A_280, %mul3A_265] : memref<1x163840xi32, #tpu.memory_space<hbm>> -> memref<1x128xi32, #tpu.memory_space<hbm>>
          tpu.wait_dma2 semaphore(%dma_wait3A_275 : memref<!tpu.dma_semaphore, #tpu.memory_space<semaphore_mem>>) src(%dma_wait3A_281 : memref<1x128xi32, #tpu.memory_space<hbm>>) dst(%dma_wait3A_279 : memref<1x128xi32, #tpu.memory_space<vmem>>)
          "tpu.trace_stop"() : () -> ()
        } else {
        }
        %ne3A_185 = arith.cmpi ne, %add3A_131, %add3A_140 : i32
        %or3A_186 = arith.constant false
        %or3A_187 = arith.ori %or3A_186, %ne3A_185 : i1
        %or3A_188 = arith.constant false
        %or3A_189 = arith.ori %or3A_187, %or3A_188 : i1
        %or3A_190 = arith.ori %or3A_189, %eq3A_128 : i1
        %convert_element_type3A_191 = arith.extui %or3A_190 : i1 to i32
        %cond3A_192 = arith.constant 0 : i32
        %cond3A_193 = arith.cmpi ne, %convert_element_type3A_191, %cond3A_192 : i32
        scf.if %cond3A_193 {
        } else {
        }
        %rem3A_194 = arith.constant 2 : i32
        %rem3A_195 = arith.remui %scan3A_123, %rem3A_194 : i32
        %rem3A_196 = arith.constant 2 : i32
        %rem3A_197 = arith.remui %scan3A_124, %rem3A_196 : i32
        %run_scoped3A_198 = arith.constant 0 : i32
        "tpu.trace_start"() <{level = 10 : i32, message = "ep_run_kernel"}> : () -> ()
        "tpu.region"() ({
          %run_scoped3A_264 = tpu.sem_alloc : memref<!tpu.dma_semaphore, #tpu.memory_space<semaphore_mem>>
          %dma_start3A_265 = arith.constant 0 : i32
          %dma_start3A_266 = arith.constant 0 : i32
          %dma_start3A_267 = tpu.memref_slice %run_scoped3A_8[%rem3A_197, %dma_start3A_265, %dma_start3A_266] : memref<2x128x64xf32, #tpu.memory_space<vmem>> -> memref<1x128x64xf32, #tpu.memory_space<vmem>>
          %dma_start3A_268 = tpu.memref_squeeze %dma_start3A_267 : memref<1x128x64xf32, #tpu.memory_space<vmem>> -> memref<128x64xf32, #tpu.memory_space<vmem>>
          %dma_start3A_269 = arith.constant 0 : i32
          %dma_start3A_270 = arith.constant 0 : i32
          %dma_start3A_271 = tpu.memref_slice %run_scoped3A[%rem3A_195, %dma_start3A_269, %dma_start3A_270] : memref<2x1x128xi32, #tpu.memory_space<vmem>> -> memref<1x1x128xi32, #tpu.memory_space<vmem>>
          %dma_start3A_272 = tpu.memref_squeeze %dma_start3A_271 : memref<1x1x128xi32, #tpu.memory_space<vmem>> -> memref<1x128xi32, #tpu.memory_space<vmem>>
          %dma_start3A_273 = arith.constant 0 : i32
          %dma_start3A_274 = tpu.memref_slice %dma_start3A_272[%run_scoped3A_198, %dma_start3A_273] : memref<1x128xi32, #tpu.memory_space<vmem>> -> memref<1x128xi32, #tpu.memory_space<vmem>>
          %dma_start3A_275 = tpu.memref_squeeze %dma_start3A_274 : memref<1x128xi32, #tpu.memory_space<vmem>> -> memref<128xi32, #tpu.memory_space<vmem>>
          %dma_start3A_276 = arith.constant 0 : i32
          %dma_start3A_277 = arith.constant 0 : i32
          %dma_start3A_278 = tpu.memref_slice %arg2[%dma_start3A_276, %dma_start3A_277] : memref<2048x64xf32, #tpu.memory_space<hbm>> -> memref<2048x64xf32, #tpu.memory_space<hbm>>
          tpu.enqueue_indirect_dma source(%dma_start3A_278 : memref<2048x64xf32, #tpu.memory_space<hbm>>) target(%dma_start3A_268 : memref<128x64xf32, #tpu.memory_space<vmem>>) offsets(%dma_start3A_275 : memref<128xi32, #tpu.memory_space<vmem>>) semaphore(%run_scoped3A_264 : memref<!tpu.dma_semaphore, #tpu.memory_space<semaphore_mem>>)
          %dma_wait3A_279 = arith.constant 0 : i32
          %dma_wait3A_280 = arith.constant 0 : i32
          %dma_wait3A_281 = tpu.memref_slice %run_scoped3A_8[%rem3A_197, %dma_wait3A_279, %dma_wait3A_280] : memref<2x128x64xf32, #tpu.memory_space<vmem>> -> memref<1x128x64xf32, #tpu.memory_space<vmem>>
          %dma_wait3A_282 = tpu.memref_squeeze %dma_wait3A_281 : memref<1x128x64xf32, #tpu.memory_space<vmem>> -> memref<128x64xf32, #tpu.memory_space<vmem>>
          %dma_wait3A_283 = arith.constant 0 : i32
          %dma_wait3A_284 = arith.constant 0 : i32
          %dma_wait3A_285 = tpu.memref_slice %run_scoped3A[%rem3A_195, %dma_wait3A_283, %dma_wait3A_284] : memref<2x1x128xi32, #tpu.memory_space<vmem>> -> memref<1x1x128xi32, #tpu.memory_space<vmem>>
          %dma_wait3A_286 = tpu.memref_squeeze %dma_wait3A_285 : memref<1x1x128xi32, #tpu.memory_space<vmem>> -> memref<1x128xi32, #tpu.memory_space<vmem>>
          %dma_wait3A_287 = arith.constant 0 : i32
          %dma_wait3A_288 = tpu.memref_slice %dma_wait3A_286[%run_scoped3A_198, %dma_wait3A_287] : memref<1x128xi32, #tpu.memory_space<vmem>> -> memref<1x128xi32, #tpu.memory_space<vmem>>
          %dma_wait3A_289 = tpu.memref_squeeze %dma_wait3A_288 : memref<1x128xi32, #tpu.memory_space<vmem>> -> memref<128xi32, #tpu.memory_space<vmem>>
          %dma_wait3A_290 = arith.constant 0 : i32
          %dma_wait3A_291 = arith.constant 0 : i32
          %dma_wait3A_292 = tpu.memref_slice %arg2[%dma_wait3A_290, %dma_wait3A_291] : memref<2048x64xf32, #tpu.memory_space<hbm>> -> memref<2048x64xf32, #tpu.memory_space<hbm>>
          tpu.wait_indirect_dma semaphore(%run_scoped3A_264 : memref<!tpu.dma_semaphore, #tpu.memory_space<semaphore_mem>>) src(%dma_wait3A_292 : memref<2048x64xf32, #tpu.memory_space<hbm>>) dst(%dma_wait3A_282 : memref<128x64xf32, #tpu.memory_space<vmem>>)
          tpu.yield
        }) : () -> ()
        "tpu.trace_stop"() : () -> ()
        %ne3A_199 = arith.cmpi ne, %add3A_131, %add3A_149 : i32
        %or3A_200 = arith.constant false
        %or3A_201 = arith.ori %or3A_200, %ne3A_199 : i1
        %or3A_202 = arith.ori %or3A_201, %eq3A_130 : i1
        %convert_element_type3A_203 = arith.extui %or3A_202 : i1 to i32
        %cond3A_204 = arith.constant 0 : i32
        %cond3A_205 = arith.cmpi ne, %convert_element_type3A_203, %cond3A_204 : i32
        scf.if %cond3A_205 {
        } else {
        }
        %and3A_206 = arith.constant false
        %and3A_207 = arith.andi %or3A_202, %and3A_206 : i1
        %ne3A_208 = arith.cmpi ne, %add3A_131, %add3A_149 : i32
        %or3A_209 = arith.constant false
        %or3A_210 = arith.ori %or3A_209, %ne3A_208 : i1
        %or3A_211 = arith.constant false
        %or3A_212 = arith.ori %or3A_210, %or3A_211 : i1
        %or3A_213 = arith.ori %or3A_212, %eq3A_130 : i1
        %convert_element_type3A_214 = arith.extui %or3A_213 : i1 to i32
        %cond3A_215 = arith.constant 0 : i32
        %cond3A_216 = arith.cmpi ne, %convert_element_type3A_214, %cond3A_215 : i32
        scf.if %cond3A_216 {
          "tpu.trace_start"() <{level = 10 : i32, message = "ep_copy_out"}> : () -> ()
          %rem3A_264 = arith.constant 2 : i32
          %rem3A_265 = arith.remui %scan3A_124, %rem3A_264 : i32
          %mul3A_266 = arith.constant 128 : i32
          %mul3A_267 = arith.muli %mul3A_266, %add3A_131 : i32
          %dma_start3A_268 = arith.constant 0 : i32
          %dma_start3A_269 = arith.constant 0 : i32
          %dma_start3A_270 = tpu.memref_slice %run_scoped3A_8[%rem3A_265, %dma_start3A_268, %dma_start3A_269] : memref<2x128x64xf32, #tpu.memory_space<vmem>> -> memref<1x128x64xf32, #tpu.memory_space<vmem>>
          %dma_start3A_271 = tpu.memref_squeeze %dma_start3A_270 : memref<1x128x64xf32, #tpu.memory_space<vmem>> -> memref<128x64xf32, #tpu.memory_space<vmem>>
          %dma_start3A_272 = arith.constant 0 : i32
          %dma_start3A_273 = tpu.memref_slice %arg4[%mul3A_267, %dma_start3A_272] : memref<163840x64xf32, #tpu.memory_space<hbm>> -> memref<128x64xf32, #tpu.memory_space<hbm>>
          %dma_start3A_274 = tpu.memref_slice %run_scoped3A_9[%rem3A_265] : memref<2x!tpu.dma_semaphore, #tpu.memory_space<semaphore_mem>> -> memref<1x!tpu.dma_semaphore, #tpu.memory_space<semaphore_mem>>
          %dma_start3A_275 = tpu.memref_squeeze %dma_start3A_274 : memref<1x!tpu.dma_semaphore, #tpu.memory_space<semaphore_mem>> -> memref<!tpu.dma_semaphore, #tpu.memory_space<semaphore_mem>>
          %dma_start3A_276 = arith.constant 0 : i32
          %dma_start3A_277 = tpu.memref_slice %arg4[%mul3A_267, %dma_start3A_276] : memref<163840x64xf32, #tpu.memory_space<hbm>> -> memref<128x64xf32, #tpu.memory_space<hbm>>
          %dma_start3A_278 = arith.constant 0 : i32
          %dma_start3A_279 = arith.constant 0 : i32
          %dma_start3A_280 = tpu.memref_slice %run_scoped3A_8[%rem3A_265, %dma_start3A_278, %dma_start3A_279] : memref<2x128x64xf32, #tpu.memory_space<vmem>> -> memref<1x128x64xf32, #tpu.memory_space<vmem>>
          %dma_start3A_281 = tpu.memref_squeeze %dma_start3A_280 : memref<1x128x64xf32, #tpu.memory_space<vmem>> -> memref<128x64xf32, #tpu.memory_space<vmem>>
          tpu.enqueue_dma source(%dma_start3A_281 : memref<128x64xf32, #tpu.memory_space<vmem>>) target(%dma_start3A_277 : memref<128x64xf32, #tpu.memory_space<hbm>>) target_semaphore(%dma_start3A_275 : memref<!tpu.dma_semaphore, #tpu.memory_space<semaphore_mem>>)
          "tpu.trace_stop"() : () -> ()
        } else {
        }
        %and3A_217 = arith.constant true
        %and3A_218 = arith.andi %or3A_213, %and3A_217 : i1
        %add3A_219 = arith.constant 1 : i32
        %add3A_220 = arith.addi %scan3A_124, %add3A_219 : i32
        %select_n3A_221 = arith.select %and3A_218, %add3A_220, %scan3A_124 : i32
        %ne3A_222 = arith.cmpi ne, %add3A_131, %add3A_140 : i32
        %or3A_223 = arith.constant false
        %or3A_224 = arith.ori %or3A_223, %ne3A_222 : i1
        %not3A_225 = arith.constant true
        %not3A_226 = arith.xori %eq3A_128, %not3A_225 : i1
        %and3A_227 = arith.andi %or3A_224, %not3A_226 : i1
        %convert_element_type3A_228 = arith.extui %and3A_227 : i1 to i32
        %cond3A_229 = arith.constant 0 : i32
        %cond3A_230 = arith.cmpi ne, %convert_element_type3A_228, %cond3A_229 : i32
        scf.if %cond3A_230 {
        } else {
        }
        %and3A_231 = arith.constant false
        %and3A_232 = arith.andi %and3A_227, %and3A_231 : i1
        %ne3A_233 = arith.cmpi ne, %add3A_131, %add3A_140 : i32
        %or3A_234 = arith.constant false
        %or3A_235 = arith.ori %or3A_234, %ne3A_233 : i1
        %or3A_236 = arith.constant false
        %or3A_237 = arith.ori %or3A_235, %or3A_236 : i1
        %not3A_238 = arith.constant true
        %not3A_239 = arith.xori %eq3A_128, %not3A_238 : i1
        %and3A_240 = arith.andi %or3A_237, %not3A_239 : i1
        %convert_element_type3A_241 = arith.extui %and3A_240 : i1 to i32
        %cond3A_242 = arith.constant 0 : i32
        %cond3A_243 = arith.cmpi ne, %convert_element_type3A_241, %cond3A_242 : i32
        scf.if %cond3A_243 {
          "tpu.trace_start"() <{level = 10 : i32, message = "ep_wait_out"}> : () -> ()
          %rem3A_264 = arith.constant 2 : i32
          %rem3A_265 = arith.remui %scan3A_125, %rem3A_264 : i32
          %mul3A_266 = arith.constant 128 : i32
          %mul3A_267 = arith.muli %mul3A_266, %add3A_140 : i32
          %dma_wait3A_268 = arith.constant 0 : i32
          %dma_wait3A_269 = arith.constant 0 : i32
          %dma_wait3A_270 = tpu.memref_slice %run_scoped3A_8[%rem3A_265, %dma_wait3A_268, %dma_wait3A_269] : memref<2x128x64xf32, #tpu.memory_space<vmem>> -> memref<1x128x64xf32, #tpu.memory_space<vmem>>
          %dma_wait3A_271 = tpu.memref_squeeze %dma_wait3A_270 : memref<1x128x64xf32, #tpu.memory_space<vmem>> -> memref<128x64xf32, #tpu.memory_space<vmem>>
          %dma_wait3A_272 = arith.constant 0 : i32
          %dma_wait3A_273 = tpu.memref_slice %arg4[%mul3A_267, %dma_wait3A_272] : memref<163840x64xf32, #tpu.memory_space<hbm>> -> memref<128x64xf32, #tpu.memory_space<hbm>>
          %dma_wait3A_274 = tpu.memref_slice %run_scoped3A_9[%rem3A_265] : memref<2x!tpu.dma_semaphore, #tpu.memory_space<semaphore_mem>> -> memref<1x!tpu.dma_semaphore, #tpu.memory_space<semaphore_mem>>
          %dma_wait3A_275 = tpu.memref_squeeze %dma_wait3A_274 : memref<1x!tpu.dma_semaphore, #tpu.memory_space<semaphore_mem>> -> memref<!tpu.dma_semaphore, #tpu.memory_space<semaphore_mem>>
          %dma_wait3A_276 = arith.constant 0 : i32
          %dma_wait3A_277 = tpu.memref_slice %arg4[%mul3A_267, %dma_wait3A_276] : memref<163840x64xf32, #tpu.memory_space<hbm>> -> memref<128x64xf32, #tpu.memory_space<hbm>>
          %dma_wait3A_278 = arith.constant 0 : i32
          %dma_wait3A_279 = arith.constant 0 : i32
          %dma_wait3A_280 = tpu.memref_slice %run_scoped3A_8[%rem3A_265, %dma_wait3A_278, %dma_wait3A_279] : memref<2x128x64xf32, #tpu.memory_space<vmem>> -> memref<1x128x64xf32, #tpu.memory_space<vmem>>
          %dma_wait3A_281 = tpu.memref_squeeze %dma_wait3A_280 : memref<1x128x64xf32, #tpu.memory_space<vmem>> -> memref<128x64xf32, #tpu.memory_space<vmem>>
          tpu.wait_dma2 semaphore(%dma_wait3A_275 : memref<!tpu.dma_semaphore, #tpu.memory_space<semaphore_mem>>) src(%dma_wait3A_281 : memref<128x64xf32, #tpu.memory_space<vmem>>) dst(%dma_wait3A_277 : memref<128x64xf32, #tpu.memory_space<hbm>>)
          "tpu.trace_stop"() : () -> ()
        } else {
        }
        %and3A_244 = arith.constant true
        %and3A_245 = arith.andi %and3A_240, %and3A_244 : i1
        %add3A_246 = arith.constant 1 : i32
        %add3A_247 = arith.addi %scan3A_125, %add3A_246 : i32
        %select_n3A_248 = arith.select %and3A_245, %add3A_247, %scan3A_125 : i32
        %ne3A_249 = arith.cmpi ne, %add3A_131, %add3A_149 : i32
        %or3A_250 = arith.constant false
        %or3A_251 = arith.ori %or3A_250, %ne3A_249 : i1
        %or3A_252 = arith.ori %or3A_251, %eq3A_130 : i1
        %add3A_253 = arith.constant 1 : i32
        %add3A_254 = arith.addi %scan3A_123, %add3A_253 : i32
        %select_n3A_255 = arith.select %or3A_252, %add3A_254, %scan3A_123 : i32
        %add3A_256 = arith.constant 1 : i32
        %add3A_257 = arith.addi %scan3A_126, %add3A_256 : i32
        %select_n3A_258 = arith.constant true
        %select_n3A_259 = arith.select %select_n3A_258, %add3A_257, %scan3A_126 : i32
        %eq3A_260 = arith.constant 40 : i32
        %eq3A_261 = arith.cmpi eq, %select_n3A_259, %eq3A_260 : i32
        %select_n3A_262 = arith.constant 0 : i32
        %select_n3A_263 = arith.select %eq3A_261, %select_n3A_262, %select_n3A_259 : i32
        scf.yield %select_n3A_167, %select_n3A_255, %select_n3A_221, %select_n3A_248, %select_n3A_263 : i32, i32, i32, i32, i32
      }
      %scan3A_68 = arith.constant 40 : i32
      %sub3A = arith.constant 1 : i32
      %sub3A_69 = arith.subi %scan3A_67#4, %sub3A : i32
      %select_n3A_70 = arith.constant true
      %select_n3A_71 = arith.select %select_n3A_70, %sub3A_69, %scan3A_67#4 : i32
      %eq3A_72 = arith.constant -1 : i32
      %eq3A_73 = arith.cmpi eq, %select_n3A_71, %eq3A_72 : i32
      %select_n3A_74 = arith.constant 39 : i32
      %select_n3A_75 = arith.select %eq3A_73, %select_n3A_74, %select_n3A_71 : i32
      %add3A_76 = arith.addi %select_n3A_75, %mul3A_6 : i32
      %sub3A_77 = arith.constant 1 : i32
      %sub3A_78 = arith.subi %select_n3A_75, %sub3A_77 : i32
      %select_n3A_79 = arith.constant true
      %select_n3A_80 = arith.select %select_n3A_79, %sub3A_78, %select_n3A_75 : i32
      %eq3A_81 = arith.constant -1 : i32
      %eq3A_82 = arith.cmpi eq, %select_n3A_80, %eq3A_81 : i32
      %select_n3A_83 = arith.constant 39 : i32
      %select_n3A_84 = arith.select %eq3A_82, %select_n3A_83, %select_n3A_80 : i32
      %add3A_85 = arith.addi %select_n3A_84, %mul3A_6 : i32
      %add3A_86 = arith.constant 1 : i32
      %add3A_87 = arith.addi %select_n3A_75, %add3A_86 : i32
      %select_n3A_88 = arith.constant true
      %select_n3A_89 = arith.select %select_n3A_88, %add3A_87, %select_n3A_75 : i32
      %eq3A_90 = arith.constant 40 : i32
      %eq3A_91 = arith.cmpi eq, %select_n3A_89, %eq3A_90 : i32
      %select_n3A_92 = arith.constant 0 : i32
      %select_n3A_93 = arith.select %eq3A_91, %select_n3A_92, %select_n3A_89 : i32
      %add3A_94 = arith.addi %select_n3A_93, %mul3A_6 : i32
      %add3A_95 = arith.constant 1 : i32
      %add3A_96 = arith.addi %select_n3A_93, %add3A_95 : i32
      %select_n3A_97 = arith.constant true
      %select_n3A_98 = arith.select %select_n3A_97, %add3A_96, %select_n3A_93 : i32
      %eq3A_99 = arith.constant 40 : i32
      %eq3A_100 = arith.cmpi eq, %select_n3A_98, %eq3A_99 : i32
      %select_n3A_101 = arith.constant 0 : i32
      %select_n3A_102 = arith.select %eq3A_100, %select_n3A_101, %select_n3A_98 : i32
      %add3A_103 = arith.addi %select_n3A_102, %mul3A_6 : i32
      "tpu.trace_start"() <{level = 10 : i32, message = "ep_finalize"}> : () -> ()
      %rem3A_104 = arith.constant 2 : i32
      %rem3A_105 = arith.remui %scan3A_67#3, %rem3A_104 : i32
      %mul3A_106 = arith.constant 128 : i32
      %mul3A_107 = arith.muli %mul3A_106, %add3A_76 : i32
      %dma_wait3A = arith.constant 0 : i32
      %dma_wait3A_108 = arith.constant 0 : i32
      %dma_wait3A_109 = tpu.memref_slice %run_scoped3A_8[%rem3A_105, %dma_wait3A, %dma_wait3A_108] : memref<2x128x64xf32, #tpu.memory_space<vmem>> -> memref<1x128x64xf32, #tpu.memory_space<vmem>>
      %dma_wait3A_110 = tpu.memref_squeeze %dma_wait3A_109 : memref<1x128x64xf32, #tpu.memory_space<vmem>> -> memref<128x64xf32, #tpu.memory_space<vmem>>
      %dma_wait3A_111 = arith.constant 0 : i32
      %dma_wait3A_112 = tpu.memref_slice %arg4[%mul3A_107, %dma_wait3A_111] : memref<163840x64xf32, #tpu.memory_space<hbm>> -> memref<128x64xf32, #tpu.memory_space<hbm>>
      %dma_wait3A_113 = tpu.memref_slice %run_scoped3A_9[%rem3A_105] : memref<2x!tpu.dma_semaphore, #tpu.memory_space<semaphore_mem>> -> memref<1x!tpu.dma_semaphore, #tpu.memory_space<semaphore_mem>>
      %dma_wait3A_114 = tpu.memref_squeeze %dma_wait3A_113 : memref<1x!tpu.dma_semaphore, #tpu.memory_space<semaphore_mem>> -> memref<!tpu.dma_semaphore, #tpu.memory_space<semaphore_mem>>
      %dma_wait3A_115 = arith.constant 0 : i32
      %dma_wait3A_116 = tpu.memref_slice %arg4[%mul3A_107, %dma_wait3A_115] : memref<163840x64xf32, #tpu.memory_space<hbm>> -> memref<128x64xf32, #tpu.memory_space<hbm>>
      %dma_wait3A_117 = arith.constant 0 : i32
      %dma_wait3A_118 = arith.constant 0 : i32
      %dma_wait3A_119 = tpu.memref_slice %run_scoped3A_8[%rem3A_105, %dma_wait3A_117, %dma_wait3A_118] : memref<2x128x64xf32, #tpu.memory_space<vmem>> -> memref<1x128x64xf32, #tpu.memory_space<vmem>>
      %dma_wait3A_120 = tpu.memref_squeeze %dma_wait3A_119 : memref<1x128x64xf32, #tpu.memory_space<vmem>> -> memref<128x64xf32, #tpu.memory_space<vmem>>
      tpu.wait_dma2 semaphore(%dma_wait3A_114 : memref<!tpu.dma_semaphore, #tpu.memory_space<semaphore_mem>>) src(%dma_wait3A_120 : memref<128x64xf32, #tpu.memory_space<vmem>>) dst(%dma_wait3A_116 : memref<128x64xf32, #tpu.memory_space<hbm>>)
      "tpu.trace_stop"() : () -> ()
      tpu.yield
    }) : () -> ()
    return
  }
}

module attributes {stable_mosaic.version = 14 : i64} {
  func.func @_knn_body(%arg0: i32, %arg1: i32, %arg2: memref<1x2048x16xf32, #tpu.memory_space<vmem>>, %arg3: memref<1x16x2048xf32, #tpu.memory_space<vmem>>, %arg4: memref<1x2048x80xi32, #tpu.memory_space<vmem>>, %arg5: memref<2048x2048xf32, #tpu.memory_space<vmem>>, %arg6: memref<2048x80xi32, #tpu.memory_space<vmem>>) attributes {dimension_semantics = [#tpu.dimension_semantics<arbitrary>, #tpu.dimension_semantics<arbitrary>], iteration_bounds = array<i64: 1, 1>, scalar_prefetch = 0 : i64, scratch_operands = 2 : i64, tpu.core_type = #tpu.core_type<tc>, window_params = [{transform_indices = @transform_0, window_bounds = array<i64: 1, 2048, 16>}, {transform_indices = @transform_1, window_bounds = array<i64: 1, 16, 2048>}, {transform_indices = @transform_2, window_bounds = array<i64: 1, 2048, 80>}]} {
    %get3A = arith.constant 0 : index
    %get3A_0 = arith.constant 0 : index
    %get3A_1 = arith.constant 0 : index
    %get3A_2 = vector.load %arg2[%get3A, %get3A_0, %get3A_1] : memref<1x2048x16xf32, #tpu.memory_space<vmem>>, vector<1x2048x16xf32>
    %get3A_3 = vector.shape_cast %get3A_2 : vector<1x2048x16xf32> to vector<2048x16xf32>
    %get3A_4 = arith.constant 0 : index
    %get3A_5 = arith.constant 0 : index
    %get3A_6 = arith.constant 0 : index
    %get3A_7 = vector.load %arg3[%get3A_4, %get3A_5, %get3A_6] : memref<1x16x2048xf32, #tpu.memory_space<vmem>>, vector<1x16x2048xf32>
    %get3A_8 = vector.shape_cast %get3A_7 : vector<1x16x2048xf32> to vector<16x2048xf32>
    %mul3A = arith.constant 2048 : i32
    %mul3A_9 = arith.muli %arg1, %mul3A : i32
    %get3A_10 = arith.constant 0 : index
    %get3A_11 = arith.constant 0 : index
    %get3A_12 = arith.index_cast %mul3A_9 : i32 to index
    %get3A_13 = vector.load %arg3[%get3A_10, %get3A_11, %get3A_12] : memref<1x16x2048xf32, #tpu.memory_space<vmem>>, vector<1x16x2048xf32>
    %get3A_14 = vector.shape_cast %get3A_13 : vector<1x16x2048xf32> to vector<16x2048xf32>
    %dot_general3A = arith.constant dense<0.000000e+00> : vector<2048x2048xf32>
    %dot_general3A_15 = tpu.matmul %get3A_14, %get3A_8, %dot_general3A {dimension_numbers = #tpu.dot_dimension_numbers<[0], [0], [1], [1], [0, 1, 1, 1], [], []>, transpose_lhs_hint = false} : vector<16x2048xf32>, vector<16x2048xf32>, vector<2048x2048xf32> -> vector<2048x2048xf32>
    %mul3A_16 = arith.mulf %get3A_3, %get3A_3 : vector<2048x16xf32>
    %reduce_sum3A = arith.constant dense<0.000000e+00> : vector<2048xf32>
    %reduce_sum3A_17 = vector.multi_reduction <add>, %mul3A_16, %reduce_sum3A [1] : vector<2048x16xf32> to vector<2048xf32>
    %broadcast_in_dim3A = vector.shape_cast %reduce_sum3A_17 : vector<2048xf32> to vector<2048x1xf32>
    %mul3A_18 = arith.mulf %get3A_8, %get3A_8 : vector<16x2048xf32>
    %reduce_sum3A_19 = arith.constant dense<0.000000e+00> : vector<2048xf32>
    %reduce_sum3A_20 = vector.multi_reduction <add>, %mul3A_18, %reduce_sum3A_19 [0] : vector<16x2048xf32> to vector<2048xf32>
    %broadcast_in_dim3A_21 = vector.shape_cast %reduce_sum3A_20 : vector<2048xf32> to vector<1x2048xf32>
    %mul3A_22 = arith.constant 2.000000e+00 : f32
    %mul3A_23 = vector.broadcast %mul3A_22 : f32 to vector<2048x2048xf32>
    %mul3A_24 = arith.mulf %mul3A_23, %dot_general3A_15 : vector<2048x2048xf32>
    %sub3A = vector.broadcast %broadcast_in_dim3A : vector<2048x1xf32> to vector<2048x2048xf32>
    %sub3A_25 = arith.subf %mul3A_24, %sub3A : vector<2048x2048xf32>
    %sub3A_26 = vector.broadcast %broadcast_in_dim3A_21 : vector<1x2048xf32> to vector<2048x2048xf32>
    %sub3A_27 = arith.subf %sub3A_25, %sub3A_26 : vector<2048x2048xf32>
    %swap3A = arith.constant 0 : index
    %swap3A_28 = arith.constant 0 : index
    %swap3A_29 = vector.load %arg5[%swap3A, %swap3A_28] : memref<2048x2048xf32, #tpu.memory_space<vmem>>, vector<2048x2048xf32>
    tpu.vector_store %arg5[%swap3A, %swap3A_28], %sub3A_27 {strides = array<i32>} : memref<2048x2048xf32, #tpu.memory_space<vmem>>, vector<2048x2048xf32>,
    %iota3A = tpu.iota {dimensions = array<i32: 1>} : vector<2048x2048xi32>
    %iota3A_30 = tpu.iota {dimensions = array<i32: 1>} : vector<2048x80xi32>
    %broadcast_in_dim3A_31 = arith.constant 0 : i32
    %broadcast_in_dim3A_32 = vector.broadcast %broadcast_in_dim3A_31 : i32 to vector<2048x80xi32>
    %swap3A_33 = arith.constant 0 : index
    %swap3A_34 = arith.constant 0 : index
    %swap3A_35 = vector.load %arg6[%swap3A_33, %swap3A_34] : memref<2048x80xi32, #tpu.memory_space<vmem>>, vector<2048x80xi32>
    tpu.vector_store %arg6[%swap3A_33, %swap3A_34], %broadcast_in_dim3A_32 {strides = array<i32>} : memref<2048x80xi32, #tpu.memory_space<vmem>>, vector<2048x80xi32>,
    %get3A_36 = arith.constant 0 : index
    %get3A_37 = arith.constant 0 : index
    %get3A_38 = vector.load %arg5[%get3A_36, %get3A_37] : memref<2048x2048xf32, #tpu.memory_space<vmem>>, vector<2048x2048xf32>
    %reduce_max3A = arith.constant dense<0xFF800000> : vector<2048xf32>
    %reduce_max3A_39 = vector.multi_reduction <maximumf>, %get3A_38, %reduce_max3A [1] : vector<2048x2048xf32> to vector<2048xf32>
    %broadcast_in_dim3A_40 = vector.shape_cast %reduce_max3A_39 : vector<2048xf32> to vector<2048x1xf32>
    %scan3A = arith.constant 0 : i32
    %scan3A_41 = arith.constant 80 : i32
    %scan3A_42 = arith.addi %scan3A, %scan3A_41 : i32
    %scan3A_43 = arith.constant 1 : i32
    %scan3A_44 = scf.for %scan3A_58 = %scan3A to %scan3A_42 step %scan3A_43 iter_args(%scan3A_59 = %broadcast_in_dim3A_40) -> (vector<2048x1xf32>)  : i32 {
      %get3A_60 = arith.constant 0 : index
      %get3A_61 = arith.constant 0 : index
      %get3A_62 = vector.load %arg5[%get3A_60, %get3A_61] : memref<2048x2048xf32, #tpu.memory_space<vmem>>, vector<2048x2048xf32>
      %ge3A = vector.broadcast %scan3A_59 : vector<2048x1xf32> to vector<2048x2048xf32>
      %ge3A_63 = arith.cmpf oge, %get3A_62, %ge3A : vector<2048x2048xf32>
      %jit3A = arith.constant 2048 : i32
      %broadcast_in_dim3A_64 = vector.broadcast %jit3A : i32 to vector<2048x2048xi32>
      %select_n3A = arith.select %ge3A_63, %iota3A, %broadcast_in_dim3A_64 : vector<2048x2048xi1>, vector<2048x2048xi32>
      %reduce_min3A = arith.constant dense<2147483647> : vector<2048xi32>
      %reduce_min3A_65 = vector.multi_reduction <minsi>, %select_n3A, %reduce_min3A [1] : vector<2048x2048xi32> to vector<2048xi32>
      %broadcast_in_dim3A_66 = vector.shape_cast %reduce_min3A_65 : vector<2048xi32> to vector<2048x1xi32>
      %get3A_67 = arith.constant 0 : index
      %get3A_68 = arith.constant 0 : index
      %get3A_69 = vector.load %arg6[%get3A_67, %get3A_68] : memref<2048x80xi32, #tpu.memory_space<vmem>>, vector<2048x80xi32>
      %eq3A = vector.broadcast %scan3A_58 : i32 to vector<2048x80xi32>
      %eq3A_70 = arith.cmpi eq, %iota3A_30, %eq3A : vector<2048x80xi32>
      %jit3A_71 = arith.constant 0 : i32
      %broadcast_in_dim3A_72 = vector.shape_cast %broadcast_in_dim3A_66 : vector<2048x1xi32> to vector<2048x1xi32>
      %broadcast_in_dim3A_73 = vector.broadcast %broadcast_in_dim3A_72 : vector<2048x1xi32> to vector<2048x80xi32>
      %broadcast_in_dim3A_74 = vector.broadcast %jit3A_71 : i32 to vector<2048x80xi32>
      %select_n3A_75 = arith.select %eq3A_70, %broadcast_in_dim3A_73, %broadcast_in_dim3A_74 : vector<2048x80xi1>, vector<2048x80xi32>
      %add3A_76 = arith.addi %get3A_69, %select_n3A_75 : vector<2048x80xi32>
      %swap3A_77 = arith.constant 0 : index
      %swap3A_78 = arith.constant 0 : index
      %swap3A_79 = vector.load %arg6[%swap3A_77, %swap3A_78] : memref<2048x80xi32, #tpu.memory_space<vmem>>, vector<2048x80xi32>
      tpu.vector_store %arg6[%swap3A_77, %swap3A_78], %add3A_76 {strides = array<i32>} : memref<2048x80xi32, #tpu.memory_space<vmem>>, vector<2048x80xi32>,
      %eq3A_80 = vector.broadcast %broadcast_in_dim3A_66 : vector<2048x1xi32> to vector<2048x2048xi32>
      %eq3A_81 = arith.cmpi eq, %iota3A, %eq3A_80 : vector<2048x2048xi32>
      %jit3A_82 = arith.constant 0xFF800000 : f32
      %broadcast_in_dim3A_83 = vector.broadcast %jit3A_82 : f32 to vector<2048x2048xf32>
      %select_n3A_84 = arith.select %eq3A_81, %broadcast_in_dim3A_83, %get3A_62 : vector<2048x2048xi1>, vector<2048x2048xf32>
      %swap3A_85 = arith.constant 0 : index
      %swap3A_86 = arith.constant 0 : index
      %swap3A_87 = vector.load %arg5[%swap3A_85, %swap3A_86] : memref<2048x2048xf32, #tpu.memory_space<vmem>>, vector<2048x2048xf32>
      tpu.vector_store %arg5[%swap3A_85, %swap3A_86], %select_n3A_84 {strides = array<i32>} : memref<2048x2048xf32, #tpu.memory_space<vmem>>, vector<2048x2048xf32>,
      %reduce_max3A_88 = arith.constant dense<0xFF800000> : vector<2048xf32>
      %reduce_max3A_89 = vector.multi_reduction <maximumf>, %select_n3A_84, %reduce_max3A_88 [1] : vector<2048x2048xf32> to vector<2048xf32>
      %broadcast_in_dim3A_90 = vector.shape_cast %reduce_max3A_89 : vector<2048xf32> to vector<2048x1xf32>
      scf.yield %broadcast_in_dim3A_90 : vector<2048x1xf32>
    }
    %scan3A_45 = arith.constant 80 : i32
    %get3A_46 = arith.constant 0 : index
    %get3A_47 = arith.constant 0 : index
    %get3A_48 = vector.load %arg6[%get3A_46, %get3A_47] : memref<2048x80xi32, #tpu.memory_space<vmem>>, vector<2048x80xi32>
    %mul3A_49 = arith.constant 2048 : i32
    %mul3A_50 = arith.muli %arg0, %mul3A_49 : i32
    %add3A = vector.broadcast %mul3A_50 : i32 to vector<2048x80xi32>
    %add3A_51 = arith.addi %get3A_48, %add3A : vector<2048x80xi32>
    %swap3A_52 = arith.constant 0 : index
    %swap3A_53 = arith.constant 0 : index
    %swap3A_54 = arith.constant 0 : index
    %swap3A_55 = vector.load %arg4[%swap3A_52, %swap3A_53, %swap3A_54] : memref<1x2048x80xi32, #tpu.memory_space<vmem>>, vector<1x2048x80xi32>
    %swap3A_56 = vector.shape_cast %swap3A_55 : vector<1x2048x80xi32> to vector<2048x80xi32>
    %swap3A_57 = vector.shape_cast %add3A_51 : vector<2048x80xi32> to vector<1x2048x80xi32>
    tpu.vector_store %arg4[%swap3A_52, %swap3A_53, %swap3A_54], %swap3A_57 {strides = array<i32>} : memref<1x2048x80xi32, #tpu.memory_space<vmem>>, vector<1x2048x80xi32>,
    return
  }
  func.func @transform_0(%arg0: i32, %arg1: i32) -> (i32, i32, i32) {
    %c0_i32 = arith.constant 0 : i32
    %c0_i32_0 = arith.constant 0 : i32
    return %arg0, %arg1, %c0_i32 : i32, i32, i32
  }
  func.func @transform_1(%arg0: i32, %arg1: i32) -> (i32, i32, i32) {
    %c0_i32 = arith.constant 0 : i32
    %c0_i32_0 = arith.constant 0 : i32
    %c0_i32_1 = arith.constant 0 : i32
    return %arg0, %c0_i32, %c0_i32_0 : i32, i32, i32
  }
  func.func @transform_2(%arg0: i32, %arg1: i32) -> (i32, i32, i32) {
    %c0_i32 = arith.constant 0 : i32
    %c0_i32_0 = arith.constant 0 : i32
    return %arg0, %arg1, %c0_i32 : i32, i32, i32
  }
}

module attributes {stable_mosaic.version = 14 : i64} {
  func.func @_econv_body(%arg0: i32, %arg1: i32, %arg2: memref<1x20480x16xf32, #tpu.memory_space<vmem>>, %arg3: memref<1x256x16xf32, #tpu.memory_space<vmem>>, %arg4: memref<32x64xf32, #tpu.memory_space<vmem>>, %arg5: memref<1x256x64xf32, #tpu.memory_space<vmem>>, %arg6: memref<1x256x64xf32, #tpu.memory_space<vmem>>, %arg7: memref<1x1x1x64xf32, #tpu.memory_space<vmem>>, %arg8: memref<1x1x1x64xf32, #tpu.memory_space<vmem>>) attributes {dimension_semantics = [#tpu.dimension_semantics<arbitrary>, #tpu.dimension_semantics<arbitrary>], iteration_bounds = array<i64: 1, 8>, scalar_prefetch = 0 : i64, scratch_operands = 0 : i64, tpu.core_type = #tpu.core_type<tc>, window_params = [{transform_indices = @transform_0, window_bounds = array<i64: 1, 20480, 16>}, {transform_indices = @transform_1, window_bounds = array<i64: 1, 256, 16>}, {pipeline_mode = #tpu.pipeline_mode<synchronous>, transform_indices = @transform_2, window_bounds = array<i64: 32, 64>}, {transform_indices = @transform_3, window_bounds = array<i64: 1, 256, 64>}, {transform_indices = @transform_4, window_bounds = array<i64: 1, 256, 64>}, {transform_indices = @transform_5, window_bounds = array<i64: 1, 1, 1, 64>}, {transform_indices = @transform_6, window_bounds = array<i64: 1, 1, 1, 64>}]} {
    %get3A = arith.constant 0 : index
    %get3A_0 = arith.constant 0 : index
    %get3A_1 = arith.constant 0 : index
    %get3A_2 = vector.load %arg2[%get3A, %get3A_0, %get3A_1] : memref<1x20480x16xf32, #tpu.memory_space<vmem>>, vector<1x20480x16xf32>
    %get3A_3 = vector.shape_cast %get3A_2 : vector<1x20480x16xf32> to vector<20480x16xf32>
    %get3A_4 = arith.constant 0 : index
    %get3A_5 = arith.constant 0 : index
    %get3A_6 = arith.constant 0 : index
    %get3A_7 = vector.load %arg3[%get3A_4, %get3A_5, %get3A_6] : memref<1x256x16xf32, #tpu.memory_space<vmem>>, vector<1x256x16xf32>
    %get3A_8 = vector.shape_cast %get3A_7 : vector<1x256x16xf32> to vector<256x16xf32>
    %broadcast_in_dim3A = vector.shape_cast %get3A_8 : vector<256x16xf32> to vector<256x1x16xf32>
    %broadcast_in_dim3A_9 = vector.shape_cast %broadcast_in_dim3A : vector<256x1x16xf32> to vector<256x1x16xf32>
    %broadcast_in_dim3A_10 = vector.broadcast %broadcast_in_dim3A_9 : vector<256x1x16xf32> to vector<256x80x16xf32>
    %reshape3A = vector.shape_cast %broadcast_in_dim3A_10 : vector<256x80x16xf32> to vector<20480x16xf32>
    %sub3A = arith.subf %get3A_3, %reshape3A : vector<20480x16xf32>
    %concatenate3A = tpu.concatenate %sub3A, %reshape3A in 1 : vector<20480x16xf32>, vector<20480x16xf32> -> vector<20480x32xf32>
    %get3A_11 = arith.constant 0 : index
    %get3A_12 = arith.constant 0 : index
    %get3A_13 = vector.load %arg4[%get3A_11, %get3A_12] : memref<32x64xf32, #tpu.memory_space<vmem>>, vector<32x64xf32>
    %dot_general3A = arith.constant dense<0.000000e+00> : vector<20480x64xf32>
    %dot_general3A_14 = tpu.matmul %concatenate3A, %get3A_13, %dot_general3A {dimension_numbers = #tpu.dot_dimension_numbers<[1], [0], [0], [1], [0, 0, 1, 1], [], []>, transpose_lhs_hint = false} : vector<20480x32xf32>, vector<32x64xf32>, vector<20480x64xf32> -> vector<20480x64xf32>
    %reshape3A_15 = vector.shape_cast %dot_general3A_14 : vector<20480x64xf32> to vector<256x80x64xf32>
    %reduce_max3A = arith.constant dense<0xFF800000> : vector<256x64xf32>
    %reduce_max3A_16 = vector.multi_reduction <maximumf>, %reshape3A_15, %reduce_max3A [1] : vector<256x80x64xf32> to vector<256x64xf32>
    %swap3A = arith.constant 0 : index
    %swap3A_17 = arith.constant 0 : index
    %swap3A_18 = arith.constant 0 : index
    %swap3A_19 = vector.load %arg5[%swap3A, %swap3A_17, %swap3A_18] : memref<1x256x64xf32, #tpu.memory_space<vmem>>, vector<1x256x64xf32>
    %swap3A_20 = vector.shape_cast %swap3A_19 : vector<1x256x64xf32> to vector<256x64xf32>
    %swap3A_21 = vector.shape_cast %reduce_max3A_16 : vector<256x64xf32> to vector<1x256x64xf32>
    tpu.vector_store %arg5[%swap3A, %swap3A_17, %swap3A_18], %swap3A_21 {strides = array<i32>} : memref<1x256x64xf32, #tpu.memory_space<vmem>>, vector<1x256x64xf32>,
    %reduce_min3A = arith.constant dense<0x7F800000> : vector<256x64xf32>
    %reduce_min3A_22 = vector.multi_reduction <minimumf>, %reshape3A_15, %reduce_min3A [1] : vector<256x80x64xf32> to vector<256x64xf32>
    %swap3A_23 = arith.constant 0 : index
    %swap3A_24 = arith.constant 0 : index
    %swap3A_25 = arith.constant 0 : index
    %swap3A_26 = vector.load %arg6[%swap3A_23, %swap3A_24, %swap3A_25] : memref<1x256x64xf32, #tpu.memory_space<vmem>>, vector<1x256x64xf32>
    %swap3A_27 = vector.shape_cast %swap3A_26 : vector<1x256x64xf32> to vector<256x64xf32>
    %swap3A_28 = vector.shape_cast %reduce_min3A_22 : vector<256x64xf32> to vector<1x256x64xf32>
    tpu.vector_store %arg6[%swap3A_23, %swap3A_24, %swap3A_25], %swap3A_28 {strides = array<i32>} : memref<1x256x64xf32, #tpu.memory_space<vmem>>, vector<1x256x64xf32>,
    %reduce_sum3A = arith.constant dense<0.000000e+00> : vector<64xf32>
    %reduce_sum3A_29 = vector.multi_reduction <add>, %dot_general3A_14, %reduce_sum3A [0] : vector<20480x64xf32> to vector<64xf32>
    %broadcast_in_dim3A_30 = vector.shape_cast %reduce_sum3A_29 : vector<64xf32> to vector<1x64xf32>
    %swap3A_31 = arith.constant 0 : index
    %swap3A_32 = arith.constant 0 : index
    %swap3A_33 = arith.constant 0 : index
    %swap3A_34 = arith.constant 0 : index
    %swap3A_35 = vector.load %arg7[%swap3A_31, %swap3A_32, %swap3A_33, %swap3A_34] : memref<1x1x1x64xf32, #tpu.memory_space<vmem>>, vector<1x1x1x64xf32>
    %swap3A_36 = vector.shape_cast %swap3A_35 : vector<1x1x1x64xf32> to vector<1x64xf32>
    %swap3A_37 = vector.shape_cast %broadcast_in_dim3A_30 : vector<1x64xf32> to vector<1x1x1x64xf32>
    tpu.vector_store %arg7[%swap3A_31, %swap3A_32, %swap3A_33, %swap3A_34], %swap3A_37 {strides = array<i32>} : memref<1x1x1x64xf32, #tpu.memory_space<vmem>>, vector<1x1x1x64xf32>,
    %mul3A = arith.mulf %dot_general3A_14, %dot_general3A_14 : vector<20480x64xf32>
    %reduce_sum3A_38 = arith.constant dense<0.000000e+00> : vector<64xf32>
    %reduce_sum3A_39 = vector.multi_reduction <add>, %mul3A, %reduce_sum3A_38 [0] : vector<20480x64xf32> to vector<64xf32>
    %broadcast_in_dim3A_40 = vector.shape_cast %reduce_sum3A_39 : vector<64xf32> to vector<1x64xf32>
    %swap3A_41 = arith.constant 0 : index
    %swap3A_42 = arith.constant 0 : index
    %swap3A_43 = arith.constant 0 : index
    %swap3A_44 = arith.constant 0 : index
    %swap3A_45 = vector.load %arg8[%swap3A_41, %swap3A_42, %swap3A_43, %swap3A_44] : memref<1x1x1x64xf32, #tpu.memory_space<vmem>>, vector<1x1x1x64xf32>
    %swap3A_46 = vector.shape_cast %swap3A_45 : vector<1x1x1x64xf32> to vector<1x64xf32>
    %swap3A_47 = vector.shape_cast %broadcast_in_dim3A_40 : vector<1x64xf32> to vector<1x1x1x64xf32>
    tpu.vector_store %arg8[%swap3A_41, %swap3A_42, %swap3A_43, %swap3A_44], %swap3A_47 {strides = array<i32>} : memref<1x1x1x64xf32, #tpu.memory_space<vmem>>, vector<1x1x1x64xf32>,
    return
  }
  func.func @transform_0(%arg0: i32, %arg1: i32) -> (i32, i32, i32) {
    %c0_i32 = arith.constant 0 : i32
    %c0_i32_0 = arith.constant 0 : i32
    return %arg0, %arg1, %c0_i32 : i32, i32, i32
  }
  func.func @transform_1(%arg0: i32, %arg1: i32) -> (i32, i32, i32) {
    %c0_i32 = arith.constant 0 : i32
    %c0_i32_0 = arith.constant 0 : i32
    return %arg0, %arg1, %c0_i32 : i32, i32, i32
  }
  func.func @transform_2(%arg0: i32, %arg1: i32) -> (i32, i32) {
    %c0_i32 = arith.constant 0 : i32
    %c0_i32_0 = arith.constant 0 : i32
    %c0_i32_1 = arith.constant 0 : i32
    return %c0_i32, %c0_i32_0 : i32, i32
  }
  func.func @transform_3(%arg0: i32, %arg1: i32) -> (i32, i32, i32) {
    %c0_i32 = arith.constant 0 : i32
    %c0_i32_0 = arith.constant 0 : i32
    return %arg0, %arg1, %c0_i32 : i32, i32, i32
  }
  func.func @transform_4(%arg0: i32, %arg1: i32) -> (i32, i32, i32) {
    %c0_i32 = arith.constant 0 : i32
    %c0_i32_0 = arith.constant 0 : i32
    return %arg0, %arg1, %c0_i32 : i32, i32, i32
  }
  func.func @transform_5(%arg0: i32, %arg1: i32) -> (i32, i32, i32, i32) {
    %c0_i32 = arith.constant 0 : i32
    %c0_i32_0 = arith.constant 0 : i32
    %c0_i32_1 = arith.constant 0 : i32
    return %arg0, %arg1, %c0_i32, %c0_i32_0 : i32, i32, i32, i32
  }
  func.func @transform_6(%arg0: i32, %arg1: i32) -> (i32, i32, i32, i32) {
    %c0_i32 = arith.constant 0 : i32
    %c0_i32_0 = arith.constant 0 : i32
    %c0_i32_1 = arith.constant 0 : i32
    return %arg0, %arg1, %c0_i32, %c0_i32_0 : i32, i32, i32, i32
  }
}

module attributes {stable_mosaic.version = 14 : i64} {
  func.func @_fin_body(%arg0: i32, %arg1: memref<1x2048x64xf32, #tpu.memory_space<vmem>>, %arg2: memref<1x2048x64xf32, #tpu.memory_space<vmem>>, %arg3: memref<1x8x1x64xf32, #tpu.memory_space<vmem>>, %arg4: memref<1x8x1x64xf32, #tpu.memory_space<vmem>>, %arg5: memref<1x64xf32, #tpu.memory_space<vmem>>, %arg6: memref<1x64xf32, #tpu.memory_space<vmem>>, %arg7: memref<1x2048x64xf32, #tpu.memory_space<vmem>>, %arg8: memref<1x64x2048xf32, #tpu.memory_space<vmem>>) attributes {dimension_semantics = [#tpu.dimension_semantics<arbitrary>], iteration_bounds = array<i64: 1>, scalar_prefetch = 0 : i64, scratch_operands = 0 : i64, tpu.core_type = #tpu.core_type<tc>, window_params = [{transform_indices = @transform_0, window_bounds = array<i64: 1, 2048, 64>}, {transform_indices = @transform_1, window_bounds = array<i64: 1, 2048, 64>}, {transform_indices = @transform_2, window_bounds = array<i64: 1, 8, 1, 64>}, {transform_indices = @transform_3, window_bounds = array<i64: 1, 8, 1, 64>}, {pipeline_mode = #tpu.pipeline_mode<synchronous>, transform_indices = @transform_4, window_bounds = array<i64: 1, 64>}, {pipeline_mode = #tpu.pipeline_mode<synchronous>, transform_indices = @transform_5, window_bounds = array<i64: 1, 64>}, {transform_indices = @transform_6, window_bounds = array<i64: 1, 2048, 64>}, {transform_indices = @transform_7, window_bounds = array<i64: 1, 64, 2048>}]} {
    %get3A = arith.constant 0 : index
    %get3A_0 = arith.constant 0 : index
    %get3A_1 = arith.constant 0 : index
    %get3A_2 = arith.constant 0 : index
    %get3A_3 = vector.load %arg3[%get3A, %get3A_0, %get3A_1, %get3A_2] : memref<1x8x1x64xf32, #tpu.memory_space<vmem>>, vector<1x8x1x64xf32>
    %get3A_4 = vector.shape_cast %get3A_3 : vector<1x8x1x64xf32> to vector<8x64xf32>
    %reduce_sum3A = arith.constant dense<0.000000e+00> : vector<64xf32>
    %reduce_sum3A_5 = vector.multi_reduction <add>, %get3A_4, %reduce_sum3A [0] : vector<8x64xf32> to vector<64xf32>
    %broadcast_in_dim3A = vector.shape_cast %reduce_sum3A_5 : vector<64xf32> to vector<1x64xf32>
    %get3A_6 = arith.constant 0 : index
    %get3A_7 = arith.constant 0 : index
    %get3A_8 = arith.constant 0 : index
    %get3A_9 = arith.constant 0 : index
    %get3A_10 = vector.load %arg4[%get3A_6, %get3A_7, %get3A_8, %get3A_9] : memref<1x8x1x64xf32, #tpu.memory_space<vmem>>, vector<1x8x1x64xf32>
    %get3A_11 = vector.shape_cast %get3A_10 : vector<1x8x1x64xf32> to vector<8x64xf32>
    %reduce_sum3A_12 = arith.constant dense<0.000000e+00> : vector<64xf32>
    %reduce_sum3A_13 = vector.multi_reduction <add>, %get3A_11, %reduce_sum3A_12 [0] : vector<8x64xf32> to vector<64xf32>
    %broadcast_in_dim3A_14 = vector.shape_cast %reduce_sum3A_13 : vector<64xf32> to vector<1x64xf32>
    %slice3A = vector.extract_strided_slice %broadcast_in_dim3A {offsets = [0, 0], sizes = [1, 32], strides = [1, 1]} : vector<1x64xf32> to vector<1x32xf32>
    %reduce_sum3A_15 = arith.constant dense<0.000000e+00> : vector<1xf32>
    %reduce_sum3A_16 = vector.multi_reduction <add>, %slice3A, %reduce_sum3A_15 [1] : vector<1x32xf32> to vector<1xf32>
    %broadcast_in_dim3A_17 = vector.shape_cast %reduce_sum3A_16 : vector<1xf32> to vector<1x1xf32>
    %div3A = arith.constant 5.242880e+06 : f32
    %div3A_18 = vector.broadcast %div3A : f32 to vector<1x1xf32>
    %div3A_19 = arith.divf %broadcast_in_dim3A_17, %div3A_18 : vector<1x1xf32>
    %slice3A_20 = vector.extract_strided_slice %broadcast_in_dim3A_14 {offsets = [0, 0], sizes = [1, 32], strides = [1, 1]} : vector<1x64xf32> to vector<1x32xf32>
    %reduce_sum3A_21 = arith.constant dense<0.000000e+00> : vector<1xf32>
    %reduce_sum3A_22 = vector.multi_reduction <add>, %slice3A_20, %reduce_sum3A_21 [1] : vector<1x32xf32> to vector<1xf32>
    %broadcast_in_dim3A_23 = vector.shape_cast %reduce_sum3A_22 : vector<1xf32> to vector<1x1xf32>
    %div3A_24 = arith.constant 5.242880e+06 : f32
    %div3A_25 = vector.broadcast %div3A_24 : f32 to vector<1x1xf32>
    %div3A_26 = arith.divf %broadcast_in_dim3A_23, %div3A_25 : vector<1x1xf32>
    %broadcast_in_dim3A_27 = vector.shape_cast %div3A_19 : vector<1x1xf32> to vector<1x1xf32>
    %broadcast_in_dim3A_28 = vector.broadcast %broadcast_in_dim3A_27 : vector<1x1xf32> to vector<1x32xf32>
    %mul3A = arith.mulf %div3A_19, %div3A_19 : vector<1x1xf32>
    %sub3A = arith.subf %div3A_26, %mul3A : vector<1x1xf32>
    %broadcast_in_dim3A_29 = vector.shape_cast %sub3A : vector<1x1xf32> to vector<1x1xf32>
    %broadcast_in_dim3A_30 = vector.broadcast %broadcast_in_dim3A_29 : vector<1x1xf32> to vector<1x32xf32>
    %slice3A_31 = vector.extract_strided_slice %broadcast_in_dim3A {offsets = [0, 32], sizes = [1, 32], strides = [1, 1]} : vector<1x64xf32> to vector<1x32xf32>
    %reduce_sum3A_32 = arith.constant dense<0.000000e+00> : vector<1xf32>
    %reduce_sum3A_33 = vector.multi_reduction <add>, %slice3A_31, %reduce_sum3A_32 [1] : vector<1x32xf32> to vector<1xf32>
    %broadcast_in_dim3A_34 = vector.shape_cast %reduce_sum3A_33 : vector<1xf32> to vector<1x1xf32>
    %div3A_35 = arith.constant 5.242880e+06 : f32
    %div3A_36 = vector.broadcast %div3A_35 : f32 to vector<1x1xf32>
    %div3A_37 = arith.divf %broadcast_in_dim3A_34, %div3A_36 : vector<1x1xf32>
    %slice3A_38 = vector.extract_strided_slice %broadcast_in_dim3A_14 {offsets = [0, 32], sizes = [1, 32], strides = [1, 1]} : vector<1x64xf32> to vector<1x32xf32>
    %reduce_sum3A_39 = arith.constant dense<0.000000e+00> : vector<1xf32>
    %reduce_sum3A_40 = vector.multi_reduction <add>, %slice3A_38, %reduce_sum3A_39 [1] : vector<1x32xf32> to vector<1xf32>
    %broadcast_in_dim3A_41 = vector.shape_cast %reduce_sum3A_40 : vector<1xf32> to vector<1x1xf32>
    %div3A_42 = arith.constant 5.242880e+06 : f32
    %div3A_43 = vector.broadcast %div3A_42 : f32 to vector<1x1xf32>
    %div3A_44 = arith.divf %broadcast_in_dim3A_41, %div3A_43 : vector<1x1xf32>
    %broadcast_in_dim3A_45 = vector.shape_cast %div3A_37 : vector<1x1xf32> to vector<1x1xf32>
    %broadcast_in_dim3A_46 = vector.broadcast %broadcast_in_dim3A_45 : vector<1x1xf32> to vector<1x32xf32>
    %mul3A_47 = arith.mulf %div3A_37, %div3A_37 : vector<1x1xf32>
    %sub3A_48 = arith.subf %div3A_44, %mul3A_47 : vector<1x1xf32>
    %broadcast_in_dim3A_49 = vector.shape_cast %sub3A_48 : vector<1x1xf32> to vector<1x1xf32>
    %broadcast_in_dim3A_50 = vector.broadcast %broadcast_in_dim3A_49 : vector<1x1xf32> to vector<1x32xf32>
    %concatenate3A = tpu.concatenate %broadcast_in_dim3A_28, %broadcast_in_dim3A_46 in 1 : vector<1x32xf32>, vector<1x32xf32> -> vector<1x64xf32>
    %concatenate3A_51 = tpu.concatenate %broadcast_in_dim3A_30, %broadcast_in_dim3A_50 in 1 : vector<1x32xf32>, vector<1x32xf32> -> vector<1x64xf32>
    %add3A = arith.constant 9.99999974E-6 : f32
    %add3A_52 = vector.broadcast %add3A : f32 to vector<1x64xf32>
    %add3A_53 = arith.addf %concatenate3A_51, %add3A_52 : vector<1x64xf32>
    %sqrt3A = math.sqrt %add3A_53 : vector<1x64xf32>
    %get3A_54 = arith.constant 0 : index
    %get3A_55 = arith.constant 0 : index
    %get3A_56 = vector.load %arg5[%get3A_54, %get3A_55] : memref<1x64xf32, #tpu.memory_space<vmem>>, vector<1x64xf32>
    %get3A_57 = arith.constant 0 : index
    %get3A_58 = arith.constant 0 : index
    %get3A_59 = vector.load %arg6[%get3A_57, %get3A_58] : memref<1x64xf32, #tpu.memory_space<vmem>>, vector<1x64xf32>
    %ge3A = arith.constant 0.000000e+00 : f32
    %ge3A_60 = vector.broadcast %ge3A : f32 to vector<1x64xf32>
    %ge3A_61 = arith.cmpf oge, %get3A_56, %ge3A_60 : vector<1x64xf32>
    %get3A_62 = arith.constant 0 : index
    %get3A_63 = arith.constant 0 : index
    %get3A_64 = arith.constant 0 : index
    %get3A_65 = vector.load %arg1[%get3A_62, %get3A_63, %get3A_64] : memref<1x2048x64xf32, #tpu.memory_space<vmem>>, vector<1x2048x64xf32>
    %get3A_66 = vector.shape_cast %get3A_65 : vector<1x2048x64xf32> to vector<2048x64xf32>
    %get3A_67 = arith.constant 0 : index
    %get3A_68 = arith.constant 0 : index
    %get3A_69 = arith.constant 0 : index
    %get3A_70 = vector.load %arg2[%get3A_67, %get3A_68, %get3A_69] : memref<1x2048x64xf32, #tpu.memory_space<vmem>>, vector<1x2048x64xf32>
    %get3A_71 = vector.shape_cast %get3A_70 : vector<1x2048x64xf32> to vector<2048x64xf32>
    %broadcast_in_dim3A_72 = vector.shape_cast %ge3A_61 : vector<1x64xi1> to vector<1x64xi1>
    %broadcast_in_dim3A_73 = vector.broadcast %broadcast_in_dim3A_72 : vector<1x64xi1> to vector<2048x64xi1>
    %select_n3A = arith.select %broadcast_in_dim3A_73, %get3A_66, %get3A_71 : vector<2048x64xi1>, vector<2048x64xf32>
    %sub3A_74 = vector.broadcast %concatenate3A : vector<1x64xf32> to vector<2048x64xf32>
    %sub3A_75 = arith.subf %select_n3A, %sub3A_74 : vector<2048x64xf32>
    %div3A_76 = vector.broadcast %sqrt3A : vector<1x64xf32> to vector<2048x64xf32>
    %div3A_77 = arith.divf %sub3A_75, %div3A_76 : vector<2048x64xf32>
    %mul3A_78 = vector.broadcast %get3A_56 : vector<1x64xf32> to vector<2048x64xf32>
    %mul3A_79 = arith.mulf %div3A_77, %mul3A_78 : vector<2048x64xf32>
    %add3A_80 = vector.broadcast %get3A_59 : vector<1x64xf32> to vector<2048x64xf32>
    %add3A_81 = arith.addf %mul3A_79, %add3A_80 : vector<2048x64xf32>
    %ge3A_82 = arith.constant 0.000000e+00 : f32
    %ge3A_83 = vector.broadcast %ge3A_82 : f32 to vector<2048x64xf32>
    %ge3A_84 = arith.cmpf oge, %add3A_81, %ge3A_83 : vector<2048x64xf32>
    %mul3A_85 = arith.constant 2.000000e-01 : f32
    %mul3A_86 = vector.broadcast %mul3A_85 : f32 to vector<2048x64xf32>
    %mul3A_87 = arith.mulf %mul3A_86, %add3A_81 : vector<2048x64xf32>
    %select_n3A_88 = arith.select %ge3A_84, %add3A_81, %mul3A_87 : vector<2048x64xi1>, vector<2048x64xf32>
    %swap3A = arith.constant 0 : index
    %swap3A_89 = arith.constant 0 : index
    %swap3A_90 = arith.constant 0 : index
    %swap3A_91 = vector.load %arg7[%swap3A, %swap3A_89, %swap3A_90] : memref<1x2048x64xf32, #tpu.memory_space<vmem>>, vector<1x2048x64xf32>
    %swap3A_92 = vector.shape_cast %swap3A_91 : vector<1x2048x64xf32> to vector<2048x64xf32>
    %swap3A_93 = vector.shape_cast %select_n3A_88 : vector<2048x64xf32> to vector<1x2048x64xf32>
    tpu.vector_store %arg7[%swap3A, %swap3A_89, %swap3A_90], %swap3A_93 {strides = array<i32>} : memref<1x2048x64xf32, #tpu.memory_space<vmem>>, vector<1x2048x64xf32>,
    %transpose3A = tpu.transpose %select_n3A_88, [1, 0] : vector<2048x64xf32> -> vector<64x2048xf32>
    %swap3A_94 = arith.constant 0 : index
    %swap3A_95 = arith.constant 0 : index
    %swap3A_96 = arith.constant 0 : index
    %swap3A_97 = vector.load %arg8[%swap3A_94, %swap3A_95, %swap3A_96] : memref<1x64x2048xf32, #tpu.memory_space<vmem>>, vector<1x64x2048xf32>
    %swap3A_98 = vector.shape_cast %swap3A_97 : vector<1x64x2048xf32> to vector<64x2048xf32>
    %swap3A_99 = vector.shape_cast %transpose3A : vector<64x2048xf32> to vector<1x64x2048xf32>
    tpu.vector_store %arg8[%swap3A_94, %swap3A_95, %swap3A_96], %swap3A_99 {strides = array<i32>} : memref<1x64x2048xf32, #tpu.memory_space<vmem>>, vector<1x64x2048xf32>,
    return
  }
  func.func @transform_0(%arg0: i32) -> (i32, i32, i32) {
    %c0_i32 = arith.constant 0 : i32
    %c0_i32_0 = arith.constant 0 : i32
    %c0_i32_1 = arith.constant 0 : i32
    return %arg0, %c0_i32, %c0_i32_0 : i32, i32, i32
  }
  func.func @transform_1(%arg0: i32) -> (i32, i32, i32) {
    %c0_i32 = arith.constant 0 : i32
    %c0_i32_0 = arith.constant 0 : i32
    %c0_i32_1 = arith.constant 0 : i32
    return %arg0, %c0_i32, %c0_i32_0 : i32, i32, i32
  }
  func.func @transform_2(%arg0: i32) -> (i32, i32, i32, i32) {
    %c0_i32 = arith.constant 0 : i32
    %c0_i32_0 = arith.constant 0 : i32
    %c0_i32_1 = arith.constant 0 : i32
    %c0_i32_2 = arith.constant 0 : i32
    return %arg0, %c0_i32, %c0_i32_0, %c0_i32_1 : i32, i32, i32, i32
  }
  func.func @transform_3(%arg0: i32) -> (i32, i32, i32, i32) {
    %c0_i32 = arith.constant 0 : i32
    %c0_i32_0 = arith.constant 0 : i32
    %c0_i32_1 = arith.constant 0 : i32
    %c0_i32_2 = arith.constant 0 : i32
    return %arg0, %c0_i32, %c0_i32_0, %c0_i32_1 : i32, i32, i32, i32
  }
  func.func @transform_4(%arg0: i32) -> (i32, i32) {
    %c0_i32 = arith.constant 0 : i32
    %c0_i32_0 = arith.constant 0 : i32
    %c0_i32_1 = arith.constant 0 : i32
    return %c0_i32, %c0_i32_0 : i32, i32
  }
  func.func @transform_5(%arg0: i32) -> (i32, i32) {
    %c0_i32 = arith.constant 0 : i32
    %c0_i32_0 = arith.constant 0 : i32
    %c0_i32_1 = arith.constant 0 : i32
    return %c0_i32, %c0_i32_0 : i32, i32
  }
  func.func @transform_6(%arg0: i32) -> (i32, i32, i32) {
    %c0_i32 = arith.constant 0 : i32
    %c0_i32_0 = arith.constant 0 : i32
    %c0_i32_1 = arith.constant 0 : i32
    return %arg0, %c0_i32, %c0_i32_0 : i32, i32, i32
  }
  func.func @transform_7(%arg0: i32) -> (i32, i32, i32) {
    %c0_i32 = arith.constant 0 : i32
    %c0_i32_0 = arith.constant 0 : i32
    %c0_i32_1 = arith.constant 0 : i32
    return %arg0, %c0_i32, %c0_i32_0 : i32, i32, i32
  }
}

module attributes {stable_mosaic.version = 14 : i64} {
  func.func @_knn_body(%arg0: i32, %arg1: i32, %arg2: memref<1x2048x64xf32, #tpu.memory_space<vmem>>, %arg3: memref<1x64x2048xf32, #tpu.memory_space<vmem>>, %arg4: memref<1x2048x80xi32, #tpu.memory_space<vmem>>, %arg5: memref<2048x2048xf32, #tpu.memory_space<vmem>>, %arg6: memref<2048x80xi32, #tpu.memory_space<vmem>>) attributes {dimension_semantics = [#tpu.dimension_semantics<arbitrary>, #tpu.dimension_semantics<arbitrary>], iteration_bounds = array<i64: 1, 1>, scalar_prefetch = 0 : i64, scratch_operands = 2 : i64, tpu.core_type = #tpu.core_type<tc>, window_params = [{transform_indices = @transform_0, window_bounds = array<i64: 1, 2048, 64>}, {transform_indices = @transform_1, window_bounds = array<i64: 1, 64, 2048>}, {transform_indices = @transform_2, window_bounds = array<i64: 1, 2048, 80>}]} {
    %get3A = arith.constant 0 : index
    %get3A_0 = arith.constant 0 : index
    %get3A_1 = arith.constant 0 : index
    %get3A_2 = vector.load %arg2[%get3A, %get3A_0, %get3A_1] : memref<1x2048x64xf32, #tpu.memory_space<vmem>>, vector<1x2048x64xf32>
    %get3A_3 = vector.shape_cast %get3A_2 : vector<1x2048x64xf32> to vector<2048x64xf32>
    %get3A_4 = arith.constant 0 : index
    %get3A_5 = arith.constant 0 : index
    %get3A_6 = arith.constant 0 : index
    %get3A_7 = vector.load %arg3[%get3A_4, %get3A_5, %get3A_6] : memref<1x64x2048xf32, #tpu.memory_space<vmem>>, vector<1x64x2048xf32>
    %get3A_8 = vector.shape_cast %get3A_7 : vector<1x64x2048xf32> to vector<64x2048xf32>
    %mul3A = arith.constant 2048 : i32
    %mul3A_9 = arith.muli %arg1, %mul3A : i32
    %get3A_10 = arith.constant 0 : index
    %get3A_11 = arith.constant 0 : index
    %get3A_12 = arith.index_cast %mul3A_9 : i32 to index
    %get3A_13 = vector.load %arg3[%get3A_10, %get3A_11, %get3A_12] : memref<1x64x2048xf32, #tpu.memory_space<vmem>>, vector<1x64x2048xf32>
    %get3A_14 = vector.shape_cast %get3A_13 : vector<1x64x2048xf32> to vector<64x2048xf32>
    %dot_general3A = arith.constant dense<0.000000e+00> : vector<2048x2048xf32>
    %dot_general3A_15 = tpu.matmul %get3A_14, %get3A_8, %dot_general3A {dimension_numbers = #tpu.dot_dimension_numbers<[0], [0], [1], [1], [0, 1, 1, 1], [], []>, transpose_lhs_hint = false} : vector<64x2048xf32>, vector<64x2048xf32>, vector<2048x2048xf32> -> vector<2048x2048xf32>
    %mul3A_16 = arith.mulf %get3A_3, %get3A_3 : vector<2048x64xf32>
    %reduce_sum3A = arith.constant dense<0.000000e+00> : vector<2048xf32>
    %reduce_sum3A_17 = vector.multi_reduction <add>, %mul3A_16, %reduce_sum3A [1] : vector<2048x64xf32> to vector<2048xf32>
    %broadcast_in_dim3A = vector.shape_cast %reduce_sum3A_17 : vector<2048xf32> to vector<2048x1xf32>
    %mul3A_18 = arith.mulf %get3A_8, %get3A_8 : vector<64x2048xf32>
    %reduce_sum3A_19 = arith.constant dense<0.000000e+00> : vector<2048xf32>
    %reduce_sum3A_20 = vector.multi_reduction <add>, %mul3A_18, %reduce_sum3A_19 [0] : vector<64x2048xf32> to vector<2048xf32>
    %broadcast_in_dim3A_21 = vector.shape_cast %reduce_sum3A_20 : vector<2048xf32> to vector<1x2048xf32>
    %mul3A_22 = arith.constant 2.000000e+00 : f32
    %mul3A_23 = vector.broadcast %mul3A_22 : f32 to vector<2048x2048xf32>
    %mul3A_24 = arith.mulf %mul3A_23, %dot_general3A_15 : vector<2048x2048xf32>
    %sub3A = vector.broadcast %broadcast_in_dim3A : vector<2048x1xf32> to vector<2048x2048xf32>
    %sub3A_25 = arith.subf %mul3A_24, %sub3A : vector<2048x2048xf32>
    %sub3A_26 = vector.broadcast %broadcast_in_dim3A_21 : vector<1x2048xf32> to vector<2048x2048xf32>
    %sub3A_27 = arith.subf %sub3A_25, %sub3A_26 : vector<2048x2048xf32>
    %swap3A = arith.constant 0 : index
    %swap3A_28 = arith.constant 0 : index
    %swap3A_29 = vector.load %arg5[%swap3A, %swap3A_28] : memref<2048x2048xf32, #tpu.memory_space<vmem>>, vector<2048x2048xf32>
    tpu.vector_store %arg5[%swap3A, %swap3A_28], %sub3A_27 {strides = array<i32>} : memref<2048x2048xf32, #tpu.memory_space<vmem>>, vector<2048x2048xf32>,
    %iota3A = tpu.iota {dimensions = array<i32: 1>} : vector<2048x2048xi32>
    %iota3A_30 = tpu.iota {dimensions = array<i32: 1>} : vector<2048x80xi32>
    %broadcast_in_dim3A_31 = arith.constant 0 : i32
    %broadcast_in_dim3A_32 = vector.broadcast %broadcast_in_dim3A_31 : i32 to vector<2048x80xi32>
    %swap3A_33 = arith.constant 0 : index
    %swap3A_34 = arith.constant 0 : index
    %swap3A_35 = vector.load %arg6[%swap3A_33, %swap3A_34] : memref<2048x80xi32, #tpu.memory_space<vmem>>, vector<2048x80xi32>
    tpu.vector_store %arg6[%swap3A_33, %swap3A_34], %broadcast_in_dim3A_32 {strides = array<i32>} : memref<2048x80xi32, #tpu.memory_space<vmem>>, vector<2048x80xi32>,
    %get3A_36 = arith.constant 0 : index
    %get3A_37 = arith.constant 0 : index
    %get3A_38 = vector.load %arg5[%get3A_36, %get3A_37] : memref<2048x2048xf32, #tpu.memory_space<vmem>>, vector<2048x2048xf32>
    %reduce_max3A = arith.constant dense<0xFF800000> : vector<2048xf32>
    %reduce_max3A_39 = vector.multi_reduction <maximumf>, %get3A_38, %reduce_max3A [1] : vector<2048x2048xf32> to vector<2048xf32>
    %broadcast_in_dim3A_40 = vector.shape_cast %reduce_max3A_39 : vector<2048xf32> to vector<2048x1xf32>
    %scan3A = arith.constant 0 : i32
    %scan3A_41 = arith.constant 80 : i32
    %scan3A_42 = arith.addi %scan3A, %scan3A_41 : i32
    %scan3A_43 = arith.constant 1 : i32
    %scan3A_44 = scf.for %scan3A_58 = %scan3A to %scan3A_42 step %scan3A_43 iter_args(%scan3A_59 = %broadcast_in_dim3A_40) -> (vector<2048x1xf32>)  : i32 {
      %get3A_60 = arith.constant 0 : index
      %get3A_61 = arith.constant 0 : index
      %get3A_62 = vector.load %arg5[%get3A_60, %get3A_61] : memref<2048x2048xf32, #tpu.memory_space<vmem>>, vector<2048x2048xf32>
      %ge3A = vector.broadcast %scan3A_59 : vector<2048x1xf32> to vector<2048x2048xf32>
      %ge3A_63 = arith.cmpf oge, %get3A_62, %ge3A : vector<2048x2048xf32>
      %jit3A = arith.constant 2048 : i32
      %broadcast_in_dim3A_64 = vector.broadcast %jit3A : i32 to vector<2048x2048xi32>
      %select_n3A = arith.select %ge3A_63, %iota3A, %broadcast_in_dim3A_64 : vector<2048x2048xi1>, vector<2048x2048xi32>
      %reduce_min3A = arith.constant dense<2147483647> : vector<2048xi32>
      %reduce_min3A_65 = vector.multi_reduction <minsi>, %select_n3A, %reduce_min3A [1] : vector<2048x2048xi32> to vector<2048xi32>
      %broadcast_in_dim3A_66 = vector.shape_cast %reduce_min3A_65 : vector<2048xi32> to vector<2048x1xi32>
      %get3A_67 = arith.constant 0 : index
      %get3A_68 = arith.constant 0 : index
      %get3A_69 = vector.load %arg6[%get3A_67, %get3A_68] : memref<2048x80xi32, #tpu.memory_space<vmem>>, vector<2048x80xi32>
      %eq3A = vector.broadcast %scan3A_58 : i32 to vector<2048x80xi32>
      %eq3A_70 = arith.cmpi eq, %iota3A_30, %eq3A : vector<2048x80xi32>
      %jit3A_71 = arith.constant 0 : i32
      %broadcast_in_dim3A_72 = vector.shape_cast %broadcast_in_dim3A_66 : vector<2048x1xi32> to vector<2048x1xi32>
      %broadcast_in_dim3A_73 = vector.broadcast %broadcast_in_dim3A_72 : vector<2048x1xi32> to vector<2048x80xi32>
      %broadcast_in_dim3A_74 = vector.broadcast %jit3A_71 : i32 to vector<2048x80xi32>
      %select_n3A_75 = arith.select %eq3A_70, %broadcast_in_dim3A_73, %broadcast_in_dim3A_74 : vector<2048x80xi1>, vector<2048x80xi32>
      %add3A_76 = arith.addi %get3A_69, %select_n3A_75 : vector<2048x80xi32>
      %swap3A_77 = arith.constant 0 : index
      %swap3A_78 = arith.constant 0 : index
      %swap3A_79 = vector.load %arg6[%swap3A_77, %swap3A_78] : memref<2048x80xi32, #tpu.memory_space<vmem>>, vector<2048x80xi32>
      tpu.vector_store %arg6[%swap3A_77, %swap3A_78], %add3A_76 {strides = array<i32>} : memref<2048x80xi32, #tpu.memory_space<vmem>>, vector<2048x80xi32>,
      %eq3A_80 = vector.broadcast %broadcast_in_dim3A_66 : vector<2048x1xi32> to vector<2048x2048xi32>
      %eq3A_81 = arith.cmpi eq, %iota3A, %eq3A_80 : vector<2048x2048xi32>
      %jit3A_82 = arith.constant 0xFF800000 : f32
      %broadcast_in_dim3A_83 = vector.broadcast %jit3A_82 : f32 to vector<2048x2048xf32>
      %select_n3A_84 = arith.select %eq3A_81, %broadcast_in_dim3A_83, %get3A_62 : vector<2048x2048xi1>, vector<2048x2048xf32>
      %swap3A_85 = arith.constant 0 : index
      %swap3A_86 = arith.constant 0 : index
      %swap3A_87 = vector.load %arg5[%swap3A_85, %swap3A_86] : memref<2048x2048xf32, #tpu.memory_space<vmem>>, vector<2048x2048xf32>
      tpu.vector_store %arg5[%swap3A_85, %swap3A_86], %select_n3A_84 {strides = array<i32>} : memref<2048x2048xf32, #tpu.memory_space<vmem>>, vector<2048x2048xf32>,
      %reduce_max3A_88 = arith.constant dense<0xFF800000> : vector<2048xf32>
      %reduce_max3A_89 = vector.multi_reduction <maximumf>, %select_n3A_84, %reduce_max3A_88 [1] : vector<2048x2048xf32> to vector<2048xf32>
      %broadcast_in_dim3A_90 = vector.shape_cast %reduce_max3A_89 : vector<2048xf32> to vector<2048x1xf32>
      scf.yield %broadcast_in_dim3A_90 : vector<2048x1xf32>
    }
    %scan3A_45 = arith.constant 80 : i32
    %get3A_46 = arith.constant 0 : index
    %get3A_47 = arith.constant 0 : index
    %get3A_48 = vector.load %arg6[%get3A_46, %get3A_47] : memref<2048x80xi32, #tpu.memory_space<vmem>>, vector<2048x80xi32>
    %mul3A_49 = arith.constant 2048 : i32
    %mul3A_50 = arith.muli %arg0, %mul3A_49 : i32
    %add3A = vector.broadcast %mul3A_50 : i32 to vector<2048x80xi32>
    %add3A_51 = arith.addi %get3A_48, %add3A : vector<2048x80xi32>
    %swap3A_52 = arith.constant 0 : index
    %swap3A_53 = arith.constant 0 : index
    %swap3A_54 = arith.constant 0 : index
    %swap3A_55 = vector.load %arg4[%swap3A_52, %swap3A_53, %swap3A_54] : memref<1x2048x80xi32, #tpu.memory_space<vmem>>, vector<1x2048x80xi32>
    %swap3A_56 = vector.shape_cast %swap3A_55 : vector<1x2048x80xi32> to vector<2048x80xi32>
    %swap3A_57 = vector.shape_cast %add3A_51 : vector<2048x80xi32> to vector<1x2048x80xi32>
    tpu.vector_store %arg4[%swap3A_52, %swap3A_53, %swap3A_54], %swap3A_57 {strides = array<i32>} : memref<1x2048x80xi32, #tpu.memory_space<vmem>>, vector<1x2048x80xi32>,
    return
  }
  func.func @transform_0(%arg0: i32, %arg1: i32) -> (i32, i32, i32) {
    %c0_i32 = arith.constant 0 : i32
    %c0_i32_0 = arith.constant 0 : i32
    return %arg0, %arg1, %c0_i32 : i32, i32, i32
  }
  func.func @transform_1(%arg0: i32, %arg1: i32) -> (i32, i32, i32) {
    %c0_i32 = arith.constant 0 : i32
    %c0_i32_0 = arith.constant 0 : i32
    %c0_i32_1 = arith.constant 0 : i32
    return %arg0, %c0_i32, %c0_i32_0 : i32, i32, i32
  }
  func.func @transform_2(%arg0: i32, %arg1: i32) -> (i32, i32, i32) {
    %c0_i32 = arith.constant 0 : i32
    %c0_i32_0 = arith.constant 0 : i32
    return %arg0, %arg1, %c0_i32 : i32, i32, i32
  }
}

module attributes {stable_mosaic.version = 14 : i64} {
  func.func @_econv_body(%arg0: i32, %arg1: i32, %arg2: memref<1x20480x64xf32, #tpu.memory_space<vmem>>, %arg3: memref<1x256x64xf32, #tpu.memory_space<vmem>>, %arg4: memref<128x64xf32, #tpu.memory_space<vmem>>, %arg5: memref<1x256x64xf32, #tpu.memory_space<vmem>>, %arg6: memref<1x256x64xf32, #tpu.memory_space<vmem>>, %arg7: memref<1x1x1x64xf32, #tpu.memory_space<vmem>>, %arg8: memref<1x1x1x64xf32, #tpu.memory_space<vmem>>) attributes {dimension_semantics = [#tpu.dimension_semantics<arbitrary>, #tpu.dimension_semantics<arbitrary>], iteration_bounds = array<i64: 1, 8>, scalar_prefetch = 0 : i64, scratch_operands = 0 : i64, tpu.core_type = #tpu.core_type<tc>, window_params = [{transform_indices = @transform_0, window_bounds = array<i64: 1, 20480, 64>}, {transform_indices = @transform_1, window_bounds = array<i64: 1, 256, 64>}, {pipeline_mode = #tpu.pipeline_mode<synchronous>, transform_indices = @transform_2, window_bounds = array<i64: 128, 64>}, {transform_indices = @transform_3, window_bounds = array<i64: 1, 256, 64>}, {transform_indices = @transform_4, window_bounds = array<i64: 1, 256, 64>}, {transform_indices = @transform_5, window_bounds = array<i64: 1, 1, 1, 64>}, {transform_indices = @transform_6, window_bounds = array<i64: 1, 1, 1, 64>}]} {
    %get3A = arith.constant 0 : index
    %get3A_0 = arith.constant 0 : index
    %get3A_1 = arith.constant 0 : index
    %get3A_2 = vector.load %arg2[%get3A, %get3A_0, %get3A_1] : memref<1x20480x64xf32, #tpu.memory_space<vmem>>, vector<1x20480x64xf32>
    %get3A_3 = vector.shape_cast %get3A_2 : vector<1x20480x64xf32> to vector<20480x64xf32>
    %get3A_4 = arith.constant 0 : index
    %get3A_5 = arith.constant 0 : index
    %get3A_6 = arith.constant 0 : index
    %get3A_7 = vector.load %arg3[%get3A_4, %get3A_5, %get3A_6] : memref<1x256x64xf32, #tpu.memory_space<vmem>>, vector<1x256x64xf32>
    %get3A_8 = vector.shape_cast %get3A_7 : vector<1x256x64xf32> to vector<256x64xf32>
    %broadcast_in_dim3A = vector.shape_cast %get3A_8 : vector<256x64xf32> to vector<256x1x64xf32>
    %broadcast_in_dim3A_9 = vector.shape_cast %broadcast_in_dim3A : vector<256x1x64xf32> to vector<256x1x64xf32>
    %broadcast_in_dim3A_10 = vector.broadcast %broadcast_in_dim3A_9 : vector<256x1x64xf32> to vector<256x80x64xf32>
    %reshape3A = vector.shape_cast %broadcast_in_dim3A_10 : vector<256x80x64xf32> to vector<20480x64xf32>
    %sub3A = arith.subf %get3A_3, %reshape3A : vector<20480x64xf32>
    %concatenate3A = tpu.concatenate %sub3A, %reshape3A in 1 : vector<20480x64xf32>, vector<20480x64xf32> -> vector<20480x128xf32>
    %get3A_11 = arith.constant 0 : index
    %get3A_12 = arith.constant 0 : index
    %get3A_13 = vector.load %arg4[%get3A_11, %get3A_12] : memref<128x64xf32, #tpu.memory_space<vmem>>, vector<128x64xf32>
    %dot_general3A = arith.constant dense<0.000000e+00> : vector<20480x64xf32>
    %dot_general3A_14 = tpu.matmul %concatenate3A, %get3A_13, %dot_general3A {dimension_numbers = #tpu.dot_dimension_numbers<[1], [0], [0], [1], [0, 0, 1, 1], [], []>, transpose_lhs_hint = false} : vector<20480x128xf32>, vector<128x64xf32>, vector<20480x64xf32> -> vector<20480x64xf32>
    %reshape3A_15 = vector.shape_cast %dot_general3A_14 : vector<20480x64xf32> to vector<256x80x64xf32>
    %reduce_max3A = arith.constant dense<0xFF800000> : vector<256x64xf32>
    %reduce_max3A_16 = vector.multi_reduction <maximumf>, %reshape3A_15, %reduce_max3A [1] : vector<256x80x64xf32> to vector<256x64xf32>
    %swap3A = arith.constant 0 : index
    %swap3A_17 = arith.constant 0 : index
    %swap3A_18 = arith.constant 0 : index
    %swap3A_19 = vector.load %arg5[%swap3A, %swap3A_17, %swap3A_18] : memref<1x256x64xf32, #tpu.memory_space<vmem>>, vector<1x256x64xf32>
    %swap3A_20 = vector.shape_cast %swap3A_19 : vector<1x256x64xf32> to vector<256x64xf32>
    %swap3A_21 = vector.shape_cast %reduce_max3A_16 : vector<256x64xf32> to vector<1x256x64xf32>
    tpu.vector_store %arg5[%swap3A, %swap3A_17, %swap3A_18], %swap3A_21 {strides = array<i32>} : memref<1x256x64xf32, #tpu.memory_space<vmem>>, vector<1x256x64xf32>,
    %reduce_min3A = arith.constant dense<0x7F800000> : vector<256x64xf32>
    %reduce_min3A_22 = vector.multi_reduction <minimumf>, %reshape3A_15, %reduce_min3A [1] : vector<256x80x64xf32> to vector<256x64xf32>
    %swap3A_23 = arith.constant 0 : index
    %swap3A_24 = arith.constant 0 : index
    %swap3A_25 = arith.constant 0 : index
    %swap3A_26 = vector.load %arg6[%swap3A_23, %swap3A_24, %swap3A_25] : memref<1x256x64xf32, #tpu.memory_space<vmem>>, vector<1x256x64xf32>
    %swap3A_27 = vector.shape_cast %swap3A_26 : vector<1x256x64xf32> to vector<256x64xf32>
    %swap3A_28 = vector.shape_cast %reduce_min3A_22 : vector<256x64xf32> to vector<1x256x64xf32>
    tpu.vector_store %arg6[%swap3A_23, %swap3A_24, %swap3A_25], %swap3A_28 {strides = array<i32>} : memref<1x256x64xf32, #tpu.memory_space<vmem>>, vector<1x256x64xf32>,
    %reduce_sum3A = arith.constant dense<0.000000e+00> : vector<64xf32>
    %reduce_sum3A_29 = vector.multi_reduction <add>, %dot_general3A_14, %reduce_sum3A [0] : vector<20480x64xf32> to vector<64xf32>
    %broadcast_in_dim3A_30 = vector.shape_cast %reduce_sum3A_29 : vector<64xf32> to vector<1x64xf32>
    %swap3A_31 = arith.constant 0 : index
    %swap3A_32 = arith.constant 0 : index
    %swap3A_33 = arith.constant 0 : index
    %swap3A_34 = arith.constant 0 : index
    %swap3A_35 = vector.load %arg7[%swap3A_31, %swap3A_32, %swap3A_33, %swap3A_34] : memref<1x1x1x64xf32, #tpu.memory_space<vmem>>, vector<1x1x1x64xf32>
    %swap3A_36 = vector.shape_cast %swap3A_35 : vector<1x1x1x64xf32> to vector<1x64xf32>
    %swap3A_37 = vector.shape_cast %broadcast_in_dim3A_30 : vector<1x64xf32> to vector<1x1x1x64xf32>
    tpu.vector_store %arg7[%swap3A_31, %swap3A_32, %swap3A_33, %swap3A_34], %swap3A_37 {strides = array<i32>} : memref<1x1x1x64xf32, #tpu.memory_space<vmem>>, vector<1x1x1x64xf32>,
    %mul3A = arith.mulf %dot_general3A_14, %dot_general3A_14 : vector<20480x64xf32>
    %reduce_sum3A_38 = arith.constant dense<0.000000e+00> : vector<64xf32>
    %reduce_sum3A_39 = vector.multi_reduction <add>, %mul3A, %reduce_sum3A_38 [0] : vector<20480x64xf32> to vector<64xf32>
    %broadcast_in_dim3A_40 = vector.shape_cast %reduce_sum3A_39 : vector<64xf32> to vector<1x64xf32>
    %swap3A_41 = arith.constant 0 : index
    %swap3A_42 = arith.constant 0 : index
    %swap3A_43 = arith.constant 0 : index
    %swap3A_44 = arith.constant 0 : index
    %swap3A_45 = vector.load %arg8[%swap3A_41, %swap3A_42, %swap3A_43, %swap3A_44] : memref<1x1x1x64xf32, #tpu.memory_space<vmem>>, vector<1x1x1x64xf32>
    %swap3A_46 = vector.shape_cast %swap3A_45 : vector<1x1x1x64xf32> to vector<1x64xf32>
    %swap3A_47 = vector.shape_cast %broadcast_in_dim3A_40 : vector<1x64xf32> to vector<1x1x1x64xf32>
    tpu.vector_store %arg8[%swap3A_41, %swap3A_42, %swap3A_43, %swap3A_44], %swap3A_47 {strides = array<i32>} : memref<1x1x1x64xf32, #tpu.memory_space<vmem>>, vector<1x1x1x64xf32>,
    return
  }
  func.func @transform_0(%arg0: i32, %arg1: i32) -> (i32, i32, i32) {
    %c0_i32 = arith.constant 0 : i32
    %c0_i32_0 = arith.constant 0 : i32
    return %arg0, %arg1, %c0_i32 : i32, i32, i32
  }
  func.func @transform_1(%arg0: i32, %arg1: i32) -> (i32, i32, i32) {
    %c0_i32 = arith.constant 0 : i32
    %c0_i32_0 = arith.constant 0 : i32
    return %arg0, %arg1, %c0_i32 : i32, i32, i32
  }
  func.func @transform_2(%arg0: i32, %arg1: i32) -> (i32, i32) {
    %c0_i32 = arith.constant 0 : i32
    %c0_i32_0 = arith.constant 0 : i32
    %c0_i32_1 = arith.constant 0 : i32
    return %c0_i32, %c0_i32_0 : i32, i32
  }
  func.func @transform_3(%arg0: i32, %arg1: i32) -> (i32, i32, i32) {
    %c0_i32 = arith.constant 0 : i32
    %c0_i32_0 = arith.constant 0 : i32
    return %arg0, %arg1, %c0_i32 : i32, i32, i32
  }
  func.func @transform_4(%arg0: i32, %arg1: i32) -> (i32, i32, i32) {
    %c0_i32 = arith.constant 0 : i32
    %c0_i32_0 = arith.constant 0 : i32
    return %arg0, %arg1, %c0_i32 : i32, i32, i32
  }
  func.func @transform_5(%arg0: i32, %arg1: i32) -> (i32, i32, i32, i32) {
    %c0_i32 = arith.constant 0 : i32
    %c0_i32_0 = arith.constant 0 : i32
    %c0_i32_1 = arith.constant 0 : i32
    return %arg0, %arg1, %c0_i32, %c0_i32_0 : i32, i32, i32, i32
  }
  func.func @transform_6(%arg0: i32, %arg1: i32) -> (i32, i32, i32, i32) {
    %c0_i32 = arith.constant 0 : i32
    %c0_i32_0 = arith.constant 0 : i32
    %c0_i32_1 = arith.constant 0 : i32
    return %arg0, %arg1, %c0_i32, %c0_i32_0 : i32, i32, i32, i32
  }
}

module attributes {stable_mosaic.version = 14 : i64} {
  func.func @_econv_body(%arg0: i32, %arg1: i32, %arg2: memref<1x20480x64xf32, #tpu.memory_space<vmem>>, %arg3: memref<1x256x64xf32, #tpu.memory_space<vmem>>, %arg4: memref<128x128xf32, #tpu.memory_space<vmem>>, %arg5: memref<1x256x128xf32, #tpu.memory_space<vmem>>, %arg6: memref<1x256x128xf32, #tpu.memory_space<vmem>>, %arg7: memref<1x1x1x128xf32, #tpu.memory_space<vmem>>, %arg8: memref<1x1x1x128xf32, #tpu.memory_space<vmem>>) attributes {dimension_semantics = [#tpu.dimension_semantics<arbitrary>, #tpu.dimension_semantics<arbitrary>], iteration_bounds = array<i64: 1, 8>, scalar_prefetch = 0 : i64, scratch_operands = 0 : i64, tpu.core_type = #tpu.core_type<tc>, window_params = [{transform_indices = @transform_0, window_bounds = array<i64: 1, 20480, 64>}, {transform_indices = @transform_1, window_bounds = array<i64: 1, 256, 64>}, {pipeline_mode = #tpu.pipeline_mode<synchronous>, transform_indices = @transform_2, window_bounds = array<i64: 128, 128>}, {transform_indices = @transform_3, window_bounds = array<i64: 1, 256, 128>}, {transform_indices = @transform_4, window_bounds = array<i64: 1, 256, 128>}, {transform_indices = @transform_5, window_bounds = array<i64: 1, 1, 1, 128>}, {transform_indices = @transform_6, window_bounds = array<i64: 1, 1, 1, 128>}]} {
    %get3A = arith.constant 0 : index
    %get3A_0 = arith.constant 0 : index
    %get3A_1 = arith.constant 0 : index
    %get3A_2 = vector.load %arg2[%get3A, %get3A_0, %get3A_1] : memref<1x20480x64xf32, #tpu.memory_space<vmem>>, vector<1x20480x64xf32>
    %get3A_3 = vector.shape_cast %get3A_2 : vector<1x20480x64xf32> to vector<20480x64xf32>
    %get3A_4 = arith.constant 0 : index
    %get3A_5 = arith.constant 0 : index
    %get3A_6 = arith.constant 0 : index
    %get3A_7 = vector.load %arg3[%get3A_4, %get3A_5, %get3A_6] : memref<1x256x64xf32, #tpu.memory_space<vmem>>, vector<1x256x64xf32>
    %get3A_8 = vector.shape_cast %get3A_7 : vector<1x256x64xf32> to vector<256x64xf32>
    %broadcast_in_dim3A = vector.shape_cast %get3A_8 : vector<256x64xf32> to vector<256x1x64xf32>
    %broadcast_in_dim3A_9 = vector.shape_cast %broadcast_in_dim3A : vector<256x1x64xf32> to vector<256x1x64xf32>
    %broadcast_in_dim3A_10 = vector.broadcast %broadcast_in_dim3A_9 : vector<256x1x64xf32> to vector<256x80x64xf32>
    %reshape3A = vector.shape_cast %broadcast_in_dim3A_10 : vector<256x80x64xf32> to vector<20480x64xf32>
    %sub3A = arith.subf %get3A_3, %reshape3A : vector<20480x64xf32>
    %concatenate3A = tpu.concatenate %sub3A, %reshape3A in 1 : vector<20480x64xf32>, vector<20480x64xf32> -> vector<20480x128xf32>
    %get3A_11 = arith.constant 0 : index
    %get3A_12 = arith.constant 0 : index
    %get3A_13 = vector.load %arg4[%get3A_11, %get3A_12] : memref<128x128xf32, #tpu.memory_space<vmem>>, vector<128x128xf32>
    %dot_general3A = arith.constant dense<0.000000e+00> : vector<20480x128xf32>
    %dot_general3A_14 = tpu.matmul %concatenate3A, %get3A_13, %dot_general3A {dimension_numbers = #tpu.dot_dimension_numbers<[1], [0], [0], [1], [0, 0, 1, 1], [], []>, transpose_lhs_hint = false} : vector<20480x128xf32>, vector<128x128xf32>, vector<20480x128xf32> -> vector<20480x128xf32>
    %reshape3A_15 = vector.shape_cast %dot_general3A_14 : vector<20480x128xf32> to vector<256x80x128xf32>
    %reduce_max3A = arith.constant dense<0xFF800000> : vector<256x128xf32>
    %reduce_max3A_16 = vector.multi_reduction <maximumf>, %reshape3A_15, %reduce_max3A [1] : vector<256x80x128xf32> to vector<256x128xf32>
    %swap3A = arith.constant 0 : index
    %swap3A_17 = arith.constant 0 : index
    %swap3A_18 = arith.constant 0 : index
    %swap3A_19 = vector.load %arg5[%swap3A, %swap3A_17, %swap3A_18] : memref<1x256x128xf32, #tpu.memory_space<vmem>>, vector<1x256x128xf32>
    %swap3A_20 = vector.shape_cast %swap3A_19 : vector<1x256x128xf32> to vector<256x128xf32>
    %swap3A_21 = vector.shape_cast %reduce_max3A_16 : vector<256x128xf32> to vector<1x256x128xf32>
    tpu.vector_store %arg5[%swap3A, %swap3A_17, %swap3A_18], %swap3A_21 {strides = array<i32>} : memref<1x256x128xf32, #tpu.memory_space<vmem>>, vector<1x256x128xf32>,
    %reduce_min3A = arith.constant dense<0x7F800000> : vector<256x128xf32>
    %reduce_min3A_22 = vector.multi_reduction <minimumf>, %reshape3A_15, %reduce_min3A [1] : vector<256x80x128xf32> to vector<256x128xf32>
    %swap3A_23 = arith.constant 0 : index
    %swap3A_24 = arith.constant 0 : index
    %swap3A_25 = arith.constant 0 : index
    %swap3A_26 = vector.load %arg6[%swap3A_23, %swap3A_24, %swap3A_25] : memref<1x256x128xf32, #tpu.memory_space<vmem>>, vector<1x256x128xf32>
    %swap3A_27 = vector.shape_cast %swap3A_26 : vector<1x256x128xf32> to vector<256x128xf32>
    %swap3A_28 = vector.shape_cast %reduce_min3A_22 : vector<256x128xf32> to vector<1x256x128xf32>
    tpu.vector_store %arg6[%swap3A_23, %swap3A_24, %swap3A_25], %swap3A_28 {strides = array<i32>} : memref<1x256x128xf32, #tpu.memory_space<vmem>>, vector<1x256x128xf32>,
    %reduce_sum3A = arith.constant dense<0.000000e+00> : vector<128xf32>
    %reduce_sum3A_29 = vector.multi_reduction <add>, %dot_general3A_14, %reduce_sum3A [0] : vector<20480x128xf32> to vector<128xf32>
    %broadcast_in_dim3A_30 = vector.shape_cast %reduce_sum3A_29 : vector<128xf32> to vector<1x128xf32>
    %swap3A_31 = arith.constant 0 : index
    %swap3A_32 = arith.constant 0 : index
    %swap3A_33 = arith.constant 0 : index
    %swap3A_34 = arith.constant 0 : index
    %swap3A_35 = vector.load %arg7[%swap3A_31, %swap3A_32, %swap3A_33, %swap3A_34] : memref<1x1x1x128xf32, #tpu.memory_space<vmem>>, vector<1x1x1x128xf32>
    %swap3A_36 = vector.shape_cast %swap3A_35 : vector<1x1x1x128xf32> to vector<1x128xf32>
    %swap3A_37 = vector.shape_cast %broadcast_in_dim3A_30 : vector<1x128xf32> to vector<1x1x1x128xf32>
    tpu.vector_store %arg7[%swap3A_31, %swap3A_32, %swap3A_33, %swap3A_34], %swap3A_37 {strides = array<i32>} : memref<1x1x1x128xf32, #tpu.memory_space<vmem>>, vector<1x1x1x128xf32>,
    %mul3A = arith.mulf %dot_general3A_14, %dot_general3A_14 : vector<20480x128xf32>
    %reduce_sum3A_38 = arith.constant dense<0.000000e+00> : vector<128xf32>
    %reduce_sum3A_39 = vector.multi_reduction <add>, %mul3A, %reduce_sum3A_38 [0] : vector<20480x128xf32> to vector<128xf32>
    %broadcast_in_dim3A_40 = vector.shape_cast %reduce_sum3A_39 : vector<128xf32> to vector<1x128xf32>
    %swap3A_41 = arith.constant 0 : index
    %swap3A_42 = arith.constant 0 : index
    %swap3A_43 = arith.constant 0 : index
    %swap3A_44 = arith.constant 0 : index
    %swap3A_45 = vector.load %arg8[%swap3A_41, %swap3A_42, %swap3A_43, %swap3A_44] : memref<1x1x1x128xf32, #tpu.memory_space<vmem>>, vector<1x1x1x128xf32>
    %swap3A_46 = vector.shape_cast %swap3A_45 : vector<1x1x1x128xf32> to vector<1x128xf32>
    %swap3A_47 = vector.shape_cast %broadcast_in_dim3A_40 : vector<1x128xf32> to vector<1x1x1x128xf32>
    tpu.vector_store %arg8[%swap3A_41, %swap3A_42, %swap3A_43, %swap3A_44], %swap3A_47 {strides = array<i32>} : memref<1x1x1x128xf32, #tpu.memory_space<vmem>>, vector<1x1x1x128xf32>,
    return
  }
  func.func @transform_0(%arg0: i32, %arg1: i32) -> (i32, i32, i32) {
    %c0_i32 = arith.constant 0 : i32
    %c0_i32_0 = arith.constant 0 : i32
    return %arg0, %arg1, %c0_i32 : i32, i32, i32
  }
  func.func @transform_1(%arg0: i32, %arg1: i32) -> (i32, i32, i32) {
    %c0_i32 = arith.constant 0 : i32
    %c0_i32_0 = arith.constant 0 : i32
    return %arg0, %arg1, %c0_i32 : i32, i32, i32
  }
  func.func @transform_2(%arg0: i32, %arg1: i32) -> (i32, i32) {
    %c0_i32 = arith.constant 0 : i32
    %c0_i32_0 = arith.constant 0 : i32
    %c0_i32_1 = arith.constant 0 : i32
    return %c0_i32, %c0_i32_0 : i32, i32
  }
  func.func @transform_3(%arg0: i32, %arg1: i32) -> (i32, i32, i32) {
    %c0_i32 = arith.constant 0 : i32
    %c0_i32_0 = arith.constant 0 : i32
    return %arg0, %arg1, %c0_i32 : i32, i32, i32
  }
  func.func @transform_4(%arg0: i32, %arg1: i32) -> (i32, i32, i32) {
    %c0_i32 = arith.constant 0 : i32
    %c0_i32_0 = arith.constant 0 : i32
    return %arg0, %arg1, %c0_i32 : i32, i32, i32
  }
  func.func @transform_5(%arg0: i32, %arg1: i32) -> (i32, i32, i32, i32) {
    %c0_i32 = arith.constant 0 : i32
    %c0_i32_0 = arith.constant 0 : i32
    %c0_i32_1 = arith.constant 0 : i32
    return %arg0, %arg1, %c0_i32, %c0_i32_0 : i32, i32, i32, i32
  }
  func.func @transform_6(%arg0: i32, %arg1: i32) -> (i32, i32, i32, i32) {
    %c0_i32 = arith.constant 0 : i32
    %c0_i32_0 = arith.constant 0 : i32
    %c0_i32_1 = arith.constant 0 : i32
    return %arg0, %arg1, %c0_i32, %c0_i32_0 : i32, i32, i32, i32
  }
}

module attributes {stable_mosaic.version = 14 : i64} {
  func.func @_fin_body(%arg0: i32, %arg1: memref<1x2048x128xf32, #tpu.memory_space<vmem>>, %arg2: memref<1x2048x128xf32, #tpu.memory_space<vmem>>, %arg3: memref<1x8x1x128xf32, #tpu.memory_space<vmem>>, %arg4: memref<1x8x1x128xf32, #tpu.memory_space<vmem>>, %arg5: memref<1x128xf32, #tpu.memory_space<vmem>>, %arg6: memref<1x128xf32, #tpu.memory_space<vmem>>, %arg7: memref<1x2048x128xf32, #tpu.memory_space<vmem>>, %arg8: memref<1x128x2048xf32, #tpu.memory_space<vmem>>) attributes {dimension_semantics = [#tpu.dimension_semantics<arbitrary>], iteration_bounds = array<i64: 1>, scalar_prefetch = 0 : i64, scratch_operands = 0 : i64, tpu.core_type = #tpu.core_type<tc>, window_params = [{transform_indices = @transform_0, window_bounds = array<i64: 1, 2048, 128>}, {transform_indices = @transform_1, window_bounds = array<i64: 1, 2048, 128>}, {transform_indices = @transform_2, window_bounds = array<i64: 1, 8, 1, 128>}, {transform_indices = @transform_3, window_bounds = array<i64: 1, 8, 1, 128>}, {pipeline_mode = #tpu.pipeline_mode<synchronous>, transform_indices = @transform_4, window_bounds = array<i64: 1, 128>}, {pipeline_mode = #tpu.pipeline_mode<synchronous>, transform_indices = @transform_5, window_bounds = array<i64: 1, 128>}, {transform_indices = @transform_6, window_bounds = array<i64: 1, 2048, 128>}, {transform_indices = @transform_7, window_bounds = array<i64: 1, 128, 2048>}]} {
    %get3A = arith.constant 0 : index
    %get3A_0 = arith.constant 0 : index
    %get3A_1 = arith.constant 0 : index
    %get3A_2 = arith.constant 0 : index
    %get3A_3 = vector.load %arg3[%get3A, %get3A_0, %get3A_1, %get3A_2] : memref<1x8x1x128xf32, #tpu.memory_space<vmem>>, vector<1x8x1x128xf32>
    %get3A_4 = vector.shape_cast %get3A_3 : vector<1x8x1x128xf32> to vector<8x128xf32>
    %reduce_sum3A = arith.constant dense<0.000000e+00> : vector<128xf32>
    %reduce_sum3A_5 = vector.multi_reduction <add>, %get3A_4, %reduce_sum3A [0] : vector<8x128xf32> to vector<128xf32>
    %broadcast_in_dim3A = vector.shape_cast %reduce_sum3A_5 : vector<128xf32> to vector<1x128xf32>
    %get3A_6 = arith.constant 0 : index
    %get3A_7 = arith.constant 0 : index
    %get3A_8 = arith.constant 0 : index
    %get3A_9 = arith.constant 0 : index
    %get3A_10 = vector.load %arg4[%get3A_6, %get3A_7, %get3A_8, %get3A_9] : memref<1x8x1x128xf32, #tpu.memory_space<vmem>>, vector<1x8x1x128xf32>
    %get3A_11 = vector.shape_cast %get3A_10 : vector<1x8x1x128xf32> to vector<8x128xf32>
    %reduce_sum3A_12 = arith.constant dense<0.000000e+00> : vector<128xf32>
    %reduce_sum3A_13 = vector.multi_reduction <add>, %get3A_11, %reduce_sum3A_12 [0] : vector<8x128xf32> to vector<128xf32>
    %broadcast_in_dim3A_14 = vector.shape_cast %reduce_sum3A_13 : vector<128xf32> to vector<1x128xf32>
    %slice3A = vector.extract_strided_slice %broadcast_in_dim3A {offsets = [0, 0], sizes = [1, 64], strides = [1, 1]} : vector<1x128xf32> to vector<1x64xf32>
    %reduce_sum3A_15 = arith.constant dense<0.000000e+00> : vector<1xf32>
    %reduce_sum3A_16 = vector.multi_reduction <add>, %slice3A, %reduce_sum3A_15 [1] : vector<1x64xf32> to vector<1xf32>
    %broadcast_in_dim3A_17 = vector.shape_cast %reduce_sum3A_16 : vector<1xf32> to vector<1x1xf32>
    %div3A = arith.constant 0x4B200000 : f32
    %div3A_18 = vector.broadcast %div3A : f32 to vector<1x1xf32>
    %div3A_19 = arith.divf %broadcast_in_dim3A_17, %div3A_18 : vector<1x1xf32>
    %slice3A_20 = vector.extract_strided_slice %broadcast_in_dim3A_14 {offsets = [0, 0], sizes = [1, 64], strides = [1, 1]} : vector<1x128xf32> to vector<1x64xf32>
    %reduce_sum3A_21 = arith.constant dense<0.000000e+00> : vector<1xf32>
    %reduce_sum3A_22 = vector.multi_reduction <add>, %slice3A_20, %reduce_sum3A_21 [1] : vector<1x64xf32> to vector<1xf32>
    %broadcast_in_dim3A_23 = vector.shape_cast %reduce_sum3A_22 : vector<1xf32> to vector<1x1xf32>
    %div3A_24 = arith.constant 0x4B200000 : f32
    %div3A_25 = vector.broadcast %div3A_24 : f32 to vector<1x1xf32>
    %div3A_26 = arith.divf %broadcast_in_dim3A_23, %div3A_25 : vector<1x1xf32>
    %broadcast_in_dim3A_27 = vector.shape_cast %div3A_19 : vector<1x1xf32> to vector<1x1xf32>
    %broadcast_in_dim3A_28 = vector.broadcast %broadcast_in_dim3A_27 : vector<1x1xf32> to vector<1x64xf32>
    %mul3A = arith.mulf %div3A_19, %div3A_19 : vector<1x1xf32>
    %sub3A = arith.subf %div3A_26, %mul3A : vector<1x1xf32>
    %broadcast_in_dim3A_29 = vector.shape_cast %sub3A : vector<1x1xf32> to vector<1x1xf32>
    %broadcast_in_dim3A_30 = vector.broadcast %broadcast_in_dim3A_29 : vector<1x1xf32> to vector<1x64xf32>
    %slice3A_31 = vector.extract_strided_slice %broadcast_in_dim3A {offsets = [0, 64], sizes = [1, 64], strides = [1, 1]} : vector<1x128xf32> to vector<1x64xf32>
    %reduce_sum3A_32 = arith.constant dense<0.000000e+00> : vector<1xf32>
    %reduce_sum3A_33 = vector.multi_reduction <add>, %slice3A_31, %reduce_sum3A_32 [1] : vector<1x64xf32> to vector<1xf32>
    %broadcast_in_dim3A_34 = vector.shape_cast %reduce_sum3A_33 : vector<1xf32> to vector<1x1xf32>
    %div3A_35 = arith.constant 0x4B200000 : f32
    %div3A_36 = vector.broadcast %div3A_35 : f32 to vector<1x1xf32>
    %div3A_37 = arith.divf %broadcast_in_dim3A_34, %div3A_36 : vector<1x1xf32>
    %slice3A_38 = vector.extract_strided_slice %broadcast_in_dim3A_14 {offsets = [0, 64], sizes = [1, 64], strides = [1, 1]} : vector<1x128xf32> to vector<1x64xf32>
    %reduce_sum3A_39 = arith.constant dense<0.000000e+00> : vector<1xf32>
    %reduce_sum3A_40 = vector.multi_reduction <add>, %slice3A_38, %reduce_sum3A_39 [1] : vector<1x64xf32> to vector<1xf32>
    %broadcast_in_dim3A_41 = vector.shape_cast %reduce_sum3A_40 : vector<1xf32> to vector<1x1xf32>
    %div3A_42 = arith.constant 0x4B200000 : f32
    %div3A_43 = vector.broadcast %div3A_42 : f32 to vector<1x1xf32>
    %div3A_44 = arith.divf %broadcast_in_dim3A_41, %div3A_43 : vector<1x1xf32>
    %broadcast_in_dim3A_45 = vector.shape_cast %div3A_37 : vector<1x1xf32> to vector<1x1xf32>
    %broadcast_in_dim3A_46 = vector.broadcast %broadcast_in_dim3A_45 : vector<1x1xf32> to vector<1x64xf32>
    %mul3A_47 = arith.mulf %div3A_37, %div3A_37 : vector<1x1xf32>
    %sub3A_48 = arith.subf %div3A_44, %mul3A_47 : vector<1x1xf32>
    %broadcast_in_dim3A_49 = vector.shape_cast %sub3A_48 : vector<1x1xf32> to vector<1x1xf32>
    %broadcast_in_dim3A_50 = vector.broadcast %broadcast_in_dim3A_49 : vector<1x1xf32> to vector<1x64xf32>
    %concatenate3A = tpu.concatenate %broadcast_in_dim3A_28, %broadcast_in_dim3A_46 in 1 : vector<1x64xf32>, vector<1x64xf32> -> vector<1x128xf32>
    %concatenate3A_51 = tpu.concatenate %broadcast_in_dim3A_30, %broadcast_in_dim3A_50 in 1 : vector<1x64xf32>, vector<1x64xf32> -> vector<1x128xf32>
    %add3A = arith.constant 9.99999974E-6 : f32
    %add3A_52 = vector.broadcast %add3A : f32 to vector<1x128xf32>
    %add3A_53 = arith.addf %concatenate3A_51, %add3A_52 : vector<1x128xf32>
    %sqrt3A = math.sqrt %add3A_53 : vector<1x128xf32>
    %get3A_54 = arith.constant 0 : index
    %get3A_55 = arith.constant 0 : index
    %get3A_56 = vector.load %arg5[%get3A_54, %get3A_55] : memref<1x128xf32, #tpu.memory_space<vmem>>, vector<1x128xf32>
    %get3A_57 = arith.constant 0 : index
    %get3A_58 = arith.constant 0 : index
    %get3A_59 = vector.load %arg6[%get3A_57, %get3A_58] : memref<1x128xf32, #tpu.memory_space<vmem>>, vector<1x128xf32>
    %ge3A = arith.constant 0.000000e+00 : f32
    %ge3A_60 = vector.broadcast %ge3A : f32 to vector<1x128xf32>
    %ge3A_61 = arith.cmpf oge, %get3A_56, %ge3A_60 : vector<1x128xf32>
    %get3A_62 = arith.constant 0 : index
    %get3A_63 = arith.constant 0 : index
    %get3A_64 = arith.constant 0 : index
    %get3A_65 = vector.load %arg1[%get3A_62, %get3A_63, %get3A_64] : memref<1x2048x128xf32, #tpu.memory_space<vmem>>, vector<1x2048x128xf32>
    %get3A_66 = vector.shape_cast %get3A_65 : vector<1x2048x128xf32> to vector<2048x128xf32>
    %get3A_67 = arith.constant 0 : index
    %get3A_68 = arith.constant 0 : index
    %get3A_69 = arith.constant 0 : index
    %get3A_70 = vector.load %arg2[%get3A_67, %get3A_68, %get3A_69] : memref<1x2048x128xf32, #tpu.memory_space<vmem>>, vector<1x2048x128xf32>
    %get3A_71 = vector.shape_cast %get3A_70 : vector<1x2048x128xf32> to vector<2048x128xf32>
    %broadcast_in_dim3A_72 = vector.shape_cast %ge3A_61 : vector<1x128xi1> to vector<1x128xi1>
    %broadcast_in_dim3A_73 = vector.broadcast %broadcast_in_dim3A_72 : vector<1x128xi1> to vector<2048x128xi1>
    %select_n3A = arith.select %broadcast_in_dim3A_73, %get3A_66, %get3A_71 : vector<2048x128xi1>, vector<2048x128xf32>
    %sub3A_74 = vector.broadcast %concatenate3A : vector<1x128xf32> to vector<2048x128xf32>
    %sub3A_75 = arith.subf %select_n3A, %sub3A_74 : vector<2048x128xf32>
    %div3A_76 = vector.broadcast %sqrt3A : vector<1x128xf32> to vector<2048x128xf32>
    %div3A_77 = arith.divf %sub3A_75, %div3A_76 : vector<2048x128xf32>
    %mul3A_78 = vector.broadcast %get3A_56 : vector<1x128xf32> to vector<2048x128xf32>
    %mul3A_79 = arith.mulf %div3A_77, %mul3A_78 : vector<2048x128xf32>
    %add3A_80 = vector.broadcast %get3A_59 : vector<1x128xf32> to vector<2048x128xf32>
    %add3A_81 = arith.addf %mul3A_79, %add3A_80 : vector<2048x128xf32>
    %ge3A_82 = arith.constant 0.000000e+00 : f32
    %ge3A_83 = vector.broadcast %ge3A_82 : f32 to vector<2048x128xf32>
    %ge3A_84 = arith.cmpf oge, %add3A_81, %ge3A_83 : vector<2048x128xf32>
    %mul3A_85 = arith.constant 2.000000e-01 : f32
    %mul3A_86 = vector.broadcast %mul3A_85 : f32 to vector<2048x128xf32>
    %mul3A_87 = arith.mulf %mul3A_86, %add3A_81 : vector<2048x128xf32>
    %select_n3A_88 = arith.select %ge3A_84, %add3A_81, %mul3A_87 : vector<2048x128xi1>, vector<2048x128xf32>
    %swap3A = arith.constant 0 : index
    %swap3A_89 = arith.constant 0 : index
    %swap3A_90 = arith.constant 0 : index
    %swap3A_91 = vector.load %arg7[%swap3A, %swap3A_89, %swap3A_90] : memref<1x2048x128xf32, #tpu.memory_space<vmem>>, vector<1x2048x128xf32>
    %swap3A_92 = vector.shape_cast %swap3A_91 : vector<1x2048x128xf32> to vector<2048x128xf32>
    %swap3A_93 = vector.shape_cast %select_n3A_88 : vector<2048x128xf32> to vector<1x2048x128xf32>
    tpu.vector_store %arg7[%swap3A, %swap3A_89, %swap3A_90], %swap3A_93 {strides = array<i32>} : memref<1x2048x128xf32, #tpu.memory_space<vmem>>, vector<1x2048x128xf32>,
    %transpose3A = tpu.transpose %select_n3A_88, [1, 0] : vector<2048x128xf32> -> vector<128x2048xf32>
    %swap3A_94 = arith.constant 0 : index
    %swap3A_95 = arith.constant 0 : index
    %swap3A_96 = arith.constant 0 : index
    %swap3A_97 = vector.load %arg8[%swap3A_94, %swap3A_95, %swap3A_96] : memref<1x128x2048xf32, #tpu.memory_space<vmem>>, vector<1x128x2048xf32>
    %swap3A_98 = vector.shape_cast %swap3A_97 : vector<1x128x2048xf32> to vector<128x2048xf32>
    %swap3A_99 = vector.shape_cast %transpose3A : vector<128x2048xf32> to vector<1x128x2048xf32>
    tpu.vector_store %arg8[%swap3A_94, %swap3A_95, %swap3A_96], %swap3A_99 {strides = array<i32>} : memref<1x128x2048xf32, #tpu.memory_space<vmem>>, vector<1x128x2048xf32>,
    return
  }
  func.func @transform_0(%arg0: i32) -> (i32, i32, i32) {
    %c0_i32 = arith.constant 0 : i32
    %c0_i32_0 = arith.constant 0 : i32
    %c0_i32_1 = arith.constant 0 : i32
    return %arg0, %c0_i32, %c0_i32_0 : i32, i32, i32
  }
  func.func @transform_1(%arg0: i32) -> (i32, i32, i32) {
    %c0_i32 = arith.constant 0 : i32
    %c0_i32_0 = arith.constant 0 : i32
    %c0_i32_1 = arith.constant 0 : i32
    return %arg0, %c0_i32, %c0_i32_0 : i32, i32, i32
  }
  func.func @transform_2(%arg0: i32) -> (i32, i32, i32, i32) {
    %c0_i32 = arith.constant 0 : i32
    %c0_i32_0 = arith.constant 0 : i32
    %c0_i32_1 = arith.constant 0 : i32
    %c0_i32_2 = arith.constant 0 : i32
    return %arg0, %c0_i32, %c0_i32_0, %c0_i32_1 : i32, i32, i32, i32
  }
  func.func @transform_3(%arg0: i32) -> (i32, i32, i32, i32) {
    %c0_i32 = arith.constant 0 : i32
    %c0_i32_0 = arith.constant 0 : i32
    %c0_i32_1 = arith.constant 0 : i32
    %c0_i32_2 = arith.constant 0 : i32
    return %arg0, %c0_i32, %c0_i32_0, %c0_i32_1 : i32, i32, i32, i32
  }
  func.func @transform_4(%arg0: i32) -> (i32, i32) {
    %c0_i32 = arith.constant 0 : i32
    %c0_i32_0 = arith.constant 0 : i32
    %c0_i32_1 = arith.constant 0 : i32
    return %c0_i32, %c0_i32_0 : i32, i32
  }
  func.func @transform_5(%arg0: i32) -> (i32, i32) {
    %c0_i32 = arith.constant 0 : i32
    %c0_i32_0 = arith.constant 0 : i32
    %c0_i32_1 = arith.constant 0 : i32
    return %c0_i32, %c0_i32_0 : i32, i32
  }
  func.func @transform_6(%arg0: i32) -> (i32, i32, i32) {
    %c0_i32 = arith.constant 0 : i32
    %c0_i32_0 = arith.constant 0 : i32
    %c0_i32_1 = arith.constant 0 : i32
    return %arg0, %c0_i32, %c0_i32_0 : i32, i32, i32
  }
  func.func @transform_7(%arg0: i32) -> (i32, i32, i32) {
    %c0_i32 = arith.constant 0 : i32
    %c0_i32_0 = arith.constant 0 : i32
    %c0_i32_1 = arith.constant 0 : i32
    return %arg0, %c0_i32, %c0_i32_0 : i32, i32, i32
  }
}

module attributes {stable_mosaic.version = 14 : i64} {
  func.func @_head_body(%arg0: i32, %arg1: memref<1x2048x64xf32, #tpu.memory_space<vmem>>, %arg2: memref<1x2048x64xf32, #tpu.memory_space<vmem>>, %arg3: memref<1x2048x128xf32, #tpu.memory_space<vmem>>, %arg4: memref<256x1024xf32, #tpu.memory_space<vmem>>, %arg5: memref<1x1024xf32, #tpu.memory_space<vmem>>, %arg6: memref<1x1024xf32, #tpu.memory_space<vmem>>, %arg7: memref<1x1024xf32, #tpu.memory_space<vmem>>, %arg8: memref<1280x512xf32, #tpu.memory_space<vmem>>, %arg9: memref<1x512xf32, #tpu.memory_space<vmem>>, %arg10: memref<1x512xf32, #tpu.memory_space<vmem>>, %arg11: memref<1x512xf32, #tpu.memory_space<vmem>>, %arg12: memref<512x256xf32, #tpu.memory_space<vmem>>, %arg13: memref<1x256xf32, #tpu.memory_space<vmem>>, %arg14: memref<1x256xf32, #tpu.memory_space<vmem>>, %arg15: memref<1x256xf32, #tpu.memory_space<vmem>>, %arg16: memref<256x256xf32, #tpu.memory_space<vmem>>, %arg17: memref<1x256xf32, #tpu.memory_space<vmem>>, %arg18: memref<1x256xf32, #tpu.memory_space<vmem>>, %arg19: memref<1x256xf32, #tpu.memory_space<vmem>>, %arg20: memref<256x50xf32, #tpu.memory_space<vmem>>, %arg21: memref<1x50xf32, #tpu.memory_space<vmem>>, %arg22: memref<256x256xf32, #tpu.memory_space<vmem>>, %arg23: memref<1x256xf32, #tpu.memory_space<vmem>>, %arg24: memref<1x256xf32, #tpu.memory_space<vmem>>, %arg25: memref<1x256xf32, #tpu.memory_space<vmem>>, %arg26: memref<256x8xf32, #tpu.memory_space<vmem>>, %arg27: memref<1x8xf32, #tpu.memory_space<vmem>>, %arg28: memref<1x2048x50xf32, #tpu.memory_space<vmem>>, %arg29: memref<1x2048x8xf32, #tpu.memory_space<vmem>>) attributes {dimension_semantics = [#tpu.dimension_semantics<arbitrary>], iteration_bounds = array<i64: 2>, scalar_prefetch = 0 : i64, scratch_operands = 0 : i64, tpu.core_type = #tpu.core_type<tc>, window_params = [{transform_indices = @transform_0, window_bounds = array<i64: 1, 2048, 64>}, {transform_indices = @transform_1, window_bounds = array<i64: 1, 2048, 64>}, {transform_indices = @transform_2, window_bounds = array<i64: 1, 2048, 128>}, {pipeline_mode = #tpu.pipeline_mode<synchronous>, transform_indices = @transform_3, window_bounds = array<i64: 256, 1024>}, {pipeline_mode = #tpu.pipeline_mode<synchronous>, transform_indices = @transform_4, window_bounds = array<i64: 1, 1024>}, {pipeline_mode = #tpu.pipeline_mode<synchronous>, transform_indices = @transform_5, window_bounds = array<i64: 1, 1024>}, {pipeline_mode = #tpu.pipeline_mode<synchronous>, transform_indices = @transform_6, window_bounds = array<i64: 1, 1024>}, {pipeline_mode = #tpu.pipeline_mode<synchronous>, transform_indices = @transform_7, window_bounds = array<i64: 1280, 512>}, {pipeline_mode = #tpu.pipeline_mode<synchronous>, transform_indices = @transform_8, window_bounds = array<i64: 1, 512>}, {pipeline_mode = #tpu.pipeline_mode<synchronous>, transform_indices = @transform_9, window_bounds = array<i64: 1, 512>}, {pipeline_mode = #tpu.pipeline_mode<synchronous>, transform_indices = @transform_10, window_bounds = array<i64: 1, 512>}, {pipeline_mode = #tpu.pipeline_mode<synchronous>, transform_indices = @transform_11, window_bounds = array<i64: 512, 256>}, {pipeline_mode = #tpu.pipeline_mode<synchronous>, transform_indices = @transform_12, window_bounds = array<i64: 1, 256>}, {pipeline_mode = #tpu.pipeline_mode<synchronous>, transform_indices = @transform_13, window_bounds = array<i64: 1, 256>}, {pipeline_mode = #tpu.pipeline_mode<synchronous>, transform_indices = @transform_14, window_bounds = array<i64: 1, 256>}, {pipeline_mode = #tpu.pipeline_mode<synchronous>, transform_indices = @transform_15, window_bounds = array<i64: 256, 256>}, {pipeline_mode = #tpu.pipeline_mode<synchronous>, transform_indices = @transform_16, window_bounds = array<i64: 1, 256>}, {pipeline_mode = #tpu.pipeline_mode<synchronous>, transform_indices = @transform_17, window_bounds = array<i64: 1, 256>}, {pipeline_mode = #tpu.pipeline_mode<synchronous>, transform_indices = @transform_18, window_bounds = array<i64: 1, 256>}, {pipeline_mode = #tpu.pipeline_mode<synchronous>, transform_indices = @transform_19, window_bounds = array<i64: 256, 50>}, {pipeline_mode = #tpu.pipeline_mode<synchronous>, transform_indices = @transform_20, window_bounds = array<i64: 1, 50>}, {pipeline_mode = #tpu.pipeline_mode<synchronous>, transform_indices = @transform_21, window_bounds = array<i64: 256, 256>}, {pipeline_mode = #tpu.pipeline_mode<synchronous>, transform_indices = @transform_22, window_bounds = array<i64: 1, 256>}, {pipeline_mode = #tpu.pipeline_mode<synchronous>, transform_indices = @transform_23, window_bounds = array<i64: 1, 256>}, {pipeline_mode = #tpu.pipeline_mode<synchronous>, transform_indices = @transform_24, window_bounds = array<i64: 1, 256>}, {pipeline_mode = #tpu.pipeline_mode<synchronous>, transform_indices = @transform_25, window_bounds = array<i64: 256, 8>}, {pipeline_mode = #tpu.pipeline_mode<synchronous>, transform_indices = @transform_26, window_bounds = array<i64: 1, 8>}, {transform_indices = @transform_27, window_bounds = array<i64: 1, 2048, 50>}, {transform_indices = @transform_28, window_bounds = array<i64: 1, 2048, 8>}]} {
    %get3A = arith.constant 0 : index
    %get3A_0 = arith.constant 0 : index
    %get3A_1 = arith.constant 0 : index
    %get3A_2 = vector.load %arg1[%get3A, %get3A_0, %get3A_1] : memref<1x2048x64xf32, #tpu.memory_space<vmem>>, vector<1x2048x64xf32>
    %get3A_3 = vector.shape_cast %get3A_2 : vector<1x2048x64xf32> to vector<2048x64xf32>
    %get3A_4 = arith.constant 0 : index
    %get3A_5 = arith.constant 0 : index
    %get3A_6 = arith.constant 0 : index
    %get3A_7 = vector.load %arg2[%get3A_4, %get3A_5, %get3A_6] : memref<1x2048x64xf32, #tpu.memory_space<vmem>>, vector<1x2048x64xf32>
    %get3A_8 = vector.shape_cast %get3A_7 : vector<1x2048x64xf32> to vector<2048x64xf32>
    %get3A_9 = arith.constant 0 : index
    %get3A_10 = arith.constant 0 : index
    %get3A_11 = arith.constant 0 : index
    %get3A_12 = vector.load %arg3[%get3A_9, %get3A_10, %get3A_11] : memref<1x2048x128xf32, #tpu.memory_space<vmem>>, vector<1x2048x128xf32>
    %get3A_13 = vector.shape_cast %get3A_12 : vector<1x2048x128xf32> to vector<2048x128xf32>
    %concatenate3A = tpu.concatenate %get3A_3, %get3A_8, %get3A_13 in 1 : vector<2048x64xf32>, vector<2048x64xf32>, vector<2048x128xf32> -> vector<2048x256xf32>
    %get3A_14 = arith.constant 0 : index
    %get3A_15 = arith.constant 0 : index
    %get3A_16 = vector.load %arg4[%get3A_14, %get3A_15] : memref<256x1024xf32, #tpu.memory_space<vmem>>, vector<256x1024xf32>
    %dot_general3A = arith.constant dense<0.000000e+00> : vector<2048x1024xf32>
    %dot_general3A_17 = tpu.matmul %concatenate3A, %get3A_16, %dot_general3A {dimension_numbers = #tpu.dot_dimension_numbers<[1], [0], [0], [1], [0, 0, 1, 1], [], []>, transpose_lhs_hint = false} : vector<2048x256xf32>, vector<256x1024xf32>, vector<2048x1024xf32> -> vector<2048x1024xf32>
    %get3A_18 = arith.constant 0 : index
    %get3A_19 = arith.constant 0 : index
    %get3A_20 = vector.load %arg5[%get3A_18, %get3A_19] : memref<1x1024xf32, #tpu.memory_space<vmem>>, vector<1x1024xf32>
    %add3A = vector.broadcast %get3A_20 : vector<1x1024xf32> to vector<2048x1024xf32>
    %add3A_21 = arith.addf %dot_general3A_17, %add3A : vector<2048x1024xf32>
    %get3A_22 = arith.constant 0 : index
    %get3A_23 = arith.constant 0 : index
    %get3A_24 = vector.load %arg6[%get3A_22, %get3A_23] : memref<1x1024xf32, #tpu.memory_space<vmem>>, vector<1x1024xf32>
    %get3A_25 = arith.constant 0 : index
    %get3A_26 = arith.constant 0 : index
    %get3A_27 = vector.load %arg7[%get3A_25, %get3A_26] : memref<1x1024xf32, #tpu.memory_space<vmem>>, vector<1x1024xf32>
    %reduce_sum3A = arith.constant dense<0.000000e+00> : vector<1024xf32>
    %reduce_sum3A_28 = vector.multi_reduction <add>, %add3A_21, %reduce_sum3A [0] : vector<2048x1024xf32> to vector<1024xf32>
    %broadcast_in_dim3A = vector.shape_cast %reduce_sum3A_28 : vector<1024xf32> to vector<1x1024xf32>
    %mul3A = arith.mulf %add3A_21, %add3A_21 : vector<2048x1024xf32>
    %reduce_sum3A_29 = arith.constant dense<0.000000e+00> : vector<1024xf32>
    %reduce_sum3A_30 = vector.multi_reduction <add>, %mul3A, %reduce_sum3A_29 [0] : vector<2048x1024xf32> to vector<1024xf32>
    %broadcast_in_dim3A_31 = vector.shape_cast %reduce_sum3A_30 : vector<1024xf32> to vector<1x1024xf32>
    %slice3A = vector.extract_strided_slice %broadcast_in_dim3A {offsets = [0, 0], sizes = [1, 128], strides = [1, 1]} : vector<1x1024xf32> to vector<1x128xf32>
    %reduce_sum3A_32 = arith.constant dense<0.000000e+00> : vector<1xf32>
    %reduce_sum3A_33 = vector.multi_reduction <add>, %slice3A, %reduce_sum3A_32 [1] : vector<1x128xf32> to vector<1xf32>
    %broadcast_in_dim3A_34 = vector.shape_cast %reduce_sum3A_33 : vector<1xf32> to vector<1x1xf32>
    %div3A = arith.constant 2.621440e+05 : f32
    %div3A_35 = vector.broadcast %div3A : f32 to vector<1x1xf32>
    %div3A_36 = arith.divf %broadcast_in_dim3A_34, %div3A_35 : vector<1x1xf32>
    %slice3A_37 = vector.extract_strided_slice %broadcast_in_dim3A_31 {offsets = [0, 0], sizes = [1, 128], strides = [1, 1]} : vector<1x1024xf32> to vector<1x128xf32>
    %reduce_sum3A_38 = arith.constant dense<0.000000e+00> : vector<1xf32>
    %reduce_sum3A_39 = vector.multi_reduction <add>, %slice3A_37, %reduce_sum3A_38 [1] : vector<1x128xf32> to vector<1xf32>
    %broadcast_in_dim3A_40 = vector.shape_cast %reduce_sum3A_39 : vector<1xf32> to vector<1x1xf32>
    %div3A_41 = arith.constant 2.621440e+05 : f32
    %div3A_42 = vector.broadcast %div3A_41 : f32 to vector<1x1xf32>
    %div3A_43 = arith.divf %broadcast_in_dim3A_40, %div3A_42 : vector<1x1xf32>
    %broadcast_in_dim3A_44 = vector.shape_cast %div3A_36 : vector<1x1xf32> to vector<1x1xf32>
    %broadcast_in_dim3A_45 = vector.broadcast %broadcast_in_dim3A_44 : vector<1x1xf32> to vector<1x128xf32>
    %mul3A_46 = arith.mulf %div3A_36, %div3A_36 : vector<1x1xf32>
    %sub3A = arith.subf %div3A_43, %mul3A_46 : vector<1x1xf32>
    %broadcast_in_dim3A_47 = vector.shape_cast %sub3A : vector<1x1xf32> to vector<1x1xf32>
    %broadcast_in_dim3A_48 = vector.broadcast %broadcast_in_dim3A_47 : vector<1x1xf32> to vector<1x128xf32>
    %slice3A_49 = vector.extract_strided_slice %broadcast_in_dim3A {offsets = [0, 128], sizes = [1, 128], strides = [1, 1]} : vector<1x1024xf32> to vector<1x128xf32>
    %reduce_sum3A_50 = arith.constant dense<0.000000e+00> : vector<1xf32>
    %reduce_sum3A_51 = vector.multi_reduction <add>, %slice3A_49, %reduce_sum3A_50 [1] : vector<1x128xf32> to vector<1xf32>
    %broadcast_in_dim3A_52 = vector.shape_cast %reduce_sum3A_51 : vector<1xf32> to vector<1x1xf32>
    %div3A_53 = arith.constant 2.621440e+05 : f32
    %div3A_54 = vector.broadcast %div3A_53 : f32 to vector<1x1xf32>
    %div3A_55 = arith.divf %broadcast_in_dim3A_52, %div3A_54 : vector<1x1xf32>
    %slice3A_56 = vector.extract_strided_slice %broadcast_in_dim3A_31 {offsets = [0, 128], sizes = [1, 128], strides = [1, 1]} : vector<1x1024xf32> to vector<1x128xf32>
    %reduce_sum3A_57 = arith.constant dense<0.000000e+00> : vector<1xf32>
    %reduce_sum3A_58 = vector.multi_reduction <add>, %slice3A_56, %reduce_sum3A_57 [1] : vector<1x128xf32> to vector<1xf32>
    %broadcast_in_dim3A_59 = vector.shape_cast %reduce_sum3A_58 : vector<1xf32> to vector<1x1xf32>
    %div3A_60 = arith.constant 2.621440e+05 : f32
    %div3A_61 = vector.broadcast %div3A_60 : f32 to vector<1x1xf32>
    %div3A_62 = arith.divf %broadcast_in_dim3A_59, %div3A_61 : vector<1x1xf32>
    %broadcast_in_dim3A_63 = vector.shape_cast %div3A_55 : vector<1x1xf32> to vector<1x1xf32>
    %broadcast_in_dim3A_64 = vector.broadcast %broadcast_in_dim3A_63 : vector<1x1xf32> to vector<1x128xf32>
    %mul3A_65 = arith.mulf %div3A_55, %div3A_55 : vector<1x1xf32>
    %sub3A_66 = arith.subf %div3A_62, %mul3A_65 : vector<1x1xf32>
    %broadcast_in_dim3A_67 = vector.shape_cast %sub3A_66 : vector<1x1xf32> to vector<1x1xf32>
    %broadcast_in_dim3A_68 = vector.broadcast %broadcast_in_dim3A_67 : vector<1x1xf32> to vector<1x128xf32>
    %slice3A_69 = vector.extract_strided_slice %broadcast_in_dim3A {offsets = [0, 256], sizes = [1, 128], strides = [1, 1]} : vector<1x1024xf32> to vector<1x128xf32>
    %reduce_sum3A_70 = arith.constant dense<0.000000e+00> : vector<1xf32>
    %reduce_sum3A_71 = vector.multi_reduction <add>, %slice3A_69, %reduce_sum3A_70 [1] : vector<1x128xf32> to vector<1xf32>
    %broadcast_in_dim3A_72 = vector.shape_cast %reduce_sum3A_71 : vector<1xf32> to vector<1x1xf32>
    %div3A_73 = arith.constant 2.621440e+05 : f32
    %div3A_74 = vector.broadcast %div3A_73 : f32 to vector<1x1xf32>
    %div3A_75 = arith.divf %broadcast_in_dim3A_72, %div3A_74 : vector<1x1xf32>
    %slice3A_76 = vector.extract_strided_slice %broadcast_in_dim3A_31 {offsets = [0, 256], sizes = [1, 128], strides = [1, 1]} : vector<1x1024xf32> to vector<1x128xf32>
    %reduce_sum3A_77 = arith.constant dense<0.000000e+00> : vector<1xf32>
    %reduce_sum3A_78 = vector.multi_reduction <add>, %slice3A_76, %reduce_sum3A_77 [1] : vector<1x128xf32> to vector<1xf32>
    %broadcast_in_dim3A_79 = vector.shape_cast %reduce_sum3A_78 : vector<1xf32> to vector<1x1xf32>
    %div3A_80 = arith.constant 2.621440e+05 : f32
    %div3A_81 = vector.broadcast %div3A_80 : f32 to vector<1x1xf32>
    %div3A_82 = arith.divf %broadcast_in_dim3A_79, %div3A_81 : vector<1x1xf32>
    %broadcast_in_dim3A_83 = vector.shape_cast %div3A_75 : vector<1x1xf32> to vector<1x1xf32>
    %broadcast_in_dim3A_84 = vector.broadcast %broadcast_in_dim3A_83 : vector<1x1xf32> to vector<1x128xf32>
    %mul3A_85 = arith.mulf %div3A_75, %div3A_75 : vector<1x1xf32>
    %sub3A_86 = arith.subf %div3A_82, %mul3A_85 : vector<1x1xf32>
    %broadcast_in_dim3A_87 = vector.shape_cast %sub3A_86 : vector<1x1xf32> to vector<1x1xf32>
    %broadcast_in_dim3A_88 = vector.broadcast %broadcast_in_dim3A_87 : vector<1x1xf32> to vector<1x128xf32>
    %slice3A_89 = vector.extract_strided_slice %broadcast_in_dim3A {offsets = [0, 384], sizes = [1, 128], strides = [1, 1]} : vector<1x1024xf32> to vector<1x128xf32>
    %reduce_sum3A_90 = arith.constant dense<0.000000e+00> : vector<1xf32>
    %reduce_sum3A_91 = vector.multi_reduction <add>, %slice3A_89, %reduce_sum3A_90 [1] : vector<1x128xf32> to vector<1xf32>
    %broadcast_in_dim3A_92 = vector.shape_cast %reduce_sum3A_91 : vector<1xf32> to vector<1x1xf32>
    %div3A_93 = arith.constant 2.621440e+05 : f32
    %div3A_94 = vector.broadcast %div3A_93 : f32 to vector<1x1xf32>
    %div3A_95 = arith.divf %broadcast_in_dim3A_92, %div3A_94 : vector<1x1xf32>
    %slice3A_96 = vector.extract_strided_slice %broadcast_in_dim3A_31 {offsets = [0, 384], sizes = [1, 128], strides = [1, 1]} : vector<1x1024xf32> to vector<1x128xf32>
    %reduce_sum3A_97 = arith.constant dense<0.000000e+00> : vector<1xf32>
    %reduce_sum3A_98 = vector.multi_reduction <add>, %slice3A_96, %reduce_sum3A_97 [1] : vector<1x128xf32> to vector<1xf32>
    %broadcast_in_dim3A_99 = vector.shape_cast %reduce_sum3A_98 : vector<1xf32> to vector<1x1xf32>
    %div3A_100 = arith.constant 2.621440e+05 : f32
    %div3A_101 = vector.broadcast %div3A_100 : f32 to vector<1x1xf32>
    %div3A_102 = arith.divf %broadcast_in_dim3A_99, %div3A_101 : vector<1x1xf32>
    %broadcast_in_dim3A_103 = vector.shape_cast %div3A_95 : vector<1x1xf32> to vector<1x1xf32>
    %broadcast_in_dim3A_104 = vector.broadcast %broadcast_in_dim3A_103 : vector<1x1xf32> to vector<1x128xf32>
    %mul3A_105 = arith.mulf %div3A_95, %div3A_95 : vector<1x1xf32>
    %sub3A_106 = arith.subf %div3A_102, %mul3A_105 : vector<1x1xf32>
    %broadcast_in_dim3A_107 = vector.shape_cast %sub3A_106 : vector<1x1xf32> to vector<1x1xf32>
    %broadcast_in_dim3A_108 = vector.broadcast %broadcast_in_dim3A_107 : vector<1x1xf32> to vector<1x128xf32>
    %slice3A_109 = vector.extract_strided_slice %broadcast_in_dim3A {offsets = [0, 512], sizes = [1, 128], strides = [1, 1]} : vector<1x1024xf32> to vector<1x128xf32>
    %reduce_sum3A_110 = arith.constant dense<0.000000e+00> : vector<1xf32>
    %reduce_sum3A_111 = vector.multi_reduction <add>, %slice3A_109, %reduce_sum3A_110 [1] : vector<1x128xf32> to vector<1xf32>
    %broadcast_in_dim3A_112 = vector.shape_cast %reduce_sum3A_111 : vector<1xf32> to vector<1x1xf32>
    %div3A_113 = arith.constant 2.621440e+05 : f32
    %div3A_114 = vector.broadcast %div3A_113 : f32 to vector<1x1xf32>
    %div3A_115 = arith.divf %broadcast_in_dim3A_112, %div3A_114 : vector<1x1xf32>
    %slice3A_116 = vector.extract_strided_slice %broadcast_in_dim3A_31 {offsets = [0, 512], sizes = [1, 128], strides = [1, 1]} : vector<1x1024xf32> to vector<1x128xf32>
    %reduce_sum3A_117 = arith.constant dense<0.000000e+00> : vector<1xf32>
    %reduce_sum3A_118 = vector.multi_reduction <add>, %slice3A_116, %reduce_sum3A_117 [1] : vector<1x128xf32> to vector<1xf32>
    %broadcast_in_dim3A_119 = vector.shape_cast %reduce_sum3A_118 : vector<1xf32> to vector<1x1xf32>
    %div3A_120 = arith.constant 2.621440e+05 : f32
    %div3A_121 = vector.broadcast %div3A_120 : f32 to vector<1x1xf32>
    %div3A_122 = arith.divf %broadcast_in_dim3A_119, %div3A_121 : vector<1x1xf32>
    %broadcast_in_dim3A_123 = vector.shape_cast %div3A_115 : vector<1x1xf32> to vector<1x1xf32>
    %broadcast_in_dim3A_124 = vector.broadcast %broadcast_in_dim3A_123 : vector<1x1xf32> to vector<1x128xf32>
    %mul3A_125 = arith.mulf %div3A_115, %div3A_115 : vector<1x1xf32>
    %sub3A_126 = arith.subf %div3A_122, %mul3A_125 : vector<1x1xf32>
    %broadcast_in_dim3A_127 = vector.shape_cast %sub3A_126 : vector<1x1xf32> to vector<1x1xf32>
    %broadcast_in_dim3A_128 = vector.broadcast %broadcast_in_dim3A_127 : vector<1x1xf32> to vector<1x128xf32>
    %slice3A_129 = vector.extract_strided_slice %broadcast_in_dim3A {offsets = [0, 640], sizes = [1, 128], strides = [1, 1]} : vector<1x1024xf32> to vector<1x128xf32>
    %reduce_sum3A_130 = arith.constant dense<0.000000e+00> : vector<1xf32>
    %reduce_sum3A_131 = vector.multi_reduction <add>, %slice3A_129, %reduce_sum3A_130 [1] : vector<1x128xf32> to vector<1xf32>
    %broadcast_in_dim3A_132 = vector.shape_cast %reduce_sum3A_131 : vector<1xf32> to vector<1x1xf32>
    %div3A_133 = arith.constant 2.621440e+05 : f32
    %div3A_134 = vector.broadcast %div3A_133 : f32 to vector<1x1xf32>
    %div3A_135 = arith.divf %broadcast_in_dim3A_132, %div3A_134 : vector<1x1xf32>
    %slice3A_136 = vector.extract_strided_slice %broadcast_in_dim3A_31 {offsets = [0, 640], sizes = [1, 128], strides = [1, 1]} : vector<1x1024xf32> to vector<1x128xf32>
    %reduce_sum3A_137 = arith.constant dense<0.000000e+00> : vector<1xf32>
    %reduce_sum3A_138 = vector.multi_reduction <add>, %slice3A_136, %reduce_sum3A_137 [1] : vector<1x128xf32> to vector<1xf32>
    %broadcast_in_dim3A_139 = vector.shape_cast %reduce_sum3A_138 : vector<1xf32> to vector<1x1xf32>
    %div3A_140 = arith.constant 2.621440e+05 : f32
    %div3A_141 = vector.broadcast %div3A_140 : f32 to vector<1x1xf32>
    %div3A_142 = arith.divf %broadcast_in_dim3A_139, %div3A_141 : vector<1x1xf32>
    %broadcast_in_dim3A_143 = vector.shape_cast %div3A_135 : vector<1x1xf32> to vector<1x1xf32>
    %broadcast_in_dim3A_144 = vector.broadcast %broadcast_in_dim3A_143 : vector<1x1xf32> to vector<1x128xf32>
    %mul3A_145 = arith.mulf %div3A_135, %div3A_135 : vector<1x1xf32>
    %sub3A_146 = arith.subf %div3A_142, %mul3A_145 : vector<1x1xf32>
    %broadcast_in_dim3A_147 = vector.shape_cast %sub3A_146 : vector<1x1xf32> to vector<1x1xf32>
    %broadcast_in_dim3A_148 = vector.broadcast %broadcast_in_dim3A_147 : vector<1x1xf32> to vector<1x128xf32>
    %slice3A_149 = vector.extract_strided_slice %broadcast_in_dim3A {offsets = [0, 768], sizes = [1, 128], strides = [1, 1]} : vector<1x1024xf32> to vector<1x128xf32>
    %reduce_sum3A_150 = arith.constant dense<0.000000e+00> : vector<1xf32>
    %reduce_sum3A_151 = vector.multi_reduction <add>, %slice3A_149, %reduce_sum3A_150 [1] : vector<1x128xf32> to vector<1xf32>
    %broadcast_in_dim3A_152 = vector.shape_cast %reduce_sum3A_151 : vector<1xf32> to vector<1x1xf32>
    %div3A_153 = arith.constant 2.621440e+05 : f32
    %div3A_154 = vector.broadcast %div3A_153 : f32 to vector<1x1xf32>
    %div3A_155 = arith.divf %broadcast_in_dim3A_152, %div3A_154 : vector<1x1xf32>
    %slice3A_156 = vector.extract_strided_slice %broadcast_in_dim3A_31 {offsets = [0, 768], sizes = [1, 128], strides = [1, 1]} : vector<1x1024xf32> to vector<1x128xf32>
    %reduce_sum3A_157 = arith.constant dense<0.000000e+00> : vector<1xf32>
    %reduce_sum3A_158 = vector.multi_reduction <add>, %slice3A_156, %reduce_sum3A_157 [1] : vector<1x128xf32> to vector<1xf32>
    %broadcast_in_dim3A_159 = vector.shape_cast %reduce_sum3A_158 : vector<1xf32> to vector<1x1xf32>
    %div3A_160 = arith.constant 2.621440e+05 : f32
    %div3A_161 = vector.broadcast %div3A_160 : f32 to vector<1x1xf32>
    %div3A_162 = arith.divf %broadcast_in_dim3A_159, %div3A_161 : vector<1x1xf32>
    %broadcast_in_dim3A_163 = vector.shape_cast %div3A_155 : vector<1x1xf32> to vector<1x1xf32>
    %broadcast_in_dim3A_164 = vector.broadcast %broadcast_in_dim3A_163 : vector<1x1xf32> to vector<1x128xf32>
    %mul3A_165 = arith.mulf %div3A_155, %div3A_155 : vector<1x1xf32>
    %sub3A_166 = arith.subf %div3A_162, %mul3A_165 : vector<1x1xf32>
    %broadcast_in_dim3A_167 = vector.shape_cast %sub3A_166 : vector<1x1xf32> to vector<1x1xf32>
    %broadcast_in_dim3A_168 = vector.broadcast %broadcast_in_dim3A_167 : vector<1x1xf32> to vector<1x128xf32>
    %slice3A_169 = vector.extract_strided_slice %broadcast_in_dim3A {offsets = [0, 896], sizes = [1, 128], strides = [1, 1]} : vector<1x1024xf32> to vector<1x128xf32>
    %reduce_sum3A_170 = arith.constant dense<0.000000e+00> : vector<1xf32>
    %reduce_sum3A_171 = vector.multi_reduction <add>, %slice3A_169, %reduce_sum3A_170 [1] : vector<1x128xf32> to vector<1xf32>
    %broadcast_in_dim3A_172 = vector.shape_cast %reduce_sum3A_171 : vector<1xf32> to vector<1x1xf32>
    %div3A_173 = arith.constant 2.621440e+05 : f32
    %div3A_174 = vector.broadcast %div3A_173 : f32 to vector<1x1xf32>
    %div3A_175 = arith.divf %broadcast_in_dim3A_172, %div3A_174 : vector<1x1xf32>
    %slice3A_176 = vector.extract_strided_slice %broadcast_in_dim3A_31 {offsets = [0, 896], sizes = [1, 128], strides = [1, 1]} : vector<1x1024xf32> to vector<1x128xf32>
    %reduce_sum3A_177 = arith.constant dense<0.000000e+00> : vector<1xf32>
    %reduce_sum3A_178 = vector.multi_reduction <add>, %slice3A_176, %reduce_sum3A_177 [1] : vector<1x128xf32> to vector<1xf32>
    %broadcast_in_dim3A_179 = vector.shape_cast %reduce_sum3A_178 : vector<1xf32> to vector<1x1xf32>
    %div3A_180 = arith.constant 2.621440e+05 : f32
    %div3A_181 = vector.broadcast %div3A_180 : f32 to vector<1x1xf32>
    %div3A_182 = arith.divf %broadcast_in_dim3A_179, %div3A_181 : vector<1x1xf32>
    %broadcast_in_dim3A_183 = vector.shape_cast %div3A_175 : vector<1x1xf32> to vector<1x1xf32>
    %broadcast_in_dim3A_184 = vector.broadcast %broadcast_in_dim3A_183 : vector<1x1xf32> to vector<1x128xf32>
    %mul3A_185 = arith.mulf %div3A_175, %div3A_175 : vector<1x1xf32>
    %sub3A_186 = arith.subf %div3A_182, %mul3A_185 : vector<1x1xf32>
    %broadcast_in_dim3A_187 = vector.shape_cast %sub3A_186 : vector<1x1xf32> to vector<1x1xf32>
    %broadcast_in_dim3A_188 = vector.broadcast %broadcast_in_dim3A_187 : vector<1x1xf32> to vector<1x128xf32>
    %concatenate3A_189 = tpu.concatenate %broadcast_in_dim3A_45, %broadcast_in_dim3A_64, %broadcast_in_dim3A_84, %broadcast_in_dim3A_104, %broadcast_in_dim3A_124, %broadcast_in_dim3A_144, %broadcast_in_dim3A_164, %broadcast_in_dim3A_184 in 1 : vector<1x128xf32>, vector<1x128xf32>, vector<1x128xf32>, vector<1x128xf32>, vector<1x128xf32>, vector<1x128xf32>, vector<1x128xf32>, vector<1x128xf32> -> vector<1x1024xf32>
    %concatenate3A_190 = tpu.concatenate %broadcast_in_dim3A_48, %broadcast_in_dim3A_68, %broadcast_in_dim3A_88, %broadcast_in_dim3A_108, %broadcast_in_dim3A_128, %broadcast_in_dim3A_148, %broadcast_in_dim3A_168, %broadcast_in_dim3A_188 in 1 : vector<1x128xf32>, vector<1x128xf32>, vector<1x128xf32>, vector<1x128xf32>, vector<1x128xf32>, vector<1x128xf32>, vector<1x128xf32>, vector<1x128xf32> -> vector<1x1024xf32>
    %sub3A_191 = vector.broadcast %concatenate3A_189 : vector<1x1024xf32> to vector<2048x1024xf32>
    %sub3A_192 = arith.subf %add3A_21, %sub3A_191 : vector<2048x1024xf32>
    %add3A_193 = arith.constant 9.99999974E-6 : f32
    %add3A_194 = vector.broadcast %add3A_193 : f32 to vector<1x1024xf32>
    %add3A_195 = arith.addf %concatenate3A_190, %add3A_194 : vector<1x1024xf32>
    %sqrt3A = math.sqrt %add3A_195 : vector<1x1024xf32>
    %div3A_196 = vector.broadcast %sqrt3A : vector<1x1024xf32> to vector<2048x1024xf32>
    %div3A_197 = arith.divf %sub3A_192, %div3A_196 : vector<2048x1024xf32>
    %mul3A_198 = vector.broadcast %get3A_24 : vector<1x1024xf32> to vector<2048x1024xf32>
    %mul3A_199 = arith.mulf %div3A_197, %mul3A_198 : vector<2048x1024xf32>
    %add3A_200 = vector.broadcast %get3A_27 : vector<1x1024xf32> to vector<2048x1024xf32>
    %add3A_201 = arith.addf %mul3A_199, %add3A_200 : vector<2048x1024xf32>
    %max3A = arith.constant 0.000000e+00 : f32
    %max3A_202 = vector.broadcast %max3A : f32 to vector<2048x1024xf32>
    %max3A_203 = arith.maximumf %add3A_201, %max3A_202 : vector<2048x1024xf32>
    %reduce_max3A = arith.constant dense<0xFF800000> : vector<1024xf32>
    %reduce_max3A_204 = vector.multi_reduction <maximumf>, %max3A_203, %reduce_max3A [0] : vector<2048x1024xf32> to vector<1024xf32>
    %broadcast_in_dim3A_205 = vector.shape_cast %reduce_max3A_204 : vector<1024xf32> to vector<1x1024xf32>
    %broadcast_in_dim3A_206 = vector.shape_cast %broadcast_in_dim3A_205 : vector<1x1024xf32> to vector<1x1024xf32>
    %broadcast_in_dim3A_207 = vector.broadcast %broadcast_in_dim3A_206 : vector<1x1024xf32> to vector<2048x1024xf32>
    %concatenate3A_208 = tpu.concatenate %broadcast_in_dim3A_207, %concatenate3A in 1 : vector<2048x1024xf32>, vector<2048x256xf32> -> vector<2048x1280xf32>
    %get3A_209 = arith.constant 0 : index
    %get3A_210 = arith.constant 0 : index
    %get3A_211 = vector.load %arg8[%get3A_209, %get3A_210] : memref<1280x512xf32, #tpu.memory_space<vmem>>, vector<1280x512xf32>
    %dot_general3A_212 = arith.constant dense<0.000000e+00> : vector<2048x512xf32>
    %dot_general3A_213 = tpu.matmul %concatenate3A_208, %get3A_211, %dot_general3A_212 {dimension_numbers = #tpu.dot_dimension_numbers<[1], [0], [0], [1], [0, 0, 1, 1], [], []>, transpose_lhs_hint = false} : vector<2048x1280xf32>, vector<1280x512xf32>, vector<2048x512xf32> -> vector<2048x512xf32>
    %get3A_214 = arith.constant 0 : index
    %get3A_215 = arith.constant 0 : index
    %get3A_216 = vector.load %arg9[%get3A_214, %get3A_215] : memref<1x512xf32, #tpu.memory_space<vmem>>, vector<1x512xf32>
    %add3A_217 = vector.broadcast %get3A_216 : vector<1x512xf32> to vector<2048x512xf32>
    %add3A_218 = arith.addf %dot_general3A_213, %add3A_217 : vector<2048x512xf32>
    %get3A_219 = arith.constant 0 : index
    %get3A_220 = arith.constant 0 : index
    %get3A_221 = vector.load %arg10[%get3A_219, %get3A_220] : memref<1x512xf32, #tpu.memory_space<vmem>>, vector<1x512xf32>
    %get3A_222 = arith.constant 0 : index
    %get3A_223 = arith.constant 0 : index
    %get3A_224 = vector.load %arg11[%get3A_222, %get3A_223] : memref<1x512xf32, #tpu.memory_space<vmem>>, vector<1x512xf32>
    %reduce_sum3A_225 = arith.constant dense<0.000000e+00> : vector<512xf32>
    %reduce_sum3A_226 = vector.multi_reduction <add>, %add3A_218, %reduce_sum3A_225 [0] : vector<2048x512xf32> to vector<512xf32>
    %broadcast_in_dim3A_227 = vector.shape_cast %reduce_sum3A_226 : vector<512xf32> to vector<1x512xf32>
    %mul3A_228 = arith.mulf %add3A_218, %add3A_218 : vector<2048x512xf32>
    %reduce_sum3A_229 = arith.constant dense<0.000000e+00> : vector<512xf32>
    %reduce_sum3A_230 = vector.multi_reduction <add>, %mul3A_228, %reduce_sum3A_229 [0] : vector<2048x512xf32> to vector<512xf32>
    %broadcast_in_dim3A_231 = vector.shape_cast %reduce_sum3A_230 : vector<512xf32> to vector<1x512xf32>
    %slice3A_232 = vector.extract_strided_slice %broadcast_in_dim3A_227 {offsets = [0, 0], sizes = [1, 64], strides = [1, 1]} : vector<1x512xf32> to vector<1x64xf32>
    %reduce_sum3A_233 = arith.constant dense<0.000000e+00> : vector<1xf32>
    %reduce_sum3A_234 = vector.multi_reduction <add>, %slice3A_232, %reduce_sum3A_233 [1] : vector<1x64xf32> to vector<1xf32>
    %broadcast_in_dim3A_235 = vector.shape_cast %reduce_sum3A_234 : vector<1xf32> to vector<1x1xf32>
    %div3A_236 = arith.constant 1.310720e+05 : f32
    %div3A_237 = vector.broadcast %div3A_236 : f32 to vector<1x1xf32>
    %div3A_238 = arith.divf %broadcast_in_dim3A_235, %div3A_237 : vector<1x1xf32>
    %slice3A_239 = vector.extract_strided_slice %broadcast_in_dim3A_231 {offsets = [0, 0], sizes = [1, 64], strides = [1, 1]} : vector<1x512xf32> to vector<1x64xf32>
    %reduce_sum3A_240 = arith.constant dense<0.000000e+00> : vector<1xf32>
    %reduce_sum3A_241 = vector.multi_reduction <add>, %slice3A_239, %reduce_sum3A_240 [1] : vector<1x64xf32> to vector<1xf32>
    %broadcast_in_dim3A_242 = vector.shape_cast %reduce_sum3A_241 : vector<1xf32> to vector<1x1xf32>
    %div3A_243 = arith.constant 1.310720e+05 : f32
    %div3A_244 = vector.broadcast %div3A_243 : f32 to vector<1x1xf32>
    %div3A_245 = arith.divf %broadcast_in_dim3A_242, %div3A_244 : vector<1x1xf32>
    %broadcast_in_dim3A_246 = vector.shape_cast %div3A_238 : vector<1x1xf32> to vector<1x1xf32>
    %broadcast_in_dim3A_247 = vector.broadcast %broadcast_in_dim3A_246 : vector<1x1xf32> to vector<1x64xf32>
    %mul3A_248 = arith.mulf %div3A_238, %div3A_238 : vector<1x1xf32>
    %sub3A_249 = arith.subf %div3A_245, %mul3A_248 : vector<1x1xf32>
    %broadcast_in_dim3A_250 = vector.shape_cast %sub3A_249 : vector<1x1xf32> to vector<1x1xf32>
    %broadcast_in_dim3A_251 = vector.broadcast %broadcast_in_dim3A_250 : vector<1x1xf32> to vector<1x64xf32>
    %slice3A_252 = vector.extract_strided_slice %broadcast_in_dim3A_227 {offsets = [0, 64], sizes = [1, 64], strides = [1, 1]} : vector<1x512xf32> to vector<1x64xf32>
    %reduce_sum3A_253 = arith.constant dense<0.000000e+00> : vector<1xf32>
    %reduce_sum3A_254 = vector.multi_reduction <add>, %slice3A_252, %reduce_sum3A_253 [1] : vector<1x64xf32> to vector<1xf32>
    %broadcast_in_dim3A_255 = vector.shape_cast %reduce_sum3A_254 : vector<1xf32> to vector<1x1xf32>
    %div3A_256 = arith.constant 1.310720e+05 : f32
    %div3A_257 = vector.broadcast %div3A_256 : f32 to vector<1x1xf32>
    %div3A_258 = arith.divf %broadcast_in_dim3A_255, %div3A_257 : vector<1x1xf32>
    %slice3A_259 = vector.extract_strided_slice %broadcast_in_dim3A_231 {offsets = [0, 64], sizes = [1, 64], strides = [1, 1]} : vector<1x512xf32> to vector<1x64xf32>
    %reduce_sum3A_260 = arith.constant dense<0.000000e+00> : vector<1xf32>
    %reduce_sum3A_261 = vector.multi_reduction <add>, %slice3A_259, %reduce_sum3A_260 [1] : vector<1x64xf32> to vector<1xf32>
    %broadcast_in_dim3A_262 = vector.shape_cast %reduce_sum3A_261 : vector<1xf32> to vector<1x1xf32>
    %div3A_263 = arith.constant 1.310720e+05 : f32
    %div3A_264 = vector.broadcast %div3A_263 : f32 to vector<1x1xf32>
    %div3A_265 = arith.divf %broadcast_in_dim3A_262, %div3A_264 : vector<1x1xf32>
    %broadcast_in_dim3A_266 = vector.shape_cast %div3A_258 : vector<1x1xf32> to vector<1x1xf32>
    %broadcast_in_dim3A_267 = vector.broadcast %broadcast_in_dim3A_266 : vector<1x1xf32> to vector<1x64xf32>
    %mul3A_268 = arith.mulf %div3A_258, %div3A_258 : vector<1x1xf32>
    %sub3A_269 = arith.subf %div3A_265, %mul3A_268 : vector<1x1xf32>
    %broadcast_in_dim3A_270 = vector.shape_cast %sub3A_269 : vector<1x1xf32> to vector<1x1xf32>
    %broadcast_in_dim3A_271 = vector.broadcast %broadcast_in_dim3A_270 : vector<1x1xf32> to vector<1x64xf32>
    %slice3A_272 = vector.extract_strided_slice %broadcast_in_dim3A_227 {offsets = [0, 128], sizes = [1, 64], strides = [1, 1]} : vector<1x512xf32> to vector<1x64xf32>
    %reduce_sum3A_273 = arith.constant dense<0.000000e+00> : vector<1xf32>
    %reduce_sum3A_274 = vector.multi_reduction <add>, %slice3A_272, %reduce_sum3A_273 [1] : vector<1x64xf32> to vector<1xf32>
    %broadcast_in_dim3A_275 = vector.shape_cast %reduce_sum3A_274 : vector<1xf32> to vector<1x1xf32>
    %div3A_276 = arith.constant 1.310720e+05 : f32
    %div3A_277 = vector.broadcast %div3A_276 : f32 to vector<1x1xf32>
    %div3A_278 = arith.divf %broadcast_in_dim3A_275, %div3A_277 : vector<1x1xf32>
    %slice3A_279 = vector.extract_strided_slice %broadcast_in_dim3A_231 {offsets = [0, 128], sizes = [1, 64], strides = [1, 1]} : vector<1x512xf32> to vector<1x64xf32>
    %reduce_sum3A_280 = arith.constant dense<0.000000e+00> : vector<1xf32>
    %reduce_sum3A_281 = vector.multi_reduction <add>, %slice3A_279, %reduce_sum3A_280 [1] : vector<1x64xf32> to vector<1xf32>
    %broadcast_in_dim3A_282 = vector.shape_cast %reduce_sum3A_281 : vector<1xf32> to vector<1x1xf32>
    %div3A_283 = arith.constant 1.310720e+05 : f32
    %div3A_284 = vector.broadcast %div3A_283 : f32 to vector<1x1xf32>
    %div3A_285 = arith.divf %broadcast_in_dim3A_282, %div3A_284 : vector<1x1xf32>
    %broadcast_in_dim3A_286 = vector.shape_cast %div3A_278 : vector<1x1xf32> to vector<1x1xf32>
    %broadcast_in_dim3A_287 = vector.broadcast %broadcast_in_dim3A_286 : vector<1x1xf32> to vector<1x64xf32>
    %mul3A_288 = arith.mulf %div3A_278, %div3A_278 : vector<1x1xf32>
    %sub3A_289 = arith.subf %div3A_285, %mul3A_288 : vector<1x1xf32>
    %broadcast_in_dim3A_290 = vector.shape_cast %sub3A_289 : vector<1x1xf32> to vector<1x1xf32>
    %broadcast_in_dim3A_291 = vector.broadcast %broadcast_in_dim3A_290 : vector<1x1xf32> to vector<1x64xf32>
    %slice3A_292 = vector.extract_strided_slice %broadcast_in_dim3A_227 {offsets = [0, 192], sizes = [1, 64], strides = [1, 1]} : vector<1x512xf32> to vector<1x64xf32>
    %reduce_sum3A_293 = arith.constant dense<0.000000e+00> : vector<1xf32>
    %reduce_sum3A_294 = vector.multi_reduction <add>, %slice3A_292, %reduce_sum3A_293 [1] : vector<1x64xf32> to vector<1xf32>
    %broadcast_in_dim3A_295 = vector.shape_cast %reduce_sum3A_294 : vector<1xf32> to vector<1x1xf32>
    %div3A_296 = arith.constant 1.310720e+05 : f32
    %div3A_297 = vector.broadcast %div3A_296 : f32 to vector<1x1xf32>
    %div3A_298 = arith.divf %broadcast_in_dim3A_295, %div3A_297 : vector<1x1xf32>
    %slice3A_299 = vector.extract_strided_slice %broadcast_in_dim3A_231 {offsets = [0, 192], sizes = [1, 64], strides = [1, 1]} : vector<1x512xf32> to vector<1x64xf32>
    %reduce_sum3A_300 = arith.constant dense<0.000000e+00> : vector<1xf32>
    %reduce_sum3A_301 = vector.multi_reduction <add>, %slice3A_299, %reduce_sum3A_300 [1] : vector<1x64xf32> to vector<1xf32>
    %broadcast_in_dim3A_302 = vector.shape_cast %reduce_sum3A_301 : vector<1xf32> to vector<1x1xf32>
    %div3A_303 = arith.constant 1.310720e+05 : f32
    %div3A_304 = vector.broadcast %div3A_303 : f32 to vector<1x1xf32>
    %div3A_305 = arith.divf %broadcast_in_dim3A_302, %div3A_304 : vector<1x1xf32>
    %broadcast_in_dim3A_306 = vector.shape_cast %div3A_298 : vector<1x1xf32> to vector<1x1xf32>
    %broadcast_in_dim3A_307 = vector.broadcast %broadcast_in_dim3A_306 : vector<1x1xf32> to vector<1x64xf32>
    %mul3A_308 = arith.mulf %div3A_298, %div3A_298 : vector<1x1xf32>
    %sub3A_309 = arith.subf %div3A_305, %mul3A_308 : vector<1x1xf32>
    %broadcast_in_dim3A_310 = vector.shape_cast %sub3A_309 : vector<1x1xf32> to vector<1x1xf32>
    %broadcast_in_dim3A_311 = vector.broadcast %broadcast_in_dim3A_310 : vector<1x1xf32> to vector<1x64xf32>
    %slice3A_312 = vector.extract_strided_slice %broadcast_in_dim3A_227 {offsets = [0, 256], sizes = [1, 64], strides = [1, 1]} : vector<1x512xf32> to vector<1x64xf32>
    %reduce_sum3A_313 = arith.constant dense<0.000000e+00> : vector<1xf32>
    %reduce_sum3A_314 = vector.multi_reduction <add>, %slice3A_312, %reduce_sum3A_313 [1] : vector<1x64xf32> to vector<1xf32>
    %broadcast_in_dim3A_315 = vector.shape_cast %reduce_sum3A_314 : vector<1xf32> to vector<1x1xf32>
    %div3A_316 = arith.constant 1.310720e+05 : f32
    %div3A_317 = vector.broadcast %div3A_316 : f32 to vector<1x1xf32>
    %div3A_318 = arith.divf %broadcast_in_dim3A_315, %div3A_317 : vector<1x1xf32>
    %slice3A_319 = vector.extract_strided_slice %broadcast_in_dim3A_231 {offsets = [0, 256], sizes = [1, 64], strides = [1, 1]} : vector<1x512xf32> to vector<1x64xf32>
    %reduce_sum3A_320 = arith.constant dense<0.000000e+00> : vector<1xf32>
    %reduce_sum3A_321 = vector.multi_reduction <add>, %slice3A_319, %reduce_sum3A_320 [1] : vector<1x64xf32> to vector<1xf32>
    %broadcast_in_dim3A_322 = vector.shape_cast %reduce_sum3A_321 : vector<1xf32> to vector<1x1xf32>
    %div3A_323 = arith.constant 1.310720e+05 : f32
    %div3A_324 = vector.broadcast %div3A_323 : f32 to vector<1x1xf32>
    %div3A_325 = arith.divf %broadcast_in_dim3A_322, %div3A_324 : vector<1x1xf32>
    %broadcast_in_dim3A_326 = vector.shape_cast %div3A_318 : vector<1x1xf32> to vector<1x1xf32>
    %broadcast_in_dim3A_327 = vector.broadcast %broadcast_in_dim3A_326 : vector<1x1xf32> to vector<1x64xf32>
    %mul3A_328 = arith.mulf %div3A_318, %div3A_318 : vector<1x1xf32>
    %sub3A_329 = arith.subf %div3A_325, %mul3A_328 : vector<1x1xf32>
    %broadcast_in_dim3A_330 = vector.shape_cast %sub3A_329 : vector<1x1xf32> to vector<1x1xf32>
    %broadcast_in_dim3A_331 = vector.broadcast %broadcast_in_dim3A_330 : vector<1x1xf32> to vector<1x64xf32>
    %slice3A_332 = vector.extract_strided_slice %broadcast_in_dim3A_227 {offsets = [0, 320], sizes = [1, 64], strides = [1, 1]} : vector<1x512xf32> to vector<1x64xf32>
    %reduce_sum3A_333 = arith.constant dense<0.000000e+00> : vector<1xf32>
    %reduce_sum3A_334 = vector.multi_reduction <add>, %slice3A_332, %reduce_sum3A_333 [1] : vector<1x64xf32> to vector<1xf32>
    %broadcast_in_dim3A_335 = vector.shape_cast %reduce_sum3A_334 : vector<1xf32> to vector<1x1xf32>
    %div3A_336 = arith.constant 1.310720e+05 : f32
    %div3A_337 = vector.broadcast %div3A_336 : f32 to vector<1x1xf32>
    %div3A_338 = arith.divf %broadcast_in_dim3A_335, %div3A_337 : vector<1x1xf32>
    %slice3A_339 = vector.extract_strided_slice %broadcast_in_dim3A_231 {offsets = [0, 320], sizes = [1, 64], strides = [1, 1]} : vector<1x512xf32> to vector<1x64xf32>
    %reduce_sum3A_340 = arith.constant dense<0.000000e+00> : vector<1xf32>
    %reduce_sum3A_341 = vector.multi_reduction <add>, %slice3A_339, %reduce_sum3A_340 [1] : vector<1x64xf32> to vector<1xf32>
    %broadcast_in_dim3A_342 = vector.shape_cast %reduce_sum3A_341 : vector<1xf32> to vector<1x1xf32>
    %div3A_343 = arith.constant 1.310720e+05 : f32
    %div3A_344 = vector.broadcast %div3A_343 : f32 to vector<1x1xf32>
    %div3A_345 = arith.divf %broadcast_in_dim3A_342, %div3A_344 : vector<1x1xf32>
    %broadcast_in_dim3A_346 = vector.shape_cast %div3A_338 : vector<1x1xf32> to vector<1x1xf32>
    %broadcast_in_dim3A_347 = vector.broadcast %broadcast_in_dim3A_346 : vector<1x1xf32> to vector<1x64xf32>
    %mul3A_348 = arith.mulf %div3A_338, %div3A_338 : vector<1x1xf32>
    %sub3A_349 = arith.subf %div3A_345, %mul3A_348 : vector<1x1xf32>
    %broadcast_in_dim3A_350 = vector.shape_cast %sub3A_349 : vector<1x1xf32> to vector<1x1xf32>
    %broadcast_in_dim3A_351 = vector.broadcast %broadcast_in_dim3A_350 : vector<1x1xf32> to vector<1x64xf32>
    %slice3A_352 = vector.extract_strided_slice %broadcast_in_dim3A_227 {offsets = [0, 384], sizes = [1, 64], strides = [1, 1]} : vector<1x512xf32> to vector<1x64xf32>
    %reduce_sum3A_353 = arith.constant dense<0.000000e+00> : vector<1xf32>
    %reduce_sum3A_354 = vector.multi_reduction <add>, %slice3A_352, %reduce_sum3A_353 [1] : vector<1x64xf32> to vector<1xf32>
    %broadcast_in_dim3A_355 = vector.shape_cast %reduce_sum3A_354 : vector<1xf32> to vector<1x1xf32>
    %div3A_356 = arith.constant 1.310720e+05 : f32
    %div3A_357 = vector.broadcast %div3A_356 : f32 to vector<1x1xf32>
    %div3A_358 = arith.divf %broadcast_in_dim3A_355, %div3A_357 : vector<1x1xf32>
    %slice3A_359 = vector.extract_strided_slice %broadcast_in_dim3A_231 {offsets = [0, 384], sizes = [1, 64], strides = [1, 1]} : vector<1x512xf32> to vector<1x64xf32>
    %reduce_sum3A_360 = arith.constant dense<0.000000e+00> : vector<1xf32>
    %reduce_sum3A_361 = vector.multi_reduction <add>, %slice3A_359, %reduce_sum3A_360 [1] : vector<1x64xf32> to vector<1xf32>
    %broadcast_in_dim3A_362 = vector.shape_cast %reduce_sum3A_361 : vector<1xf32> to vector<1x1xf32>
    %div3A_363 = arith.constant 1.310720e+05 : f32
    %div3A_364 = vector.broadcast %div3A_363 : f32 to vector<1x1xf32>
    %div3A_365 = arith.divf %broadcast_in_dim3A_362, %div3A_364 : vector<1x1xf32>
    %broadcast_in_dim3A_366 = vector.shape_cast %div3A_358 : vector<1x1xf32> to vector<1x1xf32>
    %broadcast_in_dim3A_367 = vector.broadcast %broadcast_in_dim3A_366 : vector<1x1xf32> to vector<1x64xf32>
    %mul3A_368 = arith.mulf %div3A_358, %div3A_358 : vector<1x1xf32>
    %sub3A_369 = arith.subf %div3A_365, %mul3A_368 : vector<1x1xf32>
    %broadcast_in_dim3A_370 = vector.shape_cast %sub3A_369 : vector<1x1xf32> to vector<1x1xf32>
    %broadcast_in_dim3A_371 = vector.broadcast %broadcast_in_dim3A_370 : vector<1x1xf32> to vector<1x64xf32>
    %slice3A_372 = vector.extract_strided_slice %broadcast_in_dim3A_227 {offsets = [0, 448], sizes = [1, 64], strides = [1, 1]} : vector<1x512xf32> to vector<1x64xf32>
    %reduce_sum3A_373 = arith.constant dense<0.000000e+00> : vector<1xf32>
    %reduce_sum3A_374 = vector.multi_reduction <add>, %slice3A_372, %reduce_sum3A_373 [1] : vector<1x64xf32> to vector<1xf32>
    %broadcast_in_dim3A_375 = vector.shape_cast %reduce_sum3A_374 : vector<1xf32> to vector<1x1xf32>
    %div3A_376 = arith.constant 1.310720e+05 : f32
    %div3A_377 = vector.broadcast %div3A_376 : f32 to vector<1x1xf32>
    %div3A_378 = arith.divf %broadcast_in_dim3A_375, %div3A_377 : vector<1x1xf32>
    %slice3A_379 = vector.extract_strided_slice %broadcast_in_dim3A_231 {offsets = [0, 448], sizes = [1, 64], strides = [1, 1]} : vector<1x512xf32> to vector<1x64xf32>
    %reduce_sum3A_380 = arith.constant dense<0.000000e+00> : vector<1xf32>
    %reduce_sum3A_381 = vector.multi_reduction <add>, %slice3A_379, %reduce_sum3A_380 [1] : vector<1x64xf32> to vector<1xf32>
    %broadcast_in_dim3A_382 = vector.shape_cast %reduce_sum3A_381 : vector<1xf32> to vector<1x1xf32>
    %div3A_383 = arith.constant 1.310720e+05 : f32
    %div3A_384 = vector.broadcast %div3A_383 : f32 to vector<1x1xf32>
    %div3A_385 = arith.divf %broadcast_in_dim3A_382, %div3A_384 : vector<1x1xf32>
    %broadcast_in_dim3A_386 = vector.shape_cast %div3A_378 : vector<1x1xf32> to vector<1x1xf32>
    %broadcast_in_dim3A_387 = vector.broadcast %broadcast_in_dim3A_386 : vector<1x1xf32> to vector<1x64xf32>
    %mul3A_388 = arith.mulf %div3A_378, %div3A_378 : vector<1x1xf32>
    %sub3A_389 = arith.subf %div3A_385, %mul3A_388 : vector<1x1xf32>
    %broadcast_in_dim3A_390 = vector.shape_cast %sub3A_389 : vector<1x1xf32> to vector<1x1xf32>
    %broadcast_in_dim3A_391 = vector.broadcast %broadcast_in_dim3A_390 : vector<1x1xf32> to vector<1x64xf32>
    %concatenate3A_392 = tpu.concatenate %broadcast_in_dim3A_247, %broadcast_in_dim3A_267, %broadcast_in_dim3A_287, %broadcast_in_dim3A_307, %broadcast_in_dim3A_327, %broadcast_in_dim3A_347, %broadcast_in_dim3A_367, %broadcast_in_dim3A_387 in 1 : vector<1x64xf32>, vector<1x64xf32>, vector<1x64xf32>, vector<1x64xf32>, vector<1x64xf32>, vector<1x64xf32>, vector<1x64xf32>, vector<1x64xf32> -> vector<1x512xf32>
    %concatenate3A_393 = tpu.concatenate %broadcast_in_dim3A_251, %broadcast_in_dim3A_271, %broadcast_in_dim3A_291, %broadcast_in_dim3A_311, %broadcast_in_dim3A_331, %broadcast_in_dim3A_351, %broadcast_in_dim3A_371, %broadcast_in_dim3A_391 in 1 : vector<1x64xf32>, vector<1x64xf32>, vector<1x64xf32>, vector<1x64xf32>, vector<1x64xf32>, vector<1x64xf32>, vector<1x64xf32>, vector<1x64xf32> -> vector<1x512xf32>
    %sub3A_394 = vector.broadcast %concatenate3A_392 : vector<1x512xf32> to vector<2048x512xf32>
    %sub3A_395 = arith.subf %add3A_218, %sub3A_394 : vector<2048x512xf32>
    %add3A_396 = arith.constant 9.99999974E-6 : f32
    %add3A_397 = vector.broadcast %add3A_396 : f32 to vector<1x512xf32>
    %add3A_398 = arith.addf %concatenate3A_393, %add3A_397 : vector<1x512xf32>
    %sqrt3A_399 = math.sqrt %add3A_398 : vector<1x512xf32>
    %div3A_400 = vector.broadcast %sqrt3A_399 : vector<1x512xf32> to vector<2048x512xf32>
    %div3A_401 = arith.divf %sub3A_395, %div3A_400 : vector<2048x512xf32>
    %mul3A_402 = vector.broadcast %get3A_221 : vector<1x512xf32> to vector<2048x512xf32>
    %mul3A_403 = arith.mulf %div3A_401, %mul3A_402 : vector<2048x512xf32>
    %add3A_404 = vector.broadcast %get3A_224 : vector<1x512xf32> to vector<2048x512xf32>
    %add3A_405 = arith.addf %mul3A_403, %add3A_404 : vector<2048x512xf32>
    %max3A_406 = arith.constant 0.000000e+00 : f32
    %max3A_407 = vector.broadcast %max3A_406 : f32 to vector<2048x512xf32>
    %max3A_408 = arith.maximumf %add3A_405, %max3A_407 : vector<2048x512xf32>
    %get3A_409 = arith.constant 0 : index
    %get3A_410 = arith.constant 0 : index
    %get3A_411 = vector.load %arg12[%get3A_409, %get3A_410] : memref<512x256xf32, #tpu.memory_space<vmem>>, vector<512x256xf32>
    %dot_general3A_412 = arith.constant dense<0.000000e+00> : vector<2048x256xf32>
    %dot_general3A_413 = tpu.matmul %max3A_408, %get3A_411, %dot_general3A_412 {dimension_numbers = #tpu.dot_dimension_numbers<[1], [0], [0], [1], [0, 0, 1, 1], [], []>, transpose_lhs_hint = false} : vector<2048x512xf32>, vector<512x256xf32>, vector<2048x256xf32> -> vector<2048x256xf32>
    %get3A_414 = arith.constant 0 : index
    %get3A_415 = arith.constant 0 : index
    %get3A_416 = vector.load %arg13[%get3A_414, %get3A_415] : memref<1x256xf32, #tpu.memory_space<vmem>>, vector<1x256xf32>
    %add3A_417 = vector.broadcast %get3A_416 : vector<1x256xf32> to vector<2048x256xf32>
    %add3A_418 = arith.addf %dot_general3A_413, %add3A_417 : vector<2048x256xf32>
    %get3A_419 = arith.constant 0 : index
    %get3A_420 = arith.constant 0 : index
    %get3A_421 = vector.load %arg14[%get3A_419, %get3A_420] : memref<1x256xf32, #tpu.memory_space<vmem>>, vector<1x256xf32>
    %get3A_422 = arith.constant 0 : index
    %get3A_423 = arith.constant 0 : index
    %get3A_424 = vector.load %arg15[%get3A_422, %get3A_423] : memref<1x256xf32, #tpu.memory_space<vmem>>, vector<1x256xf32>
    %reduce_sum3A_425 = arith.constant dense<0.000000e+00> : vector<256xf32>
    %reduce_sum3A_426 = vector.multi_reduction <add>, %add3A_418, %reduce_sum3A_425 [0] : vector<2048x256xf32> to vector<256xf32>
    %broadcast_in_dim3A_427 = vector.shape_cast %reduce_sum3A_426 : vector<256xf32> to vector<1x256xf32>
    %mul3A_428 = arith.mulf %add3A_418, %add3A_418 : vector<2048x256xf32>
    %reduce_sum3A_429 = arith.constant dense<0.000000e+00> : vector<256xf32>
    %reduce_sum3A_430 = vector.multi_reduction <add>, %mul3A_428, %reduce_sum3A_429 [0] : vector<2048x256xf32> to vector<256xf32>
    %broadcast_in_dim3A_431 = vector.shape_cast %reduce_sum3A_430 : vector<256xf32> to vector<1x256xf32>
    %slice3A_432 = vector.extract_strided_slice %broadcast_in_dim3A_427 {offsets = [0, 0], sizes = [1, 64], strides = [1, 1]} : vector<1x256xf32> to vector<1x64xf32>
    %reduce_sum3A_433 = arith.constant dense<0.000000e+00> : vector<1xf32>
    %reduce_sum3A_434 = vector.multi_reduction <add>, %slice3A_432, %reduce_sum3A_433 [1] : vector<1x64xf32> to vector<1xf32>
    %broadcast_in_dim3A_435 = vector.shape_cast %reduce_sum3A_434 : vector<1xf32> to vector<1x1xf32>
    %div3A_436 = arith.constant 1.310720e+05 : f32
    %div3A_437 = vector.broadcast %div3A_436 : f32 to vector<1x1xf32>
    %div3A_438 = arith.divf %broadcast_in_dim3A_435, %div3A_437 : vector<1x1xf32>
    %slice3A_439 = vector.extract_strided_slice %broadcast_in_dim3A_431 {offsets = [0, 0], sizes = [1, 64], strides = [1, 1]} : vector<1x256xf32> to vector<1x64xf32>
    %reduce_sum3A_440 = arith.constant dense<0.000000e+00> : vector<1xf32>
    %reduce_sum3A_441 = vector.multi_reduction <add>, %slice3A_439, %reduce_sum3A_440 [1] : vector<1x64xf32> to vector<1xf32>
    %broadcast_in_dim3A_442 = vector.shape_cast %reduce_sum3A_441 : vector<1xf32> to vector<1x1xf32>
    %div3A_443 = arith.constant 1.310720e+05 : f32
    %div3A_444 = vector.broadcast %div3A_443 : f32 to vector<1x1xf32>
    %div3A_445 = arith.divf %broadcast_in_dim3A_442, %div3A_444 : vector<1x1xf32>
    %broadcast_in_dim3A_446 = vector.shape_cast %div3A_438 : vector<1x1xf32> to vector<1x1xf32>
    %broadcast_in_dim3A_447 = vector.broadcast %broadcast_in_dim3A_446 : vector<1x1xf32> to vector<1x64xf32>
    %mul3A_448 = arith.mulf %div3A_438, %div3A_438 : vector<1x1xf32>
    %sub3A_449 = arith.subf %div3A_445, %mul3A_448 : vector<1x1xf32>
    %broadcast_in_dim3A_450 = vector.shape_cast %sub3A_449 : vector<1x1xf32> to vector<1x1xf32>
    %broadcast_in_dim3A_451 = vector.broadcast %broadcast_in_dim3A_450 : vector<1x1xf32> to vector<1x64xf32>
    %slice3A_452 = vector.extract_strided_slice %broadcast_in_dim3A_427 {offsets = [0, 64], sizes = [1, 64], strides = [1, 1]} : vector<1x256xf32> to vector<1x64xf32>
    %reduce_sum3A_453 = arith.constant dense<0.000000e+00> : vector<1xf32>
    %reduce_sum3A_454 = vector.multi_reduction <add>, %slice3A_452, %reduce_sum3A_453 [1] : vector<1x64xf32> to vector<1xf32>
    %broadcast_in_dim3A_455 = vector.shape_cast %reduce_sum3A_454 : vector<1xf32> to vector<1x1xf32>
    %div3A_456 = arith.constant 1.310720e+05 : f32
    %div3A_457 = vector.broadcast %div3A_456 : f32 to vector<1x1xf32>
    %div3A_458 = arith.divf %broadcast_in_dim3A_455, %div3A_457 : vector<1x1xf32>
    %slice3A_459 = vector.extract_strided_slice %broadcast_in_dim3A_431 {offsets = [0, 64], sizes = [1, 64], strides = [1, 1]} : vector<1x256xf32> to vector<1x64xf32>
    %reduce_sum3A_460 = arith.constant dense<0.000000e+00> : vector<1xf32>
    %reduce_sum3A_461 = vector.multi_reduction <add>, %slice3A_459, %reduce_sum3A_460 [1] : vector<1x64xf32> to vector<1xf32>
    %broadcast_in_dim3A_462 = vector.shape_cast %reduce_sum3A_461 : vector<1xf32> to vector<1x1xf32>
    %div3A_463 = arith.constant 1.310720e+05 : f32
    %div3A_464 = vector.broadcast %div3A_463 : f32 to vector<1x1xf32>
    %div3A_465 = arith.divf %broadcast_in_dim3A_462, %div3A_464 : vector<1x1xf32>
    %broadcast_in_dim3A_466 = vector.shape_cast %div3A_458 : vector<1x1xf32> to vector<1x1xf32>
    %broadcast_in_dim3A_467 = vector.broadcast %broadcast_in_dim3A_466 : vector<1x1xf32> to vector<1x64xf32>
    %mul3A_468 = arith.mulf %div3A_458, %div3A_458 : vector<1x1xf32>
    %sub3A_469 = arith.subf %div3A_465, %mul3A_468 : vector<1x1xf32>
    %broadcast_in_dim3A_470 = vector.shape_cast %sub3A_469 : vector<1x1xf32> to vector<1x1xf32>
    %broadcast_in_dim3A_471 = vector.broadcast %broadcast_in_dim3A_470 : vector<1x1xf32> to vector<1x64xf32>
    %slice3A_472 = vector.extract_strided_slice %broadcast_in_dim3A_427 {offsets = [0, 128], sizes = [1, 64], strides = [1, 1]} : vector<1x256xf32> to vector<1x64xf32>
    %reduce_sum3A_473 = arith.constant dense<0.000000e+00> : vector<1xf32>
    %reduce_sum3A_474 = vector.multi_reduction <add>, %slice3A_472, %reduce_sum3A_473 [1] : vector<1x64xf32> to vector<1xf32>
    %broadcast_in_dim3A_475 = vector.shape_cast %reduce_sum3A_474 : vector<1xf32> to vector<1x1xf32>
    %div3A_476 = arith.constant 1.310720e+05 : f32
    %div3A_477 = vector.broadcast %div3A_476 : f32 to vector<1x1xf32>
    %div3A_478 = arith.divf %broadcast_in_dim3A_475, %div3A_477 : vector<1x1xf32>
    %slice3A_479 = vector.extract_strided_slice %broadcast_in_dim3A_431 {offsets = [0, 128], sizes = [1, 64], strides = [1, 1]} : vector<1x256xf32> to vector<1x64xf32>
    %reduce_sum3A_480 = arith.constant dense<0.000000e+00> : vector<1xf32>
    %reduce_sum3A_481 = vector.multi_reduction <add>, %slice3A_479, %reduce_sum3A_480 [1] : vector<1x64xf32> to vector<1xf32>
    %broadcast_in_dim3A_482 = vector.shape_cast %reduce_sum3A_481 : vector<1xf32> to vector<1x1xf32>
    %div3A_483 = arith.constant 1.310720e+05 : f32
    %div3A_484 = vector.broadcast %div3A_483 : f32 to vector<1x1xf32>
    %div3A_485 = arith.divf %broadcast_in_dim3A_482, %div3A_484 : vector<1x1xf32>
    %broadcast_in_dim3A_486 = vector.shape_cast %div3A_478 : vector<1x1xf32> to vector<1x1xf32>
    %broadcast_in_dim3A_487 = vector.broadcast %broadcast_in_dim3A_486 : vector<1x1xf32> to vector<1x64xf32>
    %mul3A_488 = arith.mulf %div3A_478, %div3A_478 : vector<1x1xf32>
    %sub3A_489 = arith.subf %div3A_485, %mul3A_488 : vector<1x1xf32>
    %broadcast_in_dim3A_490 = vector.shape_cast %sub3A_489 : vector<1x1xf32> to vector<1x1xf32>
    %broadcast_in_dim3A_491 = vector.broadcast %broadcast_in_dim3A_490 : vector<1x1xf32> to vector<1x64xf32>
    %slice3A_492 = vector.extract_strided_slice %broadcast_in_dim3A_427 {offsets = [0, 192], sizes = [1, 64], strides = [1, 1]} : vector<1x256xf32> to vector<1x64xf32>
    %reduce_sum3A_493 = arith.constant dense<0.000000e+00> : vector<1xf32>
    %reduce_sum3A_494 = vector.multi_reduction <add>, %slice3A_492, %reduce_sum3A_493 [1] : vector<1x64xf32> to vector<1xf32>
    %broadcast_in_dim3A_495 = vector.shape_cast %reduce_sum3A_494 : vector<1xf32> to vector<1x1xf32>
    %div3A_496 = arith.constant 1.310720e+05 : f32
    %div3A_497 = vector.broadcast %div3A_496 : f32 to vector<1x1xf32>
    %div3A_498 = arith.divf %broadcast_in_dim3A_495, %div3A_497 : vector<1x1xf32>
    %slice3A_499 = vector.extract_strided_slice %broadcast_in_dim3A_431 {offsets = [0, 192], sizes = [1, 64], strides = [1, 1]} : vector<1x256xf32> to vector<1x64xf32>
    %reduce_sum3A_500 = arith.constant dense<0.000000e+00> : vector<1xf32>
    %reduce_sum3A_501 = vector.multi_reduction <add>, %slice3A_499, %reduce_sum3A_500 [1] : vector<1x64xf32> to vector<1xf32>
    %broadcast_in_dim3A_502 = vector.shape_cast %reduce_sum3A_501 : vector<1xf32> to vector<1x1xf32>
    %div3A_503 = arith.constant 1.310720e+05 : f32
    %div3A_504 = vector.broadcast %div3A_503 : f32 to vector<1x1xf32>
    %div3A_505 = arith.divf %broadcast_in_dim3A_502, %div3A_504 : vector<1x1xf32>
    %broadcast_in_dim3A_506 = vector.shape_cast %div3A_498 : vector<1x1xf32> to vector<1x1xf32>
    %broadcast_in_dim3A_507 = vector.broadcast %broadcast_in_dim3A_506 : vector<1x1xf32> to vector<1x64xf32>
    %mul3A_508 = arith.mulf %div3A_498, %div3A_498 : vector<1x1xf32>
    %sub3A_509 = arith.subf %div3A_505, %mul3A_508 : vector<1x1xf32>
    %broadcast_in_dim3A_510 = vector.shape_cast %sub3A_509 : vector<1x1xf32> to vector<1x1xf32>
    %broadcast_in_dim3A_511 = vector.broadcast %broadcast_in_dim3A_510 : vector<1x1xf32> to vector<1x64xf32>
    %concatenate3A_512 = tpu.concatenate %broadcast_in_dim3A_447, %broadcast_in_dim3A_467, %broadcast_in_dim3A_487, %broadcast_in_dim3A_507 in 1 : vector<1x64xf32>, vector<1x64xf32>, vector<1x64xf32>, vector<1x64xf32> -> vector<1x256xf32>
    %concatenate3A_513 = tpu.concatenate %broadcast_in_dim3A_451, %broadcast_in_dim3A_471, %broadcast_in_dim3A_491, %broadcast_in_dim3A_511 in 1 : vector<1x64xf32>, vector<1x64xf32>, vector<1x64xf32>, vector<1x64xf32> -> vector<1x256xf32>
    %sub3A_514 = vector.broadcast %concatenate3A_512 : vector<1x256xf32> to vector<2048x256xf32>
    %sub3A_515 = arith.subf %add3A_418, %sub3A_514 : vector<2048x256xf32>
    %add3A_516 = arith.constant 9.99999974E-6 : f32
    %add3A_517 = vector.broadcast %add3A_516 : f32 to vector<1x256xf32>
    %add3A_518 = arith.addf %concatenate3A_513, %add3A_517 : vector<1x256xf32>
    %sqrt3A_519 = math.sqrt %add3A_518 : vector<1x256xf32>
    %div3A_520 = vector.broadcast %sqrt3A_519 : vector<1x256xf32> to vector<2048x256xf32>
    %div3A_521 = arith.divf %sub3A_515, %div3A_520 : vector<2048x256xf32>
    %mul3A_522 = vector.broadcast %get3A_421 : vector<1x256xf32> to vector<2048x256xf32>
    %mul3A_523 = arith.mulf %div3A_521, %mul3A_522 : vector<2048x256xf32>
    %add3A_524 = vector.broadcast %get3A_424 : vector<1x256xf32> to vector<2048x256xf32>
    %add3A_525 = arith.addf %mul3A_523, %add3A_524 : vector<2048x256xf32>
    %max3A_526 = arith.constant 0.000000e+00 : f32
    %max3A_527 = vector.broadcast %max3A_526 : f32 to vector<2048x256xf32>
    %max3A_528 = arith.maximumf %add3A_525, %max3A_527 : vector<2048x256xf32>
    %get3A_529 = arith.constant 0 : index
    %get3A_530 = arith.constant 0 : index
    %get3A_531 = vector.load %arg16[%get3A_529, %get3A_530] : memref<256x256xf32, #tpu.memory_space<vmem>>, vector<256x256xf32>
    %dot_general3A_532 = arith.constant dense<0.000000e+00> : vector<2048x256xf32>
    %dot_general3A_533 = tpu.matmul %max3A_528, %get3A_531, %dot_general3A_532 {dimension_numbers = #tpu.dot_dimension_numbers<[1], [0], [0], [1], [0, 0, 1, 1], [], []>, transpose_lhs_hint = false} : vector<2048x256xf32>, vector<256x256xf32>, vector<2048x256xf32> -> vector<2048x256xf32>
    %get3A_534 = arith.constant 0 : index
    %get3A_535 = arith.constant 0 : index
    %get3A_536 = vector.load %arg17[%get3A_534, %get3A_535] : memref<1x256xf32, #tpu.memory_space<vmem>>, vector<1x256xf32>
    %add3A_537 = vector.broadcast %get3A_536 : vector<1x256xf32> to vector<2048x256xf32>
    %add3A_538 = arith.addf %dot_general3A_533, %add3A_537 : vector<2048x256xf32>
    %get3A_539 = arith.constant 0 : index
    %get3A_540 = arith.constant 0 : index
    %get3A_541 = vector.load %arg18[%get3A_539, %get3A_540] : memref<1x256xf32, #tpu.memory_space<vmem>>, vector<1x256xf32>
    %get3A_542 = arith.constant 0 : index
    %get3A_543 = arith.constant 0 : index
    %get3A_544 = vector.load %arg19[%get3A_542, %get3A_543] : memref<1x256xf32, #tpu.memory_space<vmem>>, vector<1x256xf32>
    %reduce_sum3A_545 = arith.constant dense<0.000000e+00> : vector<256xf32>
    %reduce_sum3A_546 = vector.multi_reduction <add>, %add3A_538, %reduce_sum3A_545 [0] : vector<2048x256xf32> to vector<256xf32>
    %broadcast_in_dim3A_547 = vector.shape_cast %reduce_sum3A_546 : vector<256xf32> to vector<1x256xf32>
    %mul3A_548 = arith.mulf %add3A_538, %add3A_538 : vector<2048x256xf32>
    %reduce_sum3A_549 = arith.constant dense<0.000000e+00> : vector<256xf32>
    %reduce_sum3A_550 = vector.multi_reduction <add>, %mul3A_548, %reduce_sum3A_549 [0] : vector<2048x256xf32> to vector<256xf32>
    %broadcast_in_dim3A_551 = vector.shape_cast %reduce_sum3A_550 : vector<256xf32> to vector<1x256xf32>
    %slice3A_552 = vector.extract_strided_slice %broadcast_in_dim3A_547 {offsets = [0, 0], sizes = [1, 64], strides = [1, 1]} : vector<1x256xf32> to vector<1x64xf32>
    %reduce_sum3A_553 = arith.constant dense<0.000000e+00> : vector<1xf32>
    %reduce_sum3A_554 = vector.multi_reduction <add>, %slice3A_552, %reduce_sum3A_553 [1] : vector<1x64xf32> to vector<1xf32>
    %broadcast_in_dim3A_555 = vector.shape_cast %reduce_sum3A_554 : vector<1xf32> to vector<1x1xf32>
    %div3A_556 = arith.constant 1.310720e+05 : f32
    %div3A_557 = vector.broadcast %div3A_556 : f32 to vector<1x1xf32>
    %div3A_558 = arith.divf %broadcast_in_dim3A_555, %div3A_557 : vector<1x1xf32>
    %slice3A_559 = vector.extract_strided_slice %broadcast_in_dim3A_551 {offsets = [0, 0], sizes = [1, 64], strides = [1, 1]} : vector<1x256xf32> to vector<1x64xf32>
    %reduce_sum3A_560 = arith.constant dense<0.000000e+00> : vector<1xf32>
    %reduce_sum3A_561 = vector.multi_reduction <add>, %slice3A_559, %reduce_sum3A_560 [1] : vector<1x64xf32> to vector<1xf32>
    %broadcast_in_dim3A_562 = vector.shape_cast %reduce_sum3A_561 : vector<1xf32> to vector<1x1xf32>
    %div3A_563 = arith.constant 1.310720e+05 : f32
    %div3A_564 = vector.broadcast %div3A_563 : f32 to vector<1x1xf32>
    %div3A_565 = arith.divf %broadcast_in_dim3A_562, %div3A_564 : vector<1x1xf32>
    %broadcast_in_dim3A_566 = vector.shape_cast %div3A_558 : vector<1x1xf32> to vector<1x1xf32>
    %broadcast_in_dim3A_567 = vector.broadcast %broadcast_in_dim3A_566 : vector<1x1xf32> to vector<1x64xf32>
    %mul3A_568 = arith.mulf %div3A_558, %div3A_558 : vector<1x1xf32>
    %sub3A_569 = arith.subf %div3A_565, %mul3A_568 : vector<1x1xf32>
    %broadcast_in_dim3A_570 = vector.shape_cast %sub3A_569 : vector<1x1xf32> to vector<1x1xf32>
    %broadcast_in_dim3A_571 = vector.broadcast %broadcast_in_dim3A_570 : vector<1x1xf32> to vector<1x64xf32>
    %slice3A_572 = vector.extract_strided_slice %broadcast_in_dim3A_547 {offsets = [0, 64], sizes = [1, 64], strides = [1, 1]} : vector<1x256xf32> to vector<1x64xf32>
    %reduce_sum3A_573 = arith.constant dense<0.000000e+00> : vector<1xf32>
    %reduce_sum3A_574 = vector.multi_reduction <add>, %slice3A_572, %reduce_sum3A_573 [1] : vector<1x64xf32> to vector<1xf32>
    %broadcast_in_dim3A_575 = vector.shape_cast %reduce_sum3A_574 : vector<1xf32> to vector<1x1xf32>
    %div3A_576 = arith.constant 1.310720e+05 : f32
    %div3A_577 = vector.broadcast %div3A_576 : f32 to vector<1x1xf32>
    %div3A_578 = arith.divf %broadcast_in_dim3A_575, %div3A_577 : vector<1x1xf32>
    %slice3A_579 = vector.extract_strided_slice %broadcast_in_dim3A_551 {offsets = [0, 64], sizes = [1, 64], strides = [1, 1]} : vector<1x256xf32> to vector<1x64xf32>
    %reduce_sum3A_580 = arith.constant dense<0.000000e+00> : vector<1xf32>
    %reduce_sum3A_581 = vector.multi_reduction <add>, %slice3A_579, %reduce_sum3A_580 [1] : vector<1x64xf32> to vector<1xf32>
    %broadcast_in_dim3A_582 = vector.shape_cast %reduce_sum3A_581 : vector<1xf32> to vector<1x1xf32>
    %div3A_583 = arith.constant 1.310720e+05 : f32
    %div3A_584 = vector.broadcast %div3A_583 : f32 to vector<1x1xf32>
    %div3A_585 = arith.divf %broadcast_in_dim3A_582, %div3A_584 : vector<1x1xf32>
    %broadcast_in_dim3A_586 = vector.shape_cast %div3A_578 : vector<1x1xf32> to vector<1x1xf32>
    %broadcast_in_dim3A_587 = vector.broadcast %broadcast_in_dim3A_586 : vector<1x1xf32> to vector<1x64xf32>
    %mul3A_588 = arith.mulf %div3A_578, %div3A_578 : vector<1x1xf32>
    %sub3A_589 = arith.subf %div3A_585, %mul3A_588 : vector<1x1xf32>
    %broadcast_in_dim3A_590 = vector.shape_cast %sub3A_589 : vector<1x1xf32> to vector<1x1xf32>
    %broadcast_in_dim3A_591 = vector.broadcast %broadcast_in_dim3A_590 : vector<1x1xf32> to vector<1x64xf32>
    %slice3A_592 = vector.extract_strided_slice %broadcast_in_dim3A_547 {offsets = [0, 128], sizes = [1, 64], strides = [1, 1]} : vector<1x256xf32> to vector<1x64xf32>
    %reduce_sum3A_593 = arith.constant dense<0.000000e+00> : vector<1xf32>
    %reduce_sum3A_594 = vector.multi_reduction <add>, %slice3A_592, %reduce_sum3A_593 [1] : vector<1x64xf32> to vector<1xf32>
    %broadcast_in_dim3A_595 = vector.shape_cast %reduce_sum3A_594 : vector<1xf32> to vector<1x1xf32>
    %div3A_596 = arith.constant 1.310720e+05 : f32
    %div3A_597 = vector.broadcast %div3A_596 : f32 to vector<1x1xf32>
    %div3A_598 = arith.divf %broadcast_in_dim3A_595, %div3A_597 : vector<1x1xf32>
    %slice3A_599 = vector.extract_strided_slice %broadcast_in_dim3A_551 {offsets = [0, 128], sizes = [1, 64], strides = [1, 1]} : vector<1x256xf32> to vector<1x64xf32>
    %reduce_sum3A_600 = arith.constant dense<0.000000e+00> : vector<1xf32>
    %reduce_sum3A_601 = vector.multi_reduction <add>, %slice3A_599, %reduce_sum3A_600 [1] : vector<1x64xf32> to vector<1xf32>
    %broadcast_in_dim3A_602 = vector.shape_cast %reduce_sum3A_601 : vector<1xf32> to vector<1x1xf32>
    %div3A_603 = arith.constant 1.310720e+05 : f32
    %div3A_604 = vector.broadcast %div3A_603 : f32 to vector<1x1xf32>
    %div3A_605 = arith.divf %broadcast_in_dim3A_602, %div3A_604 : vector<1x1xf32>
    %broadcast_in_dim3A_606 = vector.shape_cast %div3A_598 : vector<1x1xf32> to vector<1x1xf32>
    %broadcast_in_dim3A_607 = vector.broadcast %broadcast_in_dim3A_606 : vector<1x1xf32> to vector<1x64xf32>
    %mul3A_608 = arith.mulf %div3A_598, %div3A_598 : vector<1x1xf32>
    %sub3A_609 = arith.subf %div3A_605, %mul3A_608 : vector<1x1xf32>
    %broadcast_in_dim3A_610 = vector.shape_cast %sub3A_609 : vector<1x1xf32> to vector<1x1xf32>
    %broadcast_in_dim3A_611 = vector.broadcast %broadcast_in_dim3A_610 : vector<1x1xf32> to vector<1x64xf32>
    %slice3A_612 = vector.extract_strided_slice %broadcast_in_dim3A_547 {offsets = [0, 192], sizes = [1, 64], strides = [1, 1]} : vector<1x256xf32> to vector<1x64xf32>
    %reduce_sum3A_613 = arith.constant dense<0.000000e+00> : vector<1xf32>
    %reduce_sum3A_614 = vector.multi_reduction <add>, %slice3A_612, %reduce_sum3A_613 [1] : vector<1x64xf32> to vector<1xf32>
    %broadcast_in_dim3A_615 = vector.shape_cast %reduce_sum3A_614 : vector<1xf32> to vector<1x1xf32>
    %div3A_616 = arith.constant 1.310720e+05 : f32
    %div3A_617 = vector.broadcast %div3A_616 : f32 to vector<1x1xf32>
    %div3A_618 = arith.divf %broadcast_in_dim3A_615, %div3A_617 : vector<1x1xf32>
    %slice3A_619 = vector.extract_strided_slice %broadcast_in_dim3A_551 {offsets = [0, 192], sizes = [1, 64], strides = [1, 1]} : vector<1x256xf32> to vector<1x64xf32>
    %reduce_sum3A_620 = arith.constant dense<0.000000e+00> : vector<1xf32>
    %reduce_sum3A_621 = vector.multi_reduction <add>, %slice3A_619, %reduce_sum3A_620 [1] : vector<1x64xf32> to vector<1xf32>
    %broadcast_in_dim3A_622 = vector.shape_cast %reduce_sum3A_621 : vector<1xf32> to vector<1x1xf32>
    %div3A_623 = arith.constant 1.310720e+05 : f32
    %div3A_624 = vector.broadcast %div3A_623 : f32 to vector<1x1xf32>
    %div3A_625 = arith.divf %broadcast_in_dim3A_622, %div3A_624 : vector<1x1xf32>
    %broadcast_in_dim3A_626 = vector.shape_cast %div3A_618 : vector<1x1xf32> to vector<1x1xf32>
    %broadcast_in_dim3A_627 = vector.broadcast %broadcast_in_dim3A_626 : vector<1x1xf32> to vector<1x64xf32>
    %mul3A_628 = arith.mulf %div3A_618, %div3A_618 : vector<1x1xf32>
    %sub3A_629 = arith.subf %div3A_625, %mul3A_628 : vector<1x1xf32>
    %broadcast_in_dim3A_630 = vector.shape_cast %sub3A_629 : vector<1x1xf32> to vector<1x1xf32>
    %broadcast_in_dim3A_631 = vector.broadcast %broadcast_in_dim3A_630 : vector<1x1xf32> to vector<1x64xf32>
    %concatenate3A_632 = tpu.concatenate %broadcast_in_dim3A_567, %broadcast_in_dim3A_587, %broadcast_in_dim3A_607, %broadcast_in_dim3A_627 in 1 : vector<1x64xf32>, vector<1x64xf32>, vector<1x64xf32>, vector<1x64xf32> -> vector<1x256xf32>
    %concatenate3A_633 = tpu.concatenate %broadcast_in_dim3A_571, %broadcast_in_dim3A_591, %broadcast_in_dim3A_611, %broadcast_in_dim3A_631 in 1 : vector<1x64xf32>, vector<1x64xf32>, vector<1x64xf32>, vector<1x64xf32> -> vector<1x256xf32>
    %sub3A_634 = vector.broadcast %concatenate3A_632 : vector<1x256xf32> to vector<2048x256xf32>
    %sub3A_635 = arith.subf %add3A_538, %sub3A_634 : vector<2048x256xf32>
    %add3A_636 = arith.constant 9.99999974E-6 : f32
    %add3A_637 = vector.broadcast %add3A_636 : f32 to vector<1x256xf32>
    %add3A_638 = arith.addf %concatenate3A_633, %add3A_637 : vector<1x256xf32>
    %sqrt3A_639 = math.sqrt %add3A_638 : vector<1x256xf32>
    %div3A_640 = vector.broadcast %sqrt3A_639 : vector<1x256xf32> to vector<2048x256xf32>
    %div3A_641 = arith.divf %sub3A_635, %div3A_640 : vector<2048x256xf32>
    %mul3A_642 = vector.broadcast %get3A_541 : vector<1x256xf32> to vector<2048x256xf32>
    %mul3A_643 = arith.mulf %div3A_641, %mul3A_642 : vector<2048x256xf32>
    %add3A_644 = vector.broadcast %get3A_544 : vector<1x256xf32> to vector<2048x256xf32>
    %add3A_645 = arith.addf %mul3A_643, %add3A_644 : vector<2048x256xf32>
    %max3A_646 = arith.constant 0.000000e+00 : f32
    %max3A_647 = vector.broadcast %max3A_646 : f32 to vector<2048x256xf32>
    %max3A_648 = arith.maximumf %add3A_645, %max3A_647 : vector<2048x256xf32>
    %get3A_649 = arith.constant 0 : index
    %get3A_650 = arith.constant 0 : index
    %get3A_651 = vector.load %arg20[%get3A_649, %get3A_650] : memref<256x50xf32, #tpu.memory_space<vmem>>, vector<256x50xf32>
    %dot_general3A_652 = arith.constant dense<0.000000e+00> : vector<2048x50xf32>
    %dot_general3A_653 = tpu.matmul %max3A_648, %get3A_651, %dot_general3A_652 {dimension_numbers = #tpu.dot_dimension_numbers<[1], [0], [0], [1], [0, 0, 1, 1], [], []>, transpose_lhs_hint = false} : vector<2048x256xf32>, vector<256x50xf32>, vector<2048x50xf32> -> vector<2048x50xf32>
    %get3A_654 = arith.constant 0 : index
    %get3A_655 = arith.constant 0 : index
    %get3A_656 = vector.load %arg21[%get3A_654, %get3A_655] : memref<1x50xf32, #tpu.memory_space<vmem>>, vector<1x50xf32>
    %add3A_657 = vector.broadcast %get3A_656 : vector<1x50xf32> to vector<2048x50xf32>
    %add3A_658 = arith.addf %dot_general3A_653, %add3A_657 : vector<2048x50xf32>
    %swap3A = arith.constant 0 : index
    %swap3A_659 = arith.constant 0 : index
    %swap3A_660 = arith.constant 0 : index
    %swap3A_661 = vector.load %arg28[%swap3A, %swap3A_659, %swap3A_660] : memref<1x2048x50xf32, #tpu.memory_space<vmem>>, vector<1x2048x50xf32>
    %swap3A_662 = vector.shape_cast %swap3A_661 : vector<1x2048x50xf32> to vector<2048x50xf32>
    %swap3A_663 = vector.shape_cast %add3A_658 : vector<2048x50xf32> to vector<1x2048x50xf32>
    tpu.vector_store %arg28[%swap3A, %swap3A_659, %swap3A_660], %swap3A_663 {strides = array<i32>} : memref<1x2048x50xf32, #tpu.memory_space<vmem>>, vector<1x2048x50xf32>,
    %get3A_664 = arith.constant 0 : index
    %get3A_665 = arith.constant 0 : index
    %get3A_666 = vector.load %arg22[%get3A_664, %get3A_665] : memref<256x256xf32, #tpu.memory_space<vmem>>, vector<256x256xf32>
    %dot_general3A_667 = arith.constant dense<0.000000e+00> : vector<2048x256xf32>
    %dot_general3A_668 = tpu.matmul %max3A_528, %get3A_666, %dot_general3A_667 {dimension_numbers = #tpu.dot_dimension_numbers<[1], [0], [0], [1], [0, 0, 1, 1], [], []>, transpose_lhs_hint = false} : vector<2048x256xf32>, vector<256x256xf32>, vector<2048x256xf32> -> vector<2048x256xf32>
    %get3A_669 = arith.constant 0 : index
    %get3A_670 = arith.constant 0 : index
    %get3A_671 = vector.load %arg23[%get3A_669, %get3A_670] : memref<1x256xf32, #tpu.memory_space<vmem>>, vector<1x256xf32>
    %add3A_672 = vector.broadcast %get3A_671 : vector<1x256xf32> to vector<2048x256xf32>
    %add3A_673 = arith.addf %dot_general3A_668, %add3A_672 : vector<2048x256xf32>
    %get3A_674 = arith.constant 0 : index
    %get3A_675 = arith.constant 0 : index
    %get3A_676 = vector.load %arg24[%get3A_674, %get3A_675] : memref<1x256xf32, #tpu.memory_space<vmem>>, vector<1x256xf32>
    %get3A_677 = arith.constant 0 : index
    %get3A_678 = arith.constant 0 : index
    %get3A_679 = vector.load %arg25[%get3A_677, %get3A_678] : memref<1x256xf32, #tpu.memory_space<vmem>>, vector<1x256xf32>
    %reduce_sum3A_680 = arith.constant dense<0.000000e+00> : vector<256xf32>
    %reduce_sum3A_681 = vector.multi_reduction <add>, %add3A_673, %reduce_sum3A_680 [0] : vector<2048x256xf32> to vector<256xf32>
    %broadcast_in_dim3A_682 = vector.shape_cast %reduce_sum3A_681 : vector<256xf32> to vector<1x256xf32>
    %mul3A_683 = arith.mulf %add3A_673, %add3A_673 : vector<2048x256xf32>
    %reduce_sum3A_684 = arith.constant dense<0.000000e+00> : vector<256xf32>
    %reduce_sum3A_685 = vector.multi_reduction <add>, %mul3A_683, %reduce_sum3A_684 [0] : vector<2048x256xf32> to vector<256xf32>
    %broadcast_in_dim3A_686 = vector.shape_cast %reduce_sum3A_685 : vector<256xf32> to vector<1x256xf32>
    %slice3A_687 = vector.extract_strided_slice %broadcast_in_dim3A_682 {offsets = [0, 0], sizes = [1, 64], strides = [1, 1]} : vector<1x256xf32> to vector<1x64xf32>
    %reduce_sum3A_688 = arith.constant dense<0.000000e+00> : vector<1xf32>
    %reduce_sum3A_689 = vector.multi_reduction <add>, %slice3A_687, %reduce_sum3A_688 [1] : vector<1x64xf32> to vector<1xf32>
    %broadcast_in_dim3A_690 = vector.shape_cast %reduce_sum3A_689 : vector<1xf32> to vector<1x1xf32>
    %div3A_691 = arith.constant 1.310720e+05 : f32
    %div3A_692 = vector.broadcast %div3A_691 : f32 to vector<1x1xf32>
    %div3A_693 = arith.divf %broadcast_in_dim3A_690, %div3A_692 : vector<1x1xf32>
    %slice3A_694 = vector.extract_strided_slice %broadcast_in_dim3A_686 {offsets = [0, 0], sizes = [1, 64], strides = [1, 1]} : vector<1x256xf32> to vector<1x64xf32>
    %reduce_sum3A_695 = arith.constant dense<0.000000e+00> : vector<1xf32>
    %reduce_sum3A_696 = vector.multi_reduction <add>, %slice3A_694, %reduce_sum3A_695 [1] : vector<1x64xf32> to vector<1xf32>
    %broadcast_in_dim3A_697 = vector.shape_cast %reduce_sum3A_696 : vector<1xf32> to vector<1x1xf32>
    %div3A_698 = arith.constant 1.310720e+05 : f32
    %div3A_699 = vector.broadcast %div3A_698 : f32 to vector<1x1xf32>
    %div3A_700 = arith.divf %broadcast_in_dim3A_697, %div3A_699 : vector<1x1xf32>
    %broadcast_in_dim3A_701 = vector.shape_cast %div3A_693 : vector<1x1xf32> to vector<1x1xf32>
    %broadcast_in_dim3A_702 = vector.broadcast %broadcast_in_dim3A_701 : vector<1x1xf32> to vector<1x64xf32>
    %mul3A_703 = arith.mulf %div3A_693, %div3A_693 : vector<1x1xf32>
    %sub3A_704 = arith.subf %div3A_700, %mul3A_703 : vector<1x1xf32>
    %broadcast_in_dim3A_705 = vector.shape_cast %sub3A_704 : vector<1x1xf32> to vector<1x1xf32>
    %broadcast_in_dim3A_706 = vector.broadcast %broadcast_in_dim3A_705 : vector<1x1xf32> to vector<1x64xf32>
    %slice3A_707 = vector.extract_strided_slice %broadcast_in_dim3A_682 {offsets = [0, 64], sizes = [1, 64], strides = [1, 1]} : vector<1x256xf32> to vector<1x64xf32>
    %reduce_sum3A_708 = arith.constant dense<0.000000e+00> : vector<1xf32>
    %reduce_sum3A_709 = vector.multi_reduction <add>, %slice3A_707, %reduce_sum3A_708 [1] : vector<1x64xf32> to vector<1xf32>
    %broadcast_in_dim3A_710 = vector.shape_cast %reduce_sum3A_709 : vector<1xf32> to vector<1x1xf32>
    %div3A_711 = arith.constant 1.310720e+05 : f32
    %div3A_712 = vector.broadcast %div3A_711 : f32 to vector<1x1xf32>
    %div3A_713 = arith.divf %broadcast_in_dim3A_710, %div3A_712 : vector<1x1xf32>
    %slice3A_714 = vector.extract_strided_slice %broadcast_in_dim3A_686 {offsets = [0, 64], sizes = [1, 64], strides = [1, 1]} : vector<1x256xf32> to vector<1x64xf32>
    %reduce_sum3A_715 = arith.constant dense<0.000000e+00> : vector<1xf32>
    %reduce_sum3A_716 = vector.multi_reduction <add>, %slice3A_714, %reduce_sum3A_715 [1] : vector<1x64xf32> to vector<1xf32>
    %broadcast_in_dim3A_717 = vector.shape_cast %reduce_sum3A_716 : vector<1xf32> to vector<1x1xf32>
    %div3A_718 = arith.constant 1.310720e+05 : f32
    %div3A_719 = vector.broadcast %div3A_718 : f32 to vector<1x1xf32>
    %div3A_720 = arith.divf %broadcast_in_dim3A_717, %div3A_719 : vector<1x1xf32>
    %broadcast_in_dim3A_721 = vector.shape_cast %div3A_713 : vector<1x1xf32> to vector<1x1xf32>
    %broadcast_in_dim3A_722 = vector.broadcast %broadcast_in_dim3A_721 : vector<1x1xf32> to vector<1x64xf32>
    %mul3A_723 = arith.mulf %div3A_713, %div3A_713 : vector<1x1xf32>
    %sub3A_724 = arith.subf %div3A_720, %mul3A_723 : vector<1x1xf32>
    %broadcast_in_dim3A_725 = vector.shape_cast %sub3A_724 : vector<1x1xf32> to vector<1x1xf32>
    %broadcast_in_dim3A_726 = vector.broadcast %broadcast_in_dim3A_725 : vector<1x1xf32> to vector<1x64xf32>
    %slice3A_727 = vector.extract_strided_slice %broadcast_in_dim3A_682 {offsets = [0, 128], sizes = [1, 64], strides = [1, 1]} : vector<1x256xf32> to vector<1x64xf32>
    %reduce_sum3A_728 = arith.constant dense<0.000000e+00> : vector<1xf32>
    %reduce_sum3A_729 = vector.multi_reduction <add>, %slice3A_727, %reduce_sum3A_728 [1] : vector<1x64xf32> to vector<1xf32>
    %broadcast_in_dim3A_730 = vector.shape_cast %reduce_sum3A_729 : vector<1xf32> to vector<1x1xf32>
    %div3A_731 = arith.constant 1.310720e+05 : f32
    %div3A_732 = vector.broadcast %div3A_731 : f32 to vector<1x1xf32>
    %div3A_733 = arith.divf %broadcast_in_dim3A_730, %div3A_732 : vector<1x1xf32>
    %slice3A_734 = vector.extract_strided_slice %broadcast_in_dim3A_686 {offsets = [0, 128], sizes = [1, 64], strides = [1, 1]} : vector<1x256xf32> to vector<1x64xf32>
    %reduce_sum3A_735 = arith.constant dense<0.000000e+00> : vector<1xf32>
    %reduce_sum3A_736 = vector.multi_reduction <add>, %slice3A_734, %reduce_sum3A_735 [1] : vector<1x64xf32> to vector<1xf32>
    %broadcast_in_dim3A_737 = vector.shape_cast %reduce_sum3A_736 : vector<1xf32> to vector<1x1xf32>
    %div3A_738 = arith.constant 1.310720e+05 : f32
    %div3A_739 = vector.broadcast %div3A_738 : f32 to vector<1x1xf32>
    %div3A_740 = arith.divf %broadcast_in_dim3A_737, %div3A_739 : vector<1x1xf32>
    %broadcast_in_dim3A_741 = vector.shape_cast %div3A_733 : vector<1x1xf32> to vector<1x1xf32>
    %broadcast_in_dim3A_742 = vector.broadcast %broadcast_in_dim3A_741 : vector<1x1xf32> to vector<1x64xf32>
    %mul3A_743 = arith.mulf %div3A_733, %div3A_733 : vector<1x1xf32>
    %sub3A_744 = arith.subf %div3A_740, %mul3A_743 : vector<1x1xf32>
    %broadcast_in_dim3A_745 = vector.shape_cast %sub3A_744 : vector<1x1xf32> to vector<1x1xf32>
    %broadcast_in_dim3A_746 = vector.broadcast %broadcast_in_dim3A_745 : vector<1x1xf32> to vector<1x64xf32>
    %slice3A_747 = vector.extract_strided_slice %broadcast_in_dim3A_682 {offsets = [0, 192], sizes = [1, 64], strides = [1, 1]} : vector<1x256xf32> to vector<1x64xf32>
    %reduce_sum3A_748 = arith.constant dense<0.000000e+00> : vector<1xf32>
    %reduce_sum3A_749 = vector.multi_reduction <add>, %slice3A_747, %reduce_sum3A_748 [1] : vector<1x64xf32> to vector<1xf32>
    %broadcast_in_dim3A_750 = vector.shape_cast %reduce_sum3A_749 : vector<1xf32> to vector<1x1xf32>
    %div3A_751 = arith.constant 1.310720e+05 : f32
    %div3A_752 = vector.broadcast %div3A_751 : f32 to vector<1x1xf32>
    %div3A_753 = arith.divf %broadcast_in_dim3A_750, %div3A_752 : vector<1x1xf32>
    %slice3A_754 = vector.extract_strided_slice %broadcast_in_dim3A_686 {offsets = [0, 192], sizes = [1, 64], strides = [1, 1]} : vector<1x256xf32> to vector<1x64xf32>
    %reduce_sum3A_755 = arith.constant dense<0.000000e+00> : vector<1xf32>
    %reduce_sum3A_756 = vector.multi_reduction <add>, %slice3A_754, %reduce_sum3A_755 [1] : vector<1x64xf32> to vector<1xf32>
    %broadcast_in_dim3A_757 = vector.shape_cast %reduce_sum3A_756 : vector<1xf32> to vector<1x1xf32>
    %div3A_758 = arith.constant 1.310720e+05 : f32
    %div3A_759 = vector.broadcast %div3A_758 : f32 to vector<1x1xf32>
    %div3A_760 = arith.divf %broadcast_in_dim3A_757, %div3A_759 : vector<1x1xf32>
    %broadcast_in_dim3A_761 = vector.shape_cast %div3A_753 : vector<1x1xf32> to vector<1x1xf32>
    %broadcast_in_dim3A_762 = vector.broadcast %broadcast_in_dim3A_761 : vector<1x1xf32> to vector<1x64xf32>
    %mul3A_763 = arith.mulf %div3A_753, %div3A_753 : vector<1x1xf32>
    %sub3A_764 = arith.subf %div3A_760, %mul3A_763 : vector<1x1xf32>
    %broadcast_in_dim3A_765 = vector.shape_cast %sub3A_764 : vector<1x1xf32> to vector<1x1xf32>
    %broadcast_in_dim3A_766 = vector.broadcast %broadcast_in_dim3A_765 : vector<1x1xf32> to vector<1x64xf32>
    %concatenate3A_767 = tpu.concatenate %broadcast_in_dim3A_702, %broadcast_in_dim3A_722, %broadcast_in_dim3A_742, %broadcast_in_dim3A_762 in 1 : vector<1x64xf32>, vector<1x64xf32>, vector<1x64xf32>, vector<1x64xf32> -> vector<1x256xf32>
    %concatenate3A_768 = tpu.concatenate %broadcast_in_dim3A_706, %broadcast_in_dim3A_726, %broadcast_in_dim3A_746, %broadcast_in_dim3A_766 in 1 : vector<1x64xf32>, vector<1x64xf32>, vector<1x64xf32>, vector<1x64xf32> -> vector<1x256xf32>
    %sub3A_769 = vector.broadcast %concatenate3A_767 : vector<1x256xf32> to vector<2048x256xf32>
    %sub3A_770 = arith.subf %add3A_673, %sub3A_769 : vector<2048x256xf32>
    %add3A_771 = arith.constant 9.99999974E-6 : f32
    %add3A_772 = vector.broadcast %add3A_771 : f32 to vector<1x256xf32>
    %add3A_773 = arith.addf %concatenate3A_768, %add3A_772 : vector<1x256xf32>
    %sqrt3A_774 = math.sqrt %add3A_773 : vector<1x256xf32>
    %div3A_775 = vector.broadcast %sqrt3A_774 : vector<1x256xf32> to vector<2048x256xf32>
    %div3A_776 = arith.divf %sub3A_770, %div3A_775 : vector<2048x256xf32>
    %mul3A_777 = vector.broadcast %get3A_676 : vector<1x256xf32> to vector<2048x256xf32>
    %mul3A_778 = arith.mulf %div3A_776, %mul3A_777 : vector<2048x256xf32>
    %add3A_779 = vector.broadcast %get3A_679 : vector<1x256xf32> to vector<2048x256xf32>
    %add3A_780 = arith.addf %mul3A_778, %add3A_779 : vector<2048x256xf32>
    %max3A_781 = arith.constant 0.000000e+00 : f32
    %max3A_782 = vector.broadcast %max3A_781 : f32 to vector<2048x256xf32>
    %max3A_783 = arith.maximumf %add3A_780, %max3A_782 : vector<2048x256xf32>
    %get3A_784 = arith.constant 0 : index
    %get3A_785 = arith.constant 0 : index
    %get3A_786 = vector.load %arg26[%get3A_784, %get3A_785] : memref<256x8xf32, #tpu.memory_space<vmem>>, vector<256x8xf32>
    %dot_general3A_787 = arith.constant dense<0.000000e+00> : vector<2048x8xf32>
    %dot_general3A_788 = tpu.matmul %max3A_783, %get3A_786, %dot_general3A_787 {dimension_numbers = #tpu.dot_dimension_numbers<[1], [0], [0], [1], [0, 0, 1, 1], [], []>, transpose_lhs_hint = false} : vector<2048x256xf32>, vector<256x8xf32>, vector<2048x8xf32> -> vector<2048x8xf32>
    %get3A_789 = arith.constant 0 : index
    %get3A_790 = arith.constant 0 : index
    %get3A_791 = vector.load %arg27[%get3A_789, %get3A_790] : memref<1x8xf32, #tpu.memory_space<vmem>>, vector<1x8xf32>
    %add3A_792 = vector.broadcast %get3A_791 : vector<1x8xf32> to vector<2048x8xf32>
    %add3A_793 = arith.addf %dot_general3A_788, %add3A_792 : vector<2048x8xf32>
    %reduce_max3A_794 = arith.constant dense<0xFF800000> : vector<2048xf32>
    %reduce_max3A_795 = vector.multi_reduction <maximumf>, %add3A_793, %reduce_max3A_794 [1] : vector<2048x8xf32> to vector<2048xf32>
    %broadcast_in_dim3A_796 = vector.shape_cast %reduce_max3A_795 : vector<2048xf32> to vector<2048x1xf32>
    %sub3A_797 = vector.broadcast %broadcast_in_dim3A_796 : vector<2048x1xf32> to vector<2048x8xf32>
    %sub3A_798 = arith.subf %add3A_793, %sub3A_797 : vector<2048x8xf32>
    %exp3A = math.exp %sub3A_798 : vector<2048x8xf32>
    %reduce_sum3A_799 = arith.constant dense<0.000000e+00> : vector<2048xf32>
    %reduce_sum3A_800 = vector.multi_reduction <add>, %exp3A, %reduce_sum3A_799 [1] : vector<2048x8xf32> to vector<2048xf32>
    %broadcast_in_dim3A_801 = vector.shape_cast %reduce_sum3A_800 : vector<2048xf32> to vector<2048x1xf32>
    %log3A = math.log %broadcast_in_dim3A_801 : vector<2048x1xf32>
    %sub3A_802 = vector.broadcast %log3A : vector<2048x1xf32> to vector<2048x8xf32>
    %sub3A_803 = arith.subf %sub3A_798, %sub3A_802 : vector<2048x8xf32>
    %swap3A_804 = arith.constant 0 : index
    %swap3A_805 = arith.constant 0 : index
    %swap3A_806 = arith.constant 0 : index
    %swap3A_807 = vector.load %arg29[%swap3A_804, %swap3A_805, %swap3A_806] : memref<1x2048x8xf32, #tpu.memory_space<vmem>>, vector<1x2048x8xf32>
    %swap3A_808 = vector.shape_cast %swap3A_807 : vector<1x2048x8xf32> to vector<2048x8xf32>
    %swap3A_809 = vector.shape_cast %sub3A_803 : vector<2048x8xf32> to vector<1x2048x8xf32>
    tpu.vector_store %arg29[%swap3A_804, %swap3A_805, %swap3A_806], %swap3A_809 {strides = array<i32>} : memref<1x2048x8xf32, #tpu.memory_space<vmem>>, vector<1x2048x8xf32>,
    return
  }
  func.func @transform_0(%arg0: i32) -> (i32, i32, i32) {
    %c0_i32 = arith.constant 0 : i32
    %c0_i32_0 = arith.constant 0 : i32
    %c0_i32_1 = arith.constant 0 : i32
    return %arg0, %c0_i32, %c0_i32_0 : i32, i32, i32
  }
  func.func @transform_1(%arg0: i32) -> (i32, i32, i32) {
    %c0_i32 = arith.constant 0 : i32
    %c0_i32_0 = arith.constant 0 : i32
    %c0_i32_1 = arith.constant 0 : i32
    return %arg0, %c0_i32, %c0_i32_0 : i32, i32, i32
  }
  func.func @transform_2(%arg0: i32) -> (i32, i32, i32) {
    %c0_i32 = arith.constant 0 : i32
    %c0_i32_0 = arith.constant 0 : i32
    %c0_i32_1 = arith.constant 0 : i32
    return %arg0, %c0_i32, %c0_i32_0 : i32, i32, i32
  }
  func.func @transform_3(%arg0: i32) -> (i32, i32) {
    %c0_i32 = arith.constant 0 : i32
    %c0_i32_0 = arith.constant 0 : i32
    %c0_i32_1 = arith.constant 0 : i32
    return %c0_i32, %c0_i32_0 : i32, i32
  }
  func.func @transform_4(%arg0: i32) -> (i32, i32) {
    %c0_i32 = arith.constant 0 : i32
    %c0_i32_0 = arith.constant 0 : i32
    %c0_i32_1 = arith.constant 0 : i32
    return %c0_i32, %c0_i32_0 : i32, i32
  }
  func.func @transform_5(%arg0: i32) -> (i32, i32) {
    %c0_i32 = arith.constant 0 : i32
    %c0_i32_0 = arith.constant 0 : i32
    %c0_i32_1 = arith.constant 0 : i32
    return %c0_i32, %c0_i32_0 : i32, i32
  }
  func.func @transform_6(%arg0: i32) -> (i32, i32) {
    %c0_i32 = arith.constant 0 : i32
    %c0_i32_0 = arith.constant 0 : i32
    %c0_i32_1 = arith.constant 0 : i32
    return %c0_i32, %c0_i32_0 : i32, i32
  }
  func.func @transform_7(%arg0: i32) -> (i32, i32) {
    %c0_i32 = arith.constant 0 : i32
    %c0_i32_0 = arith.constant 0 : i32
    %c0_i32_1 = arith.constant 0 : i32
    return %c0_i32, %c0_i32_0 : i32, i32
  }
  func.func @transform_8(%arg0: i32) -> (i32, i32) {
    %c0_i32 = arith.constant 0 : i32
    %c0_i32_0 = arith.constant 0 : i32
    %c0_i32_1 = arith.constant 0 : i32
    return %c0_i32, %c0_i32_0 : i32, i32
  }
  func.func @transform_9(%arg0: i32) -> (i32, i32) {
    %c0_i32 = arith.constant 0 : i32
    %c0_i32_0 = arith.constant 0 : i32
    %c0_i32_1 = arith.constant 0 : i32
    return %c0_i32, %c0_i32_0 : i32, i32
  }
  func.func @transform_10(%arg0: i32) -> (i32, i32) {
    %c0_i32 = arith.constant 0 : i32
    %c0_i32_0 = arith.constant 0 : i32
    %c0_i32_1 = arith.constant 0 : i32
    return %c0_i32, %c0_i32_0 : i32, i32
  }
  func.func @transform_11(%arg0: i32) -> (i32, i32) {
    %c0_i32 = arith.constant 0 : i32
    %c0_i32_0 = arith.constant 0 : i32
    %c0_i32_1 = arith.constant 0 : i32
    return %c0_i32, %c0_i32_0 : i32, i32
  }
  func.func @transform_12(%arg0: i32) -> (i32, i32) {
    %c0_i32 = arith.constant 0 : i32
    %c0_i32_0 = arith.constant 0 : i32
    %c0_i32_1 = arith.constant 0 : i32
    return %c0_i32, %c0_i32_0 : i32, i32
  }
  func.func @transform_13(%arg0: i32) -> (i32, i32) {
    %c0_i32 = arith.constant 0 : i32
    %c0_i32_0 = arith.constant 0 : i32
    %c0_i32_1 = arith.constant 0 : i32
    return %c0_i32, %c0_i32_0 : i32, i32
  }
  func.func @transform_14(%arg0: i32) -> (i32, i32) {
    %c0_i32 = arith.constant 0 : i32
    %c0_i32_0 = arith.constant 0 : i32
    %c0_i32_1 = arith.constant 0 : i32
    return %c0_i32, %c0_i32_0 : i32, i32
  }
  func.func @transform_15(%arg0: i32) -> (i32, i32) {
    %c0_i32 = arith.constant 0 : i32
    %c0_i32_0 = arith.constant 0 : i32
    %c0_i32_1 = arith.constant 0 : i32
    return %c0_i32, %c0_i32_0 : i32, i32
  }
  func.func @transform_16(%arg0: i32) -> (i32, i32) {
    %c0_i32 = arith.constant 0 : i32
    %c0_i32_0 = arith.constant 0 : i32
    %c0_i32_1 = arith.constant 0 : i32
    return %c0_i32, %c0_i32_0 : i32, i32
  }
  func.func @transform_17(%arg0: i32) -> (i32, i32) {
    %c0_i32 = arith.constant 0 : i32
    %c0_i32_0 = arith.constant 0 : i32
    %c0_i32_1 = arith.constant 0 : i32
    return %c0_i32, %c0_i32_0 : i32, i32
  }
  func.func @transform_18(%arg0: i32) -> (i32, i32) {
    %c0_i32 = arith.constant 0 : i32
    %c0_i32_0 = arith.constant 0 : i32
    %c0_i32_1 = arith.constant 0 : i32
    return %c0_i32, %c0_i32_0 : i32, i32
  }
  func.func @transform_19(%arg0: i32) -> (i32, i32) {
    %c0_i32 = arith.constant 0 : i32
    %c0_i32_0 = arith.constant 0 : i32
    %c0_i32_1 = arith.constant 0 : i32
    return %c0_i32, %c0_i32_0 : i32, i32
  }
  func.func @transform_20(%arg0: i32) -> (i32, i32) {
    %c0_i32 = arith.constant 0 : i32
    %c0_i32_0 = arith.constant 0 : i32
    %c0_i32_1 = arith.constant 0 : i32
    return %c0_i32, %c0_i32_0 : i32, i32
  }
  func.func @transform_21(%arg0: i32) -> (i32, i32) {
    %c0_i32 = arith.constant 0 : i32
    %c0_i32_0 = arith.constant 0 : i32
    %c0_i32_1 = arith.constant 0 : i32
    return %c0_i32, %c0_i32_0 : i32, i32
  }
  func.func @transform_22(%arg0: i32) -> (i32, i32) {
    %c0_i32 = arith.constant 0 : i32
    %c0_i32_0 = arith.constant 0 : i32
    %c0_i32_1 = arith.constant 0 : i32
    return %c0_i32, %c0_i32_0 : i32, i32
  }
  func.func @transform_23(%arg0: i32) -> (i32, i32) {
    %c0_i32 = arith.constant 0 : i32
    %c0_i32_0 = arith.constant 0 : i32
    %c0_i32_1 = arith.constant 0 : i32
    return %c0_i32, %c0_i32_0 : i32, i32
  }
  func.func @transform_24(%arg0: i32) -> (i32, i32) {
    %c0_i32 = arith.constant 0 : i32
    %c0_i32_0 = arith.constant 0 : i32
    %c0_i32_1 = arith.constant 0 : i32
    return %c0_i32, %c0_i32_0 : i32, i32
  }
  func.func @transform_25(%arg0: i32) -> (i32, i32) {
    %c0_i32 = arith.constant 0 : i32
    %c0_i32_0 = arith.constant 0 : i32
    %c0_i32_1 = arith.constant 0 : i32
    return %c0_i32, %c0_i32_0 : i32, i32
  }
  func.func @transform_26(%arg0: i32) -> (i32, i32) {
    %c0_i32 = arith.constant 0 : i32
    %c0_i32_0 = arith.constant 0 : i32
    %c0_i32_1 = arith.constant 0 : i32
    return %c0_i32, %c0_i32_0 : i32, i32
  }
  func.func @transform_27(%arg0: i32) -> (i32, i32, i32) {
    %c0_i32 = arith.constant 0 : i32
    %c0_i32_0 = arith.constant 0 : i32
    %c0_i32_1 = arith.constant 0 : i32
    return %arg0, %c0_i32, %c0_i32_0 : i32, i32, i32
  }
  func.func @transform_28(%arg0: i32) -> (i32, i32, i32) {
    %c0_i32 = arith.constant 0 : i32
    %c0_i32_0 = arith.constant 0 : i32
    %c0_i32_1 = arith.constant 0 : i32
    return %arg0, %c0_i32, %c0_i32_0 : i32, i32, i32
  }
}

</mosaic_0001>

<sc_bundles>
// kernel: kernel.27.cloned.1.call-start
scs
__scs_entry_jumppad:
0x0: {  	(pc) =	sbr.rel $0x88, $3  }
0x1: {  	(tag) =	ssettag $0x0;
	lr =	simm.s32 $0x1  }
0x2: {  	[smem:$0x3F7F] =	sst lr;
	_ =	strace $0xD0000000  }
0x3: {  	_ = 	snop  }
0x4: {  	_ = 	snop  }
0x5: {  	_ = 	snop  }
0x6: {  	_ = 	snop  }
0x7: {  	_ = 	snop  }
__scs_overlays_trampoline_lowered:
0x8: {  	[smem:$0x3F8E] =	sst s0  }
0x9: {  	[smem:$0x3F8F] =	sst s1  }
0xa: {  	[smem:$0x3F90] =	sst s2  }
0xb: {  	[smem:$0x3F91] =	sst s3  }
0xc: {  	[smem:$0x3F92] =	sst s4  }
0xd: {  	[smem:$0x3F93] =	sst s5  }
0xe: {  	[smem:$0x3F94] =	sst s6  }
0xf: {  	[smem:$0x3F95] =	sst s7  }
0x10: {  	[smem:$0x3F96] =	sst s8  }
0x11: {  	[smem:$0x3F97] =	sst s9;
	s0 =	simm.s32 @!p0 $0x0  }
0x12: {  	s1 =	sld [smem:$0x3F7D];
	s0 =	simm.s32 @p0 $0x1  }
0x13: {  	[smem:$0x3F98] =	sst s0;
	s0 =	simm.s32 @!p1 $0x0  }
0x14: {  	s2 =	sld [smem:$0x3F7C];
	s0 =	simm.s32 @p1 $0x1  }
0x15: {  	[smem:$0x3F99] =	sst s0;
	s0 =	simm.s32 @!p2 $0x0  }
0x16: {  	s3 =	sld [smem:$0x3FDB];
	s0 =	simm.s32 @p2 $0x1  }
0x17: {  	s4 =	simm.s32 $0x1BF5;
	[smem:$0x3F9B] =	sst s0  }
0x18: {  	s0 =	sld [smem:$0x3F7E];
	_ =	swait.ge [sflag:s4], $0x0  }
0x19: {  	s7 =	sld [smem:$0x3F7F]  }
0x1a: {  	s8 =	sadd.s32 $0xFFFFE003, lr  }
0x1b: {  	s9 =	sadd.s32 $0xFFFFFEF7, lr;
	s5 =	simm.s32 $0xFFFFFFFF;
	p2 =	slt.u32 s8, $0xFFFFF086  }
0x1c: {  	p1 =	slt.u32 s9, $0xF7A;
	s5 =	simm.s32 @!p2 $0x0  }
0x1d: {  	s5 =	simm.s32 @p1 $0x1;
	p0 =	seq.s32 s7, s2  }
0x1e: {  	s7 =	smul.u32 @!p0 $0xF7A, s2;
	p2 =	seq.s32 @!p0 s5, $0x0  }
0x1f: {  	s9 =	smul.u32 $0xF7A, s1;
	s8 =	simm.s32 @!p0 $0x1BF5;
	p2 =	por !p2, p0  }
0x20: {  	[sflag:s8] =	ssyncset.s32 @!p0 $0xFFFFF086;
	s6 =	sadd.s32 @!p0 s3, s7;
	s7 =	simm.s32 @!p0 $0x108  }
0x21: {  	s3 =	sadd.s32 s3, s9;
	s6 =	sadd.s32 @!p0 $0x88, s6;
	s7 =	simm.s32 @p2 $0x1082  }
0x22: {  	[simem:s7], [sflag:s8] =	dma.local @!p0 [hbm:s6], $0xF7A  }
0x23: {  	s9 =	sor.u32 $0xD0000000, s2;
	s6 =	simm.s32 $0x108;
	_ =	swait.ge @!p0 [sflag:s8], $0x0  }
0x24: {  	s3 =	sadd.s32 $0x88, s3;
	s6 =	simm.s32 @!p1 $0x1082;
	[sflag:s4] =	ssyncset.s32 $0xFFFFF086  }
0x25: {  	[simem:s6], [sflag:s4] =	dma.local [hbm:s3], $0xF7A  }
0x26: {  	[smem:$0x3F7F] =	sst s1;
	(tag) =	ssettag s2;
	_ =	strace s9  }
0x27: {  	s1 =	sld [smem:$0x3F8F]  }
0x28: {  	s2 =	sld [smem:$0x3F90]  }
0x29: {  	s4 =	sld [smem:$0x3F92]  }
0x2a: {  	p0 =	seq.s32 s5, $0x0;
	s5 =	sld [smem:$0x3F93]  }
0x2b: {  	s6 =	sld [smem:$0x3F94]  }
0x2c: {  	s7 =	sld [smem:$0x3F95]  }
0x2d: {  	s3 =	simm.s32 $0x108;
	s8 =	sld [smem:$0x3F96]  }
0x2e: {  	s3 =	simm.s32 @!p0 $0x1082;
	s9 =	sld [smem:$0x3F97]  }
0x2f: {  	lr =	sadd.s32 s0, s3;
	s0 =	sld [smem:$0x3F8E]  }
0x30: {  	s3 =	sld [smem:$0x3F91]  }
0x31: {  	[smem:$0x3F9A] =	sst s10  }
0x32: {  	s10 =	sld [smem:$0x3F98];
	_ =	sdelay $0x3  }
0x33: {  	p0 =	seq.s32 s10, $0x1;
	s10 =	sld [smem:$0x3F9A];
	_ =	sdelay $0x3  }
0x34: {  	[smem:$0x3F9A] =	sst s10  }
0x35: {  	s10 =	sld [smem:$0x3F99];
	_ =	sdelay $0x3  }
0x36: {  	p1 =	seq.s32 s10, $0x1;
	s10 =	sld [smem:$0x3F9A];
	_ =	sdelay $0x3  }
0x37: {  	[smem:$0x3F9A] =	sst s10  }
0x38: {  	s10 =	sld [smem:$0x3F9B]  }
0x39: {  	_ = 	snop;
	(pc) =	sbr.ind lr, $3  }
0x3a: {  	_ = 	snop  }
0x3b: {  	_ = 	snop  }
0x3c: {  	p2 =	seq.s32 s10, $0x1;
	s10 =	sld [smem:$0x3F9A]  }
0x3d: {  	_ =	shalt  }
0x3e: {  	_ =	shalt  }
0x3f: {  	_ =	shalt  }
0x40: {  	_ =	shalt  }
0x41: {  	_ =	shalt  }
0x42: {  	_ =	shalt  }
0x43: {  	_ =	shalt  }
0x44: {  	_ =	shalt  }
0x45: {  	_ =	shalt  }
0x46: {  	_ =	shalt  }
0x47: {  	_ =	shalt  }
0x48: {  	_ =	shalt  }
0x49: {  	_ =	shalt  }
0x4a: {  	_ =	shalt  }
0x4b: {  	_ =	shalt  }
0x4c: {  	_ =	shalt  }
0x4d: {  	_ =	shalt  }
0x4e: {  	_ =	shalt  }
0x4f: {  	_ =	shalt  }
0x50: {  	_ =	shalt  }
0x51: {  	_ =	shalt  }
0x52: {  	_ =	shalt  }
0x53: {  	_ =	shalt  }
0x54: {  	_ =	shalt  }
0x55: {  	_ =	shalt  }
0x56: {  	_ =	shalt  }
0x57: {  	_ =	shalt  }
0x58: {  	_ =	shalt  }
0x59: {  	_ =	shalt  }
0x5a: {  	_ =	shalt  }
0x5b: {  	_ =	shalt  }
0x5c: {  	_ =	shalt  }
0x5d: {  	_ =	shalt  }
0x5e: {  	_ =	shalt  }
0x5f: {  	_ =	shalt  }
0x60: {  	_ =	shalt  }
0x61: {  	_ =	shalt  }
0x62: {  	_ =	shalt  }
0x63: {  	_ =	shalt  }
0x64: {  	_ =	shalt  }
0x65: {  	_ =	shalt  }
0x66: {  	_ =	shalt  }
0x67: {  	_ =	shalt  }
0x68: {  	_ =	shalt  }
0x69: {  	_ =	shalt  }
0x6a: {  	_ =	shalt  }
0x6b: {  	_ =	shalt  }
0x6c: {  	_ =	shalt  }
0x6d: {  	_ =	shalt  }
0x6e: {  	_ =	shalt  }
0x6f: {  	_ =	shalt  }
0x70: {  	_ =	shalt  }
0x71: {  	_ =	shalt  }
0x72: {  	_ =	shalt  }
0x73: {  	_ =	shalt  }
0x74: {  	_ =	shalt  }
0x75: {  	_ =	shalt  }
0x76: {  	_ =	shalt  }
0x77: {  	_ =	shalt  }
0x78: {  	_ =	shalt  }
0x79: {  	_ =	shalt  }
0x7a: {  	_ =	shalt  }
0x7b: {  	_ =	shalt  }
0x7c: {  	_ =	shalt  }
0x7d: {  	_ =	shalt  }
0x7e: {  	_ =	shalt  }
0x7f: {  	_ =	shalt  }
0x80: {  	_ =	shalt  }
0x81: {  	_ =	shalt  }
0x82: {  	_ =	shalt  }
0x83: {  	_ =	shalt  }
0x84: {  	_ =	shalt  }
0x85: {  	_ =	shalt  }
0x86: {  	_ =	shalt  }
0x87: {  	_ =	shalt  }
.Lfunc_end0:
.L_simem_size_0:
called_computation_lowered:
.L_overlay_start_0:
0x88: {  	s2 =	sld [smem:$0x3FD9]  }
0x89: {  	s3 =	sld [smem:$0x3FFE];
	_ =	sdelay $0x1  }
0x8a: {  	s1 =	srdreg.scid  }
0x8b: {  	s0 =	sand.u32 $0x1, s1  }
0x8c: {  	s16 =	sshll.u32 s0, $0xA;
	s2 =	sadd.s32 s3, s2  }
0x8d: {  	s2 =	sadd.s32 s2, s16  }
0x8e: {  	[smem:$0x3FA6] =	sst s2  }
0x8f: {  	_ = 	snop  }
0x90: {  	(tm) =	ssettm $0x1  }
0x91: {  	s17 =	sld [smem:$0x3FFB];
	_ =	sdelay $0x3  }
0x92: {  	_ =	strace s17  }
0x93: {  	s2 =	sld [smem:$0x3FFC];
	_ =	sdelay $0x3  }
0x94: {  	_ =	strace s2  }
0x95: {  	s2 =	sld [smem:$0x3FFD];
	_ =	sdelay $0x3  }
0x96: {  	_ =	strace s2  }
0x97: {  	_ =	strace $0x8FFFFFFF  }
0x98: {  	s18 =	sld [smem:$0x3FDB];
	_ =	sdelay $0x1  }
0x99: {  	s19 =	simm.s32 $_scs_section_size  }
0x9a: {  	s4 =	simm.s32 $_size__tile_overlayer_lowered;
	s5 =	simm.s32 $_tile_overlayer_lowered  }
0x9b: {  	s22 =	simm.s32 $0x1BFF;
	s21 =	sshll.u32 s5, $0x1;
	s2 =	sadd.s32 s19, s18  }
0x9c: {  	s6 =	simm.s32 $0x0;
	s20 =	sshll.u32 s4, $0x1;
	s4 =	sadd.s32 s21, s2  }
0x9d: {  	[timem:s6], [sflag:s22] =	dma.local [hbm:s4], s20  }
0x9e: {  	_ =	swait.ge [sflag:s22], s20  }
0x9f: {  	s3 =	ssub.s32 $0x0, s20;
	[sflag:s22] =	ssyncset.done $0x0  }
0xa0: {  	[sflag:s22] =	ssyncadd.s32 s3;
	_ =	sdelay $0x1  }
0xa1: {  	s23 =	simm.s32 $0x1B8B  }
0xa2: {  	_ =	swait.ge [sflag:s23], $0x1  }
0xa3: {  	[sflag:s23] =	ssyncset.done $0x0  }
0xa4: {  	s25 =	simm.s32 $0x1B8E;
	s24 =	sld [smem:$0x3FFE];
	[sflag:s23] =	ssyncadd.s32 $0xFFFFFFFF  }
0xa5: {  	s26 =	simm.s32 $execute0_lowered;
	[smem:$0x3FD2] =	sst s25  }
0xa6: {  	s4 =	sshll.u32 s26, $0x1;
	_ =	strace $0x80000046;
	[dreg:$0x1] =	wrdreg $0xFFFFFFFF  }
0xa7: {  	s28 =	simm.s32 $_size_execute0_lowered;
	s2 =	sadd.s32 s2, s4;
	[dreg:$0x0] =	wrdreg $0x0  }
0xa8: {  	s4 =	sshll.u32 s28, $0x1;
	[dreg:$0x2] =	wrdreg s2  }
0xa9: {  	[dreg:$0x3] =	wrdreg s4  }
0xaa: {  	[dreg:$0x4] =	wrdreg $0xC0  }
0xab: {  	_ =	task [dreg:s6], $0x5FFFF  }
0xac: {  	[dreg:$0x1] =	wrdreg $0xFFFFFFFF  }
0xad: {  	[dreg:$0x0] =	wrdreg $0x60  }
0xae: {  	[dreg:$0x2] =	wrdreg s24  }
0xaf: {  	[dreg:$0x3] =	wrdreg $0x9  }
0xb0: {  	_ =	task.clear_ibuf [dreg:s6], $0x4FFFF;
	_ =	strace $0x90000046  }
0xb1: {  	s29 =	simm.s32 $0x9;
	_ =	strace $0x8000004F  }
0xb2: {  	_ =	swait.ge [sflag:s29], $0x1  }
0xb3: {  	[sflag:s29] =	ssyncadd.s32 $0xFFFFFFFF  }
0xb4: {  	_ =	strace $0x9000004F  }
0xb5: {  	_ =	sfence  }
0xb6: {  	s30 =	sld [smem:$0x0];
	_ =	sdelay $0x2  }
0xb7: {  	s31 =	sshll.u32 s1, $0xD;
	s1 =	sshrl.u32 s1, $0x2  }
0xb8: {  	s3 =	sand.u32 $0x4000, s31;
	s1 =	sadd.s32 s1, s30  }
0xb9: {  	s0 =	sor.u32 s3, s0;
	s1 =	sshll.u32 s1, $0x11  }
0xba: {  	s0 =	sor.u32 s1, s0  }
0xbb: {  	s0 =	sadd.s32 $0x8F2B, s0  }
0xbc: {  	[sflag:s0] =	ssyncadd.remote.s32 $0x1  }
0xbd: {  	_ =	sfence.sel $0xFFFF  }
0xbe: {  	[dreg:$0x0] =	wrdreg $0xFFFFFFFF;
	(pc) =	sbr.abs _section_cstart, $3  }
0xbf: {  	[dreg:$0x1] =	wrdreg $0xFFFFFFFF  }
0xc0: {  	_ =	task.clear_ibuf [dreg:s6], $0x2FFFF;
	_ =	strace $0x9FFFFFFF  }
0xc1: {  	(tm) =	ssettm $0x7FFFFFFF  }
tec
execute0_lowered:
.L_overlay_start_1:
0x0: {  	(tag) =	ssettag $0x1  }
0x1: {  	s3 =	rddreg [dreg:$0x0]  }
0x2: {  	s0 =	rddreg [dreg:$0x1];
	s1 =	simm.s32 $0x0;
	s2 =	srdreg.scid  }
0x3: {  	s31 =	simm.s32 $0x80;
	s9 =	simm.s32 $0x4;
	s10 =	simm.s32 $0x0  }
0x4: {  	[smem:$0x7FF] =	sst s1;
	s4 =	sand.u32 $0x1, s2;
	s5 =	sadd.s32 $0xDA00, s3  }
0x5: {  	s2 =	stileid.u32;
	s29 =	sadd.s32 $0xEA00, s3;
	s3 =	sadd.s32 $0x8A00, s3  }
0x6: {  	_ =	strace $0x80000047;
	s6 =	sshll.u32 s4, $0x4;
	[dreg:$0x2] =	wrdreg s5  }
0x7: {  	s4 =	ssub.s32 $0x2, s4;
	[dreg:$0x4] =	wrdreg s29;
	s28 =	sor.u32 s2, s6  }
0x8: {  	[dreg:$0x3] =	wrdreg s31;
	s7 =	sshrl.u32 s4, $0x1;
	s8 =	smul.u32 $0x280, s28  }
0x9: {  	s30 =	ssub.s32 s4, s7;
	s4 =	smul.u32 $0x28, s28;
	s7 =	simm.s32 $0x1  }
0xa: {  	s6 =	smax.u32 s30, $0x1;
	s5 =	sadd.s32 s3, s8;
	s8 =	simm.s32 $0x5  }
.LBB2_1:
0xb: {  	_ =	strace $0x80000048;
	s11 =	simm.s32 $0x1;
	p0 =	por $0x0, $0x0  }
0xc: {  	[tilespmem:s1], [sflag:$0x1] =	stream.linear.gather [hbm4b:s5+s1], $0x80, $0x200038;
	[tilespmem:$0x1100] =	vst v63  }
0xd: {  	s11 =	simm.s32 @p0 $0x0  }
0xe: {  	p4 =	por $0x1, $0x1;
	s20 =	sand.u32 $0x1, s1;
	p1 =	sne.s32 s11, $0x0  }
0xf: {  	p2 =	por $0x1, $0x1;
	s18 =	simm.s32 $0x26;
	p0 =	por !p4, !p1  }
0x10: {  	s16 =	simm.s32 $0x0;
	p5 =	por $0x0, $0x0;
	p0 =	por !p0, !p0  }
0x11: {  	s23 =	sadd.s32 $0x0, s4;
	s30 =	sadd.s32 $0x1, s20;
	s12 =	sadd.s32 @p0 s4, s11  }
0x12: {  	_ =	strace $0x90000048;
	s13 =	sand.u32 @p0 $0x1, s7;
	s12 =	sshll.u32 @p0 s12, $0x4  }
0x13: {  	_ =	strace @p0 $0x80000049;
	s15 =	simm.s32 @p0 $0x0;
	s12 =	sand.u32 @p0 $0x1FFFFFF0, s12  }
0x14: {  	s14 =	sshll.u32 @p0 s13, $0x7;
	s13 =	sadd.s32 @p0 $0x1, s13;
	s12 =	sadd.s32 @p0 s3, s12  }
0x15: {  	[tilespmem:s14], [sflag:s13] =	stream.linear.gather @p0 [hbm4b:s12+s15], $0x80, $0x200038;
	[tilespmem:$0x1100] =	vst v63  }
0x16: {  	p3 =	por p2, p2;
	s21 =	sshll.u32 s20, $0xB;
	_ =	strace @p0 $0x90000049  }
0x17: {  	s16 =	sand.u32 $0x80, s16;
	p2 =	por p5, p5;
	_ =	strace $0x8000004A  }
0x18: {  	s17 =	sadd.s32 $0x1, s11;
	s22 =	sor.u32 $0x100, s21;
	_ =	swait.ge [sflag:s30], $0x80  }
0x19: {  	s21 =	simm.s32 $0x1;
	p6 =	por p1, p1;
	[sflag:s30] =	ssyncset.done $0x0  }
0x1a: {  	p1 =	por p3, p3;
	p4 =	por $0x1, $0x1;
	[sflag:s30] =	ssyncadd.s32 $0xFFFFFF80  }
0x1b: {  	s12 =	simm.s32 $0x27;
	s15 =	sand.u32 @!p3 $0x1, s1;
	_ =	strace $0x9000004A  }
0x1c: {  	s13 =	simm.s32 $0x1;
	p3 =	seq.s32 s17, $0x28;
	_ =	strace $0x8000004B  }
0x1d: {  	s13 =	simm.s32 @!p0 $0x0;
	s17 =	simm.s32 @p3 $0x0;
	s19 =	rddreg [dreg:$0x3]  }
0x1e: {  	p0 =	por $0x0, $0x0;
	s14 =	sadd.s32 $0x1, s13;
	s31 =	rddreg [dreg:$0x2]  }
0x1f: {  	[tilespmem:s22], [sflag:$0x5] =	stream.indirect.gather [hbm4b:s31+s19], $0x10, s16, s19, $0x2000b8;
	[tilespmem:$0x1100] =	vst v63  }
0x20: {  	p3 =	sne.s32 s11, s17;
	s21 =	simm.s32 @!p0 $0x0;
	_ =	swait.ge [sflag:s8], $0x800  }
0x21: {  	p5 =	por !p4, !p3;
	p4 =	por $0x0, $0x0;
	[sflag:s8] =	ssyncset.done $0x0  }
0x22: {  	s13 =	simm.s32 $0x0;
	p6 =	por p4, p6;
	[sflag:s8] =	ssyncadd.s32 $0xFFFFF800  }
0x23: {  	s16 =	simm.s32 $0x0;
	s19 =	simm.s32 $0x0;
	_ =	strace $0x9000004B  }
.LBB2_2:
0x24: {  	_ =	strace @p6 $0x8000004C;
	s13 =	sadd.s32 s21, s13;
	s21 =	smov.u32 s12  }
0x25: {  	s12 =	smov.u32 s18;
	s18 =	sadd.s32 $0xFFFFFFFF, s18;
	p0 =	por p3, p3  }
0x26: {  	s28 =	sshll.u32 @p6 s23, $0x8;
	s20 =	sadd.s32 @p6 $0x3, s20;
	s24 =	simm.s32 @!p0 $0x0  }
0x27: {  	s25 =	rddreg [dreg:$0x4];
	s28 =	sand.u32 @p6 $0x1FFFFF00, s28;
	s24 =	simm.s32 @p0 $0x1  }
0x28: {  	s25 =	sadd.s32 @p6 s25, s28;
	s28 =	simm.s32 @p6 $0x0;
	p0 =	sne.s32 s18, $0x0  }
0x29: {  	[hbm4b:s25+s28] =	stream.linear.scatter @p6 [tilespmem:s22], [sflag:s20], $0x800, $0x200038;
	[tilespmem:$0x1100] =	vst v63  }
0x2a: {  	s20 =	sadd.s32 @!p1 $0x3, s15;
	s15 =	simm.s32 @!p0 $0x0  }
0x2b: {  	s26 =	simm.s32 $0x1;
	[smem:$0x7FC] =	sst s24;
	s15 =	simm.s32 @p0 $0x1  }
0x2c: {  	s26 =	simm.s32 @!p6 $0x0;
	_ =	strace @p6 $0x9000004C;
	[smem:$0x7FD] =	sst s15  }
0x2d: {  	p5 =	por !p5, !p5;
	s19 =	sadd.s32 s26, s19;
	_ =	strace @!p1 $0x8000004D  }
0x2e: {  	s24 =	sand.u32 @!p2 $0x1, s13;
	s22 =	sand.u32 @p5 $0x1, s14;
	_ =	swait.ge @!p1 [sflag:s20], $0x800  }
0x2f: {  	s15 =	smov.u32 s24;
	s24 =	sadd.s32 @p5 s4, s17;
	[sflag:s20] =	ssyncset.done @!p1 $0x0  }
0x30: {  	s25 =	sshll.u32 @p5 s22, $0x7;
	s24 =	sshll.u32 @p5 s24, $0x4;
	[sflag:s20] =	ssyncadd.s32 @!p1 $0xFFFFF800  }
0x31: {  	s20 =	sadd.s32 @p5 $0x1, s22;
	s22 =	sand.u32 @p5 $0x1FFFFFF0, s24;
	_ =	strace @!p1 $0x9000004D  }
0x32: {  	s24 =	simm.s32 @p5 $0x0;
	s22 =	sadd.s32 @p5 s3, s22;
	_ =	strace @p5 $0x80000049  }
0x33: {  	[tilespmem:s25], [sflag:s20] =	stream.linear.gather @p5 [hbm4b:s22+s24], $0x80, $0x200038;
	[tilespmem:$0x1100] =	vst v63  }
0x34: {  	s16 =	sadd.s32 s26, s16;
	s26 =	sand.u32 $0x1, s19;
	_ =	strace @p5 $0x90000049  }
0x35: {  	s24 =	sadd.s32 $0x1, s26;
	_ =	strace $0x8000004A  }
0x36: {  	_ =	swait.ge [sflag:s24], $0x80  }
0x37: {  	[sflag:s24] =	ssyncset.done $0x0  }
0x38: {  	s20 =	simm.s32 $0x1;
	[sflag:s24] =	ssyncadd.s32 $0xFFFFFF80  }
0x39: {  	s20 =	simm.s32 @!p5 $0x0;
	_ =	strace $0x9000004A  }
0x3a: {  	s14 =	sadd.s32 s20, s14;
	s20 =	sand.u32 $0x1, s16;
	_ =	strace $0x8000004B  }
0x3b: {  	s29 =	sshll.u32 s19, $0x7;
	s25 =	sshll.u32 s20, $0xB;
	s26 =	rddreg [dreg:$0x3]  }
0x3c: {  	s29 =	sand.u32 $0x80, s29;
	s22 =	sor.u32 $0x100, s25;
	s30 =	rddreg [dreg:$0x2]  }
0x3d: {  	[tilespmem:s22], [sflag:$0x5] =	stream.indirect.gather [hbm4b:s30+s26], $0x10, s29, s26, $0x2000b8;
	[tilespmem:$0x1100] =	vst v63  }
0x3e: {  	_ =	swait.ge [sflag:s8], $0x800  }
0x3f: {  	s31 =	sadd.s32 $0x1, s17;
	[sflag:s8] =	ssyncset.done $0x0  }
0x40: {  	s23 =	sadd.s32 s4, s11;
	s11 =	smov.u32 s17;
	[sflag:s8] =	ssyncadd.s32 $0xFFFFF800  }
0x41: {  	p3 =	seq.s32 s31, $0x28;
	s17 =	smov.u32 s31;
	_ =	strace $0x9000004B  }
0x42: {  	s17 =	simm.s32 @p3 $0x0;
	s31 =	sld [smem:$0x7FD]  }
0x43: {  	p6 =	sne.s32 s12, $0x1;
	p0 =	sne.s32 s21, $0x28;
	p3 =	sne.s32 s11, s17  }
0x44: {  	p5 =	por !p6, !p3;
	p6 =	seq.s32 s21, $0x1;
	s21 =	simm.s32 $0x1  }
0x45: {  	s21 =	simm.s32 @!p0 $0x0;
	p0 =	seq.s32 s31, $0x1  }
.Ltmp0:
0x46: {  	s30 =	sld [smem:$0x7FC];
	(pc) =	sbr.rel @p0 .LBB2_2-.Ltmp0, $4  }
0x47: {  	_ = 	snop  }
0x48: {  	p4 =	seq.s32 s12, $0x28  }
0x49: {  	p1 =	por p2, p2;
	p2 =	por p4, p4;
	p4 =	seq.s32 s30, $0x1  }
0x4a: {  	p6 =	por p6, p4  }
0x4b: {  	_ =	strace @p6 $0x8000004C;
	s23 =	sshll.u32 @p6 s23, $0x8  }
0x4c: {  	s18 =	rddreg [dreg:$0x4];
	s23 =	sand.u32 @p6 $0x1FFFFF00, s23  }
0x4d: {  	s20 =	sadd.s32 @p6 $0x3, s20;
	s18 =	sadd.s32 @p6 s18, s23;
	s23 =	simm.s32 @p6 $0x0  }
0x4e: {  	[hbm4b:s18+s23] =	stream.linear.scatter @p6 [tilespmem:s22], [sflag:s20], $0x800, $0x200038;
	[tilespmem:$0x1100] =	vst v63  }
0x4f: {  	p0 =	por !p5, !p5;
	_ =	strace @p6 $0x9000004C  }
0x50: {  	s15 =	sadd.s32 @!p1 $0x3, s15;
	s17 =	sadd.s32 @p0 s4, s17;
	_ =	strace @!p1 $0x8000004D  }
0x51: {  	s14 =	sand.u32 @p0 $0x1, s14;
	s17 =	sshll.u32 @p0 s17, $0x4;
	_ =	swait.ge @!p1 [sflag:s15], $0x800  }
0x52: {  	s18 =	simm.s32 $0x1;
	s20 =	sshll.u32 @p0 s14, $0x7;
	[sflag:s15] =	ssyncset.done @!p1 $0x0  }
0x53: {  	s14 =	sadd.s32 @p0 $0x1, s14;
	s18 =	simm.s32 @!p6 $0x0;
	[sflag:s15] =	ssyncadd.s32 @!p1 $0xFFFFF800  }
0x54: {  	s19 =	sadd.s32 s18, s19;
	s15 =	sand.u32 @p0 $0x1FFFFFF0, s17;
	_ =	strace @!p1 $0x9000004D  }
0x55: {  	s17 =	simm.s32 @p0 $0x0;
	s15 =	sadd.s32 @p0 s3, s15;
	_ =	strace @p0 $0x80000049  }
0x56: {  	[tilespmem:s20], [sflag:s14] =	stream.linear.gather @p0 [hbm4b:s15+s17], $0x80, $0x200038;
	[tilespmem:$0x1100] =	vst v63  }
0x57: {  	s25 =	sand.u32 $0x1, s19;
	_ =	strace @p0 $0x90000049  }
0x58: {  	s14 =	sadd.s32 $0x1, s25;
	_ =	strace $0x8000004A  }
0x59: {  	_ =	swait.ge [sflag:s14], $0x80  }
0x5a: {  	[sflag:s14] =	ssyncset.done $0x0  }
0x5b: {  	[sflag:s14] =	ssyncadd.s32 $0xFFFFFF80  }
0x5c: {  	s26 =	sadd.s32 s18, s16;
	_ =	strace $0x9000004A  }
0x5d: {  	s14 =	sand.u32 $0x1, s26;
	_ =	strace $0x8000004B  }
0x5e: {  	s30 =	sshll.u32 s19, $0x7;
	s31 =	sshll.u32 s14, $0xB;
	s28 =	rddreg [dreg:$0x3]  }
0x5f: {  	s17 =	sand.u32 $0x80, s30;
	s18 =	sor.u32 $0x100, s31;
	s29 =	rddreg [dreg:$0x2]  }
0x60: {  	[tilespmem:s18], [sflag:$0x5] =	stream.indirect.gather [hbm4b:s29+s28], $0x10, s17, s28, $0x2000b8;
	[tilespmem:$0x1100] =	vst v63  }
0x61: {  	_ =	swait.ge [sflag:s8], $0x800  }
0x62: {  	[sflag:s8] =	ssyncset.done $0x0  }
0x63: {  	p5 =	por p3, p3;
	p6 =	seq.s32 s12, $0x1;
	[sflag:s8] =	ssyncadd.s32 $0xFFFFF800  }
0x64: {  	s11 =	sadd.s32 s4, s11;
	p0 =	por p6, p5;
	_ =	strace $0x9000004B  }
0x65: {  	s11 =	sshll.u32 @p0 s11, $0x8;
	_ =	strace @p0 $0x8000004C  }
0x66: {  	s13 =	sadd.s32 s21, s13;
	s11 =	sand.u32 @p0 $0x1FFFFF00, s11;
	s12 =	rddreg [dreg:$0x4]  }
0x67: {  	s14 =	sadd.s32 @p0 $0x3, s14;
	s11 =	sadd.s32 @p0 s12, s11;
	s12 =	simm.s32 @p0 $0x0  }
0x68: {  	[hbm4b:s11+s12] =	stream.linear.scatter @p0 [tilespmem:s18], [sflag:s14], $0x800, $0x200038;
	[tilespmem:$0x1100] =	vst v63  }
0x69: {  	p1 =	por p2, p2;
	s11 =	sand.u32 @!p2 $0x1, s13;
	_ =	strace @p0 $0x9000004C  }
0x6a: {  	s11 =	sadd.s32 @!p1 $0x3, s11;
	_ =	strace @!p1 $0x8000004D  }
0x6b: {  	_ =	swait.ge @!p1 [sflag:s11], $0x800  }
0x6c: {  	[sflag:s11] =	ssyncset.done @!p1 $0x0  }
0x6d: {  	s10 =	sadd.s32 $0x1, s10;
	[sflag:s11] =	ssyncadd.s32 @!p1 $0xFFFFF800  }
0x6e: {  	p0 =	sne.s32 s10, s6;
	_ =	strace @!p1 $0x9000004D  }
.Ltmp1:
0x6f: {  	_ =	strace $0x8000004E;
	(pc) =	sbr.rel @p0 .LBB2_1-.Ltmp1, $4  }
0x70: {  	_ =	swait.ge [sflag:s9], $0x800  }
0x71: {  	[sflag:s9] =	ssyncset.done $0x0  }
0x72: {  	[sflag:s9] =	ssyncadd.s32 $0xFFFFF800  }
0x73: {  	_ =	strace $0x9000004E  }
0x74: {  	_ =	sfence.sel $0x180000  }
0x75: {  	[bflag:$0x0] =	sbarrier.arrive $0xFFFF  }
0x76: {  	p0 =	sne.s32 s2, $0x0;
	_ =	strace $0x90000047  }
0x77: {  	s0 =	sadd.s32 @!p0 $0x100000, s0;
	[bflag:$0x2] =	sbarrier.arrive $0xFFFF  }
0x78: {  	[sflag:s0] =	ssyncadd.tile.s32 @!p0 $0x1;
	_ =	shalt  }
.Lfunc_end2:
_tile_overlayer_lowered:
.L_overlay_start_2:
0x79: {  	(tag) =	ssettag $0x2  }
0x7a: {  	s0 =	rddreg [dreg:$0x0];
	s2 =	stileid.u32  }
0x7b: {  	s1 =	rddreg [dreg:$0x1];
	p0 =	sne.s32 s2, $0x0  }
0x7c: {  	s3 =	rddreg [dreg:$0x2];
	[bflag:$0x3] =	sbarrier.arrive $0xFFFF;
	s2 =	simm.s32 @!p0 $0x1C01  }
0x7d: {  	[timem:s3], [sflag:s2] =	dma.local @!p0 [hbm:s0], s1  }
0x7e: {  	s0 =	simm.s32 @!p0 $0x1  }
0x7f: {  	_ =	swait.ge @!p0 [sflag:s0], s1  }
0x80: {  	s1 =	ssub.s32 @!p0 $0x0, s1;
	[sflag:s0] =	ssyncset.done @!p0 $0x0  }
0x81: {  	[sflag:s0] =	ssyncadd.s32 @!p0 s1  }
0x82: {  	[bflag:$0x3] =	sbarrier.arrive $0xFFFF  }
0x83: {  	_ =	shalt  }

// kernel: kernel.30.cloned.1.call-start
scs
__scs_entry_jumppad:
0x0: {  	(pc) =	sbr.rel $0x88, $3  }
0x1: {  	(tag) =	ssettag $0x0;
	lr =	simm.s32 $0x1  }
0x2: {  	[smem:$0x3F7F] =	sst lr;
	_ =	strace $0xD0000000  }
0x3: {  	_ = 	snop  }
0x4: {  	_ = 	snop  }
0x5: {  	_ = 	snop  }
0x6: {  	_ = 	snop  }
0x7: {  	_ = 	snop  }
__scs_overlays_trampoline_lowered:
0x8: {  	[smem:$0x3F8E] =	sst s0  }
0x9: {  	[smem:$0x3F8F] =	sst s1  }
0xa: {  	[smem:$0x3F90] =	sst s2  }
0xb: {  	[smem:$0x3F91] =	sst s3  }
0xc: {  	[smem:$0x3F92] =	sst s4  }
0xd: {  	[smem:$0x3F93] =	sst s5  }
0xe: {  	[smem:$0x3F94] =	sst s6  }
0xf: {  	[smem:$0x3F95] =	sst s7  }
0x10: {  	[smem:$0x3F96] =	sst s8  }
0x11: {  	[smem:$0x3F97] =	sst s9;
	s0 =	simm.s32 @!p0 $0x0  }
0x12: {  	s1 =	sld [smem:$0x3F7D];
	s0 =	simm.s32 @p0 $0x1  }
0x13: {  	[smem:$0x3F98] =	sst s0;
	s0 =	simm.s32 @!p1 $0x0  }
0x14: {  	s2 =	sld [smem:$0x3F7C];
	s0 =	simm.s32 @p1 $0x1  }
0x15: {  	[smem:$0x3F99] =	sst s0;
	s0 =	simm.s32 @!p2 $0x0  }
0x16: {  	s3 =	sld [smem:$0x3FDB];
	s0 =	simm.s32 @p2 $0x1  }
0x17: {  	s4 =	simm.s32 $0x1BF5;
	[smem:$0x3F9B] =	sst s0  }
0x18: {  	s0 =	sld [smem:$0x3F7E];
	_ =	swait.ge [sflag:s4], $0x0  }
0x19: {  	s7 =	sld [smem:$0x3F7F]  }
0x1a: {  	s8 =	sadd.s32 $0xFFFFE003, lr  }
0x1b: {  	s9 =	sadd.s32 $0xFFFFFEF7, lr;
	s5 =	simm.s32 $0xFFFFFFFF;
	p2 =	slt.u32 s8, $0xFFFFF086  }
0x1c: {  	p1 =	slt.u32 s9, $0xF7A;
	s5 =	simm.s32 @!p2 $0x0  }
0x1d: {  	s5 =	simm.s32 @p1 $0x1;
	p0 =	seq.s32 s7, s2  }
0x1e: {  	s7 =	smul.u32 @!p0 $0xF7A, s2;
	p2 =	seq.s32 @!p0 s5, $0x0  }
0x1f: {  	s9 =	smul.u32 $0xF7A, s1;
	s8 =	simm.s32 @!p0 $0x1BF5;
	p2 =	por !p2, p0  }
0x20: {  	[sflag:s8] =	ssyncset.s32 @!p0 $0xFFFFF086;
	s6 =	sadd.s32 @!p0 s3, s7;
	s7 =	simm.s32 @!p0 $0x108  }
0x21: {  	s3 =	sadd.s32 s3, s9;
	s6 =	sadd.s32 @!p0 $0x88, s6;
	s7 =	simm.s32 @p2 $0x1082  }
0x22: {  	[simem:s7], [sflag:s8] =	dma.local @!p0 [hbm:s6], $0xF7A  }
0x23: {  	s9 =	sor.u32 $0xD0000000, s2;
	s6 =	simm.s32 $0x108;
	_ =	swait.ge @!p0 [sflag:s8], $0x0  }
0x24: {  	s3 =	sadd.s32 $0x88, s3;
	s6 =	simm.s32 @!p1 $0x1082;
	[sflag:s4] =	ssyncset.s32 $0xFFFFF086  }
0x25: {  	[simem:s6], [sflag:s4] =	dma.local [hbm:s3], $0xF7A  }
0x26: {  	[smem:$0x3F7F] =	sst s1;
	(tag) =	ssettag s2;
	_ =	strace s9  }
0x27: {  	s1 =	sld [smem:$0x3F8F]  }
0x28: {  	s2 =	sld [smem:$0x3F90]  }
0x29: {  	s4 =	sld [smem:$0x3F92]  }
0x2a: {  	p0 =	seq.s32 s5, $0x0;
	s5 =	sld [smem:$0x3F93]  }
0x2b: {  	s6 =	sld [smem:$0x3F94]  }
0x2c: {  	s7 =	sld [smem:$0x3F95]  }
0x2d: {  	s3 =	simm.s32 $0x108;
	s8 =	sld [smem:$0x3F96]  }
0x2e: {  	s3 =	simm.s32 @!p0 $0x1082;
	s9 =	sld [smem:$0x3F97]  }
0x2f: {  	lr =	sadd.s32 s0, s3;
	s0 =	sld [smem:$0x3F8E]  }
0x30: {  	s3 =	sld [smem:$0x3F91]  }
0x31: {  	[smem:$0x3F9A] =	sst s10  }
0x32: {  	s10 =	sld [smem:$0x3F98];
	_ =	sdelay $0x3  }
0x33: {  	p0 =	seq.s32 s10, $0x1;
	s10 =	sld [smem:$0x3F9A];
	_ =	sdelay $0x3  }
0x34: {  	[smem:$0x3F9A] =	sst s10  }
0x35: {  	s10 =	sld [smem:$0x3F99];
	_ =	sdelay $0x3  }
0x36: {  	p1 =	seq.s32 s10, $0x1;
	s10 =	sld [smem:$0x3F9A];
	_ =	sdelay $0x3  }
0x37: {  	[smem:$0x3F9A] =	sst s10  }
0x38: {  	s10 =	sld [smem:$0x3F9B]  }
0x39: {  	_ = 	snop;
	(pc) =	sbr.ind lr, $3  }
0x3a: {  	_ = 	snop  }
0x3b: {  	_ = 	snop  }
0x3c: {  	p2 =	seq.s32 s10, $0x1;
	s10 =	sld [smem:$0x3F9A]  }
0x3d: {  	_ =	shalt  }
0x3e: {  	_ =	shalt  }
0x3f: {  	_ =	shalt  }
0x40: {  	_ =	shalt  }
0x41: {  	_ =	shalt  }
0x42: {  	_ =	shalt  }
0x43: {  	_ =	shalt  }
0x44: {  	_ =	shalt  }
0x45: {  	_ =	shalt  }
0x46: {  	_ =	shalt  }
0x47: {  	_ =	shalt  }
0x48: {  	_ =	shalt  }
0x49: {  	_ =	shalt  }
0x4a: {  	_ =	shalt  }
0x4b: {  	_ =	shalt  }
0x4c: {  	_ =	shalt  }
0x4d: {  	_ =	shalt  }
0x4e: {  	_ =	shalt  }
0x4f: {  	_ =	shalt  }
0x50: {  	_ =	shalt  }
0x51: {  	_ =	shalt  }
0x52: {  	_ =	shalt  }
0x53: {  	_ =	shalt  }
0x54: {  	_ =	shalt  }
0x55: {  	_ =	shalt  }
0x56: {  	_ =	shalt  }
0x57: {  	_ =	shalt  }
0x58: {  	_ =	shalt  }
0x59: {  	_ =	shalt  }
0x5a: {  	_ =	shalt  }
0x5b: {  	_ =	shalt  }
0x5c: {  	_ =	shalt  }
0x5d: {  	_ =	shalt  }
0x5e: {  	_ =	shalt  }
0x5f: {  	_ =	shalt  }
0x60: {  	_ =	shalt  }
0x61: {  	_ =	shalt  }
0x62: {  	_ =	shalt  }
0x63: {  	_ =	shalt  }
0x64: {  	_ =	shalt  }
0x65: {  	_ =	shalt  }
0x66: {  	_ =	shalt  }
0x67: {  	_ =	shalt  }
0x68: {  	_ =	shalt  }
0x69: {  	_ =	shalt  }
0x6a: {  	_ =	shalt  }
0x6b: {  	_ =	shalt  }
0x6c: {  	_ =	shalt  }
0x6d: {  	_ =	shalt  }
0x6e: {  	_ =	shalt  }
0x6f: {  	_ =	shalt  }
0x70: {  	_ =	shalt  }
0x71: {  	_ =	shalt  }
0x72: {  	_ =	shalt  }
0x73: {  	_ =	shalt  }
0x74: {  	_ =	shalt  }
0x75: {  	_ =	shalt  }
0x76: {  	_ =	shalt  }
0x77: {  	_ =	shalt  }
0x78: {  	_ =	shalt  }
0x79: {  	_ =	shalt  }
0x7a: {  	_ =	shalt  }
0x7b: {  	_ =	shalt  }
0x7c: {  	_ =	shalt  }
0x7d: {  	_ =	shalt  }
0x7e: {  	_ =	shalt  }
0x7f: {  	_ =	shalt  }
0x80: {  	_ =	shalt  }
0x81: {  	_ =	shalt  }
0x82: {  	_ =	shalt  }
0x83: {  	_ =	shalt  }
0x84: {  	_ =	shalt  }
0x85: {  	_ =	shalt  }
0x86: {  	_ =	shalt  }
0x87: {  	_ =	shalt  }
.Lfunc_end0:
.L_simem_size_0:
called_computation.1_lowered:
.L_overlay_start_0:
0x88: {  	s2 =	sld [smem:$0x3FD9]  }
0x89: {  	s3 =	sld [smem:$0x3FFE];
	_ =	sdelay $0x1  }
0x8a: {  	s1 =	srdreg.scid  }
0x8b: {  	s0 =	sand.u32 $0x1, s1  }
0x8c: {  	s17 =	sshll.u32 s0, $0xA;
	s2 =	sadd.s32 s3, s2  }
0x8d: {  	s2 =	sadd.s32 s2, s17  }
0x8e: {  	[smem:$0x3FA6] =	sst s2  }
0x8f: {  	_ = 	snop  }
0x90: {  	(tm) =	ssettm $0x1  }
0x91: {  	s18 =	sld [smem:$0x3FFB];
	_ =	sdelay $0x3  }
0x92: {  	_ =	strace s18  }
0x93: {  	s2 =	sld [smem:$0x3FFC];
	_ =	sdelay $0x3  }
0x94: {  	_ =	strace s2  }
0x95: {  	s2 =	sld [smem:$0x3FFD];
	_ =	sdelay $0x3  }
0x96: {  	_ =	strace s2  }
0x97: {  	_ =	strace $0x8FFFFFFF  }
0x98: {  	s19 =	sld [smem:$0x3FDB];
	_ =	sdelay $0x1  }
0x99: {  	s20 =	simm.s32 $_scs_section_size  }
0x9a: {  	s4 =	simm.s32 $_size__tile_overlayer_lowered;
	s5 =	simm.s32 $_tile_overlayer_lowered  }
0x9b: {  	s6 =	simm.s32 $0x1BFF;
	s21 =	sshll.u32 s5, $0x1;
	s3 =	sadd.s32 s20, s19  }
0x9c: {  	s22 =	simm.s32 $0x0;
	s4 =	sshll.u32 s4, $0x1;
	s5 =	sadd.s32 s21, s3  }
0x9d: {  	[timem:s22], [sflag:s6] =	dma.local [hbm:s5], s4  }
0x9e: {  	_ =	swait.ge [sflag:s6], s4  }
0x9f: {  	s4 =	ssub.s32 $0x0, s4;
	[sflag:s6] =	ssyncset.done $0x0  }
0xa0: {  	[sflag:s6] =	ssyncadd.s32 s4;
	_ =	sdelay $0x1  }
0xa1: {  	s23 =	simm.s32 $0x1B8B  }
0xa2: {  	_ =	swait.ge [sflag:s23], $0x1  }
0xa3: {  	[sflag:s23] =	ssyncset.done $0x0  }
0xa4: {  	[sflag:s23] =	ssyncadd.s32 $0xFFFFFFFF  }
0xa5: {  	s4 =	sld [smem:$0x0]  }
0xa6: {  	s5 =	sand.u32 $0xFFFFFFFE, s1  }
0xa7: {  	p0 =	sne.s32 s1, s5  }
0xa8: {  	s5 =	sshll.u32 @p0 s5, $0xE  }
0xa9: {  	s5 =	sadd.s32 @p0 $0x11B8D, s5;
	s6 =	sshll.u32 @p0 s4, $0x11  }
0xaa: {  	s5 =	sor.u32 @p0 s6, s5  }
0xab: {  	[sflag:s5] =	ssyncadd.remote.s32 @p0 $0x1;
	_ =	sdelay $0x1  }
0xac: {  	s5 =	simm.s32 @p0 $0x1B8D  }
0xad: {  	_ =	swait.eq @p0 [sflag:s5], $0x1  }
0xae: {  	[sflag:s5] =	ssyncadd.s32 @p0 $0xFFFFFFFF  }
0xaf: {  	s6 =	sshll.u32 @!p0 s1, $0xE  }
0xb0: {  	s6 =	sor.u32 @!p0 $0x4000, s6;
	s5 =	simm.s32 @!p0 $0x1B8D  }
0xb1: {  	s4 =	sshll.u32 @!p0 s4, $0x11;
	s6 =	sadd.s32 @!p0 $0x11B8D, s6;
	_ =	swait.eq @!p0 [sflag:s5], $0x1  }
0xb2: {  	s4 =	sor.u32 @!p0 s4, s6;
	[sflag:s5] =	ssyncadd.s32 @!p0 $0xFFFFFFFF  }
0xb3: {  	s25 =	simm.s32 $0x1B8E;
	s24 =	sld [smem:$0x3FFE];
	[sflag:s4] =	ssyncadd.remote.s32 @!p0 $0x1  }
0xb4: {  	s26 =	simm.s32 $execute0_lowered;
	[smem:$0x3FD2] =	sst s25  }
0xb5: {  	s5 =	sshll.u32 s26, $0x1;
	_ =	strace $0x8000005A;
	[dreg:$0x1] =	wrdreg $0xFFFFFFFF  }
0xb6: {  	s28 =	simm.s32 $_size_execute0_lowered;
	s3 =	sadd.s32 s3, s5;
	[dreg:$0x0] =	wrdreg $0x0  }
0xb7: {  	s5 =	sshll.u32 s28, $0x1;
	[dreg:$0x2] =	wrdreg s3  }
0xb8: {  	[dreg:$0x3] =	wrdreg s5  }
0xb9: {  	[dreg:$0x4] =	wrdreg $0xC0  }
0xba: {  	_ =	task [dreg:s22], $0x5FFFF  }
0xbb: {  	[dreg:$0x1] =	wrdreg $0xFFFFFFFF  }
0xbc: {  	[dreg:$0x0] =	wrdreg $0x60  }
0xbd: {  	[dreg:$0x2] =	wrdreg s24  }
0xbe: {  	[dreg:$0x3] =	wrdreg $0x9  }
0xbf: {  	_ =	task.clear_ibuf [dreg:s22], $0x4FFFF;
	_ =	strace $0x9000005A  }
0xc0: {  	s29 =	simm.s32 $0x9;
	_ =	strace $0x80000063  }
0xc1: {  	_ =	swait.ge [sflag:s29], $0x1  }
0xc2: {  	[sflag:s29] =	ssyncadd.s32 $0xFFFFFFFF  }
0xc3: {  	_ =	strace $0x90000063  }
0xc4: {  	_ =	sfence  }
0xc5: {  	s30 =	sld [smem:$0x0];
	_ =	sdelay $0x2  }
0xc6: {  	s31 =	sshll.u32 s1, $0xD;
	s1 =	sshrl.u32 s1, $0x2  }
0xc7: {  	s4 =	sand.u32 $0x4000, s31;
	s1 =	sadd.s32 s1, s30  }
0xc8: {  	s0 =	sor.u32 s4, s0;
	s1 =	sshll.u32 s1, $0x11  }
0xc9: {  	s0 =	sor.u32 s1, s0  }
0xca: {  	s0 =	sadd.s32 $0x8F2B, s0  }
0xcb: {  	[sflag:s0] =	ssyncadd.remote.s32 $0x1  }
0xcc: {  	_ =	sfence.sel $0xFFFF  }
0xcd: {  	[dreg:$0x0] =	wrdreg $0xFFFFFFFF;
	(pc) =	sbr.abs _section_cstart, $3  }
0xce: {  	[dreg:$0x1] =	wrdreg $0xFFFFFFFF  }
0xcf: {  	_ =	task.clear_ibuf [dreg:s22], $0x2FFFF;
	_ =	strace $0x9FFFFFFF  }
0xd0: {  	(tm) =	ssettm $0x7FFFFFFF  }
0xd1: {  	_ =	shalt  }
tec
execute0_lowered:
.L_overlay_start_1:
0x0: {  	(tag) =	ssettag $0x1  }
0x1: {  	s3 =	rddreg [dreg:$0x0]  }
0x2: {  	s0 =	rddreg [dreg:$0x1];
	s1 =	simm.s32 $0x0;
	s2 =	srdreg.scid  }
0x3: {  	s31 =	simm.s32 $0x80;
	s9 =	simm.s32 $0x4;
	s10 =	simm.s32 $0x0  }
0x4: {  	[smem:$0x7FF] =	sst s1;
	s4 =	sand.u32 $0x1, s2;
	s5 =	sadd.s32 $0x15A00, s3  }
0x5: {  	s2 =	stileid.u32;
	s29 =	sadd.s32 $0xAEA00, s3;
	s3 =	sadd.s32 $0x10A00, s3  }
0x6: {  	_ =	strace $0x8000005B;
	s6 =	sshll.u32 s4, $0x4;
	[dreg:$0x2] =	wrdreg s5  }
0x7: {  	s4 =	ssub.s32 $0x2, s4;
	[dreg:$0x4] =	wrdreg s29;
	s28 =	sor.u32 s2, s6  }
0x8: {  	[dreg:$0x3] =	wrdreg s31;
	s7 =	sshrl.u32 s4, $0x1;
	s8 =	smul.u32 $0x280, s28  }
0x9: {  	s30 =	ssub.s32 s4, s7;
	s4 =	smul.u32 $0x28, s28;
	s7 =	simm.s32 $0x1  }
0xa: {  	s6 =	smax.u32 s30, $0x1;
	s5 =	sadd.s32 s3, s8;
	s8 =	simm.s32 $0x5  }
.LBB2_1:
0xb: {  	_ =	strace $0x8000005C;
	s11 =	simm.s32 $0x1;
	p0 =	por $0x0, $0x0  }
0xc: {  	[tilespmem:s1], [sflag:$0x1] =	stream.linear.gather [hbm4b:s5+s1], $0x80, $0x200038;
	[tilespmem:$0x4100] =	vst v63  }
0xd: {  	s11 =	simm.s32 @p0 $0x0  }
0xe: {  	p4 =	por $0x1, $0x1;
	s20 =	sand.u32 $0x1, s1;
	p1 =	sne.s32 s11, $0x0  }
0xf: {  	p2 =	por $0x1, $0x1;
	s18 =	simm.s32 $0x26;
	p0 =	por !p4, !p1  }
0x10: {  	s16 =	simm.s32 $0x0;
	p5 =	por $0x0, $0x0;
	p0 =	por !p0, !p0  }
0x11: {  	s23 =	sadd.s32 $0x0, s4;
	s30 =	sadd.s32 $0x1, s20;
	s12 =	sadd.s32 @p0 s4, s11  }
0x12: {  	_ =	strace $0x9000005C;
	s13 =	sand.u32 @p0 $0x1, s7;
	s12 =	sshll.u32 @p0 s12, $0x4  }
0x13: {  	_ =	strace @p0 $0x8000005D;
	s15 =	simm.s32 @p0 $0x0;
	s12 =	sand.u32 @p0 $0x1FFFFFF0, s12  }
0x14: {  	s14 =	sshll.u32 @p0 s13, $0x7;
	s13 =	sadd.s32 @p0 $0x1, s13;
	s12 =	sadd.s32 @p0 s3, s12  }
0x15: {  	[tilespmem:s14], [sflag:s13] =	stream.linear.gather @p0 [hbm4b:s12+s15], $0x80, $0x200038;
	[tilespmem:$0x4100] =	vst v63  }
0x16: {  	p3 =	por p2, p2;
	s21 =	sshll.u32 s20, $0xD;
	_ =	strace @p0 $0x9000005D  }
0x17: {  	s16 =	sand.u32 $0x80, s16;
	p2 =	por p5, p5;
	_ =	strace $0x8000005E  }
0x18: {  	s17 =	sadd.s32 $0x1, s11;
	s22 =	sor.u32 $0x100, s21;
	_ =	swait.ge [sflag:s30], $0x80  }
0x19: {  	s21 =	simm.s32 $0x1;
	p6 =	por p1, p1;
	[sflag:s30] =	ssyncset.done $0x0  }
0x1a: {  	p1 =	por p3, p3;
	p4 =	por $0x1, $0x1;
	[sflag:s30] =	ssyncadd.s32 $0xFFFFFF80  }
0x1b: {  	s12 =	simm.s32 $0x27;
	s15 =	sand.u32 @!p3 $0x1, s1;
	_ =	strace $0x9000005E  }
0x1c: {  	s13 =	simm.s32 $0x1;
	p3 =	seq.s32 s17, $0x28;
	_ =	strace $0x8000005F  }
0x1d: {  	s13 =	simm.s32 @!p0 $0x0;
	s17 =	simm.s32 @p3 $0x0;
	s19 =	rddreg [dreg:$0x3]  }
0x1e: {  	p0 =	por $0x0, $0x0;
	s14 =	sadd.s32 $0x1, s13;
	s31 =	rddreg [dreg:$0x2]  }
0x1f: {  	[tilespmem:s22], [sflag:$0x5] =	stream.indirect.gather [hbm4b:s31+s19], $0x40, s16, s19, $0x2000b8;
	[tilespmem:$0x4100] =	vst v63  }
0x20: {  	p3 =	sne.s32 s11, s17;
	s21 =	simm.s32 @!p0 $0x0;
	_ =	swait.ge [sflag:s8], $0x2000  }
0x21: {  	p5 =	por !p4, !p3;
	p4 =	por $0x0, $0x0;
	[sflag:s8] =	ssyncset.done $0x0  }
0x22: {  	s13 =	simm.s32 $0x0;
	p6 =	por p4, p6;
	[sflag:s8] =	ssyncadd.s32 $0xFFFFE000  }
0x23: {  	s16 =	simm.s32 $0x0;
	s19 =	simm.s32 $0x0;
	_ =	strace $0x9000005F  }
.LBB2_2:
0x24: {  	_ =	strace @p6 $0x80000060;
	s13 =	sadd.s32 s21, s13;
	s21 =	smov.u32 s12  }
0x25: {  	s12 =	smov.u32 s18;
	s18 =	sadd.s32 $0xFFFFFFFF, s18;
	p0 =	por p3, p3  }
0x26: {  	s28 =	sshll.u32 @p6 s23, $0xA;
	s20 =	sadd.s32 @p6 $0x3, s20;
	s24 =	simm.s32 @!p0 $0x0  }
0x27: {  	s25 =	rddreg [dreg:$0x4];
	s28 =	sand.u32 @p6 $0x1FFFFC00, s28;
	s24 =	simm.s32 @p0 $0x1  }
0x28: {  	s25 =	sadd.s32 @p6 s25, s28;
	s28 =	simm.s32 @p6 $0x0;
	p0 =	sne.s32 s18, $0x0  }
0x29: {  	[hbm4b:s25+s28] =	stream.linear.scatter @p6 [tilespmem:s22], [sflag:s20], $0x2000, $0x200038;
	[tilespmem:$0x4100] =	vst v63  }
0x2a: {  	s20 =	sadd.s32 @!p1 $0x3, s15;
	s15 =	simm.s32 @!p0 $0x0  }
0x2b: {  	s26 =	simm.s32 $0x1;
	[smem:$0x7FC] =	sst s24;
	s15 =	simm.s32 @p0 $0x1  }
0x2c: {  	s26 =	simm.s32 @!p6 $0x0;
	_ =	strace @p6 $0x90000060;
	[smem:$0x7FD] =	sst s15  }
0x2d: {  	p5 =	por !p5, !p5;
	s19 =	sadd.s32 s26, s19;
	_ =	strace @!p1 $0x80000061  }
0x2e: {  	s24 =	sand.u32 @!p2 $0x1, s13;
	s22 =	sand.u32 @p5 $0x1, s14;
	_ =	swait.ge @!p1 [sflag:s20], $0x2000  }
0x2f: {  	s15 =	smov.u32 s24;
	s24 =	sadd.s32 @p5 s4, s17;
	[sflag:s20] =	ssyncset.done @!p1 $0x0  }
0x30: {  	s25 =	sshll.u32 @p5 s22, $0x7;
	s24 =	sshll.u32 @p5 s24, $0x4;
	[sflag:s20] =	ssyncadd.s32 @!p1 $0xFFFFE000  }
0x31: {  	s20 =	sadd.s32 @p5 $0x1, s22;
	s22 =	sand.u32 @p5 $0x1FFFFFF0, s24;
	_ =	strace @!p1 $0x90000061  }
0x32: {  	s24 =	simm.s32 @p5 $0x0;
	s22 =	sadd.s32 @p5 s3, s22;
	_ =	strace @p5 $0x8000005D  }
0x33: {  	[tilespmem:s25], [sflag:s20] =	stream.linear.gather @p5 [hbm4b:s22+s24], $0x80, $0x200038;
	[tilespmem:$0x4100] =	vst v63  }
0x34: {  	s16 =	sadd.s32 s26, s16;
	s26 =	sand.u32 $0x1, s19;
	_ =	strace @p5 $0x9000005D  }
0x35: {  	s24 =	sadd.s32 $0x1, s26;
	_ =	strace $0x8000005E  }
0x36: {  	_ =	swait.ge [sflag:s24], $0x80  }
0x37: {  	[sflag:s24] =	ssyncset.done $0x0  }
0x38: {  	s20 =	simm.s32 $0x1;
	[sflag:s24] =	ssyncadd.s32 $0xFFFFFF80  }
0x39: {  	s20 =	simm.s32 @!p5 $0x0;
	_ =	strace $0x9000005E  }
0x3a: {  	s14 =	sadd.s32 s20, s14;
	s20 =	sand.u32 $0x1, s16;
	_ =	strace $0x8000005F  }
0x3b: {  	s29 =	sshll.u32 s19, $0x7;
	s25 =	sshll.u32 s20, $0xD;
	s26 =	rddreg [dreg:$0x3]  }
0x3c: {  	s29 =	sand.u32 $0x80, s29;
	s22 =	sor.u32 $0x100, s25;
	s30 =	rddreg [dreg:$0x2]  }
0x3d: {  	[tilespmem:s22], [sflag:$0x5] =	stream.indirect.gather [hbm4b:s30+s26], $0x40, s29, s26, $0x2000b8;
	[tilespmem:$0x4100] =	vst v63  }
0x3e: {  	_ =	swait.ge [sflag:s8], $0x2000  }
0x3f: {  	s31 =	sadd.s32 $0x1, s17;
	[sflag:s8] =	ssyncset.done $0x0  }
0x40: {  	s23 =	sadd.s32 s4, s11;
	s11 =	smov.u32 s17;
	[sflag:s8] =	ssyncadd.s32 $0xFFFFE000  }
0x41: {  	p3 =	seq.s32 s31, $0x28;
	s17 =	smov.u32 s31;
	_ =	strace $0x9000005F  }
0x42: {  	s17 =	simm.s32 @p3 $0x0;
	s31 =	sld [smem:$0x7FD]  }
0x43: {  	p6 =	sne.s32 s12, $0x1;
	p0 =	sne.s32 s21, $0x28;
	p3 =	sne.s32 s11, s17  }
0x44: {  	p5 =	por !p6, !p3;
	p6 =	seq.s32 s21, $0x1;
	s21 =	simm.s32 $0x1  }
0x45: {  	s21 =	simm.s32 @!p0 $0x0;
	p0 =	seq.s32 s31, $0x1  }
.Ltmp0:
0x46: {  	s30 =	sld [smem:$0x7FC];
	(pc) =	sbr.rel @p0 .LBB2_2-.Ltmp0, $4  }
0x47: {  	_ = 	snop  }
0x48: {  	p4 =	seq.s32 s12, $0x28  }
0x49: {  	p1 =	por p2, p2;
	p2 =	por p4, p4;
	p4 =	seq.s32 s30, $0x1  }
0x4a: {  	p6 =	por p6, p4  }
0x4b: {  	_ =	strace @p6 $0x80000060;
	s23 =	sshll.u32 @p6 s23, $0xA  }
0x4c: {  	s18 =	rddreg [dreg:$0x4];
	s23 =	sand.u32 @p6 $0x1FFFFC00, s23  }
0x4d: {  	s20 =	sadd.s32 @p6 $0x3, s20;
	s18 =	sadd.s32 @p6 s18, s23;
	s23 =	simm.s32 @p6 $0x0  }
0x4e: {  	[hbm4b:s18+s23] =	stream.linear.scatter @p6 [tilespmem:s22], [sflag:s20], $0x2000, $0x200038;
	[tilespmem:$0x4100] =	vst v63  }
0x4f: {  	p0 =	por !p5, !p5;
	_ =	strace @p6 $0x90000060  }
0x50: {  	s15 =	sadd.s32 @!p1 $0x3, s15;
	s17 =	sadd.s32 @p0 s4, s17;
	_ =	strace @!p1 $0x80000061  }
0x51: {  	s14 =	sand.u32 @p0 $0x1, s14;
	s17 =	sshll.u32 @p0 s17, $0x4;
	_ =	swait.ge @!p1 [sflag:s15], $0x2000  }
0x52: {  	s18 =	simm.s32 $0x1;
	s20 =	sshll.u32 @p0 s14, $0x7;
	[sflag:s15] =	ssyncset.done @!p1 $0x0  }
0x53: {  	s14 =	sadd.s32 @p0 $0x1, s14;
	s18 =	simm.s32 @!p6 $0x0;
	[sflag:s15] =	ssyncadd.s32 @!p1 $0xFFFFE000  }
0x54: {  	s19 =	sadd.s32 s18, s19;
	s15 =	sand.u32 @p0 $0x1FFFFFF0, s17;
	_ =	strace @!p1 $0x90000061  }
0x55: {  	s17 =	simm.s32 @p0 $0x0;
	s15 =	sadd.s32 @p0 s3, s15;
	_ =	strace @p0 $0x8000005D  }
0x56: {  	[tilespmem:s20], [sflag:s14] =	stream.linear.gather @p0 [hbm4b:s15+s17], $0x80, $0x200038;
	[tilespmem:$0x4100] =	vst v63  }
0x57: {  	s25 =	sand.u32 $0x1, s19;
	_ =	strace @p0 $0x9000005D  }
0x58: {  	s14 =	sadd.s32 $0x1, s25;
	_ =	strace $0x8000005E  }
0x59: {  	_ =	swait.ge [sflag:s14], $0x80  }
0x5a: {  	[sflag:s14] =	ssyncset.done $0x0  }
0x5b: {  	[sflag:s14] =	ssyncadd.s32 $0xFFFFFF80  }
0x5c: {  	s26 =	sadd.s32 s18, s16;
	_ =	strace $0x9000005E  }
0x5d: {  	s14 =	sand.u32 $0x1, s26;
	_ =	strace $0x8000005F  }
0x5e: {  	s30 =	sshll.u32 s19, $0x7;
	s31 =	sshll.u32 s14, $0xD;
	s28 =	rddreg [dreg:$0x3]  }
0x5f: {  	s17 =	sand.u32 $0x80, s30;
	s18 =	sor.u32 $0x100, s31;
	s29 =	rddreg [dreg:$0x2]  }
0x60: {  	[tilespmem:s18], [sflag:$0x5] =	stream.indirect.gather [hbm4b:s29+s28], $0x40, s17, s28, $0x2000b8;
	[tilespmem:$0x4100] =	vst v63  }
0x61: {  	_ =	swait.ge [sflag:s8], $0x2000  }
0x62: {  	[sflag:s8] =	ssyncset.done $0x0  }
0x63: {  	p5 =	por p3, p3;
	p6 =	seq.s32 s12, $0x1;
	[sflag:s8] =	ssyncadd.s32 $0xFFFFE000  }
0x64: {  	s11 =	sadd.s32 s4, s11;
	p0 =	por p6, p5;
	_ =	strace $0x9000005F  }
0x65: {  	s11 =	sshll.u32 @p0 s11, $0xA;
	_ =	strace @p0 $0x80000060  }
0x66: {  	s13 =	sadd.s32 s21, s13;
	s11 =	sand.u32 @p0 $0x1FFFFC00, s11;
	s12 =	rddreg [dreg:$0x4]  }
0x67: {  	s14 =	sadd.s32 @p0 $0x3, s14;
	s11 =	sadd.s32 @p0 s12, s11;
	s12 =	simm.s32 @p0 $0x0  }
0x68: {  	[hbm4b:s11+s12] =	stream.linear.scatter @p0 [tilespmem:s18], [sflag:s14], $0x2000, $0x200038;
	[tilespmem:$0x4100] =	vst v63  }
0x69: {  	p1 =	por p2, p2;
	s11 =	sand.u32 @!p2 $0x1, s13;
	_ =	strace @p0 $0x90000060  }
0x6a: {  	s11 =	sadd.s32 @!p1 $0x3, s11;
	_ =	strace @!p1 $0x80000061  }
0x6b: {  	_ =	swait.ge @!p1 [sflag:s11], $0x2000  }
0x6c: {  	[sflag:s11] =	ssyncset.done @!p1 $0x0  }
0x6d: {  	s10 =	sadd.s32 $0x1, s10;
	[sflag:s11] =	ssyncadd.s32 @!p1 $0xFFFFE000  }
0x6e: {  	p0 =	sne.s32 s10, s6;
	_ =	strace @!p1 $0x90000061  }
.Ltmp1:
0x6f: {  	_ =	strace $0x80000062;
	(pc) =	sbr.rel @p0 .LBB2_1-.Ltmp1, $4  }
0x70: {  	_ =	swait.ge [sflag:s9], $0x2000  }
0x71: {  	[sflag:s9] =	ssyncset.done $0x0  }
0x72: {  	[sflag:s9] =	ssyncadd.s32 $0xFFFFE000  }
0x73: {  	_ =	strace $0x90000062  }
0x74: {  	_ =	sfence.sel $0x180000  }
0x75: {  	[bflag:$0x0] =	sbarrier.arrive $0xFFFF  }
0x76: {  	p0 =	sne.s32 s2, $0x0;
	_ =	strace $0x9000005B  }
0x77: {  	s0 =	sadd.s32 @!p0 $0x100000, s0;
	[bflag:$0x2] =	sbarrier.arrive $0xFFFF  }
0x78: {  	[sflag:s0] =	ssyncadd.tile.s32 @!p0 $0x1;
	_ =	shalt  }
.Lfunc_end2:
_tile_overlayer_lowered:
.L_overlay_start_2:
0x79: {  	(tag) =	ssettag $0x2  }
0x7a: {  	s0 =	rddreg [dreg:$0x0];
	s2 =	stileid.u32  }
0x7b: {  	s1 =	rddreg [dreg:$0x1];
	p0 =	sne.s32 s2, $0x0  }
0x7c: {  	s3 =	rddreg [dreg:$0x2];
	[bflag:$0x3] =	sbarrier.arrive $0xFFFF;
	s2 =	simm.s32 @!p0 $0x1C01  }
0x7d: {  	[timem:s3], [sflag:s2] =	dma.local @!p0 [hbm:s0], s1  }
0x7e: {  	s0 =	simm.s32 @!p0 $0x1  }
0x7f: {  	_ =	swait.ge @!p0 [sflag:s0], s1  }
0x80: {  	s1 =	ssub.s32 @!p0 $0x0, s1;
	[sflag:s0] =	ssyncset.done @!p0 $0x0  }
0x81: {  	[sflag:s0] =	ssyncadd.s32 @!p0 s1  }
0x82: {  	[bflag:$0x3] =	sbarrier.arrive $0xFFFF  }
0x83: {  	_ =	shalt  }

// kernel: kernel.33.cloned.1.call-start
scs
__scs_entry_jumppad:
0x0: {  	(pc) =	sbr.rel $0x88, $3  }
0x1: {  	(tag) =	ssettag $0x0;
	lr =	simm.s32 $0x1  }
0x2: {  	[smem:$0x3F7F] =	sst lr;
	_ =	strace $0xD0000000  }
0x3: {  	_ = 	snop  }
0x4: {  	_ = 	snop  }
0x5: {  	_ = 	snop  }
0x6: {  	_ = 	snop  }
0x7: {  	_ = 	snop  }
__scs_overlays_trampoline_lowered:
0x8: {  	[smem:$0x3F8E] =	sst s0  }
0x9: {  	[smem:$0x3F8F] =	sst s1  }
0xa: {  	[smem:$0x3F90] =	sst s2  }
0xb: {  	[smem:$0x3F91] =	sst s3  }
0xc: {  	[smem:$0x3F92] =	sst s4  }
0xd: {  	[smem:$0x3F93] =	sst s5  }
0xe: {  	[smem:$0x3F94] =	sst s6  }
0xf: {  	[smem:$0x3F95] =	sst s7  }
0x10: {  	[smem:$0x3F96] =	sst s8  }
0x11: {  	[smem:$0x3F97] =	sst s9;
	s0 =	simm.s32 @!p0 $0x0  }
0x12: {  	s1 =	sld [smem:$0x3F7D];
	s0 =	simm.s32 @p0 $0x1  }
0x13: {  	[smem:$0x3F98] =	sst s0;
	s0 =	simm.s32 @!p1 $0x0  }
0x14: {  	s2 =	sld [smem:$0x3F7C];
	s0 =	simm.s32 @p1 $0x1  }
0x15: {  	[smem:$0x3F99] =	sst s0;
	s0 =	simm.s32 @!p2 $0x0  }
0x16: {  	s3 =	sld [smem:$0x3FDB];
	s0 =	simm.s32 @p2 $0x1  }
0x17: {  	s4 =	simm.s32 $0x1BF5;
	[smem:$0x3F9B] =	sst s0  }
0x18: {  	s0 =	sld [smem:$0x3F7E];
	_ =	swait.ge [sflag:s4], $0x0  }
0x19: {  	s7 =	sld [smem:$0x3F7F]  }
0x1a: {  	s8 =	sadd.s32 $0xFFFFE003, lr  }
0x1b: {  	s9 =	sadd.s32 $0xFFFFFEF7, lr;
	s5 =	simm.s32 $0xFFFFFFFF;
	p2 =	slt.u32 s8, $0xFFFFF086  }
0x1c: {  	p1 =	slt.u32 s9, $0xF7A;
	s5 =	simm.s32 @!p2 $0x0  }
0x1d: {  	s5 =	simm.s32 @p1 $0x1;
	p0 =	seq.s32 s7, s2  }
0x1e: {  	s7 =	smul.u32 @!p0 $0xF7A, s2;
	p2 =	seq.s32 @!p0 s5, $0x0  }
0x1f: {  	s9 =	smul.u32 $0xF7A, s1;
	s8 =	simm.s32 @!p0 $0x1BF5;
	p2 =	por !p2, p0  }
0x20: {  	[sflag:s8] =	ssyncset.s32 @!p0 $0xFFFFF086;
	s6 =	sadd.s32 @!p0 s3, s7;
	s7 =	simm.s32 @!p0 $0x108  }
0x21: {  	s3 =	sadd.s32 s3, s9;
	s6 =	sadd.s32 @!p0 $0x88, s6;
	s7 =	simm.s32 @p2 $0x1082  }
0x22: {  	[simem:s7], [sflag:s8] =	dma.local @!p0 [hbm:s6], $0xF7A  }
0x23: {  	s9 =	sor.u32 $0xD0000000, s2;
	s6 =	simm.s32 $0x108;
	_ =	swait.ge @!p0 [sflag:s8], $0x0  }
0x24: {  	s3 =	sadd.s32 $0x88, s3;
	s6 =	simm.s32 @!p1 $0x1082;
	[sflag:s4] =	ssyncset.s32 $0xFFFFF086  }
0x25: {  	[simem:s6], [sflag:s4] =	dma.local [hbm:s3], $0xF7A  }
0x26: {  	[smem:$0x3F7F] =	sst s1;
	(tag) =	ssettag s2;
	_ =	strace s9  }
0x27: {  	s1 =	sld [smem:$0x3F8F]  }
0x28: {  	s2 =	sld [smem:$0x3F90]  }
0x29: {  	s4 =	sld [smem:$0x3F92]  }
0x2a: {  	p0 =	seq.s32 s5, $0x0;
	s5 =	sld [smem:$0x3F93]  }
0x2b: {  	s6 =	sld [smem:$0x3F94]  }
0x2c: {  	s7 =	sld [smem:$0x3F95]  }
0x2d: {  	s3 =	simm.s32 $0x108;
	s8 =	sld [smem:$0x3F96]  }
0x2e: {  	s3 =	simm.s32 @!p0 $0x1082;
	s9 =	sld [smem:$0x3F97]  }
0x2f: {  	lr =	sadd.s32 s0, s3;
	s0 =	sld [smem:$0x3F8E]  }
0x30: {  	s3 =	sld [smem:$0x3F91]  }
0x31: {  	[smem:$0x3F9A] =	sst s10  }
0x32: {  	s10 =	sld [smem:$0x3F98];
	_ =	sdelay $0x3  }
0x33: {  	p0 =	seq.s32 s10, $0x1;
	s10 =	sld [smem:$0x3F9A];
	_ =	sdelay $0x3  }
0x34: {  	[smem:$0x3F9A] =	sst s10  }
0x35: {  	s10 =	sld [smem:$0x3F99];
	_ =	sdelay $0x3  }
0x36: {  	p1 =	seq.s32 s10, $0x1;
	s10 =	sld [smem:$0x3F9A];
	_ =	sdelay $0x3  }
0x37: {  	[smem:$0x3F9A] =	sst s10  }
0x38: {  	s10 =	sld [smem:$0x3F9B]  }
0x39: {  	_ = 	snop;
	(pc) =	sbr.ind lr, $3  }
0x3a: {  	_ = 	snop  }
0x3b: {  	_ = 	snop  }
0x3c: {  	p2 =	seq.s32 s10, $0x1;
	s10 =	sld [smem:$0x3F9A]  }
0x3d: {  	_ =	shalt  }
0x3e: {  	_ =	shalt  }
0x3f: {  	_ =	shalt  }
0x40: {  	_ =	shalt  }
0x41: {  	_ =	shalt  }
0x42: {  	_ =	shalt  }
0x43: {  	_ =	shalt  }
0x44: {  	_ =	shalt  }
0x45: {  	_ =	shalt  }
0x46: {  	_ =	shalt  }
0x47: {  	_ =	shalt  }
0x48: {  	_ =	shalt  }
0x49: {  	_ =	shalt  }
0x4a: {  	_ =	shalt  }
0x4b: {  	_ =	shalt  }
0x4c: {  	_ =	shalt  }
0x4d: {  	_ =	shalt  }
0x4e: {  	_ =	shalt  }
0x4f: {  	_ =	shalt  }
0x50: {  	_ =	shalt  }
0x51: {  	_ =	shalt  }
0x52: {  	_ =	shalt  }
0x53: {  	_ =	shalt  }
0x54: {  	_ =	shalt  }
0x55: {  	_ =	shalt  }
0x56: {  	_ =	shalt  }
0x57: {  	_ =	shalt  }
0x58: {  	_ =	shalt  }
0x59: {  	_ =	shalt  }
0x5a: {  	_ =	shalt  }
0x5b: {  	_ =	shalt  }
0x5c: {  	_ =	shalt  }
0x5d: {  	_ =	shalt  }
0x5e: {  	_ =	shalt  }
0x5f: {  	_ =	shalt  }
0x60: {  	_ =	shalt  }
0x61: {  	_ =	shalt  }
0x62: {  	_ =	shalt  }
0x63: {  	_ =	shalt  }
0x64: {  	_ =	shalt  }
0x65: {  	_ =	shalt  }
0x66: {  	_ =	shalt  }
0x67: {  	_ =	shalt  }
0x68: {  	_ =	shalt  }
0x69: {  	_ =	shalt  }
0x6a: {  	_ =	shalt  }
0x6b: {  	_ =	shalt  }
0x6c: {  	_ =	shalt  }
0x6d: {  	_ =	shalt  }
0x6e: {  	_ =	shalt  }
0x6f: {  	_ =	shalt  }
0x70: {  	_ =	shalt  }
0x71: {  	_ =	shalt  }
0x72: {  	_ =	shalt  }
0x73: {  	_ =	shalt  }
0x74: {  	_ =	shalt  }
0x75: {  	_ =	shalt  }
0x76: {  	_ =	shalt  }
0x77: {  	_ =	shalt  }
0x78: {  	_ =	shalt  }
0x79: {  	_ =	shalt  }
0x7a: {  	_ =	shalt  }
0x7b: {  	_ =	shalt  }
0x7c: {  	_ =	shalt  }
0x7d: {  	_ =	shalt  }
0x7e: {  	_ =	shalt  }
0x7f: {  	_ =	shalt  }
0x80: {  	_ =	shalt  }
0x81: {  	_ =	shalt  }
0x82: {  	_ =	shalt  }
0x83: {  	_ =	shalt  }
0x84: {  	_ =	shalt  }
0x85: {  	_ =	shalt  }
0x86: {  	_ =	shalt  }
0x87: {  	_ =	shalt  }
.Lfunc_end0:
.L_simem_size_0:
called_computation.2_lowered:
.L_overlay_start_0:
0x88: {  	s2 =	sld [smem:$0x3FD9]  }
0x89: {  	s3 =	sld [smem:$0x3FFE];
	_ =	sdelay $0x1  }
0x8a: {  	s1 =	srdreg.scid  }
0x8b: {  	s0 =	sand.u32 $0x1, s1  }
0x8c: {  	s17 =	sshll.u32 s0, $0xA;
	s2 =	sadd.s32 s3, s2  }
0x8d: {  	s2 =	sadd.s32 s2, s17  }
0x8e: {  	[smem:$0x3FA6] =	sst s2  }
0x8f: {  	_ = 	snop  }
0x90: {  	(tm) =	ssettm $0x1  }
0x91: {  	s18 =	sld [smem:$0x3FFB];
	_ =	sdelay $0x3  }
0x92: {  	_ =	strace s18  }
0x93: {  	s2 =	sld [smem:$0x3FFC];
	_ =	sdelay $0x3  }
0x94: {  	_ =	strace s2  }
0x95: {  	s2 =	sld [smem:$0x3FFD];
	_ =	sdelay $0x3  }
0x96: {  	_ =	strace s2  }
0x97: {  	_ =	strace $0x8FFFFFFF  }
0x98: {  	s19 =	sld [smem:$0x3FDB];
	_ =	sdelay $0x1  }
0x99: {  	s20 =	simm.s32 $_scs_section_size  }
0x9a: {  	s4 =	simm.s32 $_size__tile_overlayer_lowered;
	s5 =	simm.s32 $_tile_overlayer_lowered  }
0x9b: {  	s6 =	simm.s32 $0x1BFF;
	s21 =	sshll.u32 s5, $0x1;
	s3 =	sadd.s32 s20, s19  }
0x9c: {  	s22 =	simm.s32 $0x0;
	s4 =	sshll.u32 s4, $0x1;
	s5 =	sadd.s32 s21, s3  }
0x9d: {  	[timem:s22], [sflag:s6] =	dma.local [hbm:s5], s4  }
0x9e: {  	_ =	swait.ge [sflag:s6], s4  }
0x9f: {  	s4 =	ssub.s32 $0x0, s4;
	[sflag:s6] =	ssyncset.done $0x0  }
0xa0: {  	[sflag:s6] =	ssyncadd.s32 s4;
	_ =	sdelay $0x1  }
0xa1: {  	s23 =	simm.s32 $0x1B8B  }
0xa2: {  	_ =	swait.ge [sflag:s23], $0x1  }
0xa3: {  	[sflag:s23] =	ssyncset.done $0x0  }
0xa4: {  	[sflag:s23] =	ssyncadd.s32 $0xFFFFFFFF  }
0xa5: {  	s4 =	sld [smem:$0x0]  }
0xa6: {  	s5 =	sand.u32 $0xFFFFFFFE, s1  }
0xa7: {  	p0 =	sne.s32 s1, s5  }
0xa8: {  	s5 =	sshll.u32 @p0 s5, $0xE  }
0xa9: {  	s5 =	sadd.s32 @p0 $0x11B8D, s5;
	s6 =	sshll.u32 @p0 s4, $0x11  }
0xaa: {  	s5 =	sor.u32 @p0 s6, s5  }
0xab: {  	[sflag:s5] =	ssyncadd.remote.s32 @p0 $0x1;
	_ =	sdelay $0x1  }
0xac: {  	s5 =	simm.s32 @p0 $0x1B8D  }
0xad: {  	_ =	swait.eq @p0 [sflag:s5], $0x1  }
0xae: {  	[sflag:s5] =	ssyncadd.s32 @p0 $0xFFFFFFFF  }
0xaf: {  	s6 =	sshll.u32 @!p0 s1, $0xE  }
0xb0: {  	s6 =	sor.u32 @!p0 $0x4000, s6;
	s5 =	simm.s32 @!p0 $0x1B8D  }
0xb1: {  	s4 =	sshll.u32 @!p0 s4, $0x11;
	s6 =	sadd.s32 @!p0 $0x11B8D, s6;
	_ =	swait.eq @!p0 [sflag:s5], $0x1  }
0xb2: {  	s4 =	sor.u32 @!p0 s4, s6;
	[sflag:s5] =	ssyncadd.s32 @!p0 $0xFFFFFFFF  }
0xb3: {  	s25 =	simm.s32 $0x1B8E;
	s24 =	sld [smem:$0x3FFE];
	[sflag:s4] =	ssyncadd.remote.s32 @!p0 $0x1  }
0xb4: {  	s26 =	simm.s32 $execute0_lowered;
	[smem:$0x3FD2] =	sst s25  }
0xb5: {  	s5 =	sshll.u32 s26, $0x1;
	_ =	strace $0x8000006E;
	[dreg:$0x1] =	wrdreg $0xFFFFFFFF  }
0xb6: {  	s28 =	simm.s32 $_size_execute0_lowered;
	s3 =	sadd.s32 s3, s5;
	[dreg:$0x0] =	wrdreg $0x0  }
0xb7: {  	s5 =	sshll.u32 s28, $0x1;
	[dreg:$0x2] =	wrdreg s3  }
0xb8: {  	[dreg:$0x3] =	wrdreg s5  }
0xb9: {  	[dreg:$0x4] =	wrdreg $0xC0  }
0xba: {  	_ =	task [dreg:s22], $0x5FFFF  }
0xbb: {  	[dreg:$0x1] =	wrdreg $0xFFFFFFFF  }
0xbc: {  	[dreg:$0x0] =	wrdreg $0x60  }
0xbd: {  	[dreg:$0x2] =	wrdreg s24  }
0xbe: {  	[dreg:$0x3] =	wrdreg $0x9  }
0xbf: {  	_ =	task.clear_ibuf [dreg:s22], $0x4FFFF;
	_ =	strace $0x9000006E  }
0xc0: {  	s29 =	simm.s32 $0x9;
	_ =	strace $0x80000077  }
0xc1: {  	_ =	swait.ge [sflag:s29], $0x1  }
0xc2: {  	[sflag:s29] =	ssyncadd.s32 $0xFFFFFFFF  }
0xc3: {  	_ =	strace $0x90000077  }
0xc4: {  	_ =	sfence  }
0xc5: {  	s30 =	sld [smem:$0x0];
	_ =	sdelay $0x2  }
0xc6: {  	s31 =	sshll.u32 s1, $0xD;
	s1 =	sshrl.u32 s1, $0x2  }
0xc7: {  	s4 =	sand.u32 $0x4000, s31;
	s1 =	sadd.s32 s1, s30  }
0xc8: {  	s0 =	sor.u32 s4, s0;
	s1 =	sshll.u32 s1, $0x11  }
0xc9: {  	s0 =	sor.u32 s1, s0  }
0xca: {  	s0 =	sadd.s32 $0x8F2B, s0  }
0xcb: {  	[sflag:s0] =	ssyncadd.remote.s32 $0x1  }
0xcc: {  	_ =	sfence.sel $0xFFFF  }
0xcd: {  	[dreg:$0x0] =	wrdreg $0xFFFFFFFF;
	(pc) =	sbr.abs _section_cstart, $3  }
0xce: {  	[dreg:$0x1] =	wrdreg $0xFFFFFFFF  }
0xcf: {  	_ =	task.clear_ibuf [dreg:s22], $0x2FFFF;
	_ =	strace $0x9FFFFFFF  }
0xd0: {  	(tm) =	ssettm $0x7FFFFFFF  }
0xd1: {  	_ =	shalt  }
tec
execute0_lowered:
.L_overlay_start_1:
0x0: {  	(tag) =	ssettag $0x1  }
0x1: {  	s3 =	rddreg [dreg:$0x0]  }
0x2: {  	s0 =	rddreg [dreg:$0x1];
	s1 =	simm.s32 $0x0;
	s2 =	srdreg.scid  }
0x3: {  	s31 =	simm.s32 $0x80;
	s9 =	simm.s32 $0x4;
	s10 =	simm.s32 $0x0  }
0x4: {  	[smem:$0x7FF] =	sst s1;
	s4 =	sand.u32 $0x1, s2;
	s5 =	sadd.s32 $0x2AA00, s3  }
0x5: {  	s2 =	stileid.u32;
	s29 =	sadd.s32 $0x2EA00, s3;
	s3 =	sadd.s32 $0x25A00, s3  }
0x6: {  	_ =	strace $0x8000006F;
	s6 =	sshll.u32 s4, $0x4;
	[dreg:$0x2] =	wrdreg s5  }
0x7: {  	s4 =	ssub.s32 $0x2, s4;
	[dreg:$0x4] =	wrdreg s29;
	s28 =	sor.u32 s2, s6  }
0x8: {  	[dreg:$0x3] =	wrdreg s31;
	s7 =	sshrl.u32 s4, $0x1;
	s8 =	smul.u32 $0x280, s28  }
0x9: {  	s30 =	ssub.s32 s4, s7;
	s4 =	smul.u32 $0x28, s28;
	s7 =	simm.s32 $0x1  }
0xa: {  	s6 =	smax.u32 s30, $0x1;
	s5 =	sadd.s32 s3, s8;
	s8 =	simm.s32 $0x5  }
.LBB2_1:
0xb: {  	_ =	strace $0x80000070;
	s11 =	simm.s32 $0x1;
	p0 =	por $0x0, $0x0  }
0xc: {  	[tilespmem:s1], [sflag:$0x1] =	stream.linear.gather [hbm4b:s5+s1], $0x80, $0x200038;
	[tilespmem:$0x4100] =	vst v63  }
0xd: {  	s11 =	simm.s32 @p0 $0x0  }
0xe: {  	p4 =	por $0x1, $0x1;
	s20 =	sand.u32 $0x1, s1;
	p1 =	sne.s32 s11, $0x0  }
0xf: {  	p2 =	por $0x1, $0x1;
	s18 =	simm.s32 $0x26;
	p0 =	por !p4, !p1  }
0x10: {  	s16 =	simm.s32 $0x0;
	p5 =	por $0x0, $0x0;
	p0 =	por !p0, !p0  }
0x11: {  	s23 =	sadd.s32 $0x0, s4;
	s30 =	sadd.s32 $0x1, s20;
	s12 =	sadd.s32 @p0 s4, s11  }
0x12: {  	_ =	strace $0x90000070;
	s13 =	sand.u32 @p0 $0x1, s7;
	s12 =	sshll.u32 @p0 s12, $0x4  }
0x13: {  	_ =	strace @p0 $0x80000071;
	s15 =	simm.s32 @p0 $0x0;
	s12 =	sand.u32 @p0 $0x1FFFFFF0, s12  }
0x14: {  	s14 =	sshll.u32 @p0 s13, $0x7;
	s13 =	sadd.s32 @p0 $0x1, s13;
	s12 =	sadd.s32 @p0 s3, s12  }
0x15: {  	[tilespmem:s14], [sflag:s13] =	stream.linear.gather @p0 [hbm4b:s12+s15], $0x80, $0x200038;
	[tilespmem:$0x4100] =	vst v63  }
0x16: {  	p3 =	por p2, p2;
	s21 =	sshll.u32 s20, $0xD;
	_ =	strace @p0 $0x90000071  }
0x17: {  	s16 =	sand.u32 $0x80, s16;
	p2 =	por p5, p5;
	_ =	strace $0x80000072  }
0x18: {  	s17 =	sadd.s32 $0x1, s11;
	s22 =	sor.u32 $0x100, s21;
	_ =	swait.ge [sflag:s30], $0x80  }
0x19: {  	s21 =	simm.s32 $0x1;
	p6 =	por p1, p1;
	[sflag:s30] =	ssyncset.done $0x0  }
0x1a: {  	p1 =	por p3, p3;
	p4 =	por $0x1, $0x1;
	[sflag:s30] =	ssyncadd.s32 $0xFFFFFF80  }
0x1b: {  	s12 =	simm.s32 $0x27;
	s15 =	sand.u32 @!p3 $0x1, s1;
	_ =	strace $0x90000072  }
0x1c: {  	s13 =	simm.s32 $0x1;
	p3 =	seq.s32 s17, $0x28;
	_ =	strace $0x80000073  }
0x1d: {  	s13 =	simm.s32 @!p0 $0x0;
	s17 =	simm.s32 @p3 $0x0;
	s19 =	rddreg [dreg:$0x3]  }
0x1e: {  	p0 =	por $0x0, $0x0;
	s14 =	sadd.s32 $0x1, s13;
	s31 =	rddreg [dreg:$0x2]  }
0x1f: {  	[tilespmem:s22], [sflag:$0x5] =	stream.indirect.gather [hbm4b:s31+s19], $0x40, s16, s19, $0x2000b8;
	[tilespmem:$0x4100] =	vst v63  }
0x20: {  	p3 =	sne.s32 s11, s17;
	s21 =	simm.s32 @!p0 $0x0;
	_ =	swait.ge [sflag:s8], $0x2000  }
0x21: {  	p5 =	por !p4, !p3;
	p4 =	por $0x0, $0x0;
	[sflag:s8] =	ssyncset.done $0x0  }
0x22: {  	s13 =	simm.s32 $0x0;
	p6 =	por p4, p6;
	[sflag:s8] =	ssyncadd.s32 $0xFFFFE000  }
0x23: {  	s16 =	simm.s32 $0x0;
	s19 =	simm.s32 $0x0;
	_ =	strace $0x90000073  }
.LBB2_2:
0x24: {  	_ =	strace @p6 $0x80000074;
	s13 =	sadd.s32 s21, s13;
	s21 =	smov.u32 s12  }
0x25: {  	s12 =	smov.u32 s18;
	s18 =	sadd.s32 $0xFFFFFFFF, s18;
	p0 =	por p3, p3  }
0x26: {  	s28 =	sshll.u32 @p6 s23, $0xA;
	s20 =	sadd.s32 @p6 $0x3, s20;
	s24 =	simm.s32 @!p0 $0x0  }
0x27: {  	s25 =	rddreg [dreg:$0x4];
	s28 =	sand.u32 @p6 $0x1FFFFC00, s28;
	s24 =	simm.s32 @p0 $0x1  }
0x28: {  	s25 =	sadd.s32 @p6 s25, s28;
	s28 =	simm.s32 @p6 $0x0;
	p0 =	sne.s32 s18, $0x0  }
0x29: {  	[hbm4b:s25+s28] =	stream.linear.scatter @p6 [tilespmem:s22], [sflag:s20], $0x2000, $0x200038;
	[tilespmem:$0x4100] =	vst v63  }
0x2a: {  	s20 =	sadd.s32 @!p1 $0x3, s15;
	s15 =	simm.s32 @!p0 $0x0  }
0x2b: {  	s26 =	simm.s32 $0x1;
	[smem:$0x7FC] =	sst s24;
	s15 =	simm.s32 @p0 $0x1  }
0x2c: {  	s26 =	simm.s32 @!p6 $0x0;
	_ =	strace @p6 $0x90000074;
	[smem:$0x7FD] =	sst s15  }
0x2d: {  	p5 =	por !p5, !p5;
	s19 =	sadd.s32 s26, s19;
	_ =	strace @!p1 $0x80000075  }
0x2e: {  	s24 =	sand.u32 @!p2 $0x1, s13;
	s22 =	sand.u32 @p5 $0x1, s14;
	_ =	swait.ge @!p1 [sflag:s20], $0x2000  }
0x2f: {  	s15 =	smov.u32 s24;
	s24 =	sadd.s32 @p5 s4, s17;
	[sflag:s20] =	ssyncset.done @!p1 $0x0  }
0x30: {  	s25 =	sshll.u32 @p5 s22, $0x7;
	s24 =	sshll.u32 @p5 s24, $0x4;
	[sflag:s20] =	ssyncadd.s32 @!p1 $0xFFFFE000  }
0x31: {  	s20 =	sadd.s32 @p5 $0x1, s22;
	s22 =	sand.u32 @p5 $0x1FFFFFF0, s24;
	_ =	strace @!p1 $0x90000075  }
0x32: {  	s24 =	simm.s32 @p5 $0x0;
	s22 =	sadd.s32 @p5 s3, s22;
	_ =	strace @p5 $0x80000071  }
0x33: {  	[tilespmem:s25], [sflag:s20] =	stream.linear.gather @p5 [hbm4b:s22+s24], $0x80, $0x200038;
	[tilespmem:$0x4100] =	vst v63  }
0x34: {  	s16 =	sadd.s32 s26, s16;
	s26 =	sand.u32 $0x1, s19;
	_ =	strace @p5 $0x90000071  }
0x35: {  	s24 =	sadd.s32 $0x1, s26;
	_ =	strace $0x80000072  }
0x36: {  	_ =	swait.ge [sflag:s24], $0x80  }
0x37: {  	[sflag:s24] =	ssyncset.done $0x0  }
0x38: {  	s20 =	simm.s32 $0x1;
	[sflag:s24] =	ssyncadd.s32 $0xFFFFFF80  }
0x39: {  	s20 =	simm.s32 @!p5 $0x0;
	_ =	strace $0x90000072  }
0x3a: {  	s14 =	sadd.s32 s20, s14;
	s20 =	sand.u32 $0x1, s16;
	_ =	strace $0x80000073  }
0x3b: {  	s29 =	sshll.u32 s19, $0x7;
	s25 =	sshll.u32 s20, $0xD;
	s26 =	rddreg [dreg:$0x3]  }
0x3c: {  	s29 =	sand.u32 $0x80, s29;
	s22 =	sor.u32 $0x100, s25;
	s30 =	rddreg [dreg:$0x2]  }
0x3d: {  	[tilespmem:s22], [sflag:$0x5] =	stream.indirect.gather [hbm4b:s30+s26], $0x40, s29, s26, $0x2000b8;
	[tilespmem:$0x4100] =	vst v63  }
0x3e: {  	_ =	swait.ge [sflag:s8], $0x2000  }
0x3f: {  	s31 =	sadd.s32 $0x1, s17;
	[sflag:s8] =	ssyncset.done $0x0  }
0x40: {  	s23 =	sadd.s32 s4, s11;
	s11 =	smov.u32 s17;
	[sflag:s8] =	ssyncadd.s32 $0xFFFFE000  }
0x41: {  	p3 =	seq.s32 s31, $0x28;
	s17 =	smov.u32 s31;
	_ =	strace $0x90000073  }
0x42: {  	s17 =	simm.s32 @p3 $0x0;
	s31 =	sld [smem:$0x7FD]  }
0x43: {  	p6 =	sne.s32 s12, $0x1;
	p0 =	sne.s32 s21, $0x28;
	p3 =	sne.s32 s11, s17  }
0x44: {  	p5 =	por !p6, !p3;
	p6 =	seq.s32 s21, $0x1;
	s21 =	simm.s32 $0x1  }
0x45: {  	s21 =	simm.s32 @!p0 $0x0;
	p0 =	seq.s32 s31, $0x1  }
.Ltmp0:
0x46: {  	s30 =	sld [smem:$0x7FC];
	(pc) =	sbr.rel @p0 .LBB2_2-.Ltmp0, $4  }
0x47: {  	_ = 	snop  }
0x48: {  	p4 =	seq.s32 s12, $0x28  }
0x49: {  	p1 =	por p2, p2;
	p2 =	por p4, p4;
	p4 =	seq.s32 s30, $0x1  }
0x4a: {  	p6 =	por p6, p4  }
0x4b: {  	_ =	strace @p6 $0x80000074;
	s23 =	sshll.u32 @p6 s23, $0xA  }
0x4c: {  	s18 =	rddreg [dreg:$0x4];
	s23 =	sand.u32 @p6 $0x1FFFFC00, s23  }
0x4d: {  	s20 =	sadd.s32 @p6 $0x3, s20;
	s18 =	sadd.s32 @p6 s18, s23;
	s23 =	simm.s32 @p6 $0x0  }
0x4e: {  	[hbm4b:s18+s23] =	stream.linear.scatter @p6 [tilespmem:s22], [sflag:s20], $0x2000, $0x200038;
	[tilespmem:$0x4100] =	vst v63  }
0x4f: {  	p0 =	por !p5, !p5;
	_ =	strace @p6 $0x90000074  }
0x50: {  	s15 =	sadd.s32 @!p1 $0x3, s15;
	s17 =	sadd.s32 @p0 s4, s17;
	_ =	strace @!p1 $0x80000075  }
0x51: {  	s14 =	sand.u32 @p0 $0x1, s14;
	s17 =	sshll.u32 @p0 s17, $0x4;
	_ =	swait.ge @!p1 [sflag:s15], $0x2000  }
0x52: {  	s18 =	simm.s32 $0x1;
	s20 =	sshll.u32 @p0 s14, $0x7;
	[sflag:s15] =	ssyncset.done @!p1 $0x0  }
0x53: {  	s14 =	sadd.s32 @p0 $0x1, s14;
	s18 =	simm.s32 @!p6 $0x0;
	[sflag:s15] =	ssyncadd.s32 @!p1 $0xFFFFE000  }
0x54: {  	s19 =	sadd.s32 s18, s19;
	s15 =	sand.u32 @p0 $0x1FFFFFF0, s17;
	_ =	strace @!p1 $0x90000075  }
0x55: {  	s17 =	simm.s32 @p0 $0x0;
	s15 =	sadd.s32 @p0 s3, s15;
	_ =	strace @p0 $0x80000071  }
0x56: {  	[tilespmem:s20], [sflag:s14] =	stream.linear.gather @p0 [hbm4b:s15+s17], $0x80, $0x200038;
	[tilespmem:$0x4100] =	vst v63  }
0x57: {  	s25 =	sand.u32 $0x1, s19;
	_ =	strace @p0 $0x90000071  }
0x58: {  	s14 =	sadd.s32 $0x1, s25;
	_ =	strace $0x80000072  }
0x59: {  	_ =	swait.ge [sflag:s14], $0x80  }
0x5a: {  	[sflag:s14] =	ssyncset.done $0x0  }
0x5b: {  	[sflag:s14] =	ssyncadd.s32 $0xFFFFFF80  }
0x5c: {  	s26 =	sadd.s32 s18, s16;
	_ =	strace $0x90000072  }
0x5d: {  	s14 =	sand.u32 $0x1, s26;
	_ =	strace $0x80000073  }
0x5e: {  	s30 =	sshll.u32 s19, $0x7;
	s31 =	sshll.u32 s14, $0xD;
	s28 =	rddreg [dreg:$0x3]  }
0x5f: {  	s17 =	sand.u32 $0x80, s30;
	s18 =	sor.u32 $0x100, s31;
	s29 =	rddreg [dreg:$0x2]  }
0x60: {  	[tilespmem:s18], [sflag:$0x5] =	stream.indirect.gather [hbm4b:s29+s28], $0x40, s17, s28, $0x2000b8;
	[tilespmem:$0x4100] =	vst v63  }
0x61: {  	_ =	swait.ge [sflag:s8], $0x2000  }
0x62: {  	[sflag:s8] =	ssyncset.done $0x0  }
0x63: {  	p5 =	por p3, p3;
	p6 =	seq.s32 s12, $0x1;
	[sflag:s8] =	ssyncadd.s32 $0xFFFFE000  }
0x64: {  	s11 =	sadd.s32 s4, s11;
	p0 =	por p6, p5;
	_ =	strace $0x90000073  }
0x65: {  	s11 =	sshll.u32 @p0 s11, $0xA;
	_ =	strace @p0 $0x80000074  }
0x66: {  	s13 =	sadd.s32 s21, s13;
	s11 =	sand.u32 @p0 $0x1FFFFC00, s11;
	s12 =	rddreg [dreg:$0x4]  }
0x67: {  	s14 =	sadd.s32 @p0 $0x3, s14;
	s11 =	sadd.s32 @p0 s12, s11;
	s12 =	simm.s32 @p0 $0x0  }
0x68: {  	[hbm4b:s11+s12] =	stream.linear.scatter @p0 [tilespmem:s18], [sflag:s14], $0x2000, $0x200038;
	[tilespmem:$0x4100] =	vst v63  }
0x69: {  	p1 =	por p2, p2;
	s11 =	sand.u32 @!p2 $0x1, s13;
	_ =	strace @p0 $0x90000074  }
0x6a: {  	s11 =	sadd.s32 @!p1 $0x3, s11;
	_ =	strace @!p1 $0x80000075  }
0x6b: {  	_ =	swait.ge @!p1 [sflag:s11], $0x2000  }
0x6c: {  	[sflag:s11] =	ssyncset.done @!p1 $0x0  }
0x6d: {  	s10 =	sadd.s32 $0x1, s10;
	[sflag:s11] =	ssyncadd.s32 @!p1 $0xFFFFE000  }
0x6e: {  	p0 =	sne.s32 s10, s6;
	_ =	strace @!p1 $0x90000075  }
.Ltmp1:
0x6f: {  	_ =	strace $0x80000076;
	(pc) =	sbr.rel @p0 .LBB2_1-.Ltmp1, $4  }
0x70: {  	_ =	swait.ge [sflag:s9], $0x2000  }
0x71: {  	[sflag:s9] =	ssyncset.done $0x0  }
0x72: {  	[sflag:s9] =	ssyncadd.s32 $0xFFFFE000  }
0x73: {  	_ =	strace $0x90000076  }
0x74: {  	_ =	sfence.sel $0x180000  }
0x75: {  	[bflag:$0x0] =	sbarrier.arrive $0xFFFF  }
0x76: {  	p0 =	sne.s32 s2, $0x0;
	_ =	strace $0x9000006F  }
0x77: {  	s0 =	sadd.s32 @!p0 $0x100000, s0;
	[bflag:$0x2] =	sbarrier.arrive $0xFFFF  }
0x78: {  	[sflag:s0] =	ssyncadd.tile.s32 @!p0 $0x1;
	_ =	shalt  }
.Lfunc_end2:
_tile_overlayer_lowered:
.L_overlay_start_2:
0x79: {  	(tag) =	ssettag $0x2  }
0x7a: {  	s0 =	rddreg [dreg:$0x0];
	s2 =	stileid.u32  }
0x7b: {  	s1 =	rddreg [dreg:$0x1];
	p0 =	sne.s32 s2, $0x0  }
0x7c: {  	s3 =	rddreg [dreg:$0x2];
	[bflag:$0x3] =	sbarrier.arrive $0xFFFF;
	s2 =	simm.s32 @!p0 $0x1C01  }
0x7d: {  	[timem:s3], [sflag:s2] =	dma.local @!p0 [hbm:s0], s1  }
0x7e: {  	s0 =	simm.s32 @!p0 $0x1  }
0x7f: {  	_ =	swait.ge @!p0 [sflag:s0], s1  }
0x80: {  	s1 =	ssub.s32 @!p0 $0x0, s1;
	[sflag:s0] =	ssyncset.done @!p0 $0x0  }
0x81: {  	[sflag:s0] =	ssyncadd.s32 @!p0 s1  }
0x82: {  	[bflag:$0x3] =	sbarrier.arrive $0xFFFF  }
0x83: {  	_ =	shalt  }

// kernel: kernel.36.cloned.1.call-start
scs
__scs_entry_jumppad:
0x0: {  	(pc) =	sbr.rel $0x88, $3  }
0x1: {  	(tag) =	ssettag $0x0;
	lr =	simm.s32 $0x1  }
0x2: {  	[smem:$0x3F7F] =	sst lr;
	_ =	strace $0xD0000000  }
0x3: {  	_ = 	snop  }
0x4: {  	_ = 	snop  }
0x5: {  	_ = 	snop  }
0x6: {  	_ = 	snop  }
0x7: {  	_ = 	snop  }
__scs_overlays_trampoline_lowered:
0x8: {  	[smem:$0x3F8E] =	sst s0  }
0x9: {  	[smem:$0x3F8F] =	sst s1  }
0xa: {  	[smem:$0x3F90] =	sst s2  }
0xb: {  	[smem:$0x3F91] =	sst s3  }
0xc: {  	[smem:$0x3F92] =	sst s4  }
0xd: {  	[smem:$0x3F93] =	sst s5  }
0xe: {  	[smem:$0x3F94] =	sst s6  }
0xf: {  	[smem:$0x3F95] =	sst s7  }
0x10: {  	[smem:$0x3F96] =	sst s8  }
0x11: {  	[smem:$0x3F97] =	sst s9;
	s0 =	simm.s32 @!p0 $0x0  }
0x12: {  	s1 =	sld [smem:$0x3F7D];
	s0 =	simm.s32 @p0 $0x1  }
0x13: {  	[smem:$0x3F98] =	sst s0;
	s0 =	simm.s32 @!p1 $0x0  }
0x14: {  	s2 =	sld [smem:$0x3F7C];
	s0 =	simm.s32 @p1 $0x1  }
0x15: {  	[smem:$0x3F99] =	sst s0;
	s0 =	simm.s32 @!p2 $0x0  }
0x16: {  	s3 =	sld [smem:$0x3FDB];
	s0 =	simm.s32 @p2 $0x1  }
0x17: {  	s4 =	simm.s32 $0x1BF5;
	[smem:$0x3F9B] =	sst s0  }
0x18: {  	s0 =	sld [smem:$0x3F7E];
	_ =	swait.ge [sflag:s4], $0x0  }
0x19: {  	s7 =	sld [smem:$0x3F7F]  }
0x1a: {  	s8 =	sadd.s32 $0xFFFFE003, lr  }
0x1b: {  	s9 =	sadd.s32 $0xFFFFFEF7, lr;
	s5 =	simm.s32 $0xFFFFFFFF;
	p2 =	slt.u32 s8, $0xFFFFF086  }
0x1c: {  	p1 =	slt.u32 s9, $0xF7A;
	s5 =	simm.s32 @!p2 $0x0  }
0x1d: {  	s5 =	simm.s32 @p1 $0x1;
	p0 =	seq.s32 s7, s2  }
0x1e: {  	s7 =	smul.u32 @!p0 $0xF7A, s2;
	p2 =	seq.s32 @!p0 s5, $0x0  }
0x1f: {  	s9 =	smul.u32 $0xF7A, s1;
	s8 =	simm.s32 @!p0 $0x1BF5;
	p2 =	por !p2, p0  }
0x20: {  	[sflag:s8] =	ssyncset.s32 @!p0 $0xFFFFF086;
	s6 =	sadd.s32 @!p0 s3, s7;
	s7 =	simm.s32 @!p0 $0x108  }
0x21: {  	s3 =	sadd.s32 s3, s9;
	s6 =	sadd.s32 @!p0 $0x88, s6;
	s7 =	simm.s32 @p2 $0x1082  }
0x22: {  	[simem:s7], [sflag:s8] =	dma.local @!p0 [hbm:s6], $0xF7A  }
0x23: {  	s9 =	sor.u32 $0xD0000000, s2;
	s6 =	simm.s32 $0x108;
	_ =	swait.ge @!p0 [sflag:s8], $0x0  }
0x24: {  	s3 =	sadd.s32 $0x88, s3;
	s6 =	simm.s32 @!p1 $0x1082;
	[sflag:s4] =	ssyncset.s32 $0xFFFFF086  }
0x25: {  	[simem:s6], [sflag:s4] =	dma.local [hbm:s3], $0xF7A  }
0x26: {  	[smem:$0x3F7F] =	sst s1;
	(tag) =	ssettag s2;
	_ =	strace s9  }
0x27: {  	s1 =	sld [smem:$0x3F8F]  }
0x28: {  	s2 =	sld [smem:$0x3F90]  }
0x29: {  	s4 =	sld [smem:$0x3F92]  }
0x2a: {  	p0 =	seq.s32 s5, $0x0;
	s5 =	sld [smem:$0x3F93]  }
0x2b: {  	s6 =	sld [smem:$0x3F94]  }
0x2c: {  	s7 =	sld [smem:$0x3F95]  }
0x2d: {  	s3 =	simm.s32 $0x108;
	s8 =	sld [smem:$0x3F96]  }
0x2e: {  	s3 =	simm.s32 @!p0 $0x1082;
	s9 =	sld [smem:$0x3F97]  }
0x2f: {  	lr =	sadd.s32 s0, s3;
	s0 =	sld [smem:$0x3F8E]  }
0x30: {  	s3 =	sld [smem:$0x3F91]  }
0x31: {  	[smem:$0x3F9A] =	sst s10  }
0x32: {  	s10 =	sld [smem:$0x3F98];
	_ =	sdelay $0x3  }
0x33: {  	p0 =	seq.s32 s10, $0x1;
	s10 =	sld [smem:$0x3F9A];
	_ =	sdelay $0x3  }
0x34: {  	[smem:$0x3F9A] =	sst s10  }
0x35: {  	s10 =	sld [smem:$0x3F99];
	_ =	sdelay $0x3  }
0x36: {  	p1 =	seq.s32 s10, $0x1;
	s10 =	sld [smem:$0x3F9A];
	_ =	sdelay $0x3  }
0x37: {  	[smem:$0x3F9A] =	sst s10  }
0x38: {  	s10 =	sld [smem:$0x3F9B]  }
0x39: {  	_ = 	snop;
	(pc) =	sbr.ind lr, $3  }
0x3a: {  	_ = 	snop  }
0x3b: {  	_ = 	snop  }
0x3c: {  	p2 =	seq.s32 s10, $0x1;
	s10 =	sld [smem:$0x3F9A]  }
0x3d: {  	_ =	shalt  }
0x3e: {  	_ =	shalt  }
0x3f: {  	_ =	shalt  }
0x40: {  	_ =	shalt  }
0x41: {  	_ =	shalt  }
0x42: {  	_ =	shalt  }
0x43: {  	_ =	shalt  }
0x44: {  	_ =	shalt  }
0x45: {  	_ =	shalt  }
0x46: {  	_ =	shalt  }
0x47: {  	_ =	shalt  }
0x48: {  	_ =	shalt  }
0x49: {  	_ =	shalt  }
0x4a: {  	_ =	shalt  }
0x4b: {  	_ =	shalt  }
0x4c: {  	_ =	shalt  }
0x4d: {  	_ =	shalt  }
0x4e: {  	_ =	shalt  }
0x4f: {  	_ =	shalt  }
0x50: {  	_ =	shalt  }
0x51: {  	_ =	shalt  }
0x52: {  	_ =	shalt  }
0x53: {  	_ =	shalt  }
0x54: {  	_ =	shalt  }
0x55: {  	_ =	shalt  }
0x56: {  	_ =	shalt  }
0x57: {  	_ =	shalt  }
0x58: {  	_ =	shalt  }
0x59: {  	_ =	shalt  }
0x5a: {  	_ =	shalt  }
0x5b: {  	_ =	shalt  }
0x5c: {  	_ =	shalt  }
0x5d: {  	_ =	shalt  }
0x5e: {  	_ =	shalt  }
0x5f: {  	_ =	shalt  }
0x60: {  	_ =	shalt  }
0x61: {  	_ =	shalt  }
0x62: {  	_ =	shalt  }
0x63: {  	_ =	shalt  }
0x64: {  	_ =	shalt  }
0x65: {  	_ =	shalt  }
0x66: {  	_ =	shalt  }
0x67: {  	_ =	shalt  }
0x68: {  	_ =	shalt  }
0x69: {  	_ =	shalt  }
0x6a: {  	_ =	shalt  }
0x6b: {  	_ =	shalt  }
0x6c: {  	_ =	shalt  }
0x6d: {  	_ =	shalt  }
0x6e: {  	_ =	shalt  }
0x6f: {  	_ =	shalt  }
0x70: {  	_ =	shalt  }
0x71: {  	_ =	shalt  }
0x72: {  	_ =	shalt  }
0x73: {  	_ =	shalt  }
0x74: {  	_ =	shalt  }
0x75: {  	_ =	shalt  }
0x76: {  	_ =	shalt  }
0x77: {  	_ =	shalt  }
0x78: {  	_ =	shalt  }
0x79: {  	_ =	shalt  }
0x7a: {  	_ =	shalt  }
0x7b: {  	_ =	shalt  }
0x7c: {  	_ =	shalt  }
0x7d: {  	_ =	shalt  }
0x7e: {  	_ =	shalt  }
0x7f: {  	_ =	shalt  }
0x80: {  	_ =	shalt  }
0x81: {  	_ =	shalt  }
0x82: {  	_ =	shalt  }
0x83: {  	_ =	shalt  }
0x84: {  	_ =	shalt  }
0x85: {  	_ =	shalt  }
0x86: {  	_ =	shalt  }
0x87: {  	_ =	shalt  }
.Lfunc_end0:
.L_simem_size_0:
called_computation.3_lowered:
.L_overlay_start_0:
0x88: {  	s2 =	sld [smem:$0x3FD9]  }
0x89: {  	s3 =	sld [smem:$0x3FFE];
	_ =	sdelay $0x1  }
0x8a: {  	s1 =	srdreg.scid  }
0x8b: {  	s0 =	sand.u32 $0x1, s1  }
0x8c: {  	s15 =	sshll.u32 s0, $0xA;
	s2 =	sadd.s32 s3, s2  }
0x8d: {  	s2 =	sadd.s32 s2, s15  }
0x8e: {  	[smem:$0x3FA6] =	sst s2  }
0x8f: {  	_ = 	snop  }
0x90: {  	s2 =	sld [smem:$0x3FD0];
	_ =	sdelay $0x2  }
0x91: {  	s4 =	simm.s32 $0xB;
	s16 =	simm.s32 $0x10  }
0x92: {  	[smem:s16], [sflag:s4] =	dma.local [hbm:s2], $0x1  }
0x93: {  	_ =	swait.eq [sflag:s4], $0x1  }
0x94: {  	[sflag:s4] =	ssyncset.done $0x0  }
0x95: {  	s17 =	sld [smem:$0x10];
	[sflag:s4] =	ssyncadd.s32 $0xFFFFFFFF  }
0x96: {  	s18 =	sld [smem:$0x11];
	(tm) =	ssettm $0x1  }
0x97: {  	s19 =	sld [smem:$0x3FFB];
	_ =	sdelay $0x3  }
0x98: {  	_ =	strace s19  }
0x99: {  	s2 =	sld [smem:$0x3FFC];
	_ =	sdelay $0x3  }
0x9a: {  	_ =	strace s2  }
0x9b: {  	s2 =	sld [smem:$0x3FFD];
	_ =	sdelay $0x3  }
0x9c: {  	_ =	strace s2  }
0x9d: {  	_ =	strace $0x8FFFFFFF  }
0x9e: {  	s20 =	sld [smem:$0x3FDB];
	_ =	sdelay $0x1  }
0x9f: {  	s5 =	simm.s32 $_scs_section_size  }
0xa0: {  	s6 =	simm.s32 $_size__tile_overlayer_lowered;
	s7 =	simm.s32 $_tile_overlayer_lowered  }
0xa1: {  	s8 =	simm.s32 $0x1BFF;
	s21 =	sshll.u32 s7, $0x1;
	s5 =	sadd.s32 s5, s20  }
0xa2: {  	s22 =	simm.s32 $0x0;
	s6 =	sshll.u32 s6, $0x1;
	s7 =	sadd.s32 s21, s5  }
0xa3: {  	[timem:s22], [sflag:s8] =	dma.local [hbm:s7], s6  }
0xa4: {  	_ =	swait.ge [sflag:s8], s6  }
0xa5: {  	s6 =	ssub.s32 $0x0, s6;
	[sflag:s8] =	ssyncset.done $0x0  }
0xa6: {  	[sflag:s8] =	ssyncadd.s32 s6;
	_ =	sdelay $0x1  }
0xa7: {  	s23 =	simm.s32 $0x1B8B  }
0xa8: {  	_ =	swait.ge [sflag:s23], $0x1  }
0xa9: {  	[sflag:s23] =	ssyncset.done $0x0  }
0xaa: {  	[sflag:s23] =	ssyncadd.s32 $0xFFFFFFFF  }
0xab: {  	s6 =	sld [smem:$0x0]  }
0xac: {  	s7 =	sand.u32 $0xFFFFFFFE, s1  }
0xad: {  	p0 =	sne.s32 s1, s7  }
0xae: {  	s7 =	sshll.u32 @p0 s7, $0xE  }
0xaf: {  	s7 =	sadd.s32 @p0 $0x11B8D, s7;
	s8 =	sshll.u32 @p0 s6, $0x11  }
0xb0: {  	s7 =	sor.u32 @p0 s8, s7  }
0xb1: {  	[sflag:s7] =	ssyncadd.remote.s32 @p0 $0x1;
	_ =	sdelay $0x1  }
0xb2: {  	s7 =	simm.s32 @p0 $0x1B8D  }
0xb3: {  	_ =	swait.eq @p0 [sflag:s7], $0x1  }
0xb4: {  	[sflag:s7] =	ssyncadd.s32 @p0 $0xFFFFFFFF  }
0xb5: {  	s8 =	sshll.u32 @!p0 s1, $0xE  }
0xb6: {  	s8 =	sor.u32 @!p0 $0x4000, s8;
	s7 =	simm.s32 @!p0 $0x1B8D  }
0xb7: {  	s6 =	sshll.u32 @!p0 s6, $0x11;
	s8 =	sadd.s32 @!p0 $0x11B8D, s8;
	_ =	swait.eq @!p0 [sflag:s7], $0x1  }
0xb8: {  	s6 =	sor.u32 @!p0 s6, s8;
	[sflag:s7] =	ssyncadd.s32 @!p0 $0xFFFFFFFF  }
0xb9: {  	s25 =	simm.s32 $0x1B8E;
	s24 =	sld [smem:$0x3FFE];
	[sflag:s6] =	ssyncadd.remote.s32 @!p0 $0x1  }
0xba: {  	s26 =	simm.s32 $execute0_lowered;
	[smem:$0x3FD2] =	sst s25  }
0xbb: {  	s7 =	sshll.u32 s26, $0x1;
	_ =	strace $0x80000050;
	[dreg:$0x1] =	wrdreg $0xFFFFFFFF  }
0xbc: {  	s28 =	simm.s32 $_size_execute0_lowered;
	s5 =	sadd.s32 s5, s7;
	[dreg:$0x0] =	wrdreg $0x0  }
0xbd: {  	s7 =	sshll.u32 s28, $0x1;
	[dreg:$0x2] =	wrdreg s5  }
0xbe: {  	[dreg:$0x3] =	wrdreg s7  }
0xbf: {  	[dreg:$0x4] =	wrdreg $0xC0  }
0xc0: {  	_ =	task [dreg:s22], $0x5FFFF  }
0xc1: {  	[dreg:$0x1] =	wrdreg $0xFFFFFFFF  }
0xc2: {  	[dreg:$0x0] =	wrdreg $0x60  }
0xc3: {  	[dreg:$0x2] =	wrdreg s18  }
0xc4: {  	[dreg:$0x3] =	wrdreg s17  }
0xc5: {  	[dreg:$0x4] =	wrdreg s24  }
0xc6: {  	[dreg:$0x5] =	wrdreg $0xA  }
0xc7: {  	_ =	task.clear_ibuf [dreg:s22], $0x6FFFF;
	_ =	strace $0x90000050  }
0xc8: {  	s29 =	simm.s32 $0xA;
	_ =	strace $0x80000059  }
0xc9: {  	_ =	swait.ge [sflag:s29], $0x1  }
0xca: {  	[sflag:s29] =	ssyncadd.s32 $0xFFFFFFFF  }
0xcb: {  	_ =	strace $0x90000059  }
0xcc: {  	_ =	sfence  }
0xcd: {  	s30 =	sld [smem:$0x0];
	_ =	sdelay $0x2  }
0xce: {  	s31 =	sshll.u32 s1, $0xD;
	s1 =	sshrl.u32 s1, $0x2  }
0xcf: {  	s4 =	sand.u32 $0x4000, s31;
	s1 =	sadd.s32 s1, s30  }
0xd0: {  	s0 =	sor.u32 s4, s0;
	s1 =	sshll.u32 s1, $0x11  }
0xd1: {  	s0 =	sor.u32 s1, s0  }
0xd2: {  	s0 =	sadd.s32 $0x8F2B, s0  }
0xd3: {  	[sflag:s0] =	ssyncadd.remote.s32 $0x1  }
0xd4: {  	_ =	sfence.sel $0xFFFF  }
0xd5: {  	[dreg:$0x0] =	wrdreg $0xFFFFFFFF;
	(pc) =	sbr.abs _section_cstart, $3  }
0xd6: {  	[dreg:$0x1] =	wrdreg $0xFFFFFFFF  }
0xd7: {  	_ =	task.clear_ibuf [dreg:s22], $0x2FFFF;
	_ =	strace $0x9FFFFFFF  }
0xd8: {  	(tm) =	ssettm $0x7FFFFFFF  }
0xd9: {  	_ =	shalt  }
tec
execute0_lowered:
.L_overlay_start_1:
0x0: {  	(tag) =	ssettag $0x1  }
0x1: {  	s0 =	rddreg [dreg:$0x0]  }
0x2: {  	s1 =	rddreg [dreg:$0x1]  }
0x3: {  	s4 =	rddreg [dreg:$0x2];
	s2 =	srdreg.scid  }
0x4: {  	s3 =	simm.s32 $0x0;
	s31 =	simm.s32 $0x80;
	[dreg:$0x4] =	wrdreg s0  }
0x5: {  	s9 =	simm.s32 $0x4;
	s10 =	simm.s32 $0x0;
	s0 =	rddreg [dreg:$0x3]  }
0x6: {  	s5 =	sand.u32 $0x1, s2;
	[smem:$0x7FF] =	sst s3;
	s2 =	stileid.u32  }
0x7: {  	s4 =	sadd.s32 $0x5EA00, s4;
	s6 =	sshll.u32 s5, $0x4;
	s5 =	ssub.s32 $0x2, s5  }
0x8: {  	_ =	strace $0x80000051;
	s6 =	sor.u32 s2, s6;
	s7 =	sshrl.u32 s5, $0x1  }
0x9: {  	[dreg:$0x6] =	wrdreg s4;
	s8 =	smul.u32 $0x280, s6;
	s7 =	ssub.s32 s5, s7  }
0xa: {  	[dreg:$0x5] =	wrdreg s31;
	s4 =	smul.u32 $0x28, s6;
	s6 =	smax.u32 s7, $0x1  }
0xb: {  	s7 =	simm.s32 $0x1;
	s5 =	sadd.s32 s1, s8;
	s8 =	simm.s32 $0x5  }
.LBB2_1:
0xc: {  	_ =	strace $0x80000052;
	s11 =	simm.s32 $0x1;
	p0 =	por $0x0, $0x0  }
0xd: {  	[tilespmem:s3], [sflag:$0x1] =	stream.linear.gather [hbm4b:s5+s3], $0x80, $0x200038;
	[tilespmem:$0x1100] =	vst v63  }
0xe: {  	s11 =	simm.s32 @p0 $0x0  }
0xf: {  	p4 =	por $0x1, $0x1;
	s20 =	sand.u32 $0x1, s3;
	p1 =	sne.s32 s11, $0x0  }
0x10: {  	p2 =	por $0x1, $0x1;
	s18 =	simm.s32 $0x26;
	p0 =	por !p4, !p1  }
0x11: {  	s16 =	simm.s32 $0x0;
	p5 =	por $0x0, $0x0;
	p0 =	por !p0, !p0  }
0x12: {  	s23 =	sadd.s32 $0x0, s4;
	s30 =	sadd.s32 $0x1, s20;
	s12 =	sadd.s32 @p0 s4, s11  }
0x13: {  	_ =	strace $0x90000052;
	s13 =	sand.u32 @p0 $0x1, s7;
	s12 =	sshll.u32 @p0 s12, $0x4  }
0x14: {  	_ =	strace @p0 $0x80000053;
	s15 =	simm.s32 @p0 $0x0;
	s12 =	sand.u32 @p0 $0x1FFFFFF0, s12  }
0x15: {  	s14 =	sshll.u32 @p0 s13, $0x7;
	s13 =	sadd.s32 @p0 $0x1, s13;
	s12 =	sadd.s32 @p0 s1, s12  }
0x16: {  	[tilespmem:s14], [sflag:s13] =	stream.linear.gather @p0 [hbm4b:s12+s15], $0x80, $0x200038;
	[tilespmem:$0x1100] =	vst v63  }
0x17: {  	p3 =	por p2, p2;
	s21 =	sshll.u32 s20, $0xB;
	_ =	strace @p0 $0x90000053  }
0x18: {  	s16 =	sand.u32 $0x80, s16;
	p2 =	por p5, p5;
	_ =	strace $0x80000054  }
0x19: {  	s17 =	sadd.s32 $0x1, s11;
	s22 =	sor.u32 $0x100, s21;
	_ =	swait.ge [sflag:s30], $0x80  }
0x1a: {  	s21 =	simm.s32 $0x1;
	p6 =	por p1, p1;
	[sflag:s30] =	ssyncset.done $0x0  }
0x1b: {  	p1 =	por p3, p3;
	p4 =	por $0x1, $0x1;
	[sflag:s30] =	ssyncadd.s32 $0xFFFFFF80  }
0x1c: {  	s12 =	simm.s32 $0x27;
	s15 =	sand.u32 @!p3 $0x1, s3;
	_ =	strace $0x90000054  }
0x1d: {  	s13 =	simm.s32 $0x1;
	p3 =	seq.s32 s17, $0x28;
	_ =	strace $0x80000055  }
0x1e: {  	s13 =	simm.s32 @!p0 $0x0;
	s17 =	simm.s32 @p3 $0x0;
	s19 =	rddreg [dreg:$0x5]  }
0x1f: {  	p0 =	por $0x0, $0x0;
	s14 =	sadd.s32 $0x1, s13;
	s31 =	rddreg [dreg:$0x4]  }
0x20: {  	[tilespmem:s22], [sflag:$0x5] =	stream.indirect.gather [hbm4b:s31+s19], $0x10, s16, s19, $0x2000b8;
	[tilespmem:$0x1100] =	vst v63  }
0x21: {  	p3 =	sne.s32 s11, s17;
	s21 =	simm.s32 @!p0 $0x0;
	_ =	swait.ge [sflag:s8], $0x800  }
0x22: {  	p5 =	por !p4, !p3;
	p4 =	por $0x0, $0x0;
	[sflag:s8] =	ssyncset.done $0x0  }
0x23: {  	s13 =	simm.s32 $0x0;
	p6 =	por p4, p6;
	[sflag:s8] =	ssyncadd.s32 $0xFFFFF800  }
0x24: {  	s16 =	simm.s32 $0x0;
	s19 =	simm.s32 $0x0;
	_ =	strace $0x90000055  }
.LBB2_2:
0x25: {  	_ =	strace @p6 $0x80000056;
	s13 =	sadd.s32 s21, s13;
	s21 =	smov.u32 s12  }
0x26: {  	s12 =	smov.u32 s18;
	s18 =	sadd.s32 $0xFFFFFFFF, s18;
	p0 =	por p3, p3  }
0x27: {  	s28 =	sshll.u32 @p6 s23, $0x8;
	s20 =	sadd.s32 @p6 $0x3, s20;
	s24 =	simm.s32 @!p0 $0x0  }
0x28: {  	s25 =	rddreg [dreg:$0x6];
	s28 =	sand.u32 @p6 $0x1FFFFF00, s28;
	s24 =	simm.s32 @p0 $0x1  }
0x29: {  	s25 =	sadd.s32 @p6 s25, s28;
	s28 =	simm.s32 @p6 $0x0;
	p0 =	sne.s32 s18, $0x0  }
0x2a: {  	[hbm4b:s25+s28] =	stream.linear.scatter @p6 [tilespmem:s22], [sflag:s20], $0x800, $0x200038;
	[tilespmem:$0x1100] =	vst v63  }
0x2b: {  	s20 =	sadd.s32 @!p1 $0x3, s15;
	s15 =	simm.s32 @!p0 $0x0  }
0x2c: {  	s26 =	simm.s32 $0x1;
	[smem:$0x7FC] =	sst s24;
	s15 =	simm.s32 @p0 $0x1  }
0x2d: {  	s26 =	simm.s32 @!p6 $0x0;
	_ =	strace @p6 $0x90000056;
	[smem:$0x7FD] =	sst s15  }
0x2e: {  	p5 =	por !p5, !p5;
	s19 =	sadd.s32 s26, s19;
	_ =	strace @!p1 $0x80000057  }
0x2f: {  	s24 =	sand.u32 @!p2 $0x1, s13;
	s22 =	sand.u32 @p5 $0x1, s14;
	_ =	swait.ge @!p1 [sflag:s20], $0x800  }
0x30: {  	s15 =	smov.u32 s24;
	s24 =	sadd.s32 @p5 s4, s17;
	[sflag:s20] =	ssyncset.done @!p1 $0x0  }
0x31: {  	s25 =	sshll.u32 @p5 s22, $0x7;
	s24 =	sshll.u32 @p5 s24, $0x4;
	[sflag:s20] =	ssyncadd.s32 @!p1 $0xFFFFF800  }
0x32: {  	s20 =	sadd.s32 @p5 $0x1, s22;
	s22 =	sand.u32 @p5 $0x1FFFFFF0, s24;
	_ =	strace @!p1 $0x90000057  }
0x33: {  	s24 =	simm.s32 @p5 $0x0;
	s22 =	sadd.s32 @p5 s1, s22;
	_ =	strace @p5 $0x80000053  }
0x34: {  	[tilespmem:s25], [sflag:s20] =	stream.linear.gather @p5 [hbm4b:s22+s24], $0x80, $0x200038;
	[tilespmem:$0x1100] =	vst v63  }
0x35: {  	s16 =	sadd.s32 s26, s16;
	s26 =	sand.u32 $0x1, s19;
	_ =	strace @p5 $0x90000053  }
0x36: {  	s24 =	sadd.s32 $0x1, s26;
	_ =	strace $0x80000054  }
0x37: {  	_ =	swait.ge [sflag:s24], $0x80  }
0x38: {  	[sflag:s24] =	ssyncset.done $0x0  }
0x39: {  	s20 =	simm.s32 $0x1;
	[sflag:s24] =	ssyncadd.s32 $0xFFFFFF80  }
0x3a: {  	s20 =	simm.s32 @!p5 $0x0;
	_ =	strace $0x90000054  }
0x3b: {  	s14 =	sadd.s32 s20, s14;
	s20 =	sand.u32 $0x1, s16;
	_ =	strace $0x80000055  }
0x3c: {  	s29 =	sshll.u32 s19, $0x7;
	s25 =	sshll.u32 s20, $0xB;
	s26 =	rddreg [dreg:$0x5]  }
0x3d: {  	s29 =	sand.u32 $0x80, s29;
	s22 =	sor.u32 $0x100, s25;
	s30 =	rddreg [dreg:$0x4]  }
0x3e: {  	[tilespmem:s22], [sflag:$0x5] =	stream.indirect.gather [hbm4b:s30+s26], $0x10, s29, s26, $0x2000b8;
	[tilespmem:$0x1100] =	vst v63  }
0x3f: {  	_ =	swait.ge [sflag:s8], $0x800  }
0x40: {  	s31 =	sadd.s32 $0x1, s17;
	[sflag:s8] =	ssyncset.done $0x0  }
0x41: {  	s23 =	sadd.s32 s4, s11;
	s11 =	smov.u32 s17;
	[sflag:s8] =	ssyncadd.s32 $0xFFFFF800  }
0x42: {  	p3 =	seq.s32 s31, $0x28;
	s17 =	smov.u32 s31;
	_ =	strace $0x90000055  }
0x43: {  	s17 =	simm.s32 @p3 $0x0;
	s31 =	sld [smem:$0x7FD]  }
0x44: {  	p6 =	sne.s32 s12, $0x1;
	p0 =	sne.s32 s21, $0x28;
	p3 =	sne.s32 s11, s17  }
0x45: {  	p5 =	por !p6, !p3;
	p6 =	seq.s32 s21, $0x1;
	s21 =	simm.s32 $0x1  }
0x46: {  	s21 =	simm.s32 @!p0 $0x0;
	p0 =	seq.s32 s31, $0x1  }
.Ltmp0:
0x47: {  	s30 =	sld [smem:$0x7FC];
	(pc) =	sbr.rel @p0 .LBB2_2-.Ltmp0, $4  }
0x48: {  	_ = 	snop  }
0x49: {  	p4 =	seq.s32 s12, $0x28  }
0x4a: {  	p1 =	por p2, p2;
	p2 =	por p4, p4;
	p4 =	seq.s32 s30, $0x1  }
0x4b: {  	p6 =	por p6, p4  }
0x4c: {  	_ =	strace @p6 $0x80000056;
	s23 =	sshll.u32 @p6 s23, $0x8  }
0x4d: {  	s18 =	rddreg [dreg:$0x6];
	s23 =	sand.u32 @p6 $0x1FFFFF00, s23  }
0x4e: {  	s20 =	sadd.s32 @p6 $0x3, s20;
	s18 =	sadd.s32 @p6 s18, s23;
	s23 =	simm.s32 @p6 $0x0  }
0x4f: {  	[hbm4b:s18+s23] =	stream.linear.scatter @p6 [tilespmem:s22], [sflag:s20], $0x800, $0x200038;
	[tilespmem:$0x1100] =	vst v63  }
0x50: {  	p0 =	por !p5, !p5;
	_ =	strace @p6 $0x90000056  }
0x51: {  	s15 =	sadd.s32 @!p1 $0x3, s15;
	s17 =	sadd.s32 @p0 s4, s17;
	_ =	strace @!p1 $0x80000057  }
0x52: {  	s14 =	sand.u32 @p0 $0x1, s14;
	s17 =	sshll.u32 @p0 s17, $0x4;
	_ =	swait.ge @!p1 [sflag:s15], $0x800  }
0x53: {  	s18 =	simm.s32 $0x1;
	s20 =	sshll.u32 @p0 s14, $0x7;
	[sflag:s15] =	ssyncset.done @!p1 $0x0  }
0x54: {  	s14 =	sadd.s32 @p0 $0x1, s14;
	s18 =	simm.s32 @!p6 $0x0;
	[sflag:s15] =	ssyncadd.s32 @!p1 $0xFFFFF800  }
0x55: {  	s19 =	sadd.s32 s18, s19;
	s15 =	sand.u32 @p0 $0x1FFFFFF0, s17;
	_ =	strace @!p1 $0x90000057  }
0x56: {  	s17 =	simm.s32 @p0 $0x0;
	s15 =	sadd.s32 @p0 s1, s15;
	_ =	strace @p0 $0x80000053  }
0x57: {  	[tilespmem:s20], [sflag:s14] =	stream.linear.gather @p0 [hbm4b:s15+s17], $0x80, $0x200038;
	[tilespmem:$0x1100] =	vst v63  }
0x58: {  	s25 =	sand.u32 $0x1, s19;
	_ =	strace @p0 $0x90000053  }
0x59: {  	s14 =	sadd.s32 $0x1, s25;
	_ =	strace $0x80000054  }
0x5a: {  	_ =	swait.ge [sflag:s14], $0x80  }
0x5b: {  	[sflag:s14] =	ssyncset.done $0x0  }
0x5c: {  	[sflag:s14] =	ssyncadd.s32 $0xFFFFFF80  }
0x5d: {  	s26 =	sadd.s32 s18, s16;
	_ =	strace $0x90000054  }
0x5e: {  	s14 =	sand.u32 $0x1, s26;
	_ =	strace $0x80000055  }
0x5f: {  	s30 =	sshll.u32 s19, $0x7;
	s31 =	sshll.u32 s14, $0xB;
	s28 =	rddreg [dreg:$0x5]  }
0x60: {  	s17 =	sand.u32 $0x80, s30;
	s18 =	sor.u32 $0x100, s31;
	s29 =	rddreg [dreg:$0x4]  }
0x61: {  	[tilespmem:s18], [sflag:$0x5] =	stream.indirect.gather [hbm4b:s29+s28], $0x10, s17, s28, $0x2000b8;
	[tilespmem:$0x1100] =	vst v63  }
0x62: {  	_ =	swait.ge [sflag:s8], $0x800  }
0x63: {  	[sflag:s8] =	ssyncset.done $0x0  }
0x64: {  	p5 =	por p3, p3;
	p6 =	seq.s32 s12, $0x1;
	[sflag:s8] =	ssyncadd.s32 $0xFFFFF800  }
0x65: {  	s11 =	sadd.s32 s4, s11;
	p0 =	por p6, p5;
	_ =	strace $0x90000055  }
0x66: {  	s11 =	sshll.u32 @p0 s11, $0x8;
	_ =	strace @p0 $0x80000056  }
0x67: {  	s13 =	sadd.s32 s21, s13;
	s11 =	sand.u32 @p0 $0x1FFFFF00, s11;
	s12 =	rddreg [dreg:$0x6]  }
0x68: {  	s14 =	sadd.s32 @p0 $0x3, s14;
	s11 =	sadd.s32 @p0 s12, s11;
	s12 =	simm.s32 @p0 $0x0  }
0x69: {  	[hbm4b:s11+s12] =	stream.linear.scatter @p0 [tilespmem:s18], [sflag:s14], $0x800, $0x200038;
	[tilespmem:$0x1100] =	vst v63  }
0x6a: {  	p1 =	por p2, p2;
	s11 =	sand.u32 @!p2 $0x1, s13;
	_ =	strace @p0 $0x90000056  }
0x6b: {  	s11 =	sadd.s32 @!p1 $0x3, s11;
	_ =	strace @!p1 $0x80000057  }
0x6c: {  	_ =	swait.ge @!p1 [sflag:s11], $0x800  }
0x6d: {  	[sflag:s11] =	ssyncset.done @!p1 $0x0  }
0x6e: {  	s10 =	sadd.s32 $0x1, s10;
	[sflag:s11] =	ssyncadd.s32 @!p1 $0xFFFFF800  }
0x6f: {  	p0 =	sne.s32 s10, s6;
	_ =	strace @!p1 $0x90000057  }
.Ltmp1:
0x70: {  	_ =	strace $0x80000058;
	(pc) =	sbr.rel @p0 .LBB2_1-.Ltmp1, $4  }
0x71: {  	_ =	swait.ge [sflag:s9], $0x800  }
0x72: {  	[sflag:s9] =	ssyncset.done $0x0  }
0x73: {  	[sflag:s9] =	ssyncadd.s32 $0xFFFFF800  }
0x74: {  	_ =	strace $0x90000058  }
0x75: {  	_ =	sfence.sel $0x180000  }
0x76: {  	[bflag:$0x0] =	sbarrier.arrive $0xFFFF  }
0x77: {  	p0 =	sne.s32 s2, $0x0;
	_ =	strace $0x90000051  }
0x78: {  	s0 =	sadd.s32 @!p0 $0x100000, s0;
	[bflag:$0x2] =	sbarrier.arrive $0xFFFF  }
0x79: {  	[sflag:s0] =	ssyncadd.tile.s32 @!p0 $0x1;
	_ =	shalt  }
.Lfunc_end2:
_tile_overlayer_lowered:
.L_overlay_start_2:
0x7a: {  	(tag) =	ssettag $0x2  }
0x7b: {  	s0 =	rddreg [dreg:$0x0];
	s2 =	stileid.u32  }
0x7c: {  	s1 =	rddreg [dreg:$0x1];
	p0 =	sne.s32 s2, $0x0  }
0x7d: {  	s3 =	rddreg [dreg:$0x2];
	[bflag:$0x3] =	sbarrier.arrive $0xFFFF;
	s2 =	simm.s32 @!p0 $0x1C01  }
0x7e: {  	[timem:s3], [sflag:s2] =	dma.local @!p0 [hbm:s0], s1  }
0x7f: {  	s0 =	simm.s32 @!p0 $0x1  }
0x80: {  	_ =	swait.ge @!p0 [sflag:s0], s1  }
0x81: {  	s1 =	ssub.s32 @!p0 $0x0, s1;
	[sflag:s0] =	ssyncset.done @!p0 $0x0  }
0x82: {  	[sflag:s0] =	ssyncadd.s32 @!p0 s1  }
0x83: {  	[bflag:$0x3] =	sbarrier.arrive $0xFFFF  }
0x84: {  	_ =	shalt  }

// kernel: kernel.39.cloned.1.call-start
scs
__scs_entry_jumppad:
0x0: {  	(pc) =	sbr.rel $0x88, $3  }
0x1: {  	(tag) =	ssettag $0x0;
	lr =	simm.s32 $0x1  }
0x2: {  	[smem:$0x3F7F] =	sst lr;
	_ =	strace $0xD0000000  }
0x3: {  	_ = 	snop  }
0x4: {  	_ = 	snop  }
0x5: {  	_ = 	snop  }
0x6: {  	_ = 	snop  }
0x7: {  	_ = 	snop  }
__scs_overlays_trampoline_lowered:
0x8: {  	[smem:$0x3F8E] =	sst s0  }
0x9: {  	[smem:$0x3F8F] =	sst s1  }
0xa: {  	[smem:$0x3F90] =	sst s2  }
0xb: {  	[smem:$0x3F91] =	sst s3  }
0xc: {  	[smem:$0x3F92] =	sst s4  }
0xd: {  	[smem:$0x3F93] =	sst s5  }
0xe: {  	[smem:$0x3F94] =	sst s6  }
0xf: {  	[smem:$0x3F95] =	sst s7  }
0x10: {  	[smem:$0x3F96] =	sst s8  }
0x11: {  	[smem:$0x3F97] =	sst s9;
	s0 =	simm.s32 @!p0 $0x0  }
0x12: {  	s1 =	sld [smem:$0x3F7D];
	s0 =	simm.s32 @p0 $0x1  }
0x13: {  	[smem:$0x3F98] =	sst s0;
	s0 =	simm.s32 @!p1 $0x0  }
0x14: {  	s2 =	sld [smem:$0x3F7C];
	s0 =	simm.s32 @p1 $0x1  }
0x15: {  	[smem:$0x3F99] =	sst s0;
	s0 =	simm.s32 @!p2 $0x0  }
0x16: {  	s3 =	sld [smem:$0x3FDB];
	s0 =	simm.s32 @p2 $0x1  }
0x17: {  	s4 =	simm.s32 $0x1BF5;
	[smem:$0x3F9B] =	sst s0  }
0x18: {  	s0 =	sld [smem:$0x3F7E];
	_ =	swait.ge [sflag:s4], $0x0  }
0x19: {  	s7 =	sld [smem:$0x3F7F]  }
0x1a: {  	s8 =	sadd.s32 $0xFFFFE003, lr  }
0x1b: {  	s9 =	sadd.s32 $0xFFFFFEF7, lr;
	s5 =	simm.s32 $0xFFFFFFFF;
	p2 =	slt.u32 s8, $0xFFFFF086  }
0x1c: {  	p1 =	slt.u32 s9, $0xF7A;
	s5 =	simm.s32 @!p2 $0x0  }
0x1d: {  	s5 =	simm.s32 @p1 $0x1;
	p0 =	seq.s32 s7, s2  }
0x1e: {  	s7 =	smul.u32 @!p0 $0xF7A, s2;
	p2 =	seq.s32 @!p0 s5, $0x0  }
0x1f: {  	s9 =	smul.u32 $0xF7A, s1;
	s8 =	simm.s32 @!p0 $0x1BF5;
	p2 =	por !p2, p0  }
0x20: {  	[sflag:s8] =	ssyncset.s32 @!p0 $0xFFFFF086;
	s6 =	sadd.s32 @!p0 s3, s7;
	s7 =	simm.s32 @!p0 $0x108  }
0x21: {  	s3 =	sadd.s32 s3, s9;
	s6 =	sadd.s32 @!p0 $0x88, s6;
	s7 =	simm.s32 @p2 $0x1082  }
0x22: {  	[simem:s7], [sflag:s8] =	dma.local @!p0 [hbm:s6], $0xF7A  }
0x23: {  	s9 =	sor.u32 $0xD0000000, s2;
	s6 =	simm.s32 $0x108;
	_ =	swait.ge @!p0 [sflag:s8], $0x0  }
0x24: {  	s3 =	sadd.s32 $0x88, s3;
	s6 =	simm.s32 @!p1 $0x1082;
	[sflag:s4] =	ssyncset.s32 $0xFFFFF086  }
0x25: {  	[simem:s6], [sflag:s4] =	dma.local [hbm:s3], $0xF7A  }
0x26: {  	[smem:$0x3F7F] =	sst s1;
	(tag) =	ssettag s2;
	_ =	strace s9  }
0x27: {  	s1 =	sld [smem:$0x3F8F]  }
0x28: {  	s2 =	sld [smem:$0x3F90]  }
0x29: {  	s4 =	sld [smem:$0x3F92]  }
0x2a: {  	p0 =	seq.s32 s5, $0x0;
	s5 =	sld [smem:$0x3F93]  }
0x2b: {  	s6 =	sld [smem:$0x3F94]  }
0x2c: {  	s7 =	sld [smem:$0x3F95]  }
0x2d: {  	s3 =	simm.s32 $0x108;
	s8 =	sld [smem:$0x3F96]  }
0x2e: {  	s3 =	simm.s32 @!p0 $0x1082;
	s9 =	sld [smem:$0x3F97]  }
0x2f: {  	lr =	sadd.s32 s0, s3;
	s0 =	sld [smem:$0x3F8E]  }
0x30: {  	s3 =	sld [smem:$0x3F91]  }
0x31: {  	[smem:$0x3F9A] =	sst s10  }
0x32: {  	s10 =	sld [smem:$0x3F98];
	_ =	sdelay $0x3  }
0x33: {  	p0 =	seq.s32 s10, $0x1;
	s10 =	sld [smem:$0x3F9A];
	_ =	sdelay $0x3  }
0x34: {  	[smem:$0x3F9A] =	sst s10  }
0x35: {  	s10 =	sld [smem:$0x3F99];
	_ =	sdelay $0x3  }
0x36: {  	p1 =	seq.s32 s10, $0x1;
	s10 =	sld [smem:$0x3F9A];
	_ =	sdelay $0x3  }
0x37: {  	[smem:$0x3F9A] =	sst s10  }
0x38: {  	s10 =	sld [smem:$0x3F9B]  }
0x39: {  	_ = 	snop;
	(pc) =	sbr.ind lr, $3  }
0x3a: {  	_ = 	snop  }
0x3b: {  	_ = 	snop  }
0x3c: {  	p2 =	seq.s32 s10, $0x1;
	s10 =	sld [smem:$0x3F9A]  }
0x3d: {  	_ =	shalt  }
0x3e: {  	_ =	shalt  }
0x3f: {  	_ =	shalt  }
0x40: {  	_ =	shalt  }
0x41: {  	_ =	shalt  }
0x42: {  	_ =	shalt  }
0x43: {  	_ =	shalt  }
0x44: {  	_ =	shalt  }
0x45: {  	_ =	shalt  }
0x46: {  	_ =	shalt  }
0x47: {  	_ =	shalt  }
0x48: {  	_ =	shalt  }
0x49: {  	_ =	shalt  }
0x4a: {  	_ =	shalt  }
0x4b: {  	_ =	shalt  }
0x4c: {  	_ =	shalt  }
0x4d: {  	_ =	shalt  }
0x4e: {  	_ =	shalt  }
0x4f: {  	_ =	shalt  }
0x50: {  	_ =	shalt  }
0x51: {  	_ =	shalt  }
0x52: {  	_ =	shalt  }
0x53: {  	_ =	shalt  }
0x54: {  	_ =	shalt  }
0x55: {  	_ =	shalt  }
0x56: {  	_ =	shalt  }
0x57: {  	_ =	shalt  }
0x58: {  	_ =	shalt  }
0x59: {  	_ =	shalt  }
0x5a: {  	_ =	shalt  }
0x5b: {  	_ =	shalt  }
0x5c: {  	_ =	shalt  }
0x5d: {  	_ =	shalt  }
0x5e: {  	_ =	shalt  }
0x5f: {  	_ =	shalt  }
0x60: {  	_ =	shalt  }
0x61: {  	_ =	shalt  }
0x62: {  	_ =	shalt  }
0x63: {  	_ =	shalt  }
0x64: {  	_ =	shalt  }
0x65: {  	_ =	shalt  }
0x66: {  	_ =	shalt  }
0x67: {  	_ =	shalt  }
0x68: {  	_ =	shalt  }
0x69: {  	_ =	shalt  }
0x6a: {  	_ =	shalt  }
0x6b: {  	_ =	shalt  }
0x6c: {  	_ =	shalt  }
0x6d: {  	_ =	shalt  }
0x6e: {  	_ =	shalt  }
0x6f: {  	_ =	shalt  }
0x70: {  	_ =	shalt  }
0x71: {  	_ =	shalt  }
0x72: {  	_ =	shalt  }
0x73: {  	_ =	shalt  }
0x74: {  	_ =	shalt  }
0x75: {  	_ =	shalt  }
0x76: {  	_ =	shalt  }
0x77: {  	_ =	shalt  }
0x78: {  	_ =	shalt  }
0x79: {  	_ =	shalt  }
0x7a: {  	_ =	shalt  }
0x7b: {  	_ =	shalt  }
0x7c: {  	_ =	shalt  }
0x7d: {  	_ =	shalt  }
0x7e: {  	_ =	shalt  }
0x7f: {  	_ =	shalt  }
0x80: {  	_ =	shalt  }
0x81: {  	_ =	shalt  }
0x82: {  	_ =	shalt  }
0x83: {  	_ =	shalt  }
0x84: {  	_ =	shalt  }
0x85: {  	_ =	shalt  }
0x86: {  	_ =	shalt  }
0x87: {  	_ =	shalt  }
.Lfunc_end0:
.L_simem_size_0:
called_computation.4_lowered:
.L_overlay_start_0:
0x88: {  	s2 =	sld [smem:$0x3FD9]  }
0x89: {  	s3 =	sld [smem:$0x3FFE];
	_ =	sdelay $0x1  }
0x8a: {  	s1 =	srdreg.scid  }
0x8b: {  	s0 =	sand.u32 $0x1, s1  }
0x8c: {  	s15 =	sshll.u32 s0, $0xA;
	s2 =	sadd.s32 s3, s2  }
0x8d: {  	s2 =	sadd.s32 s2, s15  }
0x8e: {  	[smem:$0x3FA6] =	sst s2  }
0x8f: {  	_ = 	snop  }
0x90: {  	s2 =	sld [smem:$0x3FD0];
	_ =	sdelay $0x2  }
0x91: {  	s16 =	simm.s32 $0xB;
	s4 =	simm.s32 $0x10  }
0x92: {  	[smem:s4], [sflag:s16] =	dma.local [hbm:s2], $0x1  }
0x93: {  	_ =	swait.eq [sflag:s16], $0x1  }
0x94: {  	[sflag:s16] =	ssyncset.done $0x0  }
0x95: {  	[sflag:s16] =	ssyncadd.s32 $0xFFFFFFFF  }
0x96: {  	s17 =	sld [smem:$0x10];
	(tm) =	ssettm $0x1  }
0x97: {  	s18 =	sld [smem:$0x3FFB];
	_ =	sdelay $0x3  }
0x98: {  	_ =	strace s18  }
0x99: {  	s2 =	sld [smem:$0x3FFC];
	_ =	sdelay $0x3  }
0x9a: {  	_ =	strace s2  }
0x9b: {  	s2 =	sld [smem:$0x3FFD];
	_ =	sdelay $0x3  }
0x9c: {  	_ =	strace s2  }
0x9d: {  	_ =	strace $0x8FFFFFFF  }
0x9e: {  	s19 =	sld [smem:$0x3FDB];
	_ =	sdelay $0x1  }
0x9f: {  	s20 =	simm.s32 $_scs_section_size  }
0xa0: {  	s5 =	simm.s32 $_size__tile_overlayer_lowered;
	s6 =	simm.s32 $_tile_overlayer_lowered  }
0xa1: {  	s7 =	simm.s32 $0x1BFF;
	s21 =	sshll.u32 s6, $0x1;
	s4 =	sadd.s32 s20, s19  }
0xa2: {  	s22 =	simm.s32 $0x0;
	s5 =	sshll.u32 s5, $0x1;
	s6 =	sadd.s32 s21, s4  }
0xa3: {  	[timem:s22], [sflag:s7] =	dma.local [hbm:s6], s5  }
0xa4: {  	_ =	swait.ge [sflag:s7], s5  }
0xa5: {  	s5 =	ssub.s32 $0x0, s5;
	[sflag:s7] =	ssyncset.done $0x0  }
0xa6: {  	[sflag:s7] =	ssyncadd.s32 s5;
	_ =	sdelay $0x1  }
0xa7: {  	s23 =	simm.s32 $0x1B8B  }
0xa8: {  	_ =	swait.ge [sflag:s23], $0x1  }
0xa9: {  	[sflag:s23] =	ssyncset.done $0x0  }
0xaa: {  	[sflag:s23] =	ssyncadd.s32 $0xFFFFFFFF  }
0xab: {  	s5 =	sld [smem:$0x0]  }
0xac: {  	s6 =	sand.u32 $0xFFFFFFFE, s1  }
0xad: {  	p0 =	sne.s32 s1, s6  }
0xae: {  	s6 =	sshll.u32 @p0 s6, $0xE  }
0xaf: {  	s6 =	sadd.s32 @p0 $0x11B8D, s6;
	s7 =	sshll.u32 @p0 s5, $0x11  }
0xb0: {  	s6 =	sor.u32 @p0 s7, s6  }
0xb1: {  	[sflag:s6] =	ssyncadd.remote.s32 @p0 $0x1;
	_ =	sdelay $0x1  }
0xb2: {  	s6 =	simm.s32 @p0 $0x1B8D  }
0xb3: {  	_ =	swait.eq @p0 [sflag:s6], $0x1  }
0xb4: {  	[sflag:s6] =	ssyncadd.s32 @p0 $0xFFFFFFFF  }
0xb5: {  	s7 =	sshll.u32 @!p0 s1, $0xE  }
0xb6: {  	s7 =	sor.u32 @!p0 $0x4000, s7;
	s6 =	simm.s32 @!p0 $0x1B8D  }
0xb7: {  	s5 =	sshll.u32 @!p0 s5, $0x11;
	s7 =	sadd.s32 @!p0 $0x11B8D, s7;
	_ =	swait.eq @!p0 [sflag:s6], $0x1  }
0xb8: {  	s5 =	sor.u32 @!p0 s5, s7;
	[sflag:s6] =	ssyncadd.s32 @!p0 $0xFFFFFFFF  }
0xb9: {  	s25 =	simm.s32 $0x1B8E;
	s24 =	sld [smem:$0x3FFE];
	[sflag:s5] =	ssyncadd.remote.s32 @!p0 $0x1  }
0xba: {  	s26 =	simm.s32 $execute0_lowered;
	[smem:$0x3FD2] =	sst s25  }
0xbb: {  	s6 =	sshll.u32 s26, $0x1;
	_ =	strace $0x80000064;
	[dreg:$0x1] =	wrdreg $0xFFFFFFFF  }
0xbc: {  	s28 =	simm.s32 $_size_execute0_lowered;
	s4 =	sadd.s32 s4, s6;
	[dreg:$0x0] =	wrdreg $0x0  }
0xbd: {  	s6 =	sshll.u32 s28, $0x1;
	[dreg:$0x2] =	wrdreg s4  }
0xbe: {  	[dreg:$0x3] =	wrdreg s6  }
0xbf: {  	[dreg:$0x4] =	wrdreg $0xC0  }
0xc0: {  	_ =	task [dreg:s22], $0x5FFFF  }
0xc1: {  	[dreg:$0x1] =	wrdreg $0xFFFFFFFF  }
0xc2: {  	[dreg:$0x0] =	wrdreg $0x60  }
0xc3: {  	[dreg:$0x2] =	wrdreg s24  }
0xc4: {  	[dreg:$0x3] =	wrdreg s17  }
0xc5: {  	[dreg:$0x4] =	wrdreg $0xA  }
0xc6: {  	_ =	task.clear_ibuf [dreg:s22], $0x5FFFF;
	_ =	strace $0x90000064  }
0xc7: {  	s29 =	simm.s32 $0xA;
	_ =	strace $0x8000006D  }
0xc8: {  	_ =	swait.ge [sflag:s29], $0x1  }
0xc9: {  	[sflag:s29] =	ssyncadd.s32 $0xFFFFFFFF  }
0xca: {  	_ =	strace $0x9000006D  }
0xcb: {  	_ =	sfence  }
0xcc: {  	s30 =	sld [smem:$0x0];
	_ =	sdelay $0x2  }
0xcd: {  	s31 =	sshll.u32 s1, $0xD;
	s1 =	sshrl.u32 s1, $0x2  }
0xce: {  	s4 =	sand.u32 $0x4000, s31;
	s1 =	sadd.s32 s1, s30  }
0xcf: {  	s0 =	sor.u32 s4, s0;
	s1 =	sshll.u32 s1, $0x11  }
0xd0: {  	s0 =	sor.u32 s1, s0  }
0xd1: {  	s0 =	sadd.s32 $0x8F2B, s0  }
0xd2: {  	[sflag:s0] =	ssyncadd.remote.s32 $0x1  }
0xd3: {  	_ =	sfence.sel $0xFFFF  }
0xd4: {  	[dreg:$0x0] =	wrdreg $0xFFFFFFFF;
	(pc) =	sbr.abs _section_cstart, $3  }
0xd5: {  	[dreg:$0x1] =	wrdreg $0xFFFFFFFF  }
0xd6: {  	_ =	task.clear_ibuf [dreg:s22], $0x2FFFF;
	_ =	strace $0x9FFFFFFF  }
0xd7: {  	(tm) =	ssettm $0x7FFFFFFF  }
tec
execute0_lowered:
.L_overlay_start_1:
0x0: {  	(tag) =	ssettag $0x1  }
0x1: {  	s4 =	rddreg [dreg:$0x0]  }
0x2: {  	s1 =	rddreg [dreg:$0x1]  }
0x3: {  	s0 =	rddreg [dreg:$0x2];
	s2 =	simm.s32 $0x0  }
0x4: {  	s3 =	srdreg.scid;
	s31 =	simm.s32 $0x80;
	s9 =	simm.s32 $0x4  }
0x5: {  	s10 =	simm.s32 $0x0;
	[smem:$0x7FF] =	sst s2;
	s5 =	sand.u32 $0x1, s3  }
0x6: {  	s6 =	sadd.s32 $0x21A00, s4;
	s3 =	stileid.u32;
	s4 =	sadd.s32 $0x1EEA00, s4  }
0x7: {  	_ =	strace $0x80000065;
	s7 =	sshll.u32 s5, $0x4;
	s5 =	ssub.s32 $0x2, s5  }
0x8: {  	[dreg:$0x3] =	wrdreg s6;
	s29 =	sor.u32 s3, s7;
	s30 =	sshrl.u32 s5, $0x1  }
0x9: {  	[dreg:$0x5] =	wrdreg s4;
	s8 =	smul.u32 $0x280, s29;
	s7 =	ssub.s32 s5, s30  }
0xa: {  	[dreg:$0x4] =	wrdreg s31;
	s4 =	smul.u32 $0x28, s29;
	s6 =	smax.u32 s7, $0x1  }
0xb: {  	s7 =	simm.s32 $0x1;
	s5 =	sadd.s32 s1, s8;
	s8 =	simm.s32 $0x5  }
.LBB2_1:
0xc: {  	_ =	strace $0x80000066;
	s11 =	simm.s32 $0x1;
	p0 =	por $0x0, $0x0  }
0xd: {  	[tilespmem:s2], [sflag:$0x1] =	stream.linear.gather [hbm4b:s5+s2], $0x80, $0x200038;
	[tilespmem:$0x4100] =	vst v63  }
0xe: {  	s11 =	simm.s32 @p0 $0x0  }
0xf: {  	p4 =	por $0x1, $0x1;
	s20 =	sand.u32 $0x1, s2;
	p1 =	sne.s32 s11, $0x0  }
0x10: {  	p2 =	por $0x1, $0x1;
	s18 =	simm.s32 $0x26;
	p0 =	por !p4, !p1  }
0x11: {  	s16 =	simm.s32 $0x0;
	p5 =	por $0x0, $0x0;
	p0 =	por !p0, !p0  }
0x12: {  	s23 =	sadd.s32 $0x0, s4;
	s30 =	sadd.s32 $0x1, s20;
	s12 =	sadd.s32 @p0 s4, s11  }
0x13: {  	_ =	strace $0x90000066;
	s13 =	sand.u32 @p0 $0x1, s7;
	s12 =	sshll.u32 @p0 s12, $0x4  }
0x14: {  	_ =	strace @p0 $0x80000067;
	s15 =	simm.s32 @p0 $0x0;
	s12 =	sand.u32 @p0 $0x1FFFFFF0, s12  }
0x15: {  	s14 =	sshll.u32 @p0 s13, $0x7;
	s13 =	sadd.s32 @p0 $0x1, s13;
	s12 =	sadd.s32 @p0 s1, s12  }
0x16: {  	[tilespmem:s14], [sflag:s13] =	stream.linear.gather @p0 [hbm4b:s12+s15], $0x80, $0x200038;
	[tilespmem:$0x4100] =	vst v63  }
0x17: {  	p3 =	por p2, p2;
	s21 =	sshll.u32 s20, $0xD;
	_ =	strace @p0 $0x90000067  }
0x18: {  	s16 =	sand.u32 $0x80, s16;
	p2 =	por p5, p5;
	_ =	strace $0x80000068  }
0x19: {  	s17 =	sadd.s32 $0x1, s11;
	s22 =	sor.u32 $0x100, s21;
	_ =	swait.ge [sflag:s30], $0x80  }
0x1a: {  	s21 =	simm.s32 $0x1;
	p6 =	por p1, p1;
	[sflag:s30] =	ssyncset.done $0x0  }
0x1b: {  	p1 =	por p3, p3;
	p4 =	por $0x1, $0x1;
	[sflag:s30] =	ssyncadd.s32 $0xFFFFFF80  }
0x1c: {  	s12 =	simm.s32 $0x27;
	s15 =	sand.u32 @!p3 $0x1, s2;
	_ =	strace $0x90000068  }
0x1d: {  	s13 =	simm.s32 $0x1;
	p3 =	seq.s32 s17, $0x28;
	_ =	strace $0x80000069  }
0x1e: {  	s13 =	simm.s32 @!p0 $0x0;
	s17 =	simm.s32 @p3 $0x0;
	s19 =	rddreg [dreg:$0x4]  }
0x1f: {  	p0 =	por $0x0, $0x0;
	s14 =	sadd.s32 $0x1, s13;
	s31 =	rddreg [dreg:$0x3]  }
0x20: {  	[tilespmem:s22], [sflag:$0x5] =	stream.indirect.gather [hbm4b:s31+s19], $0x40, s16, s19, $0x2000b8;
	[tilespmem:$0x4100] =	vst v63  }
0x21: {  	p3 =	sne.s32 s11, s17;
	s21 =	simm.s32 @!p0 $0x0;
	_ =	swait.ge [sflag:s8], $0x2000  }
0x22: {  	p5 =	por !p4, !p3;
	p4 =	por $0x0, $0x0;
	[sflag:s8] =	ssyncset.done $0x0  }
0x23: {  	s13 =	simm.s32 $0x0;
	p6 =	por p4, p6;
	[sflag:s8] =	ssyncadd.s32 $0xFFFFE000  }
0x24: {  	s16 =	simm.s32 $0x0;
	s19 =	simm.s32 $0x0;
	_ =	strace $0x90000069  }
.LBB2_2:
0x25: {  	_ =	strace @p6 $0x8000006A;
	s13 =	sadd.s32 s21, s13;
	s21 =	smov.u32 s12  }
0x26: {  	s12 =	smov.u32 s18;
	s18 =	sadd.s32 $0xFFFFFFFF, s18;
	p0 =	por p3, p3  }
0x27: {  	s28 =	sshll.u32 @p6 s23, $0xA;
	s20 =	sadd.s32 @p6 $0x3, s20;
	s24 =	simm.s32 @!p0 $0x0  }
0x28: {  	s25 =	rddreg [dreg:$0x5];
	s28 =	sand.u32 @p6 $0x1FFFFC00, s28;
	s24 =	simm.s32 @p0 $0x1  }
0x29: {  	s25 =	sadd.s32 @p6 s25, s28;
	s28 =	simm.s32 @p6 $0x0;
	p0 =	sne.s32 s18, $0x0  }
0x2a: {  	[hbm4b:s25+s28] =	stream.linear.scatter @p6 [tilespmem:s22], [sflag:s20], $0x2000, $0x200038;
	[tilespmem:$0x4100] =	vst v63  }
0x2b: {  	s20 =	sadd.s32 @!p1 $0x3, s15;
	s15 =	simm.s32 @!p0 $0x0  }
0x2c: {  	s26 =	simm.s32 $0x1;
	[smem:$0x7FC] =	sst s24;
	s15 =	simm.s32 @p0 $0x1  }
0x2d: {  	s26 =	simm.s32 @!p6 $0x0;
	_ =	strace @p6 $0x9000006A;
	[smem:$0x7FD] =	sst s15  }
0x2e: {  	p5 =	por !p5, !p5;
	s19 =	sadd.s32 s26, s19;
	_ =	strace @!p1 $0x8000006B  }
0x2f: {  	s24 =	sand.u32 @!p2 $0x1, s13;
	s22 =	sand.u32 @p5 $0x1, s14;
	_ =	swait.ge @!p1 [sflag:s20], $0x2000  }
0x30: {  	s15 =	smov.u32 s24;
	s24 =	sadd.s32 @p5 s4, s17;
	[sflag:s20] =	ssyncset.done @!p1 $0x0  }
0x31: {  	s25 =	sshll.u32 @p5 s22, $0x7;
	s24 =	sshll.u32 @p5 s24, $0x4;
	[sflag:s20] =	ssyncadd.s32 @!p1 $0xFFFFE000  }
0x32: {  	s20 =	sadd.s32 @p5 $0x1, s22;
	s22 =	sand.u32 @p5 $0x1FFFFFF0, s24;
	_ =	strace @!p1 $0x9000006B  }
0x33: {  	s24 =	simm.s32 @p5 $0x0;
	s22 =	sadd.s32 @p5 s1, s22;
	_ =	strace @p5 $0x80000067  }
0x34: {  	[tilespmem:s25], [sflag:s20] =	stream.linear.gather @p5 [hbm4b:s22+s24], $0x80, $0x200038;
	[tilespmem:$0x4100] =	vst v63  }
0x35: {  	s16 =	sadd.s32 s26, s16;
	s26 =	sand.u32 $0x1, s19;
	_ =	strace @p5 $0x90000067  }
0x36: {  	s24 =	sadd.s32 $0x1, s26;
	_ =	strace $0x80000068  }
0x37: {  	_ =	swait.ge [sflag:s24], $0x80  }
0x38: {  	[sflag:s24] =	ssyncset.done $0x0  }
0x39: {  	s20 =	simm.s32 $0x1;
	[sflag:s24] =	ssyncadd.s32 $0xFFFFFF80  }
0x3a: {  	s20 =	simm.s32 @!p5 $0x0;
	_ =	strace $0x90000068  }
0x3b: {  	s14 =	sadd.s32 s20, s14;
	s20 =	sand.u32 $0x1, s16;
	_ =	strace $0x80000069  }
0x3c: {  	s29 =	sshll.u32 s19, $0x7;
	s25 =	sshll.u32 s20, $0xD;
	s26 =	rddreg [dreg:$0x4]  }
0x3d: {  	s29 =	sand.u32 $0x80, s29;
	s22 =	sor.u32 $0x100, s25;
	s30 =	rddreg [dreg:$0x3]  }
0x3e: {  	[tilespmem:s22], [sflag:$0x5] =	stream.indirect.gather [hbm4b:s30+s26], $0x40, s29, s26, $0x2000b8;
	[tilespmem:$0x4100] =	vst v63  }
0x3f: {  	_ =	swait.ge [sflag:s8], $0x2000  }
0x40: {  	s31 =	sadd.s32 $0x1, s17;
	[sflag:s8] =	ssyncset.done $0x0  }
0x41: {  	s23 =	sadd.s32 s4, s11;
	s11 =	smov.u32 s17;
	[sflag:s8] =	ssyncadd.s32 $0xFFFFE000  }
0x42: {  	p3 =	seq.s32 s31, $0x28;
	s17 =	smov.u32 s31;
	_ =	strace $0x90000069  }
0x43: {  	s17 =	simm.s32 @p3 $0x0;
	s31 =	sld [smem:$0x7FD]  }
0x44: {  	p6 =	sne.s32 s12, $0x1;
	p0 =	sne.s32 s21, $0x28;
	p3 =	sne.s32 s11, s17  }
0x45: {  	p5 =	por !p6, !p3;
	p6 =	seq.s32 s21, $0x1;
	s21 =	simm.s32 $0x1  }
0x46: {  	s21 =	simm.s32 @!p0 $0x0;
	p0 =	seq.s32 s31, $0x1  }
.Ltmp0:
0x47: {  	s30 =	sld [smem:$0x7FC];
	(pc) =	sbr.rel @p0 .LBB2_2-.Ltmp0, $4  }
0x48: {  	_ = 	snop  }
0x49: {  	p4 =	seq.s32 s12, $0x28  }
0x4a: {  	p1 =	por p2, p2;
	p2 =	por p4, p4;
	p4 =	seq.s32 s30, $0x1  }
0x4b: {  	p6 =	por p6, p4  }
0x4c: {  	_ =	strace @p6 $0x8000006A;
	s23 =	sshll.u32 @p6 s23, $0xA  }
0x4d: {  	s18 =	rddreg [dreg:$0x5];
	s23 =	sand.u32 @p6 $0x1FFFFC00, s23  }
0x4e: {  	s20 =	sadd.s32 @p6 $0x3, s20;
	s18 =	sadd.s32 @p6 s18, s23;
	s23 =	simm.s32 @p6 $0x0  }
0x4f: {  	[hbm4b:s18+s23] =	stream.linear.scatter @p6 [tilespmem:s22], [sflag:s20], $0x2000, $0x200038;
	[tilespmem:$0x4100] =	vst v63  }
0x50: {  	p0 =	por !p5, !p5;
	_ =	strace @p6 $0x9000006A  }
0x51: {  	s15 =	sadd.s32 @!p1 $0x3, s15;
	s17 =	sadd.s32 @p0 s4, s17;
	_ =	strace @!p1 $0x8000006B  }
0x52: {  	s14 =	sand.u32 @p0 $0x1, s14;
	s17 =	sshll.u32 @p0 s17, $0x4;
	_ =	swait.ge @!p1 [sflag:s15], $0x2000  }
0x53: {  	s18 =	simm.s32 $0x1;
	s20 =	sshll.u32 @p0 s14, $0x7;
	[sflag:s15] =	ssyncset.done @!p1 $0x0  }
0x54: {  	s14 =	sadd.s32 @p0 $0x1, s14;
	s18 =	simm.s32 @!p6 $0x0;
	[sflag:s15] =	ssyncadd.s32 @!p1 $0xFFFFE000  }
0x55: {  	s19 =	sadd.s32 s18, s19;
	s15 =	sand.u32 @p0 $0x1FFFFFF0, s17;
	_ =	strace @!p1 $0x9000006B  }
0x56: {  	s17 =	simm.s32 @p0 $0x0;
	s15 =	sadd.s32 @p0 s1, s15;
	_ =	strace @p0 $0x80000067  }
0x57: {  	[tilespmem:s20], [sflag:s14] =	stream.linear.gather @p0 [hbm4b:s15+s17], $0x80, $0x200038;
	[tilespmem:$0x4100] =	vst v63  }
0x58: {  	s25 =	sand.u32 $0x1, s19;
	_ =	strace @p0 $0x90000067  }
0x59: {  	s14 =	sadd.s32 $0x1, s25;
	_ =	strace $0x80000068  }
0x5a: {  	_ =	swait.ge [sflag:s14], $0x80  }
0x5b: {  	[sflag:s14] =	ssyncset.done $0x0  }
0x5c: {  	[sflag:s14] =	ssyncadd.s32 $0xFFFFFF80  }
0x5d: {  	s26 =	sadd.s32 s18, s16;
	_ =	strace $0x90000068  }
0x5e: {  	s14 =	sand.u32 $0x1, s26;
	_ =	strace $0x80000069  }
0x5f: {  	s30 =	sshll.u32 s19, $0x7;
	s31 =	sshll.u32 s14, $0xD;
	s28 =	rddreg [dreg:$0x4]  }
0x60: {  	s17 =	sand.u32 $0x80, s30;
	s18 =	sor.u32 $0x100, s31;
	s29 =	rddreg [dreg:$0x3]  }
0x61: {  	[tilespmem:s18], [sflag:$0x5] =	stream.indirect.gather [hbm4b:s29+s28], $0x40, s17, s28, $0x2000b8;
	[tilespmem:$0x4100] =	vst v63  }
0x62: {  	_ =	swait.ge [sflag:s8], $0x2000  }
0x63: {  	[sflag:s8] =	ssyncset.done $0x0  }
0x64: {  	p5 =	por p3, p3;
	p6 =	seq.s32 s12, $0x1;
	[sflag:s8] =	ssyncadd.s32 $0xFFFFE000  }
0x65: {  	s11 =	sadd.s32 s4, s11;
	p0 =	por p6, p5;
	_ =	strace $0x90000069  }
0x66: {  	s11 =	sshll.u32 @p0 s11, $0xA;
	_ =	strace @p0 $0x8000006A  }
0x67: {  	s13 =	sadd.s32 s21, s13;
	s11 =	sand.u32 @p0 $0x1FFFFC00, s11;
	s12 =	rddreg [dreg:$0x5]  }
0x68: {  	s14 =	sadd.s32 @p0 $0x3, s14;
	s11 =	sadd.s32 @p0 s12, s11;
	s12 =	simm.s32 @p0 $0x0  }
0x69: {  	[hbm4b:s11+s12] =	stream.linear.scatter @p0 [tilespmem:s18], [sflag:s14], $0x2000, $0x200038;
	[tilespmem:$0x4100] =	vst v63  }
0x6a: {  	p1 =	por p2, p2;
	s11 =	sand.u32 @!p2 $0x1, s13;
	_ =	strace @p0 $0x9000006A  }
0x6b: {  	s11 =	sadd.s32 @!p1 $0x3, s11;
	_ =	strace @!p1 $0x8000006B  }
0x6c: {  	_ =	swait.ge @!p1 [sflag:s11], $0x2000  }
0x6d: {  	[sflag:s11] =	ssyncset.done @!p1 $0x0  }
0x6e: {  	s10 =	sadd.s32 $0x1, s10;
	[sflag:s11] =	ssyncadd.s32 @!p1 $0xFFFFE000  }
0x6f: {  	p0 =	sne.s32 s10, s6;
	_ =	strace @!p1 $0x9000006B  }
.Ltmp1:
0x70: {  	_ =	strace $0x8000006C;
	(pc) =	sbr.rel @p0 .LBB2_1-.Ltmp1, $4  }
0x71: {  	_ =	swait.ge [sflag:s9], $0x2000  }
0x72: {  	[sflag:s9] =	ssyncset.done $0x0  }
0x73: {  	[sflag:s9] =	ssyncadd.s32 $0xFFFFE000  }
0x74: {  	_ =	strace $0x9000006C  }
0x75: {  	_ =	sfence.sel $0x180000  }
0x76: {  	[bflag:$0x0] =	sbarrier.arrive $0xFFFF  }
0x77: {  	p0 =	sne.s32 s3, $0x0;
	_ =	strace $0x90000065  }
0x78: {  	s0 =	sadd.s32 @!p0 $0x100000, s0;
	[bflag:$0x2] =	sbarrier.arrive $0xFFFF  }
0x79: {  	[sflag:s0] =	ssyncadd.tile.s32 @!p0 $0x1;
	_ =	shalt  }
.Lfunc_end2:
_tile_overlayer_lowered:
.L_overlay_start_2:
0x7a: {  	(tag) =	ssettag $0x2  }
0x7b: {  	s0 =	rddreg [dreg:$0x0];
	s2 =	stileid.u32  }
0x7c: {  	s1 =	rddreg [dreg:$0x1];
	p0 =	sne.s32 s2, $0x0  }
0x7d: {  	s3 =	rddreg [dreg:$0x2];
	[bflag:$0x3] =	sbarrier.arrive $0xFFFF;
	s2 =	simm.s32 @!p0 $0x1C01  }
0x7e: {  	[timem:s3], [sflag:s2] =	dma.local @!p0 [hbm:s0], s1  }
0x7f: {  	s0 =	simm.s32 @!p0 $0x1  }
0x80: {  	_ =	swait.ge @!p0 [sflag:s0], s1  }
0x81: {  	s1 =	ssub.s32 @!p0 $0x0, s1;
	[sflag:s0] =	ssyncset.done @!p0 $0x0  }
0x82: {  	[sflag:s0] =	ssyncadd.s32 @!p0 s1  }
0x83: {  	[bflag:$0x3] =	sbarrier.arrive $0xFFFF  }
0x84: {  	_ =	shalt  }

// kernel: kernel.42.cloned.1.call-start
scs
__scs_entry_jumppad:
0x0: {  	(pc) =	sbr.rel $0x88, $3  }
0x1: {  	(tag) =	ssettag $0x0;
	lr =	simm.s32 $0x1  }
0x2: {  	[smem:$0x3F7F] =	sst lr;
	_ =	strace $0xD0000000  }
0x3: {  	_ = 	snop  }
0x4: {  	_ = 	snop  }
0x5: {  	_ = 	snop  }
0x6: {  	_ = 	snop  }
0x7: {  	_ = 	snop  }
__scs_overlays_trampoline_lowered:
0x8: {  	[smem:$0x3F8E] =	sst s0  }
0x9: {  	[smem:$0x3F8F] =	sst s1  }
0xa: {  	[smem:$0x3F90] =	sst s2  }
0xb: {  	[smem:$0x3F91] =	sst s3  }
0xc: {  	[smem:$0x3F92] =	sst s4  }
0xd: {  	[smem:$0x3F93] =	sst s5  }
0xe: {  	[smem:$0x3F94] =	sst s6  }
0xf: {  	[smem:$0x3F95] =	sst s7  }
0x10: {  	[smem:$0x3F96] =	sst s8  }
0x11: {  	[smem:$0x3F97] =	sst s9;
	s0 =	simm.s32 @!p0 $0x0  }
0x12: {  	s1 =	sld [smem:$0x3F7D];
	s0 =	simm.s32 @p0 $0x1  }
0x13: {  	[smem:$0x3F98] =	sst s0;
	s0 =	simm.s32 @!p1 $0x0  }
0x14: {  	s2 =	sld [smem:$0x3F7C];
	s0 =	simm.s32 @p1 $0x1  }
0x15: {  	[smem:$0x3F99] =	sst s0;
	s0 =	simm.s32 @!p2 $0x0  }
0x16: {  	s3 =	sld [smem:$0x3FDB];
	s0 =	simm.s32 @p2 $0x1  }
0x17: {  	s4 =	simm.s32 $0x1BF5;
	[smem:$0x3F9B] =	sst s0  }
0x18: {  	s0 =	sld [smem:$0x3F7E];
	_ =	swait.ge [sflag:s4], $0x0  }
0x19: {  	s7 =	sld [smem:$0x3F7F]  }
0x1a: {  	s8 =	sadd.s32 $0xFFFFE003, lr  }
0x1b: {  	s9 =	sadd.s32 $0xFFFFFEF7, lr;
	s5 =	simm.s32 $0xFFFFFFFF;
	p2 =	slt.u32 s8, $0xFFFFF086  }
0x1c: {  	p1 =	slt.u32 s9, $0xF7A;
	s5 =	simm.s32 @!p2 $0x0  }
0x1d: {  	s5 =	simm.s32 @p1 $0x1;
	p0 =	seq.s32 s7, s2  }
0x1e: {  	s7 =	smul.u32 @!p0 $0xF7A, s2;
	p2 =	seq.s32 @!p0 s5, $0x0  }
0x1f: {  	s9 =	smul.u32 $0xF7A, s1;
	s8 =	simm.s32 @!p0 $0x1BF5;
	p2 =	por !p2, p0  }
0x20: {  	[sflag:s8] =	ssyncset.s32 @!p0 $0xFFFFF086;
	s6 =	sadd.s32 @!p0 s3, s7;
	s7 =	simm.s32 @!p0 $0x108  }
0x21: {  	s3 =	sadd.s32 s3, s9;
	s6 =	sadd.s32 @!p0 $0x88, s6;
	s7 =	simm.s32 @p2 $0x1082  }
0x22: {  	[simem:s7], [sflag:s8] =	dma.local @!p0 [hbm:s6], $0xF7A  }
0x23: {  	s9 =	sor.u32 $0xD0000000, s2;
	s6 =	simm.s32 $0x108;
	_ =	swait.ge @!p0 [sflag:s8], $0x0  }
0x24: {  	s3 =	sadd.s32 $0x88, s3;
	s6 =	simm.s32 @!p1 $0x1082;
	[sflag:s4] =	ssyncset.s32 $0xFFFFF086  }
0x25: {  	[simem:s6], [sflag:s4] =	dma.local [hbm:s3], $0xF7A  }
0x26: {  	[smem:$0x3F7F] =	sst s1;
	(tag) =	ssettag s2;
	_ =	strace s9  }
0x27: {  	s1 =	sld [smem:$0x3F8F]  }
0x28: {  	s2 =	sld [smem:$0x3F90]  }
0x29: {  	s4 =	sld [smem:$0x3F92]  }
0x2a: {  	p0 =	seq.s32 s5, $0x0;
	s5 =	sld [smem:$0x3F93]  }
0x2b: {  	s6 =	sld [smem:$0x3F94]  }
0x2c: {  	s7 =	sld [smem:$0x3F95]  }
0x2d: {  	s3 =	simm.s32 $0x108;
	s8 =	sld [smem:$0x3F96]  }
0x2e: {  	s3 =	simm.s32 @!p0 $0x1082;
	s9 =	sld [smem:$0x3F97]  }
0x2f: {  	lr =	sadd.s32 s0, s3;
	s0 =	sld [smem:$0x3F8E]  }
0x30: {  	s3 =	sld [smem:$0x3F91]  }
0x31: {  	[smem:$0x3F9A] =	sst s10  }
0x32: {  	s10 =	sld [smem:$0x3F98];
	_ =	sdelay $0x3  }
0x33: {  	p0 =	seq.s32 s10, $0x1;
	s10 =	sld [smem:$0x3F9A];
	_ =	sdelay $0x3  }
0x34: {  	[smem:$0x3F9A] =	sst s10  }
0x35: {  	s10 =	sld [smem:$0x3F99];
	_ =	sdelay $0x3  }
0x36: {  	p1 =	seq.s32 s10, $0x1;
	s10 =	sld [smem:$0x3F9A];
	_ =	sdelay $0x3  }
0x37: {  	[smem:$0x3F9A] =	sst s10  }
0x38: {  	s10 =	sld [smem:$0x3F9B]  }
0x39: {  	_ = 	snop;
	(pc) =	sbr.ind lr, $3  }
0x3a: {  	_ = 	snop  }
0x3b: {  	_ = 	snop  }
0x3c: {  	p2 =	seq.s32 s10, $0x1;
	s10 =	sld [smem:$0x3F9A]  }
0x3d: {  	_ =	shalt  }
0x3e: {  	_ =	shalt  }
0x3f: {  	_ =	shalt  }
0x40: {  	_ =	shalt  }
0x41: {  	_ =	shalt  }
0x42: {  	_ =	shalt  }
0x43: {  	_ =	shalt  }
0x44: {  	_ =	shalt  }
0x45: {  	_ =	shalt  }
0x46: {  	_ =	shalt  }
0x47: {  	_ =	shalt  }
0x48: {  	_ =	shalt  }
0x49: {  	_ =	shalt  }
0x4a: {  	_ =	shalt  }
0x4b: {  	_ =	shalt  }
0x4c: {  	_ =	shalt  }
0x4d: {  	_ =	shalt  }
0x4e: {  	_ =	shalt  }
0x4f: {  	_ =	shalt  }
0x50: {  	_ =	shalt  }
0x51: {  	_ =	shalt  }
0x52: {  	_ =	shalt  }
0x53: {  	_ =	shalt  }
0x54: {  	_ =	shalt  }
0x55: {  	_ =	shalt  }
0x56: {  	_ =	shalt  }
0x57: {  	_ =	shalt  }
0x58: {  	_ =	shalt  }
0x59: {  	_ =	shalt  }
0x5a: {  	_ =	shalt  }
0x5b: {  	_ =	shalt  }
0x5c: {  	_ =	shalt  }
0x5d: {  	_ =	shalt  }
0x5e: {  	_ =	shalt  }
0x5f: {  	_ =	shalt  }
0x60: {  	_ =	shalt  }
0x61: {  	_ =	shalt  }
0x62: {  	_ =	shalt  }
0x63: {  	_ =	shalt  }
0x64: {  	_ =	shalt  }
0x65: {  	_ =	shalt  }
0x66: {  	_ =	shalt  }
0x67: {  	_ =	shalt  }
0x68: {  	_ =	shalt  }
0x69: {  	_ =	shalt  }
0x6a: {  	_ =	shalt  }
0x6b: {  	_ =	shalt  }
0x6c: {  	_ =	shalt  }
0x6d: {  	_ =	shalt  }
0x6e: {  	_ =	shalt  }
0x6f: {  	_ =	shalt  }
0x70: {  	_ =	shalt  }
0x71: {  	_ =	shalt  }
0x72: {  	_ =	shalt  }
0x73: {  	_ =	shalt  }
0x74: {  	_ =	shalt  }
0x75: {  	_ =	shalt  }
0x76: {  	_ =	shalt  }
0x77: {  	_ =	shalt  }
0x78: {  	_ =	shalt  }
0x79: {  	_ =	shalt  }
0x7a: {  	_ =	shalt  }
0x7b: {  	_ =	shalt  }
0x7c: {  	_ =	shalt  }
0x7d: {  	_ =	shalt  }
0x7e: {  	_ =	shalt  }
0x7f: {  	_ =	shalt  }
0x80: {  	_ =	shalt  }
0x81: {  	_ =	shalt  }
0x82: {  	_ =	shalt  }
0x83: {  	_ =	shalt  }
0x84: {  	_ =	shalt  }
0x85: {  	_ =	shalt  }
0x86: {  	_ =	shalt  }
0x87: {  	_ =	shalt  }
.Lfunc_end0:
.L_simem_size_0:
called_computation.5_lowered:
.L_overlay_start_0:
0x88: {  	s2 =	sld [smem:$0x3FD9]  }
0x89: {  	s3 =	sld [smem:$0x3FFE];
	_ =	sdelay $0x1  }
0x8a: {  	s1 =	srdreg.scid  }
0x8b: {  	s0 =	sand.u32 $0x1, s1  }
0x8c: {  	s15 =	sshll.u32 s0, $0xA;
	s2 =	sadd.s32 s3, s2  }
0x8d: {  	s2 =	sadd.s32 s2, s15  }
0x8e: {  	[smem:$0x3FA6] =	sst s2  }
0x8f: {  	_ = 	snop  }
0x90: {  	s2 =	sld [smem:$0x3FD0];
	_ =	sdelay $0x2  }
0x91: {  	s16 =	simm.s32 $0xB;
	s4 =	simm.s32 $0x10  }
0x92: {  	[smem:s4], [sflag:s16] =	dma.local [hbm:s2], $0x1  }
0x93: {  	_ =	swait.eq [sflag:s16], $0x1  }
0x94: {  	[sflag:s16] =	ssyncset.done $0x0  }
0x95: {  	[sflag:s16] =	ssyncadd.s32 $0xFFFFFFFF  }
0x96: {  	s17 =	sld [smem:$0x10];
	(tm) =	ssettm $0x1  }
0x97: {  	s18 =	sld [smem:$0x3FFB];
	_ =	sdelay $0x3  }
0x98: {  	_ =	strace s18  }
0x99: {  	s2 =	sld [smem:$0x3FFC];
	_ =	sdelay $0x3  }
0x9a: {  	_ =	strace s2  }
0x9b: {  	s2 =	sld [smem:$0x3FFD];
	_ =	sdelay $0x3  }
0x9c: {  	_ =	strace s2  }
0x9d: {  	_ =	strace $0x8FFFFFFF  }
0x9e: {  	s19 =	sld [smem:$0x3FDB];
	_ =	sdelay $0x1  }
0x9f: {  	s20 =	simm.s32 $_scs_section_size  }
0xa0: {  	s5 =	simm.s32 $_size__tile_overlayer_lowered;
	s6 =	simm.s32 $_tile_overlayer_lowered  }
0xa1: {  	s7 =	simm.s32 $0x1BFF;
	s21 =	sshll.u32 s6, $0x1;
	s4 =	sadd.s32 s20, s19  }
0xa2: {  	s22 =	simm.s32 $0x0;
	s5 =	sshll.u32 s5, $0x1;
	s6 =	sadd.s32 s21, s4  }
0xa3: {  	[timem:s22], [sflag:s7] =	dma.local [hbm:s6], s5  }
0xa4: {  	_ =	swait.ge [sflag:s7], s5  }
0xa5: {  	s5 =	ssub.s32 $0x0, s5;
	[sflag:s7] =	ssyncset.done $0x0  }
0xa6: {  	[sflag:s7] =	ssyncadd.s32 s5;
	_ =	sdelay $0x1  }
0xa7: {  	s23 =	simm.s32 $0x1B8B  }
0xa8: {  	_ =	swait.ge [sflag:s23], $0x1  }
0xa9: {  	[sflag:s23] =	ssyncset.done $0x0  }
0xaa: {  	[sflag:s23] =	ssyncadd.s32 $0xFFFFFFFF  }
0xab: {  	s5 =	sld [smem:$0x0]  }
0xac: {  	s6 =	sand.u32 $0xFFFFFFFE, s1  }
0xad: {  	p0 =	sne.s32 s1, s6  }
0xae: {  	s6 =	sshll.u32 @p0 s6, $0xE  }
0xaf: {  	s6 =	sadd.s32 @p0 $0x11B8D, s6;
	s7 =	sshll.u32 @p0 s5, $0x11  }
0xb0: {  	s6 =	sor.u32 @p0 s7, s6  }
0xb1: {  	[sflag:s6] =	ssyncadd.remote.s32 @p0 $0x1;
	_ =	sdelay $0x1  }
0xb2: {  	s6 =	simm.s32 @p0 $0x1B8D  }
0xb3: {  	_ =	swait.eq @p0 [sflag:s6], $0x1  }
0xb4: {  	[sflag:s6] =	ssyncadd.s32 @p0 $0xFFFFFFFF  }
0xb5: {  	s7 =	sshll.u32 @!p0 s1, $0xE  }
0xb6: {  	s7 =	sor.u32 @!p0 $0x4000, s7;
	s6 =	simm.s32 @!p0 $0x1B8D  }
0xb7: {  	s5 =	sshll.u32 @!p0 s5, $0x11;
	s7 =	sadd.s32 @!p0 $0x11B8D, s7;
	_ =	swait.eq @!p0 [sflag:s6], $0x1  }
0xb8: {  	s5 =	sor.u32 @!p0 s5, s7;
	[sflag:s6] =	ssyncadd.s32 @!p0 $0xFFFFFFFF  }
0xb9: {  	s25 =	simm.s32 $0x1B8E;
	s24 =	sld [smem:$0x3FFE];
	[sflag:s5] =	ssyncadd.remote.s32 @!p0 $0x1  }
0xba: {  	s26 =	simm.s32 $execute0_lowered;
	[smem:$0x3FD2] =	sst s25  }
0xbb: {  	s6 =	sshll.u32 s26, $0x1;
	_ =	strace $0x80000078;
	[dreg:$0x1] =	wrdreg $0xFFFFFFFF  }
0xbc: {  	s28 =	simm.s32 $_size_execute0_lowered;
	s4 =	sadd.s32 s4, s6;
	[dreg:$0x0] =	wrdreg $0x0  }
0xbd: {  	s6 =	sshll.u32 s28, $0x1;
	[dreg:$0x2] =	wrdreg s4  }
0xbe: {  	[dreg:$0x3] =	wrdreg s6  }
0xbf: {  	[dreg:$0x4] =	wrdreg $0xC0  }
0xc0: {  	_ =	task [dreg:s22], $0x5FFFF  }
0xc1: {  	[dreg:$0x1] =	wrdreg $0xFFFFFFFF  }
0xc2: {  	[dreg:$0x0] =	wrdreg $0x60  }
0xc3: {  	[dreg:$0x2] =	wrdreg s24  }
0xc4: {  	[dreg:$0x3] =	wrdreg s17  }
0xc5: {  	[dreg:$0x4] =	wrdreg $0xA  }
0xc6: {  	_ =	task.clear_ibuf [dreg:s22], $0x5FFFF;
	_ =	strace $0x90000078  }
0xc7: {  	s29 =	simm.s32 $0xA;
	_ =	strace $0x80000081  }
0xc8: {  	_ =	swait.ge [sflag:s29], $0x1  }
0xc9: {  	[sflag:s29] =	ssyncadd.s32 $0xFFFFFFFF  }
0xca: {  	_ =	strace $0x90000081  }
0xcb: {  	_ =	sfence  }
0xcc: {  	s30 =	sld [smem:$0x0];
	_ =	sdelay $0x2  }
0xcd: {  	s31 =	sshll.u32 s1, $0xD;
	s1 =	sshrl.u32 s1, $0x2  }
0xce: {  	s4 =	sand.u32 $0x4000, s31;
	s1 =	sadd.s32 s1, s30  }
0xcf: {  	s0 =	sor.u32 s4, s0;
	s1 =	sshll.u32 s1, $0x11  }
0xd0: {  	s0 =	sor.u32 s1, s0  }
0xd1: {  	s0 =	sadd.s32 $0x8F2B, s0  }
0xd2: {  	[sflag:s0] =	ssyncadd.remote.s32 $0x1  }
0xd3: {  	_ =	sfence.sel $0xFFFF  }
0xd4: {  	[dreg:$0x0] =	wrdreg $0xFFFFFFFF;
	(pc) =	sbr.abs _section_cstart, $3  }
0xd5: {  	[dreg:$0x1] =	wrdreg $0xFFFFFFFF  }
0xd6: {  	_ =	task.clear_ibuf [dreg:s22], $0x2FFFF;
	_ =	strace $0x9FFFFFFF  }
0xd7: {  	(tm) =	ssettm $0x7FFFFFFF  }
tec
execute0_lowered:
.L_overlay_start_1:
0x0: {  	(tag) =	ssettag $0x1  }
0x1: {  	s4 =	rddreg [dreg:$0x0]  }
0x2: {  	s1 =	rddreg [dreg:$0x1]  }
0x3: {  	s0 =	rddreg [dreg:$0x2];
	s2 =	simm.s32 $0x0  }
0x4: {  	s3 =	srdreg.scid;
	s31 =	simm.s32 $0x80;
	s9 =	simm.s32 $0x4  }
0x5: {  	s10 =	simm.s32 $0x0;
	[smem:$0x7FF] =	sst s2;
	s5 =	sand.u32 $0x1, s3  }
0x6: {  	s6 =	sadd.s32 $0x18A00, s4;
	s3 =	stileid.u32;
	s4 =	sadd.s32 $0x16EA00, s4  }
0x7: {  	_ =	strace $0x80000079;
	s7 =	sshll.u32 s5, $0x4;
	s5 =	ssub.s32 $0x2, s5  }
0x8: {  	[dreg:$0x3] =	wrdreg s6;
	s29 =	sor.u32 s3, s7;
	s30 =	sshrl.u32 s5, $0x1  }
0x9: {  	[dreg:$0x5] =	wrdreg s4;
	s8 =	smul.u32 $0x280, s29;
	s7 =	ssub.s32 s5, s30  }
0xa: {  	[dreg:$0x4] =	wrdreg s31;
	s4 =	smul.u32 $0x28, s29;
	s6 =	smax.u32 s7, $0x1  }
0xb: {  	s7 =	simm.s32 $0x1;
	s5 =	sadd.s32 s1, s8;
	s8 =	simm.s32 $0x5  }
.LBB2_1:
0xc: {  	_ =	strace $0x8000007A;
	s11 =	simm.s32 $0x1;
	p0 =	por $0x0, $0x0  }
0xd: {  	[tilespmem:s2], [sflag:$0x1] =	stream.linear.gather [hbm4b:s5+s2], $0x80, $0x200038;
	[tilespmem:$0x4100] =	vst v63  }
0xe: {  	s11 =	simm.s32 @p0 $0x0  }
0xf: {  	p4 =	por $0x1, $0x1;
	s20 =	sand.u32 $0x1, s2;
	p1 =	sne.s32 s11, $0x0  }
0x10: {  	p2 =	por $0x1, $0x1;
	s18 =	simm.s32 $0x26;
	p0 =	por !p4, !p1  }
0x11: {  	s16 =	simm.s32 $0x0;
	p5 =	por $0x0, $0x0;
	p0 =	por !p0, !p0  }
0x12: {  	s23 =	sadd.s32 $0x0, s4;
	s30 =	sadd.s32 $0x1, s20;
	s12 =	sadd.s32 @p0 s4, s11  }
0x13: {  	_ =	strace $0x9000007A;
	s13 =	sand.u32 @p0 $0x1, s7;
	s12 =	sshll.u32 @p0 s12, $0x4  }
0x14: {  	_ =	strace @p0 $0x8000007B;
	s15 =	simm.s32 @p0 $0x0;
	s12 =	sand.u32 @p0 $0x1FFFFFF0, s12  }
0x15: {  	s14 =	sshll.u32 @p0 s13, $0x7;
	s13 =	sadd.s32 @p0 $0x1, s13;
	s12 =	sadd.s32 @p0 s1, s12  }
0x16: {  	[tilespmem:s14], [sflag:s13] =	stream.linear.gather @p0 [hbm4b:s12+s15], $0x80, $0x200038;
	[tilespmem:$0x4100] =	vst v63  }
0x17: {  	p3 =	por p2, p2;
	s21 =	sshll.u32 s20, $0xD;
	_ =	strace @p0 $0x9000007B  }
0x18: {  	s16 =	sand.u32 $0x80, s16;
	p2 =	por p5, p5;
	_ =	strace $0x8000007C  }
0x19: {  	s17 =	sadd.s32 $0x1, s11;
	s22 =	sor.u32 $0x100, s21;
	_ =	swait.ge [sflag:s30], $0x80  }
0x1a: {  	s21 =	simm.s32 $0x1;
	p6 =	por p1, p1;
	[sflag:s30] =	ssyncset.done $0x0  }
0x1b: {  	p1 =	por p3, p3;
	p4 =	por $0x1, $0x1;
	[sflag:s30] =	ssyncadd.s32 $0xFFFFFF80  }
0x1c: {  	s12 =	simm.s32 $0x27;
	s15 =	sand.u32 @!p3 $0x1, s2;
	_ =	strace $0x9000007C  }
0x1d: {  	s13 =	simm.s32 $0x1;
	p3 =	seq.s32 s17, $0x28;
	_ =	strace $0x8000007D  }
0x1e: {  	s13 =	simm.s32 @!p0 $0x0;
	s17 =	simm.s32 @p3 $0x0;
	s19 =	rddreg [dreg:$0x4]  }
0x1f: {  	p0 =	por $0x0, $0x0;
	s14 =	sadd.s32 $0x1, s13;
	s31 =	rddreg [dreg:$0x3]  }
0x20: {  	[tilespmem:s22], [sflag:$0x5] =	stream.indirect.gather [hbm4b:s31+s19], $0x40, s16, s19, $0x2000b8;
	[tilespmem:$0x4100] =	vst v63  }
0x21: {  	p3 =	sne.s32 s11, s17;
	s21 =	simm.s32 @!p0 $0x0;
	_ =	swait.ge [sflag:s8], $0x2000  }
0x22: {  	p5 =	por !p4, !p3;
	p4 =	por $0x0, $0x0;
	[sflag:s8] =	ssyncset.done $0x0  }
0x23: {  	s13 =	simm.s32 $0x0;
	p6 =	por p4, p6;
	[sflag:s8] =	ssyncadd.s32 $0xFFFFE000  }
0x24: {  	s16 =	simm.s32 $0x0;
	s19 =	simm.s32 $0x0;
	_ =	strace $0x9000007D  }
.LBB2_2:
0x25: {  	_ =	strace @p6 $0x8000007E;
	s13 =	sadd.s32 s21, s13;
	s21 =	smov.u32 s12  }
0x26: {  	s12 =	smov.u32 s18;
	s18 =	sadd.s32 $0xFFFFFFFF, s18;
	p0 =	por p3, p3  }
0x27: {  	s28 =	sshll.u32 @p6 s23, $0xA;
	s20 =	sadd.s32 @p6 $0x3, s20;
	s24 =	simm.s32 @!p0 $0x0  }
0x28: {  	s25 =	rddreg [dreg:$0x5];
	s28 =	sand.u32 @p6 $0x1FFFFC00, s28;
	s24 =	simm.s32 @p0 $0x1  }
0x29: {  	s25 =	sadd.s32 @p6 s25, s28;
	s28 =	simm.s32 @p6 $0x0;
	p0 =	sne.s32 s18, $0x0  }
0x2a: {  	[hbm4b:s25+s28] =	stream.linear.scatter @p6 [tilespmem:s22], [sflag:s20], $0x2000, $0x200038;
	[tilespmem:$0x4100] =	vst v63  }
0x2b: {  	s20 =	sadd.s32 @!p1 $0x3, s15;
	s15 =	simm.s32 @!p0 $0x0  }
0x2c: {  	s26 =	simm.s32 $0x1;
	[smem:$0x7FC] =	sst s24;
	s15 =	simm.s32 @p0 $0x1  }
0x2d: {  	s26 =	simm.s32 @!p6 $0x0;
	_ =	strace @p6 $0x9000007E;
	[smem:$0x7FD] =	sst s15  }
0x2e: {  	p5 =	por !p5, !p5;
	s19 =	sadd.s32 s26, s19;
	_ =	strace @!p1 $0x8000007F  }
0x2f: {  	s24 =	sand.u32 @!p2 $0x1, s13;
	s22 =	sand.u32 @p5 $0x1, s14;
	_ =	swait.ge @!p1 [sflag:s20], $0x2000  }
0x30: {  	s15 =	smov.u32 s24;
	s24 =	sadd.s32 @p5 s4, s17;
	[sflag:s20] =	ssyncset.done @!p1 $0x0  }
0x31: {  	s25 =	sshll.u32 @p5 s22, $0x7;
	s24 =	sshll.u32 @p5 s24, $0x4;
	[sflag:s20] =	ssyncadd.s32 @!p1 $0xFFFFE000  }
0x32: {  	s20 =	sadd.s32 @p5 $0x1, s22;
	s22 =	sand.u32 @p5 $0x1FFFFFF0, s24;
	_ =	strace @!p1 $0x9000007F  }
0x33: {  	s24 =	simm.s32 @p5 $0x0;
	s22 =	sadd.s32 @p5 s1, s22;
	_ =	strace @p5 $0x8000007B  }
0x34: {  	[tilespmem:s25], [sflag:s20] =	stream.linear.gather @p5 [hbm4b:s22+s24], $0x80, $0x200038;
	[tilespmem:$0x4100] =	vst v63  }
0x35: {  	s16 =	sadd.s32 s26, s16;
	s26 =	sand.u32 $0x1, s19;
	_ =	strace @p5 $0x9000007B  }
0x36: {  	s24 =	sadd.s32 $0x1, s26;
	_ =	strace $0x8000007C  }
0x37: {  	_ =	swait.ge [sflag:s24], $0x80  }
0x38: {  	[sflag:s24] =	ssyncset.done $0x0  }
0x39: {  	s20 =	simm.s32 $0x1;
	[sflag:s24] =	ssyncadd.s32 $0xFFFFFF80  }
0x3a: {  	s20 =	simm.s32 @!p5 $0x0;
	_ =	strace $0x9000007C  }
0x3b: {  	s14 =	sadd.s32 s20, s14;
	s20 =	sand.u32 $0x1, s16;
	_ =	strace $0x8000007D  }
0x3c: {  	s29 =	sshll.u32 s19, $0x7;
	s25 =	sshll.u32 s20, $0xD;
	s26 =	rddreg [dreg:$0x4]  }
0x3d: {  	s29 =	sand.u32 $0x80, s29;
	s22 =	sor.u32 $0x100, s25;
	s30 =	rddreg [dreg:$0x3]  }
0x3e: {  	[tilespmem:s22], [sflag:$0x5] =	stream.indirect.gather [hbm4b:s30+s26], $0x40, s29, s26, $0x2000b8;
	[tilespmem:$0x4100] =	vst v63  }
0x3f: {  	_ =	swait.ge [sflag:s8], $0x2000  }
0x40: {  	s31 =	sadd.s32 $0x1, s17;
	[sflag:s8] =	ssyncset.done $0x0  }
0x41: {  	s23 =	sadd.s32 s4, s11;
	s11 =	smov.u32 s17;
	[sflag:s8] =	ssyncadd.s32 $0xFFFFE000  }
0x42: {  	p3 =	seq.s32 s31, $0x28;
	s17 =	smov.u32 s31;
	_ =	strace $0x9000007D  }
0x43: {  	s17 =	simm.s32 @p3 $0x0;
	s31 =	sld [smem:$0x7FD]  }
0x44: {  	p6 =	sne.s32 s12, $0x1;
	p0 =	sne.s32 s21, $0x28;
	p3 =	sne.s32 s11, s17  }
0x45: {  	p5 =	por !p6, !p3;
	p6 =	seq.s32 s21, $0x1;
	s21 =	simm.s32 $0x1  }
0x46: {  	s21 =	simm.s32 @!p0 $0x0;
	p0 =	seq.s32 s31, $0x1  }
.Ltmp0:
0x47: {  	s30 =	sld [smem:$0x7FC];
	(pc) =	sbr.rel @p0 .LBB2_2-.Ltmp0, $4  }
0x48: {  	_ = 	snop  }
0x49: {  	p4 =	seq.s32 s12, $0x28  }
0x4a: {  	p1 =	por p2, p2;
	p2 =	por p4, p4;
	p4 =	seq.s32 s30, $0x1  }
0x4b: {  	p6 =	por p6, p4  }
0x4c: {  	_ =	strace @p6 $0x8000007E;
	s23 =	sshll.u32 @p6 s23, $0xA  }
0x4d: {  	s18 =	rddreg [dreg:$0x5];
	s23 =	sand.u32 @p6 $0x1FFFFC00, s23  }
0x4e: {  	s20 =	sadd.s32 @p6 $0x3, s20;
	s18 =	sadd.s32 @p6 s18, s23;
	s23 =	simm.s32 @p6 $0x0  }
0x4f: {  	[hbm4b:s18+s23] =	stream.linear.scatter @p6 [tilespmem:s22], [sflag:s20], $0x2000, $0x200038;
	[tilespmem:$0x4100] =	vst v63  }
0x50: {  	p0 =	por !p5, !p5;
	_ =	strace @p6 $0x9000007E  }
0x51: {  	s15 =	sadd.s32 @!p1 $0x3, s15;
	s17 =	sadd.s32 @p0 s4, s17;
	_ =	strace @!p1 $0x8000007F  }
0x52: {  	s14 =	sand.u32 @p0 $0x1, s14;
	s17 =	sshll.u32 @p0 s17, $0x4;
	_ =	swait.ge @!p1 [sflag:s15], $0x2000  }
0x53: {  	s18 =	simm.s32 $0x1;
	s20 =	sshll.u32 @p0 s14, $0x7;
	[sflag:s15] =	ssyncset.done @!p1 $0x0  }
0x54: {  	s14 =	sadd.s32 @p0 $0x1, s14;
	s18 =	simm.s32 @!p6 $0x0;
	[sflag:s15] =	ssyncadd.s32 @!p1 $0xFFFFE000  }
0x55: {  	s19 =	sadd.s32 s18, s19;
	s15 =	sand.u32 @p0 $0x1FFFFFF0, s17;
	_ =	strace @!p1 $0x9000007F  }
0x56: {  	s17 =	simm.s32 @p0 $0x0;
	s15 =	sadd.s32 @p0 s1, s15;
	_ =	strace @p0 $0x8000007B  }
0x57: {  	[tilespmem:s20], [sflag:s14] =	stream.linear.gather @p0 [hbm4b:s15+s17], $0x80, $0x200038;
	[tilespmem:$0x4100] =	vst v63  }
0x58: {  	s25 =	sand.u32 $0x1, s19;
	_ =	strace @p0 $0x9000007B  }
0x59: {  	s14 =	sadd.s32 $0x1, s25;
	_ =	strace $0x8000007C  }
0x5a: {  	_ =	swait.ge [sflag:s14], $0x80  }
0x5b: {  	[sflag:s14] =	ssyncset.done $0x0  }
0x5c: {  	[sflag:s14] =	ssyncadd.s32 $0xFFFFFF80  }
0x5d: {  	s26 =	sadd.s32 s18, s16;
	_ =	strace $0x9000007C  }
0x5e: {  	s14 =	sand.u32 $0x1, s26;
	_ =	strace $0x8000007D  }
0x5f: {  	s30 =	sshll.u32 s19, $0x7;
	s31 =	sshll.u32 s14, $0xD;
	s28 =	rddreg [dreg:$0x4]  }
0x60: {  	s17 =	sand.u32 $0x80, s30;
	s18 =	sor.u32 $0x100, s31;
	s29 =	rddreg [dreg:$0x3]  }
0x61: {  	[tilespmem:s18], [sflag:$0x5] =	stream.indirect.gather [hbm4b:s29+s28], $0x40, s17, s28, $0x2000b8;
	[tilespmem:$0x4100] =	vst v63  }
0x62: {  	_ =	swait.ge [sflag:s8], $0x2000  }
0x63: {  	[sflag:s8] =	ssyncset.done $0x0  }
0x64: {  	p5 =	por p3, p3;
	p6 =	seq.s32 s12, $0x1;
	[sflag:s8] =	ssyncadd.s32 $0xFFFFE000  }
0x65: {  	s11 =	sadd.s32 s4, s11;
	p0 =	por p6, p5;
	_ =	strace $0x9000007D  }
0x66: {  	s11 =	sshll.u32 @p0 s11, $0xA;
	_ =	strace @p0 $0x8000007E  }
0x67: {  	s13 =	sadd.s32 s21, s13;
	s11 =	sand.u32 @p0 $0x1FFFFC00, s11;
	s12 =	rddreg [dreg:$0x5]  }
0x68: {  	s14 =	sadd.s32 @p0 $0x3, s14;
	s11 =	sadd.s32 @p0 s12, s11;
	s12 =	simm.s32 @p0 $0x0  }
0x69: {  	[hbm4b:s11+s12] =	stream.linear.scatter @p0 [tilespmem:s18], [sflag:s14], $0x2000, $0x200038;
	[tilespmem:$0x4100] =	vst v63  }
0x6a: {  	p1 =	por p2, p2;
	s11 =	sand.u32 @!p2 $0x1, s13;
	_ =	strace @p0 $0x9000007E  }
0x6b: {  	s11 =	sadd.s32 @!p1 $0x3, s11;
	_ =	strace @!p1 $0x8000007F  }
0x6c: {  	_ =	swait.ge @!p1 [sflag:s11], $0x2000  }
0x6d: {  	[sflag:s11] =	ssyncset.done @!p1 $0x0  }
0x6e: {  	s10 =	sadd.s32 $0x1, s10;
	[sflag:s11] =	ssyncadd.s32 @!p1 $0xFFFFE000  }
0x6f: {  	p0 =	sne.s32 s10, s6;
	_ =	strace @!p1 $0x9000007F  }
.Ltmp1:
0x70: {  	_ =	strace $0x80000080;
	(pc) =	sbr.rel @p0 .LBB2_1-.Ltmp1, $4  }
0x71: {  	_ =	swait.ge [sflag:s9], $0x2000  }
0x72: {  	[sflag:s9] =	ssyncset.done $0x0  }
0x73: {  	[sflag:s9] =	ssyncadd.s32 $0xFFFFE000  }
0x74: {  	_ =	strace $0x90000080  }
0x75: {  	_ =	sfence.sel $0x180000  }
0x76: {  	[bflag:$0x0] =	sbarrier.arrive $0xFFFF  }
0x77: {  	p0 =	sne.s32 s3, $0x0;
	_ =	strace $0x90000079  }
0x78: {  	s0 =	sadd.s32 @!p0 $0x100000, s0;
	[bflag:$0x2] =	sbarrier.arrive $0xFFFF  }
0x79: {  	[sflag:s0] =	ssyncadd.tile.s32 @!p0 $0x1;
	_ =	shalt  }
.Lfunc_end2:
_tile_overlayer_lowered:
.L_overlay_start_2:
0x7a: {  	(tag) =	ssettag $0x2  }
0x7b: {  	s0 =	rddreg [dreg:$0x0];
	s2 =	stileid.u32  }
0x7c: {  	s1 =	rddreg [dreg:$0x1];
	p0 =	sne.s32 s2, $0x0  }
0x7d: {  	s3 =	rddreg [dreg:$0x2];
	[bflag:$0x3] =	sbarrier.arrive $0xFFFF;
	s2 =	simm.s32 @!p0 $0x1C01  }
0x7e: {  	[timem:s3], [sflag:s2] =	dma.local @!p0 [hbm:s0], s1  }
0x7f: {  	s0 =	simm.s32 @!p0 $0x1  }
0x80: {  	_ =	swait.ge @!p0 [sflag:s0], s1  }
0x81: {  	s1 =	ssub.s32 @!p0 $0x0, s1;
	[sflag:s0] =	ssyncset.done @!p0 $0x0  }
0x82: {  	[sflag:s0] =	ssyncadd.s32 @!p0 s1  }
0x83: {  	[bflag:$0x3] =	sbarrier.arrive $0xFFFF  }
0x84: {  	_ =	shalt  }

</sc_bundles>
